<compile_context>
chip_gen: v7x
topology: tpu7x:2x2x1
jax: 0.10.2.dev20260603
libtpu: 0.0.44.dev20260713+nightly
codegen_flags: <defaults>
</compile_context>

<pallas_src>
import functools
import jax
import jax.numpy as jnp
from jax import lax
from jax.experimental import pallas as pl
from jax.experimental.pallas import tpu as pltpu
from jax.experimental.pallas import tpu_sc as plsc

N = 10000
D = 128
DO = 2
DOP = 16
E = 320000
NPAD = 10240
NC = 2
NS = 16
NW = NC * NS
RPT = NPAD // NS
BLK = 1024
GRID = NPAD // BLK
EPAD = 327680

CH8 = 80
K8 = 128
CH16 = 128
K16 = 80
NCH16 = 2560

_SC_PARAMS = pltpu.CompilerParams(use_tc_tiling_on_sc=False)


def _mesh():
    return plsc.VectorSubcoreMesh(core_axis_name="c", subcore_axis_name="s")


@functools.partial(
    pl.kernel,
    out_type=jax.ShapeDtypeStruct((NPAD,), jnp.float32),
    mesh=_mesh(),
    compiler_params=_SC_PARAMS,
    scratch_types=[
        pltpu.VMEM((NCH16 // NS, CH16), jnp.int32),
        pltpu.VMEM((CH16,), jnp.float32),
        pltpu.VMEM((RPT,), jnp.float32),
        pltpu.VMEM_SHARED((NPAD,), jnp.float32),
        pltpu.SemaphoreType.DMA,
    ],
)
def _deg_sc(dste, deg_out, didx, ones, zbuf, dacc, dsem):
    c = lax.axis_index("c")
    s = lax.axis_index("s")
    nch = NCH16 // NS
    for k in range(CH16 // 16):
        ones[pl.ds(k * 16, 16)] = jnp.ones((16,), jnp.float32)
    for k in range(RPT // 16):
        zbuf[pl.ds(k * 16, 16)] = jnp.zeros((16,), jnp.float32)

    @pl.when(c == 0)
    def _():
        pltpu.sync_copy(zbuf, dacc.at[pl.ds(s * RPT, RPT)])
        plsc.subcore_barrier()
        pltpu.sync_copy(dste.at[pl.ds(s * nch, nch)], didx)

        def body(p, _):
            for b in range(8):
                pltpu.async_copy(ones, dacc.at[didx.at[p * 8 + b]],
                                 dsem, add=True)
            for b in range(8):
                pltpu.make_async_copy(ones, dacc.at[didx.at[p * 8 + b]],
                                      dsem).wait()
            return 0

        lax.fori_loop(0, nch // 8, body, 0)
        plsc.subcore_barrier()
        pltpu.sync_copy(dacc.at[pl.ds(s * RPT, RPT)],
                        deg_out.at[pl.ds(s * RPT, RPT)])


NB8 = 4
NPH8 = 4
CPP8 = K8 // NPH8


@functools.partial(
    pl.kernel,
    out_type=jax.ShapeDtypeStruct((NC, NPAD, D), jnp.float32),
    mesh=_mesh(),
    compiler_params=_SC_PARAMS,
    scratch_types=[
        pltpu.VMEM((CPP8, CH8), jnp.int32),
        pltpu.VMEM((CPP8, CH8), jnp.int32),
        pltpu.VMEM((NB8, CH8, D), jnp.float32),
        pltpu.VMEM_SHARED((NPAD, D), jnp.float32),
    ]
    + [pltpu.SemaphoreType.DMA] * (2 * NB8),
)
def _agg128_sc(y1, srce, dste, out, sidx, didx, gbuf, acc, *sems):
    gsem = sems[:NB8]
    ssem = sems[NB8:]
    c = lax.axis_index("c")
    s = lax.axis_index("s")
    w = s * NC + c
    ngrp = CPP8 // NB8

    def zrow(r, _):
        for k in range(D // 16):
            gbuf[0, r, pl.ds(k * 16, 16)] = jnp.zeros((16,), jnp.float32)
        return 0

    lax.fori_loop(0, CH8, zrow, 0)
    for j in range(RPT // CH8):
        pltpu.sync_copy(gbuf.at[0], acc.at[pl.ds(s * RPT + j * CH8, CH8)])
    plsc.subcore_barrier()

    def wait_g(j, b):
        pltpu.make_async_copy(y1.at[sidx.at[j]], gbuf.at[b], gsem[b]).wait()

    def fire_g(j, b):
        pltpu.async_copy(y1.at[sidx.at[j]], gbuf.at[b], gsem[b])

    def wait_s(j, b):
        pltpu.make_async_copy(gbuf.at[b], acc.at[didx.at[j]], ssem[b]).wait()

    def fire_s(j, b):
        pltpu.async_copy(gbuf.at[b], acc.at[didx.at[j]], ssem[b], add=True)

    for ph in range(NPH8):
        pltpu.sync_copy(srce.at[w, pl.ds(ph * CPP8, CPP8)], sidx)
        pltpu.sync_copy(dste.at[w, pl.ds(ph * CPP8, CPP8)], didx)
        for b in range(NB8):
            fire_g(b, b)

        def grp(p, _):
            for b in range(NB8):
                j = p * NB8 + b
                wait_g(j, b)
                fire_s(j, b)
            for b in range(NB8):
                j = p * NB8 + b

                @pl.when(p < ngrp - 1)
                def _():
                    wait_s(j, b)
                    fire_g(j + NB8, b)

            return 0

        lax.fori_loop(0, ngrp, grp, 0)
        for b in range(NB8):
            wait_s((ngrp - 1) * NB8 + b, b)
    plsc.subcore_barrier()
    pltpu.sync_copy(acc.at[pl.ds(s * RPT, RPT)],
                    out.at[c, pl.ds(s * RPT, RPT)])


NB16 = 8


@functools.partial(
    pl.kernel,
    out_type=jax.ShapeDtypeStruct((NC, NPAD, DOP), jnp.float32),
    mesh=_mesh(),
    compiler_params=_SC_PARAMS,
    scratch_types=[
        pltpu.VMEM((K16, CH16), jnp.int32),
        pltpu.VMEM((K16, CH16), jnp.int32),
        pltpu.VMEM((NB16, CH16, DOP), jnp.float32),
        pltpu.VMEM_SHARED((NPAD, DOP), jnp.float32),
    ]
    + [pltpu.SemaphoreType.DMA] * (2 * NB16),
)
def _agg16_sc(y2, srce, dste, out, sidx, didx, gbuf, acc, *sems):
    gsem = sems[:NB16]
    ssem = sems[NB16:]
    c = lax.axis_index("c")
    s = lax.axis_index("s")
    w = s * NC + c
    ngrp = K16 // NB16

    def zrow(r, _):
        gbuf[0, r, pl.ds(0, 16)] = jnp.zeros((16,), jnp.float32)
        return 0

    lax.fori_loop(0, CH16, zrow, 0)
    for j in range(RPT // CH16):
        pltpu.sync_copy(gbuf.at[0], acc.at[pl.ds(s * RPT + j * CH16, CH16)])
    pltpu.sync_copy(srce.at[w], sidx)
    pltpu.sync_copy(dste.at[w], didx)
    plsc.subcore_barrier()

    def wait_g(j, b):
        pltpu.make_async_copy(y2.at[sidx.at[j]], gbuf.at[b], gsem[b]).wait()

    def fire_g(j, b):
        pltpu.async_copy(y2.at[sidx.at[j]], gbuf.at[b], gsem[b])

    def wait_s(j, b):
        pltpu.make_async_copy(gbuf.at[b], acc.at[didx.at[j]], ssem[b]).wait()

    def fire_s(j, b):
        pltpu.async_copy(gbuf.at[b], acc.at[didx.at[j]], ssem[b], add=True)

    for b in range(NB16):
        fire_g(b, b)

    def grp(p, _):
        for b in range(NB16):
            j = p * NB16 + b
            wait_g(j, b)
            fire_s(j, b)
        for b in range(NB16):
            j = p * NB16 + b

            @pl.when(p < ngrp - 1)
            def _():
                wait_s(j, b)
                fire_g(j + NB16, b)

        return 0

    lax.fori_loop(0, ngrp, grp, 0)
    for b in range(NB16):
        wait_s((ngrp - 1) * NB16 + b, b)
    plsc.subcore_barrier()
    pltpu.sync_copy(acc.at[pl.ds(s * RPT, RPT)],
                    out.at[c, pl.ds(s * RPT, RPT)])


def _tc1_body(deg_ref, x_ref, w1_ref, y1_ref):
    dis = lax.rsqrt(deg_ref[...] + 1.0)
    xw = jnp.dot(x_ref[...], w1_ref[...], preferred_element_type=jnp.float32)
    y1_ref[...] = xw * dis


def _tc2_body(deg_ref, s1_ref, y1_ref, b1_ref, w2_ref, y2_ref):
    dis = lax.rsqrt(deg_ref[...] + 1.0)
    h = (s1_ref[0] + s1_ref[1] + y1_ref[...]) * dis + b1_ref[...]
    h = jnp.maximum(h, 0.0)
    y2_ref[...] = jnp.dot(h, w2_ref[...], preferred_element_type=jnp.float32) * dis


def _tc3_body(deg_ref, s2_ref, y2_ref, b2_ref, o_ref):
    dis = lax.rsqrt(deg_ref[...] + 1.0)
    o_ref[...] = (s2_ref[0] + s2_ref[1] + y2_ref[...]) * dis + b2_ref[...]


def _pad_edges(col):
    k = EPAD - E
    pad = N + (jnp.arange(k, dtype=jnp.int32) % (NPAD - N))
    return jnp.concatenate([col, pad])


def kernel(x, edge_index, W1, b1, W2, b2):
    ei = edge_index.astype(jnp.int32)
    srcp = _pad_edges(ei[0])
    dstp = _pad_edges(ei[1])
    srce8 = srcp.reshape(NW, K8, CH8)
    dste8 = dstp.reshape(NW, K8, CH8)
    srce16 = srcp.reshape(NW, K16, CH16)
    dste16 = dstp.reshape(NW, K16, CH16)
    xp = jnp.pad(x, ((0, NPAD - N), (0, 0)))
    w2p = jnp.pad(W2, ((0, 0), (0, DOP - DO)))
    b1r = b1.reshape(1, D)
    b2r = jnp.pad(b2, (0, DOP - DO)).reshape(1, DOP)

    deg = _deg_sc(dstp.reshape(NCH16, CH16)).reshape(NPAD, 1)

    y1 = pl.pallas_call(
        _tc1_body,
        grid=(GRID,),
        in_specs=[
            pl.BlockSpec((BLK, 1), lambda i: (i, 0)),
            pl.BlockSpec((BLK, D), lambda i: (i, 0)),
            pl.BlockSpec((D, D), lambda i: (0, 0)),
        ],
        out_specs=pl.BlockSpec((BLK, D), lambda i: (i, 0)),
        out_shape=jax.ShapeDtypeStruct((NPAD, D), jnp.float32),
    )(deg, xp, W1)

    s1 = _agg128_sc(y1, srce8, dste8)

    y2 = pl.pallas_call(
        _tc2_body,
        grid=(GRID,),
        in_specs=[
            pl.BlockSpec((BLK, 1), lambda i: (i, 0)),
            pl.BlockSpec((NC, BLK, D), lambda i: (0, i, 0)),
            pl.BlockSpec((BLK, D), lambda i: (i, 0)),
            pl.BlockSpec((1, D), lambda i: (0, 0)),
            pl.BlockSpec((D, DOP), lambda i: (0, 0)),
        ],
        out_specs=pl.BlockSpec((BLK, DOP), lambda i: (i, 0)),
        out_shape=jax.ShapeDtypeStruct((NPAD, DOP), jnp.float32),
    )(deg, s1, y1, b1r, w2p)

    s2 = _agg16_sc(y2, srce16, dste16)

    o = pl.pallas_call(
        _tc3_body,
        grid=(GRID,),
        in_specs=[
            pl.BlockSpec((BLK, 1), lambda i: (i, 0)),
            pl.BlockSpec((NC, BLK, DOP), lambda i: (0, i, 0)),
            pl.BlockSpec((BLK, DOP), lambda i: (i, 0)),
            pl.BlockSpec((1, DOP), lambda i: (0, 0)),
        ],
        out_specs=pl.BlockSpec((BLK, DOP), lambda i: (i, 0)),
        out_shape=jax.ShapeDtypeStruct((NPAD, DOP), jnp.float32),
    )(deg, s2, y2, b2r)

    return o[:N, :DO]

# --- scband reference (transcript-rebuilt; emitter-appended) ---
"""Pipeline reference for scband-imbalanced-gcn-43456479101292 (READ-ONLY COPY).

The authoritative reference and input builder live on the scoring server;
editing this copy changes nothing except your own understanding.
"""

import jax, jax.numpy as jnp
import numpy as np

N_NODES = 10000
D_IN = 128
D_HID = 128
D_OUT = 2
N_EDGES = 320000


def _gcn_conv(x, edge_index, W, b, num_nodes):
    # GCNConv: x' = D^{-1/2} (A + I) D^{-1/2} X W + b (add self-loops, symmetric norm)
    src = edge_index[0]
    dst = edge_index[1]
    loop = jnp.arange(num_nodes, dtype=edge_index.dtype)
    src = jnp.concatenate([src, loop])
    dst = jnp.concatenate([dst, loop])
    deg = jnp.zeros((num_nodes,), dtype=x.dtype).at[dst].add(1.0)
    deg_inv_sqrt = jnp.where(deg > 0, jax.lax.rsqrt(jnp.maximum(deg, 1e-12)), 0.0)
    norm = deg_inv_sqrt[src] * deg_inv_sqrt[dst]
    xw = x @ W
    msg = xw[src] * norm[:, None]
    out = jax.ops.segment_sum(msg, dst, num_segments=num_nodes)
    return out + b


def setup_inputs(seed: int = 0) -> dict:
    key = jax.random.key(seed)
    k_x, k_e, k_w1, k_w2 = jax.random.split(key, 4)
    x = jax.random.normal(k_x, (N_NODES, D_IN), dtype=jnp.float32)
    edge_index = jax.random.randint(k_e, (2, N_EDGES), 0, N_NODES, dtype=jnp.int64)
    # Glorot-style init for GCN weights
    s1 = float(np.sqrt(6.0 / (D_IN + D_HID)))
    W1 = jax.random.uniform(k_w1, (D_IN, D_HID), jnp.float32, -s1, s1)
    b1 = jnp.zeros((D_HID,), dtype=jnp.float32)
    s2 = float(np.sqrt(6.0 / (D_HID + D_OUT)))
    W2 = jax.random.uniform(k_w2, (D_HID, D_OUT), jnp.float32, -s2, s2)
    b2 = jnp.zeros((D_OUT,), dtype=jnp.float32)
    return {"x": x, "edge_index": edge_index, "W1": W1, "b1": b1, "W2": W2, "b2": b2}


def reference(x, edge_index, W1, b1, W2, b2):
    # eval mode: F.dropout(training=False) is identity
    h = _gcn_conv(x, edge_index, W1, b1, N_NODES)
    h = jax.nn.relu(h)
    out = _gcn_conv(h, edge_index, W2, b2, N_NODES)
    return out

if __name__ == "__main__":
    import jax
    _d = setup_inputs()
    print(jax.jit(kernel)(*tuple(_d.values())))

</pallas_src>

<mosaic_0001>
#map = affine_map<(d0, d1) -> (0, 0)>
#map1 = affine_map<(d0, d1) -> (0)>
module attributes {stable_mosaic.version = 14 : i64} {
  func.func @_deg_sc(%arg0: i32, %arg1: i32, %arg2: memref<2560x128xi32, #tpu.memory_space<hbm>>, %arg3: memref<10240xf32, #tpu.memory_space<hbm>>, %arg4: memref<160x128xi32, #tpu.memory_space<vmem>>, %arg5: memref<128xf32, #tpu.memory_space<vmem>>, %arg6: memref<640xf32, #tpu.memory_space<vmem>>, %arg7: memref<10240xf32, #tpu.memory_space<vmem_shared>>, %arg8: memref<!tpu.dma_semaphore, #tpu.memory_space<semaphore_mem>>) attributes {dimension_semantics = [#tpu.dimension_semantics<core_parallel>, #tpu.dimension_semantics<subcore_parallel>], iteration_bounds = array<i64: 2, 16>, scalar_prefetch = 0 : i64, scratch_operands = 5 : i64, tpu.core_type = #tpu.core_type<sc_vector_subcore>, window_params = [{transform_indices = #map}, {transform_indices = #map1}]} {
    %broadcast_in_dim3A = arith.constant 1.000000e+00 : f32
    %broadcast_in_dim3A_0 = vector.broadcast %broadcast_in_dim3A : f32 to vector<16xf32>
    %swap3A = arith.constant 0 : index
    %swap3A_1 = tpu.vector_load %arg5[%swap3A] {strides = array<i32>} : memref<128xf32, #tpu.memory_space<vmem>>, vector<16xf32>,
    %swap3A_2 = vector.shape_cast %swap3A_1 : vector<16xf32> to vector<16xf32>
    %swap3A_3 = vector.shape_cast %broadcast_in_dim3A_0 : vector<16xf32> to vector<16xf32>
    tpu.vector_store %arg5[%swap3A], %swap3A_3 {strides = array<i32>} : memref<128xf32, #tpu.memory_space<vmem>>, vector<16xf32>,
    %broadcast_in_dim3A_4 = arith.constant 1.000000e+00 : f32
    %broadcast_in_dim3A_5 = vector.broadcast %broadcast_in_dim3A_4 : f32 to vector<16xf32>
    %swap3A_6 = arith.constant 16 : index
    %swap3A_7 = tpu.vector_load %arg5[%swap3A_6] {strides = array<i32>} : memref<128xf32, #tpu.memory_space<vmem>>, vector<16xf32>,
    %swap3A_8 = vector.shape_cast %swap3A_7 : vector<16xf32> to vector<16xf32>
    %swap3A_9 = vector.shape_cast %broadcast_in_dim3A_5 : vector<16xf32> to vector<16xf32>
    tpu.vector_store %arg5[%swap3A_6], %swap3A_9 {strides = array<i32>} : memref<128xf32, #tpu.memory_space<vmem>>, vector<16xf32>,
    %broadcast_in_dim3A_10 = arith.constant 1.000000e+00 : f32
    %broadcast_in_dim3A_11 = vector.broadcast %broadcast_in_dim3A_10 : f32 to vector<16xf32>
    %swap3A_12 = arith.constant 32 : index
    %swap3A_13 = tpu.vector_load %arg5[%swap3A_12] {strides = array<i32>} : memref<128xf32, #tpu.memory_space<vmem>>, vector<16xf32>,
    %swap3A_14 = vector.shape_cast %swap3A_13 : vector<16xf32> to vector<16xf32>
    %swap3A_15 = vector.shape_cast %broadcast_in_dim3A_11 : vector<16xf32> to vector<16xf32>
    tpu.vector_store %arg5[%swap3A_12], %swap3A_15 {strides = array<i32>} : memref<128xf32, #tpu.memory_space<vmem>>, vector<16xf32>,
    %broadcast_in_dim3A_16 = arith.constant 1.000000e+00 : f32
    %broadcast_in_dim3A_17 = vector.broadcast %broadcast_in_dim3A_16 : f32 to vector<16xf32>
    %swap3A_18 = arith.constant 48 : index
    %swap3A_19 = tpu.vector_load %arg5[%swap3A_18] {strides = array<i32>} : memref<128xf32, #tpu.memory_space<vmem>>, vector<16xf32>,
    %swap3A_20 = vector.shape_cast %swap3A_19 : vector<16xf32> to vector<16xf32>
    %swap3A_21 = vector.shape_cast %broadcast_in_dim3A_17 : vector<16xf32> to vector<16xf32>
    tpu.vector_store %arg5[%swap3A_18], %swap3A_21 {strides = array<i32>} : memref<128xf32, #tpu.memory_space<vmem>>, vector<16xf32>,
    %broadcast_in_dim3A_22 = arith.constant 1.000000e+00 : f32
    %broadcast_in_dim3A_23 = vector.broadcast %broadcast_in_dim3A_22 : f32 to vector<16xf32>
    %swap3A_24 = arith.constant 64 : index
    %swap3A_25 = tpu.vector_load %arg5[%swap3A_24] {strides = array<i32>} : memref<128xf32, #tpu.memory_space<vmem>>, vector<16xf32>,
    %swap3A_26 = vector.shape_cast %swap3A_25 : vector<16xf32> to vector<16xf32>
    %swap3A_27 = vector.shape_cast %broadcast_in_dim3A_23 : vector<16xf32> to vector<16xf32>
    tpu.vector_store %arg5[%swap3A_24], %swap3A_27 {strides = array<i32>} : memref<128xf32, #tpu.memory_space<vmem>>, vector<16xf32>,
    %broadcast_in_dim3A_28 = arith.constant 1.000000e+00 : f32
    %broadcast_in_dim3A_29 = vector.broadcast %broadcast_in_dim3A_28 : f32 to vector<16xf32>
    %swap3A_30 = arith.constant 80 : index
    %swap3A_31 = tpu.vector_load %arg5[%swap3A_30] {strides = array<i32>} : memref<128xf32, #tpu.memory_space<vmem>>, vector<16xf32>,
    %swap3A_32 = vector.shape_cast %swap3A_31 : vector<16xf32> to vector<16xf32>
    %swap3A_33 = vector.shape_cast %broadcast_in_dim3A_29 : vector<16xf32> to vector<16xf32>
    tpu.vector_store %arg5[%swap3A_30], %swap3A_33 {strides = array<i32>} : memref<128xf32, #tpu.memory_space<vmem>>, vector<16xf32>,
    %broadcast_in_dim3A_34 = arith.constant 1.000000e+00 : f32
    %broadcast_in_dim3A_35 = vector.broadcast %broadcast_in_dim3A_34 : f32 to vector<16xf32>
    %swap3A_36 = arith.constant 96 : index
    %swap3A_37 = tpu.vector_load %arg5[%swap3A_36] {strides = array<i32>} : memref<128xf32, #tpu.memory_space<vmem>>, vector<16xf32>,
    %swap3A_38 = vector.shape_cast %swap3A_37 : vector<16xf32> to vector<16xf32>
    %swap3A_39 = vector.shape_cast %broadcast_in_dim3A_35 : vector<16xf32> to vector<16xf32>
    tpu.vector_store %arg5[%swap3A_36], %swap3A_39 {strides = array<i32>} : memref<128xf32, #tpu.memory_space<vmem>>, vector<16xf32>,
    %broadcast_in_dim3A_40 = arith.constant 1.000000e+00 : f32
    %broadcast_in_dim3A_41 = vector.broadcast %broadcast_in_dim3A_40 : f32 to vector<16xf32>
    %swap3A_42 = arith.constant 112 : index
    %swap3A_43 = tpu.vector_load %arg5[%swap3A_42] {strides = array<i32>} : memref<128xf32, #tpu.memory_space<vmem>>, vector<16xf32>,
    %swap3A_44 = vector.shape_cast %swap3A_43 : vector<16xf32> to vector<16xf32>
    %swap3A_45 = vector.shape_cast %broadcast_in_dim3A_41 : vector<16xf32> to vector<16xf32>
    tpu.vector_store %arg5[%swap3A_42], %swap3A_45 {strides = array<i32>} : memref<128xf32, #tpu.memory_space<vmem>>, vector<16xf32>,
    %broadcast_in_dim3A_46 = arith.constant 0.000000e+00 : f32
    %broadcast_in_dim3A_47 = vector.broadcast %broadcast_in_dim3A_46 : f32 to vector<16xf32>
    %swap3A_48 = arith.constant 0 : index
    %swap3A_49 = tpu.vector_load %arg6[%swap3A_48] {strides = array<i32>} : memref<640xf32, #tpu.memory_space<vmem>>, vector<16xf32>,
    %swap3A_50 = vector.shape_cast %swap3A_49 : vector<16xf32> to vector<16xf32>
    %swap3A_51 = vector.shape_cast %broadcast_in_dim3A_47 : vector<16xf32> to vector<16xf32>
    tpu.vector_store %arg6[%swap3A_48], %swap3A_51 {strides = array<i32>} : memref<640xf32, #tpu.memory_space<vmem>>, vector<16xf32>,
    %broadcast_in_dim3A_52 = arith.constant 0.000000e+00 : f32
    %broadcast_in_dim3A_53 = vector.broadcast %broadcast_in_dim3A_52 : f32 to vector<16xf32>
    %swap3A_54 = arith.constant 16 : index
    %swap3A_55 = tpu.vector_load %arg6[%swap3A_54] {strides = array<i32>} : memref<640xf32, #tpu.memory_space<vmem>>, vector<16xf32>,
    %swap3A_56 = vector.shape_cast %swap3A_55 : vector<16xf32> to vector<16xf32>
    %swap3A_57 = vector.shape_cast %broadcast_in_dim3A_53 : vector<16xf32> to vector<16xf32>
    tpu.vector_store %arg6[%swap3A_54], %swap3A_57 {strides = array<i32>} : memref<640xf32, #tpu.memory_space<vmem>>, vector<16xf32>,
    %broadcast_in_dim3A_58 = arith.constant 0.000000e+00 : f32
    %broadcast_in_dim3A_59 = vector.broadcast %broadcast_in_dim3A_58 : f32 to vector<16xf32>
    %swap3A_60 = arith.constant 32 : index
    %swap3A_61 = tpu.vector_load %arg6[%swap3A_60] {strides = array<i32>} : memref<640xf32, #tpu.memory_space<vmem>>, vector<16xf32>,
    %swap3A_62 = vector.shape_cast %swap3A_61 : vector<16xf32> to vector<16xf32>
    %swap3A_63 = vector.shape_cast %broadcast_in_dim3A_59 : vector<16xf32> to vector<16xf32>
    tpu.vector_store %arg6[%swap3A_60], %swap3A_63 {strides = array<i32>} : memref<640xf32, #tpu.memory_space<vmem>>, vector<16xf32>,
    %broadcast_in_dim3A_64 = arith.constant 0.000000e+00 : f32
    %broadcast_in_dim3A_65 = vector.broadcast %broadcast_in_dim3A_64 : f32 to vector<16xf32>
    %swap3A_66 = arith.constant 48 : index
    %swap3A_67 = tpu.vector_load %arg6[%swap3A_66] {strides = array<i32>} : memref<640xf32, #tpu.memory_space<vmem>>, vector<16xf32>,
    %swap3A_68 = vector.shape_cast %swap3A_67 : vector<16xf32> to vector<16xf32>
    %swap3A_69 = vector.shape_cast %broadcast_in_dim3A_65 : vector<16xf32> to vector<16xf32>
    tpu.vector_store %arg6[%swap3A_66], %swap3A_69 {strides = array<i32>} : memref<640xf32, #tpu.memory_space<vmem>>, vector<16xf32>,
    %broadcast_in_dim3A_70 = arith.constant 0.000000e+00 : f32
    %broadcast_in_dim3A_71 = vector.broadcast %broadcast_in_dim3A_70 : f32 to vector<16xf32>
    %swap3A_72 = arith.constant 64 : index
    %swap3A_73 = tpu.vector_load %arg6[%swap3A_72] {strides = array<i32>} : memref<640xf32, #tpu.memory_space<vmem>>, vector<16xf32>,
    %swap3A_74 = vector.shape_cast %swap3A_73 : vector<16xf32> to vector<16xf32>
    %swap3A_75 = vector.shape_cast %broadcast_in_dim3A_71 : vector<16xf32> to vector<16xf32>
    tpu.vector_store %arg6[%swap3A_72], %swap3A_75 {strides = array<i32>} : memref<640xf32, #tpu.memory_space<vmem>>, vector<16xf32>,
    %broadcast_in_dim3A_76 = arith.constant 0.000000e+00 : f32
    %broadcast_in_dim3A_77 = vector.broadcast %broadcast_in_dim3A_76 : f32 to vector<16xf32>
    %swap3A_78 = arith.constant 80 : index
    %swap3A_79 = tpu.vector_load %arg6[%swap3A_78] {strides = array<i32>} : memref<640xf32, #tpu.memory_space<vmem>>, vector<16xf32>,
    %swap3A_80 = vector.shape_cast %swap3A_79 : vector<16xf32> to vector<16xf32>
    %swap3A_81 = vector.shape_cast %broadcast_in_dim3A_77 : vector<16xf32> to vector<16xf32>
    tpu.vector_store %arg6[%swap3A_78], %swap3A_81 {strides = array<i32>} : memref<640xf32, #tpu.memory_space<vmem>>, vector<16xf32>,
    %broadcast_in_dim3A_82 = arith.constant 0.000000e+00 : f32
    %broadcast_in_dim3A_83 = vector.broadcast %broadcast_in_dim3A_82 : f32 to vector<16xf32>
    %swap3A_84 = arith.constant 96 : index
    %swap3A_85 = tpu.vector_load %arg6[%swap3A_84] {strides = array<i32>} : memref<640xf32, #tpu.memory_space<vmem>>, vector<16xf32>,
    %swap3A_86 = vector.shape_cast %swap3A_85 : vector<16xf32> to vector<16xf32>
    %swap3A_87 = vector.shape_cast %broadcast_in_dim3A_83 : vector<16xf32> to vector<16xf32>
    tpu.vector_store %arg6[%swap3A_84], %swap3A_87 {strides = array<i32>} : memref<640xf32, #tpu.memory_space<vmem>>, vector<16xf32>,
    %broadcast_in_dim3A_88 = arith.constant 0.000000e+00 : f32
    %broadcast_in_dim3A_89 = vector.broadcast %broadcast_in_dim3A_88 : f32 to vector<16xf32>
    %swap3A_90 = arith.constant 112 : index
    %swap3A_91 = tpu.vector_load %arg6[%swap3A_90] {strides = array<i32>} : memref<640xf32, #tpu.memory_space<vmem>>, vector<16xf32>,
    %swap3A_92 = vector.shape_cast %swap3A_91 : vector<16xf32> to vector<16xf32>
    %swap3A_93 = vector.shape_cast %broadcast_in_dim3A_89 : vector<16xf32> to vector<16xf32>
    tpu.vector_store %arg6[%swap3A_90], %swap3A_93 {strides = array<i32>} : memref<640xf32, #tpu.memory_space<vmem>>, vector<16xf32>,
    %broadcast_in_dim3A_94 = arith.constant 0.000000e+00 : f32
    %broadcast_in_dim3A_95 = vector.broadcast %broadcast_in_dim3A_94 : f32 to vector<16xf32>
    %swap3A_96 = arith.constant 128 : index
    %swap3A_97 = tpu.vector_load %arg6[%swap3A_96] {strides = array<i32>} : memref<640xf32, #tpu.memory_space<vmem>>, vector<16xf32>,
    %swap3A_98 = vector.shape_cast %swap3A_97 : vector<16xf32> to vector<16xf32>
    %swap3A_99 = vector.shape_cast %broadcast_in_dim3A_95 : vector<16xf32> to vector<16xf32>
    tpu.vector_store %arg6[%swap3A_96], %swap3A_99 {strides = array<i32>} : memref<640xf32, #tpu.memory_space<vmem>>, vector<16xf32>,
    %broadcast_in_dim3A_100 = arith.constant 0.000000e+00 : f32
    %broadcast_in_dim3A_101 = vector.broadcast %broadcast_in_dim3A_100 : f32 to vector<16xf32>
    %swap3A_102 = arith.constant 144 : index
    %swap3A_103 = tpu.vector_load %arg6[%swap3A_102] {strides = array<i32>} : memref<640xf32, #tpu.memory_space<vmem>>, vector<16xf32>,
    %swap3A_104 = vector.shape_cast %swap3A_103 : vector<16xf32> to vector<16xf32>
    %swap3A_105 = vector.shape_cast %broadcast_in_dim3A_101 : vector<16xf32> to vector<16xf32>
    tpu.vector_store %arg6[%swap3A_102], %swap3A_105 {strides = array<i32>} : memref<640xf32, #tpu.memory_space<vmem>>, vector<16xf32>,
    %broadcast_in_dim3A_106 = arith.constant 0.000000e+00 : f32
    %broadcast_in_dim3A_107 = vector.broadcast %broadcast_in_dim3A_106 : f32 to vector<16xf32>
    %swap3A_108 = arith.constant 160 : index
    %swap3A_109 = tpu.vector_load %arg6[%swap3A_108] {strides = array<i32>} : memref<640xf32, #tpu.memory_space<vmem>>, vector<16xf32>,
    %swap3A_110 = vector.shape_cast %swap3A_109 : vector<16xf32> to vector<16xf32>
    %swap3A_111 = vector.shape_cast %broadcast_in_dim3A_107 : vector<16xf32> to vector<16xf32>
    tpu.vector_store %arg6[%swap3A_108], %swap3A_111 {strides = array<i32>} : memref<640xf32, #tpu.memory_space<vmem>>, vector<16xf32>,
    %broadcast_in_dim3A_112 = arith.constant 0.000000e+00 : f32
    %broadcast_in_dim3A_113 = vector.broadcast %broadcast_in_dim3A_112 : f32 to vector<16xf32>
    %swap3A_114 = arith.constant 176 : index
    %swap3A_115 = tpu.vector_load %arg6[%swap3A_114] {strides = array<i32>} : memref<640xf32, #tpu.memory_space<vmem>>, vector<16xf32>,
    %swap3A_116 = vector.shape_cast %swap3A_115 : vector<16xf32> to vector<16xf32>
    %swap3A_117 = vector.shape_cast %broadcast_in_dim3A_113 : vector<16xf32> to vector<16xf32>
    tpu.vector_store %arg6[%swap3A_114], %swap3A_117 {strides = array<i32>} : memref<640xf32, #tpu.memory_space<vmem>>, vector<16xf32>,
    %broadcast_in_dim3A_118 = arith.constant 0.000000e+00 : f32
    %broadcast_in_dim3A_119 = vector.broadcast %broadcast_in_dim3A_118 : f32 to vector<16xf32>
    %swap3A_120 = arith.constant 192 : index
    %swap3A_121 = tpu.vector_load %arg6[%swap3A_120] {strides = array<i32>} : memref<640xf32, #tpu.memory_space<vmem>>, vector<16xf32>,
    %swap3A_122 = vector.shape_cast %swap3A_121 : vector<16xf32> to vector<16xf32>
    %swap3A_123 = vector.shape_cast %broadcast_in_dim3A_119 : vector<16xf32> to vector<16xf32>
    tpu.vector_store %arg6[%swap3A_120], %swap3A_123 {strides = array<i32>} : memref<640xf32, #tpu.memory_space<vmem>>, vector<16xf32>,
    %broadcast_in_dim3A_124 = arith.constant 0.000000e+00 : f32
    %broadcast_in_dim3A_125 = vector.broadcast %broadcast_in_dim3A_124 : f32 to vector<16xf32>
    %swap3A_126 = arith.constant 208 : index
    %swap3A_127 = tpu.vector_load %arg6[%swap3A_126] {strides = array<i32>} : memref<640xf32, #tpu.memory_space<vmem>>, vector<16xf32>,
    %swap3A_128 = vector.shape_cast %swap3A_127 : vector<16xf32> to vector<16xf32>
    %swap3A_129 = vector.shape_cast %broadcast_in_dim3A_125 : vector<16xf32> to vector<16xf32>
    tpu.vector_store %arg6[%swap3A_126], %swap3A_129 {strides = array<i32>} : memref<640xf32, #tpu.memory_space<vmem>>, vector<16xf32>,
    %broadcast_in_dim3A_130 = arith.constant 0.000000e+00 : f32
    %broadcast_in_dim3A_131 = vector.broadcast %broadcast_in_dim3A_130 : f32 to vector<16xf32>
    %swap3A_132 = arith.constant 224 : index
    %swap3A_133 = tpu.vector_load %arg6[%swap3A_132] {strides = array<i32>} : memref<640xf32, #tpu.memory_space<vmem>>, vector<16xf32>,
    %swap3A_134 = vector.shape_cast %swap3A_133 : vector<16xf32> to vector<16xf32>
    %swap3A_135 = vector.shape_cast %broadcast_in_dim3A_131 : vector<16xf32> to vector<16xf32>
    tpu.vector_store %arg6[%swap3A_132], %swap3A_135 {strides = array<i32>} : memref<640xf32, #tpu.memory_space<vmem>>, vector<16xf32>,
    %broadcast_in_dim3A_136 = arith.constant 0.000000e+00 : f32
    %broadcast_in_dim3A_137 = vector.broadcast %broadcast_in_dim3A_136 : f32 to vector<16xf32>
    %swap3A_138 = arith.constant 240 : index
    %swap3A_139 = tpu.vector_load %arg6[%swap3A_138] {strides = array<i32>} : memref<640xf32, #tpu.memory_space<vmem>>, vector<16xf32>,
    %swap3A_140 = vector.shape_cast %swap3A_139 : vector<16xf32> to vector<16xf32>
    %swap3A_141 = vector.shape_cast %broadcast_in_dim3A_137 : vector<16xf32> to vector<16xf32>
    tpu.vector_store %arg6[%swap3A_138], %swap3A_141 {strides = array<i32>} : memref<640xf32, #tpu.memory_space<vmem>>, vector<16xf32>,
    %broadcast_in_dim3A_142 = arith.constant 0.000000e+00 : f32
    %broadcast_in_dim3A_143 = vector.broadcast %broadcast_in_dim3A_142 : f32 to vector<16xf32>
    %swap3A_144 = arith.constant 256 : index
    %swap3A_145 = tpu.vector_load %arg6[%swap3A_144] {strides = array<i32>} : memref<640xf32, #tpu.memory_space<vmem>>, vector<16xf32>,
    %swap3A_146 = vector.shape_cast %swap3A_145 : vector<16xf32> to vector<16xf32>
    %swap3A_147 = vector.shape_cast %broadcast_in_dim3A_143 : vector<16xf32> to vector<16xf32>
    tpu.vector_store %arg6[%swap3A_144], %swap3A_147 {strides = array<i32>} : memref<640xf32, #tpu.memory_space<vmem>>, vector<16xf32>,
    %broadcast_in_dim3A_148 = arith.constant 0.000000e+00 : f32
    %broadcast_in_dim3A_149 = vector.broadcast %broadcast_in_dim3A_148 : f32 to vector<16xf32>
    %swap3A_150 = arith.constant 272 : index
    %swap3A_151 = tpu.vector_load %arg6[%swap3A_150] {strides = array<i32>} : memref<640xf32, #tpu.memory_space<vmem>>, vector<16xf32>,
    %swap3A_152 = vector.shape_cast %swap3A_151 : vector<16xf32> to vector<16xf32>
    %swap3A_153 = vector.shape_cast %broadcast_in_dim3A_149 : vector<16xf32> to vector<16xf32>
    tpu.vector_store %arg6[%swap3A_150], %swap3A_153 {strides = array<i32>} : memref<640xf32, #tpu.memory_space<vmem>>, vector<16xf32>,
    %broadcast_in_dim3A_154 = arith.constant 0.000000e+00 : f32
    %broadcast_in_dim3A_155 = vector.broadcast %broadcast_in_dim3A_154 : f32 to vector<16xf32>
    %swap3A_156 = arith.constant 288 : index
    %swap3A_157 = tpu.vector_load %arg6[%swap3A_156] {strides = array<i32>} : memref<640xf32, #tpu.memory_space<vmem>>, vector<16xf32>,
    %swap3A_158 = vector.shape_cast %swap3A_157 : vector<16xf32> to vector<16xf32>
    %swap3A_159 = vector.shape_cast %broadcast_in_dim3A_155 : vector<16xf32> to vector<16xf32>
    tpu.vector_store %arg6[%swap3A_156], %swap3A_159 {strides = array<i32>} : memref<640xf32, #tpu.memory_space<vmem>>, vector<16xf32>,
    %broadcast_in_dim3A_160 = arith.constant 0.000000e+00 : f32
    %broadcast_in_dim3A_161 = vector.broadcast %broadcast_in_dim3A_160 : f32 to vector<16xf32>
    %swap3A_162 = arith.constant 304 : index
    %swap3A_163 = tpu.vector_load %arg6[%swap3A_162] {strides = array<i32>} : memref<640xf32, #tpu.memory_space<vmem>>, vector<16xf32>,
    %swap3A_164 = vector.shape_cast %swap3A_163 : vector<16xf32> to vector<16xf32>
    %swap3A_165 = vector.shape_cast %broadcast_in_dim3A_161 : vector<16xf32> to vector<16xf32>
    tpu.vector_store %arg6[%swap3A_162], %swap3A_165 {strides = array<i32>} : memref<640xf32, #tpu.memory_space<vmem>>, vector<16xf32>,
    %broadcast_in_dim3A_166 = arith.constant 0.000000e+00 : f32
    %broadcast_in_dim3A_167 = vector.broadcast %broadcast_in_dim3A_166 : f32 to vector<16xf32>
    %swap3A_168 = arith.constant 320 : index
    %swap3A_169 = tpu.vector_load %arg6[%swap3A_168] {strides = array<i32>} : memref<640xf32, #tpu.memory_space<vmem>>, vector<16xf32>,
    %swap3A_170 = vector.shape_cast %swap3A_169 : vector<16xf32> to vector<16xf32>
    %swap3A_171 = vector.shape_cast %broadcast_in_dim3A_167 : vector<16xf32> to vector<16xf32>
    tpu.vector_store %arg6[%swap3A_168], %swap3A_171 {strides = array<i32>} : memref<640xf32, #tpu.memory_space<vmem>>, vector<16xf32>,
    %broadcast_in_dim3A_172 = arith.constant 0.000000e+00 : f32
    %broadcast_in_dim3A_173 = vector.broadcast %broadcast_in_dim3A_172 : f32 to vector<16xf32>
    %swap3A_174 = arith.constant 336 : index
    %swap3A_175 = tpu.vector_load %arg6[%swap3A_174] {strides = array<i32>} : memref<640xf32, #tpu.memory_space<vmem>>, vector<16xf32>,
    %swap3A_176 = vector.shape_cast %swap3A_175 : vector<16xf32> to vector<16xf32>
    %swap3A_177 = vector.shape_cast %broadcast_in_dim3A_173 : vector<16xf32> to vector<16xf32>
    tpu.vector_store %arg6[%swap3A_174], %swap3A_177 {strides = array<i32>} : memref<640xf32, #tpu.memory_space<vmem>>, vector<16xf32>,
    %broadcast_in_dim3A_178 = arith.constant 0.000000e+00 : f32
    %broadcast_in_dim3A_179 = vector.broadcast %broadcast_in_dim3A_178 : f32 to vector<16xf32>
    %swap3A_180 = arith.constant 352 : index
    %swap3A_181 = tpu.vector_load %arg6[%swap3A_180] {strides = array<i32>} : memref<640xf32, #tpu.memory_space<vmem>>, vector<16xf32>,
    %swap3A_182 = vector.shape_cast %swap3A_181 : vector<16xf32> to vector<16xf32>
    %swap3A_183 = vector.shape_cast %broadcast_in_dim3A_179 : vector<16xf32> to vector<16xf32>
    tpu.vector_store %arg6[%swap3A_180], %swap3A_183 {strides = array<i32>} : memref<640xf32, #tpu.memory_space<vmem>>, vector<16xf32>,
    %broadcast_in_dim3A_184 = arith.constant 0.000000e+00 : f32
    %broadcast_in_dim3A_185 = vector.broadcast %broadcast_in_dim3A_184 : f32 to vector<16xf32>
    %swap3A_186 = arith.constant 368 : index
    %swap3A_187 = tpu.vector_load %arg6[%swap3A_186] {strides = array<i32>} : memref<640xf32, #tpu.memory_space<vmem>>, vector<16xf32>,
    %swap3A_188 = vector.shape_cast %swap3A_187 : vector<16xf32> to vector<16xf32>
    %swap3A_189 = vector.shape_cast %broadcast_in_dim3A_185 : vector<16xf32> to vector<16xf32>
    tpu.vector_store %arg6[%swap3A_186], %swap3A_189 {strides = array<i32>} : memref<640xf32, #tpu.memory_space<vmem>>, vector<16xf32>,
    %broadcast_in_dim3A_190 = arith.constant 0.000000e+00 : f32
    %broadcast_in_dim3A_191 = vector.broadcast %broadcast_in_dim3A_190 : f32 to vector<16xf32>
    %swap3A_192 = arith.constant 384 : index
    %swap3A_193 = tpu.vector_load %arg6[%swap3A_192] {strides = array<i32>} : memref<640xf32, #tpu.memory_space<vmem>>, vector<16xf32>,
    %swap3A_194 = vector.shape_cast %swap3A_193 : vector<16xf32> to vector<16xf32>
    %swap3A_195 = vector.shape_cast %broadcast_in_dim3A_191 : vector<16xf32> to vector<16xf32>
    tpu.vector_store %arg6[%swap3A_192], %swap3A_195 {strides = array<i32>} : memref<640xf32, #tpu.memory_space<vmem>>, vector<16xf32>,
    %broadcast_in_dim3A_196 = arith.constant 0.000000e+00 : f32
    %broadcast_in_dim3A_197 = vector.broadcast %broadcast_in_dim3A_196 : f32 to vector<16xf32>
    %swap3A_198 = arith.constant 400 : index
    %swap3A_199 = tpu.vector_load %arg6[%swap3A_198] {strides = array<i32>} : memref<640xf32, #tpu.memory_space<vmem>>, vector<16xf32>,
    %swap3A_200 = vector.shape_cast %swap3A_199 : vector<16xf32> to vector<16xf32>
    %swap3A_201 = vector.shape_cast %broadcast_in_dim3A_197 : vector<16xf32> to vector<16xf32>
    tpu.vector_store %arg6[%swap3A_198], %swap3A_201 {strides = array<i32>} : memref<640xf32, #tpu.memory_space<vmem>>, vector<16xf32>,
    %broadcast_in_dim3A_202 = arith.constant 0.000000e+00 : f32
    %broadcast_in_dim3A_203 = vector.broadcast %broadcast_in_dim3A_202 : f32 to vector<16xf32>
    %swap3A_204 = arith.constant 416 : index
    %swap3A_205 = tpu.vector_load %arg6[%swap3A_204] {strides = array<i32>} : memref<640xf32, #tpu.memory_space<vmem>>, vector<16xf32>,
    %swap3A_206 = vector.shape_cast %swap3A_205 : vector<16xf32> to vector<16xf32>
    %swap3A_207 = vector.shape_cast %broadcast_in_dim3A_203 : vector<16xf32> to vector<16xf32>
    tpu.vector_store %arg6[%swap3A_204], %swap3A_207 {strides = array<i32>} : memref<640xf32, #tpu.memory_space<vmem>>, vector<16xf32>,
    %broadcast_in_dim3A_208 = arith.constant 0.000000e+00 : f32
    %broadcast_in_dim3A_209 = vector.broadcast %broadcast_in_dim3A_208 : f32 to vector<16xf32>
    %swap3A_210 = arith.constant 432 : index
    %swap3A_211 = tpu.vector_load %arg6[%swap3A_210] {strides = array<i32>} : memref<640xf32, #tpu.memory_space<vmem>>, vector<16xf32>,
    %swap3A_212 = vector.shape_cast %swap3A_211 : vector<16xf32> to vector<16xf32>
    %swap3A_213 = vector.shape_cast %broadcast_in_dim3A_209 : vector<16xf32> to vector<16xf32>
    tpu.vector_store %arg6[%swap3A_210], %swap3A_213 {strides = array<i32>} : memref<640xf32, #tpu.memory_space<vmem>>, vector<16xf32>,
    %broadcast_in_dim3A_214 = arith.constant 0.000000e+00 : f32
    %broadcast_in_dim3A_215 = vector.broadcast %broadcast_in_dim3A_214 : f32 to vector<16xf32>
    %swap3A_216 = arith.constant 448 : index
    %swap3A_217 = tpu.vector_load %arg6[%swap3A_216] {strides = array<i32>} : memref<640xf32, #tpu.memory_space<vmem>>, vector<16xf32>,
    %swap3A_218 = vector.shape_cast %swap3A_217 : vector<16xf32> to vector<16xf32>
    %swap3A_219 = vector.shape_cast %broadcast_in_dim3A_215 : vector<16xf32> to vector<16xf32>
    tpu.vector_store %arg6[%swap3A_216], %swap3A_219 {strides = array<i32>} : memref<640xf32, #tpu.memory_space<vmem>>, vector<16xf32>,
    %broadcast_in_dim3A_220 = arith.constant 0.000000e+00 : f32
    %broadcast_in_dim3A_221 = vector.broadcast %broadcast_in_dim3A_220 : f32 to vector<16xf32>
    %swap3A_222 = arith.constant 464 : index
    %swap3A_223 = tpu.vector_load %arg6[%swap3A_222] {strides = array<i32>} : memref<640xf32, #tpu.memory_space<vmem>>, vector<16xf32>,
    %swap3A_224 = vector.shape_cast %swap3A_223 : vector<16xf32> to vector<16xf32>
    %swap3A_225 = vector.shape_cast %broadcast_in_dim3A_221 : vector<16xf32> to vector<16xf32>
    tpu.vector_store %arg6[%swap3A_222], %swap3A_225 {strides = array<i32>} : memref<640xf32, #tpu.memory_space<vmem>>, vector<16xf32>,
    %broadcast_in_dim3A_226 = arith.constant 0.000000e+00 : f32
    %broadcast_in_dim3A_227 = vector.broadcast %broadcast_in_dim3A_226 : f32 to vector<16xf32>
    %swap3A_228 = arith.constant 480 : index
    %swap3A_229 = tpu.vector_load %arg6[%swap3A_228] {strides = array<i32>} : memref<640xf32, #tpu.memory_space<vmem>>, vector<16xf32>,
    %swap3A_230 = vector.shape_cast %swap3A_229 : vector<16xf32> to vector<16xf32>
    %swap3A_231 = vector.shape_cast %broadcast_in_dim3A_227 : vector<16xf32> to vector<16xf32>
    tpu.vector_store %arg6[%swap3A_228], %swap3A_231 {strides = array<i32>} : memref<640xf32, #tpu.memory_space<vmem>>, vector<16xf32>,
    %broadcast_in_dim3A_232 = arith.constant 0.000000e+00 : f32
    %broadcast_in_dim3A_233 = vector.broadcast %broadcast_in_dim3A_232 : f32 to vector<16xf32>
    %swap3A_234 = arith.constant 496 : index
    %swap3A_235 = tpu.vector_load %arg6[%swap3A_234] {strides = array<i32>} : memref<640xf32, #tpu.memory_space<vmem>>, vector<16xf32>,
    %swap3A_236 = vector.shape_cast %swap3A_235 : vector<16xf32> to vector<16xf32>
    %swap3A_237 = vector.shape_cast %broadcast_in_dim3A_233 : vector<16xf32> to vector<16xf32>
    tpu.vector_store %arg6[%swap3A_234], %swap3A_237 {strides = array<i32>} : memref<640xf32, #tpu.memory_space<vmem>>, vector<16xf32>,
    %broadcast_in_dim3A_238 = arith.constant 0.000000e+00 : f32
    %broadcast_in_dim3A_239 = vector.broadcast %broadcast_in_dim3A_238 : f32 to vector<16xf32>
    %swap3A_240 = arith.constant 512 : index
    %swap3A_241 = tpu.vector_load %arg6[%swap3A_240] {strides = array<i32>} : memref<640xf32, #tpu.memory_space<vmem>>, vector<16xf32>,
    %swap3A_242 = vector.shape_cast %swap3A_241 : vector<16xf32> to vector<16xf32>
    %swap3A_243 = vector.shape_cast %broadcast_in_dim3A_239 : vector<16xf32> to vector<16xf32>
    tpu.vector_store %arg6[%swap3A_240], %swap3A_243 {strides = array<i32>} : memref<640xf32, #tpu.memory_space<vmem>>, vector<16xf32>,
    %broadcast_in_dim3A_244 = arith.constant 0.000000e+00 : f32
    %broadcast_in_dim3A_245 = vector.broadcast %broadcast_in_dim3A_244 : f32 to vector<16xf32>
    %swap3A_246 = arith.constant 528 : index
    %swap3A_247 = tpu.vector_load %arg6[%swap3A_246] {strides = array<i32>} : memref<640xf32, #tpu.memory_space<vmem>>, vector<16xf32>,
    %swap3A_248 = vector.shape_cast %swap3A_247 : vector<16xf32> to vector<16xf32>
    %swap3A_249 = vector.shape_cast %broadcast_in_dim3A_245 : vector<16xf32> to vector<16xf32>
    tpu.vector_store %arg6[%swap3A_246], %swap3A_249 {strides = array<i32>} : memref<640xf32, #tpu.memory_space<vmem>>, vector<16xf32>,
    %broadcast_in_dim3A_250 = arith.constant 0.000000e+00 : f32
    %broadcast_in_dim3A_251 = vector.broadcast %broadcast_in_dim3A_250 : f32 to vector<16xf32>
    %swap3A_252 = arith.constant 544 : index
    %swap3A_253 = tpu.vector_load %arg6[%swap3A_252] {strides = array<i32>} : memref<640xf32, #tpu.memory_space<vmem>>, vector<16xf32>,
    %swap3A_254 = vector.shape_cast %swap3A_253 : vector<16xf32> to vector<16xf32>
    %swap3A_255 = vector.shape_cast %broadcast_in_dim3A_251 : vector<16xf32> to vector<16xf32>
    tpu.vector_store %arg6[%swap3A_252], %swap3A_255 {strides = array<i32>} : memref<640xf32, #tpu.memory_space<vmem>>, vector<16xf32>,
    %broadcast_in_dim3A_256 = arith.constant 0.000000e+00 : f32
    %broadcast_in_dim3A_257 = vector.broadcast %broadcast_in_dim3A_256 : f32 to vector<16xf32>
    %swap3A_258 = arith.constant 560 : index
    %swap3A_259 = tpu.vector_load %arg6[%swap3A_258] {strides = array<i32>} : memref<640xf32, #tpu.memory_space<vmem>>, vector<16xf32>,
    %swap3A_260 = vector.shape_cast %swap3A_259 : vector<16xf32> to vector<16xf32>
    %swap3A_261 = vector.shape_cast %broadcast_in_dim3A_257 : vector<16xf32> to vector<16xf32>
    tpu.vector_store %arg6[%swap3A_258], %swap3A_261 {strides = array<i32>} : memref<640xf32, #tpu.memory_space<vmem>>, vector<16xf32>,
    %broadcast_in_dim3A_262 = arith.constant 0.000000e+00 : f32
    %broadcast_in_dim3A_263 = vector.broadcast %broadcast_in_dim3A_262 : f32 to vector<16xf32>
    %swap3A_264 = arith.constant 576 : index
    %swap3A_265 = tpu.vector_load %arg6[%swap3A_264] {strides = array<i32>} : memref<640xf32, #tpu.memory_space<vmem>>, vector<16xf32>,
    %swap3A_266 = vector.shape_cast %swap3A_265 : vector<16xf32> to vector<16xf32>
    %swap3A_267 = vector.shape_cast %broadcast_in_dim3A_263 : vector<16xf32> to vector<16xf32>
    tpu.vector_store %arg6[%swap3A_264], %swap3A_267 {strides = array<i32>} : memref<640xf32, #tpu.memory_space<vmem>>, vector<16xf32>,
    %broadcast_in_dim3A_268 = arith.constant 0.000000e+00 : f32
    %broadcast_in_dim3A_269 = vector.broadcast %broadcast_in_dim3A_268 : f32 to vector<16xf32>
    %swap3A_270 = arith.constant 592 : index
    %swap3A_271 = tpu.vector_load %arg6[%swap3A_270] {strides = array<i32>} : memref<640xf32, #tpu.memory_space<vmem>>, vector<16xf32>,
    %swap3A_272 = vector.shape_cast %swap3A_271 : vector<16xf32> to vector<16xf32>
    %swap3A_273 = vector.shape_cast %broadcast_in_dim3A_269 : vector<16xf32> to vector<16xf32>
    tpu.vector_store %arg6[%swap3A_270], %swap3A_273 {strides = array<i32>} : memref<640xf32, #tpu.memory_space<vmem>>, vector<16xf32>,
    %broadcast_in_dim3A_274 = arith.constant 0.000000e+00 : f32
    %broadcast_in_dim3A_275 = vector.broadcast %broadcast_in_dim3A_274 : f32 to vector<16xf32>
    %swap3A_276 = arith.constant 608 : index
    %swap3A_277 = tpu.vector_load %arg6[%swap3A_276] {strides = array<i32>} : memref<640xf32, #tpu.memory_space<vmem>>, vector<16xf32>,
    %swap3A_278 = vector.shape_cast %swap3A_277 : vector<16xf32> to vector<16xf32>
    %swap3A_279 = vector.shape_cast %broadcast_in_dim3A_275 : vector<16xf32> to vector<16xf32>
    tpu.vector_store %arg6[%swap3A_276], %swap3A_279 {strides = array<i32>} : memref<640xf32, #tpu.memory_space<vmem>>, vector<16xf32>,
    %broadcast_in_dim3A_280 = arith.constant 0.000000e+00 : f32
    %broadcast_in_dim3A_281 = vector.broadcast %broadcast_in_dim3A_280 : f32 to vector<16xf32>
    %swap3A_282 = arith.constant 624 : index
    %swap3A_283 = tpu.vector_load %arg6[%swap3A_282] {strides = array<i32>} : memref<640xf32, #tpu.memory_space<vmem>>, vector<16xf32>,
    %swap3A_284 = vector.shape_cast %swap3A_283 : vector<16xf32> to vector<16xf32>
    %swap3A_285 = vector.shape_cast %broadcast_in_dim3A_281 : vector<16xf32> to vector<16xf32>
    tpu.vector_store %arg6[%swap3A_282], %swap3A_285 {strides = array<i32>} : memref<640xf32, #tpu.memory_space<vmem>>, vector<16xf32>,
    %eq3A = arith.constant 0 : i32
    %eq3A_286 = arith.cmpi eq, %arg0, %eq3A : i32
    %convert_element_type3A = arith.extui %eq3A_286 : i1 to i32
    %cond3A = arith.constant 0 : i32
    %cond3A_287 = arith.cmpi ne, %convert_element_type3A, %cond3A : i32
    scf.if %cond3A_287 {
      %mul3A = arith.constant 640 : i32
      %mul3A_288 = arith.muli %arg1, %mul3A : i32
      "tpu.region"() ({
        %run_scoped3A = tpu.sem_alloc : memref<!tpu.dma_semaphore, #tpu.memory_space<semaphore_mem>>
        %dma_start3A = tpu.memref_slice %arg7[%mul3A_288] : memref<10240xf32, #tpu.memory_space<vmem_shared>> -> memref<640xf32, #tpu.memory_space<vmem_shared>>
        %dma_start3A_302 = tpu.memref_slice %arg7[%mul3A_288] : memref<10240xf32, #tpu.memory_space<vmem_shared>> -> memref<640xf32, #tpu.memory_space<vmem_shared>>
        tpu.enqueue_dma source(%arg6 : memref<640xf32, #tpu.memory_space<vmem>>) target(%dma_start3A_302 : memref<640xf32, #tpu.memory_space<vmem_shared>>) target_semaphore(%run_scoped3A : memref<!tpu.dma_semaphore, #tpu.memory_space<semaphore_mem>>)
        %dma_wait3A = tpu.memref_slice %arg7[%mul3A_288] : memref<10240xf32, #tpu.memory_space<vmem_shared>> -> memref<640xf32, #tpu.memory_space<vmem_shared>>
        %dma_wait3A_303 = tpu.memref_slice %arg7[%mul3A_288] : memref<10240xf32, #tpu.memory_space<vmem_shared>> -> memref<640xf32, #tpu.memory_space<vmem_shared>>
        tpu.wait_dma2 semaphore(%run_scoped3A : memref<!tpu.dma_semaphore, #tpu.memory_space<semaphore_mem>>) src(%arg6 : memref<640xf32, #tpu.memory_space<vmem>>) dst(%dma_wait3A_303 : memref<640xf32, #tpu.memory_space<vmem_shared>>)
        tpu.yield
      }) : () -> ()
      %barrier3A = arith.constant 0 : index
      tpu.barrier barrier_id(%barrier3A)
      %mul3A_289 = arith.constant 160 : i32
      %mul3A_290 = arith.muli %arg1, %mul3A_289 : i32
      "tpu.region"() ({
        %run_scoped3A = tpu.sem_alloc : memref<!tpu.dma_semaphore, #tpu.memory_space<semaphore_mem>>
        %dma_start3A = arith.constant 0 : i32
        %dma_start3A_302 = tpu.memref_slice %arg2[%mul3A_290, %dma_start3A] : memref<2560x128xi32, #tpu.memory_space<hbm>> -> memref<160x128xi32, #tpu.memory_space<hbm>>
        %dma_start3A_303 = arith.constant 0 : i32
        %dma_start3A_304 = tpu.memref_slice %arg2[%mul3A_290, %dma_start3A_303] : memref<2560x128xi32, #tpu.memory_space<hbm>> -> memref<160x128xi32, #tpu.memory_space<hbm>>
        tpu.enqueue_dma source(%dma_start3A_304 : memref<160x128xi32, #tpu.memory_space<hbm>>) target(%arg4 : memref<160x128xi32, #tpu.memory_space<vmem>>) target_semaphore(%run_scoped3A : memref<!tpu.dma_semaphore, #tpu.memory_space<semaphore_mem>>)
        %dma_wait3A = arith.constant 0 : i32
        %dma_wait3A_305 = tpu.memref_slice %arg2[%mul3A_290, %dma_wait3A] : memref<2560x128xi32, #tpu.memory_space<hbm>> -> memref<160x128xi32, #tpu.memory_space<hbm>>
        %dma_wait3A_306 = arith.constant 0 : i32
        %dma_wait3A_307 = tpu.memref_slice %arg2[%mul3A_290, %dma_wait3A_306] : memref<2560x128xi32, #tpu.memory_space<hbm>> -> memref<160x128xi32, #tpu.memory_space<hbm>>
        tpu.wait_dma2 semaphore(%run_scoped3A : memref<!tpu.dma_semaphore, #tpu.memory_space<semaphore_mem>>) src(%dma_wait3A_307 : memref<160x128xi32, #tpu.memory_space<hbm>>) dst(%arg4 : memref<160x128xi32, #tpu.memory_space<vmem>>)
        tpu.yield
      }) : () -> ()
      %scan3A = arith.constant 0 : i32
      %scan3A_291 = arith.constant 0 : i32
      %scan3A_292 = arith.constant 20 : i32
      %scan3A_293 = arith.addi %scan3A_291, %scan3A_292 : i32
      %scan3A_294 = arith.constant 1 : i32
      %scan3A_295 = scf.for %scan3A_302 = %scan3A_291 to %scan3A_293 step %scan3A_294 iter_args(%scan3A_303 = %scan3A) -> (i32)  : i32 {
        %mul3A_304 = arith.constant 8 : i32
        %mul3A_305 = arith.muli %scan3A_302, %mul3A_304 : i32
        %add3A = arith.constant 0 : i32
        %add3A_306 = arith.addi %mul3A_305, %add3A : i32
        %dma_start3A = arith.constant 0 : i32
        %dma_start3A_307 = tpu.memref_slice %arg4[%add3A_306, %dma_start3A] : memref<160x128xi32, #tpu.memory_space<vmem>> -> memref<1x128xi32, #tpu.memory_space<vmem>>
        %dma_start3A_308 = tpu.memref_squeeze %dma_start3A_307 : memref<1x128xi32, #tpu.memory_space<vmem>> -> memref<128xi32, #tpu.memory_space<vmem>>
        %dma_start3A_309 = arith.constant 0 : i32
        %dma_start3A_310 = tpu.memref_slice %arg7[%dma_start3A_309] : memref<10240xf32, #tpu.memory_space<vmem_shared>> -> memref<10240xf32, #tpu.memory_space<vmem_shared>>
        tpu.enqueue_indirect_dma source(%arg5 : memref<128xf32, #tpu.memory_space<vmem>>) target(%dma_start3A_310 : memref<10240xf32, #tpu.memory_space<vmem_shared>>) offsets(%dma_start3A_308 : memref<128xi32, #tpu.memory_space<vmem>>) semaphore(%arg8 : memref<!tpu.dma_semaphore, #tpu.memory_space<semaphore_mem>>) {add = true}
        %mul3A_311 = arith.constant 8 : i32
        %mul3A_312 = arith.muli %scan3A_302, %mul3A_311 : i32
        %add3A_313 = arith.constant 1 : i32
        %add3A_314 = arith.addi %mul3A_312, %add3A_313 : i32
        %dma_start3A_315 = arith.constant 0 : i32
        %dma_start3A_316 = tpu.memref_slice %arg4[%add3A_314, %dma_start3A_315] : memref<160x128xi32, #tpu.memory_space<vmem>> -> memref<1x128xi32, #tpu.memory_space<vmem>>
        %dma_start3A_317 = tpu.memref_squeeze %dma_start3A_316 : memref<1x128xi32, #tpu.memory_space<vmem>> -> memref<128xi32, #tpu.memory_space<vmem>>
        %dma_start3A_318 = arith.constant 0 : i32
        %dma_start3A_319 = tpu.memref_slice %arg7[%dma_start3A_318] : memref<10240xf32, #tpu.memory_space<vmem_shared>> -> memref<10240xf32, #tpu.memory_space<vmem_shared>>
        tpu.enqueue_indirect_dma source(%arg5 : memref<128xf32, #tpu.memory_space<vmem>>) target(%dma_start3A_319 : memref<10240xf32, #tpu.memory_space<vmem_shared>>) offsets(%dma_start3A_317 : memref<128xi32, #tpu.memory_space<vmem>>) semaphore(%arg8 : memref<!tpu.dma_semaphore, #tpu.memory_space<semaphore_mem>>) {add = true}
        %mul3A_320 = arith.constant 8 : i32
        %mul3A_321 = arith.muli %scan3A_302, %mul3A_320 : i32
        %add3A_322 = arith.constant 2 : i32
        %add3A_323 = arith.addi %mul3A_321, %add3A_322 : i32
        %dma_start3A_324 = arith.constant 0 : i32
        %dma_start3A_325 = tpu.memref_slice %arg4[%add3A_323, %dma_start3A_324] : memref<160x128xi32, #tpu.memory_space<vmem>> -> memref<1x128xi32, #tpu.memory_space<vmem>>
        %dma_start3A_326 = tpu.memref_squeeze %dma_start3A_325 : memref<1x128xi32, #tpu.memory_space<vmem>> -> memref<128xi32, #tpu.memory_space<vmem>>
        %dma_start3A_327 = arith.constant 0 : i32
        %dma_start3A_328 = tpu.memref_slice %arg7[%dma_start3A_327] : memref<10240xf32, #tpu.memory_space<vmem_shared>> -> memref<10240xf32, #tpu.memory_space<vmem_shared>>
        tpu.enqueue_indirect_dma source(%arg5 : memref<128xf32, #tpu.memory_space<vmem>>) target(%dma_start3A_328 : memref<10240xf32, #tpu.memory_space<vmem_shared>>) offsets(%dma_start3A_326 : memref<128xi32, #tpu.memory_space<vmem>>) semaphore(%arg8 : memref<!tpu.dma_semaphore, #tpu.memory_space<semaphore_mem>>) {add = true}
        %mul3A_329 = arith.constant 8 : i32
        %mul3A_330 = arith.muli %scan3A_302, %mul3A_329 : i32
        %add3A_331 = arith.constant 3 : i32
        %add3A_332 = arith.addi %mul3A_330, %add3A_331 : i32
        %dma_start3A_333 = arith.constant 0 : i32
        %dma_start3A_334 = tpu.memref_slice %arg4[%add3A_332, %dma_start3A_333] : memref<160x128xi32, #tpu.memory_space<vmem>> -> memref<1x128xi32, #tpu.memory_space<vmem>>
        %dma_start3A_335 = tpu.memref_squeeze %dma_start3A_334 : memref<1x128xi32, #tpu.memory_space<vmem>> -> memref<128xi32, #tpu.memory_space<vmem>>
        %dma_start3A_336 = arith.constant 0 : i32
        %dma_start3A_337 = tpu.memref_slice %arg7[%dma_start3A_336] : memref<10240xf32, #tpu.memory_space<vmem_shared>> -> memref<10240xf32, #tpu.memory_space<vmem_shared>>
        tpu.enqueue_indirect_dma source(%arg5 : memref<128xf32, #tpu.memory_space<vmem>>) target(%dma_start3A_337 : memref<10240xf32, #tpu.memory_space<vmem_shared>>) offsets(%dma_start3A_335 : memref<128xi32, #tpu.memory_space<vmem>>) semaphore(%arg8 : memref<!tpu.dma_semaphore, #tpu.memory_space<semaphore_mem>>) {add = true}
        %mul3A_338 = arith.constant 8 : i32
        %mul3A_339 = arith.muli %scan3A_302, %mul3A_338 : i32
        %add3A_340 = arith.constant 4 : i32
        %add3A_341 = arith.addi %mul3A_339, %add3A_340 : i32
        %dma_start3A_342 = arith.constant 0 : i32
        %dma_start3A_343 = tpu.memref_slice %arg4[%add3A_341, %dma_start3A_342] : memref<160x128xi32, #tpu.memory_space<vmem>> -> memref<1x128xi32, #tpu.memory_space<vmem>>
        %dma_start3A_344 = tpu.memref_squeeze %dma_start3A_343 : memref<1x128xi32, #tpu.memory_space<vmem>> -> memref<128xi32, #tpu.memory_space<vmem>>
        %dma_start3A_345 = arith.constant 0 : i32
        %dma_start3A_346 = tpu.memref_slice %arg7[%dma_start3A_345] : memref<10240xf32, #tpu.memory_space<vmem_shared>> -> memref<10240xf32, #tpu.memory_space<vmem_shared>>
        tpu.enqueue_indirect_dma source(%arg5 : memref<128xf32, #tpu.memory_space<vmem>>) target(%dma_start3A_346 : memref<10240xf32, #tpu.memory_space<vmem_shared>>) offsets(%dma_start3A_344 : memref<128xi32, #tpu.memory_space<vmem>>) semaphore(%arg8 : memref<!tpu.dma_semaphore, #tpu.memory_space<semaphore_mem>>) {add = true}
        %mul3A_347 = arith.constant 8 : i32
        %mul3A_348 = arith.muli %scan3A_302, %mul3A_347 : i32
        %add3A_349 = arith.constant 5 : i32
        %add3A_350 = arith.addi %mul3A_348, %add3A_349 : i32
        %dma_start3A_351 = arith.constant 0 : i32
        %dma_start3A_352 = tpu.memref_slice %arg4[%add3A_350, %dma_start3A_351] : memref<160x128xi32, #tpu.memory_space<vmem>> -> memref<1x128xi32, #tpu.memory_space<vmem>>
        %dma_start3A_353 = tpu.memref_squeeze %dma_start3A_352 : memref<1x128xi32, #tpu.memory_space<vmem>> -> memref<128xi32, #tpu.memory_space<vmem>>
        %dma_start3A_354 = arith.constant 0 : i32
        %dma_start3A_355 = tpu.memref_slice %arg7[%dma_start3A_354] : memref<10240xf32, #tpu.memory_space<vmem_shared>> -> memref<10240xf32, #tpu.memory_space<vmem_shared>>
        tpu.enqueue_indirect_dma source(%arg5 : memref<128xf32, #tpu.memory_space<vmem>>) target(%dma_start3A_355 : memref<10240xf32, #tpu.memory_space<vmem_shared>>) offsets(%dma_start3A_353 : memref<128xi32, #tpu.memory_space<vmem>>) semaphore(%arg8 : memref<!tpu.dma_semaphore, #tpu.memory_space<semaphore_mem>>) {add = true}
        %mul3A_356 = arith.constant 8 : i32
        %mul3A_357 = arith.muli %scan3A_302, %mul3A_356 : i32
        %add3A_358 = arith.constant 6 : i32
        %add3A_359 = arith.addi %mul3A_357, %add3A_358 : i32
        %dma_start3A_360 = arith.constant 0 : i32
        %dma_start3A_361 = tpu.memref_slice %arg4[%add3A_359, %dma_start3A_360] : memref<160x128xi32, #tpu.memory_space<vmem>> -> memref<1x128xi32, #tpu.memory_space<vmem>>
        %dma_start3A_362 = tpu.memref_squeeze %dma_start3A_361 : memref<1x128xi32, #tpu.memory_space<vmem>> -> memref<128xi32, #tpu.memory_space<vmem>>
        %dma_start3A_363 = arith.constant 0 : i32
        %dma_start3A_364 = tpu.memref_slice %arg7[%dma_start3A_363] : memref<10240xf32, #tpu.memory_space<vmem_shared>> -> memref<10240xf32, #tpu.memory_space<vmem_shared>>
        tpu.enqueue_indirect_dma source(%arg5 : memref<128xf32, #tpu.memory_space<vmem>>) target(%dma_start3A_364 : memref<10240xf32, #tpu.memory_space<vmem_shared>>) offsets(%dma_start3A_362 : memref<128xi32, #tpu.memory_space<vmem>>) semaphore(%arg8 : memref<!tpu.dma_semaphore, #tpu.memory_space<semaphore_mem>>) {add = true}
        %mul3A_365 = arith.constant 8 : i32
        %mul3A_366 = arith.muli %scan3A_302, %mul3A_365 : i32
        %add3A_367 = arith.constant 7 : i32
        %add3A_368 = arith.addi %mul3A_366, %add3A_367 : i32
        %dma_start3A_369 = arith.constant 0 : i32
        %dma_start3A_370 = tpu.memref_slice %arg4[%add3A_368, %dma_start3A_369] : memref<160x128xi32, #tpu.memory_space<vmem>> -> memref<1x128xi32, #tpu.memory_space<vmem>>
        %dma_start3A_371 = tpu.memref_squeeze %dma_start3A_370 : memref<1x128xi32, #tpu.memory_space<vmem>> -> memref<128xi32, #tpu.memory_space<vmem>>
        %dma_start3A_372 = arith.constant 0 : i32
        %dma_start3A_373 = tpu.memref_slice %arg7[%dma_start3A_372] : memref<10240xf32, #tpu.memory_space<vmem_shared>> -> memref<10240xf32, #tpu.memory_space<vmem_shared>>
        tpu.enqueue_indirect_dma source(%arg5 : memref<128xf32, #tpu.memory_space<vmem>>) target(%dma_start3A_373 : memref<10240xf32, #tpu.memory_space<vmem_shared>>) offsets(%dma_start3A_371 : memref<128xi32, #tpu.memory_space<vmem>>) semaphore(%arg8 : memref<!tpu.dma_semaphore, #tpu.memory_space<semaphore_mem>>) {add = true}
        %mul3A_374 = arith.constant 8 : i32
        %mul3A_375 = arith.muli %scan3A_302, %mul3A_374 : i32
        %add3A_376 = arith.constant 0 : i32
        %add3A_377 = arith.addi %mul3A_375, %add3A_376 : i32
        %dma_wait3A = arith.constant 0 : i32
        %dma_wait3A_378 = tpu.memref_slice %arg4[%add3A_377, %dma_wait3A] : memref<160x128xi32, #tpu.memory_space<vmem>> -> memref<1x128xi32, #tpu.memory_space<vmem>>
        %dma_wait3A_379 = tpu.memref_squeeze %dma_wait3A_378 : memref<1x128xi32, #tpu.memory_space<vmem>> -> memref<128xi32, #tpu.memory_space<vmem>>
        %dma_wait3A_380 = arith.constant 0 : i32
        %dma_wait3A_381 = tpu.memref_slice %arg7[%dma_wait3A_380] : memref<10240xf32, #tpu.memory_space<vmem_shared>> -> memref<10240xf32, #tpu.memory_space<vmem_shared>>
        tpu.wait_indirect_dma semaphore(%arg8 : memref<!tpu.dma_semaphore, #tpu.memory_space<semaphore_mem>>) src(%arg5 : memref<128xf32, #tpu.memory_space<vmem>>) dst(%dma_wait3A_381 : memref<10240xf32, #tpu.memory_space<vmem_shared>>)
        %mul3A_382 = arith.constant 8 : i32
        %mul3A_383 = arith.muli %scan3A_302, %mul3A_382 : i32
        %add3A_384 = arith.constant 1 : i32
        %add3A_385 = arith.addi %mul3A_383, %add3A_384 : i32
        %dma_wait3A_386 = arith.constant 0 : i32
        %dma_wait3A_387 = tpu.memref_slice %arg4[%add3A_385, %dma_wait3A_386] : memref<160x128xi32, #tpu.memory_space<vmem>> -> memref<1x128xi32, #tpu.memory_space<vmem>>
        %dma_wait3A_388 = tpu.memref_squeeze %dma_wait3A_387 : memref<1x128xi32, #tpu.memory_space<vmem>> -> memref<128xi32, #tpu.memory_space<vmem>>
        %dma_wait3A_389 = arith.constant 0 : i32
        %dma_wait3A_390 = tpu.memref_slice %arg7[%dma_wait3A_389] : memref<10240xf32, #tpu.memory_space<vmem_shared>> -> memref<10240xf32, #tpu.memory_space<vmem_shared>>
        tpu.wait_indirect_dma semaphore(%arg8 : memref<!tpu.dma_semaphore, #tpu.memory_space<semaphore_mem>>) src(%arg5 : memref<128xf32, #tpu.memory_space<vmem>>) dst(%dma_wait3A_390 : memref<10240xf32, #tpu.memory_space<vmem_shared>>)
        %mul3A_391 = arith.constant 8 : i32
        %mul3A_392 = arith.muli %scan3A_302, %mul3A_391 : i32
        %add3A_393 = arith.constant 2 : i32
        %add3A_394 = arith.addi %mul3A_392, %add3A_393 : i32
        %dma_wait3A_395 = arith.constant 0 : i32
        %dma_wait3A_396 = tpu.memref_slice %arg4[%add3A_394, %dma_wait3A_395] : memref<160x128xi32, #tpu.memory_space<vmem>> -> memref<1x128xi32, #tpu.memory_space<vmem>>
        %dma_wait3A_397 = tpu.memref_squeeze %dma_wait3A_396 : memref<1x128xi32, #tpu.memory_space<vmem>> -> memref<128xi32, #tpu.memory_space<vmem>>
        %dma_wait3A_398 = arith.constant 0 : i32
        %dma_wait3A_399 = tpu.memref_slice %arg7[%dma_wait3A_398] : memref<10240xf32, #tpu.memory_space<vmem_shared>> -> memref<10240xf32, #tpu.memory_space<vmem_shared>>
        tpu.wait_indirect_dma semaphore(%arg8 : memref<!tpu.dma_semaphore, #tpu.memory_space<semaphore_mem>>) src(%arg5 : memref<128xf32, #tpu.memory_space<vmem>>) dst(%dma_wait3A_399 : memref<10240xf32, #tpu.memory_space<vmem_shared>>)
        %mul3A_400 = arith.constant 8 : i32
        %mul3A_401 = arith.muli %scan3A_302, %mul3A_400 : i32
        %add3A_402 = arith.constant 3 : i32
        %add3A_403 = arith.addi %mul3A_401, %add3A_402 : i32
        %dma_wait3A_404 = arith.constant 0 : i32
        %dma_wait3A_405 = tpu.memref_slice %arg4[%add3A_403, %dma_wait3A_404] : memref<160x128xi32, #tpu.memory_space<vmem>> -> memref<1x128xi32, #tpu.memory_space<vmem>>
        %dma_wait3A_406 = tpu.memref_squeeze %dma_wait3A_405 : memref<1x128xi32, #tpu.memory_space<vmem>> -> memref<128xi32, #tpu.memory_space<vmem>>
        %dma_wait3A_407 = arith.constant 0 : i32
        %dma_wait3A_408 = tpu.memref_slice %arg7[%dma_wait3A_407] : memref<10240xf32, #tpu.memory_space<vmem_shared>> -> memref<10240xf32, #tpu.memory_space<vmem_shared>>
        tpu.wait_indirect_dma semaphore(%arg8 : memref<!tpu.dma_semaphore, #tpu.memory_space<semaphore_mem>>) src(%arg5 : memref<128xf32, #tpu.memory_space<vmem>>) dst(%dma_wait3A_408 : memref<10240xf32, #tpu.memory_space<vmem_shared>>)
        %mul3A_409 = arith.constant 8 : i32
        %mul3A_410 = arith.muli %scan3A_302, %mul3A_409 : i32
        %add3A_411 = arith.constant 4 : i32
        %add3A_412 = arith.addi %mul3A_410, %add3A_411 : i32
        %dma_wait3A_413 = arith.constant 0 : i32
        %dma_wait3A_414 = tpu.memref_slice %arg4[%add3A_412, %dma_wait3A_413] : memref<160x128xi32, #tpu.memory_space<vmem>> -> memref<1x128xi32, #tpu.memory_space<vmem>>
        %dma_wait3A_415 = tpu.memref_squeeze %dma_wait3A_414 : memref<1x128xi32, #tpu.memory_space<vmem>> -> memref<128xi32, #tpu.memory_space<vmem>>
        %dma_wait3A_416 = arith.constant 0 : i32
        %dma_wait3A_417 = tpu.memref_slice %arg7[%dma_wait3A_416] : memref<10240xf32, #tpu.memory_space<vmem_shared>> -> memref<10240xf32, #tpu.memory_space<vmem_shared>>
        tpu.wait_indirect_dma semaphore(%arg8 : memref<!tpu.dma_semaphore, #tpu.memory_space<semaphore_mem>>) src(%arg5 : memref<128xf32, #tpu.memory_space<vmem>>) dst(%dma_wait3A_417 : memref<10240xf32, #tpu.memory_space<vmem_shared>>)
        %mul3A_418 = arith.constant 8 : i32
        %mul3A_419 = arith.muli %scan3A_302, %mul3A_418 : i32
        %add3A_420 = arith.constant 5 : i32
        %add3A_421 = arith.addi %mul3A_419, %add3A_420 : i32
        %dma_wait3A_422 = arith.constant 0 : i32
        %dma_wait3A_423 = tpu.memref_slice %arg4[%add3A_421, %dma_wait3A_422] : memref<160x128xi32, #tpu.memory_space<vmem>> -> memref<1x128xi32, #tpu.memory_space<vmem>>
        %dma_wait3A_424 = tpu.memref_squeeze %dma_wait3A_423 : memref<1x128xi32, #tpu.memory_space<vmem>> -> memref<128xi32, #tpu.memory_space<vmem>>
        %dma_wait3A_425 = arith.constant 0 : i32
        %dma_wait3A_426 = tpu.memref_slice %arg7[%dma_wait3A_425] : memref<10240xf32, #tpu.memory_space<vmem_shared>> -> memref<10240xf32, #tpu.memory_space<vmem_shared>>
        tpu.wait_indirect_dma semaphore(%arg8 : memref<!tpu.dma_semaphore, #tpu.memory_space<semaphore_mem>>) src(%arg5 : memref<128xf32, #tpu.memory_space<vmem>>) dst(%dma_wait3A_426 : memref<10240xf32, #tpu.memory_space<vmem_shared>>)
        %mul3A_427 = arith.constant 8 : i32
        %mul3A_428 = arith.muli %scan3A_302, %mul3A_427 : i32
        %add3A_429 = arith.constant 6 : i32
        %add3A_430 = arith.addi %mul3A_428, %add3A_429 : i32
        %dma_wait3A_431 = arith.constant 0 : i32
        %dma_wait3A_432 = tpu.memref_slice %arg4[%add3A_430, %dma_wait3A_431] : memref<160x128xi32, #tpu.memory_space<vmem>> -> memref<1x128xi32, #tpu.memory_space<vmem>>
        %dma_wait3A_433 = tpu.memref_squeeze %dma_wait3A_432 : memref<1x128xi32, #tpu.memory_space<vmem>> -> memref<128xi32, #tpu.memory_space<vmem>>
        %dma_wait3A_434 = arith.constant 0 : i32
        %dma_wait3A_435 = tpu.memref_slice %arg7[%dma_wait3A_434] : memref<10240xf32, #tpu.memory_space<vmem_shared>> -> memref<10240xf32, #tpu.memory_space<vmem_shared>>
        tpu.wait_indirect_dma semaphore(%arg8 : memref<!tpu.dma_semaphore, #tpu.memory_space<semaphore_mem>>) src(%arg5 : memref<128xf32, #tpu.memory_space<vmem>>) dst(%dma_wait3A_435 : memref<10240xf32, #tpu.memory_space<vmem_shared>>)
        %mul3A_436 = arith.constant 8 : i32
        %mul3A_437 = arith.muli %scan3A_302, %mul3A_436 : i32
        %add3A_438 = arith.constant 7 : i32
        %add3A_439 = arith.addi %mul3A_437, %add3A_438 : i32
        %dma_wait3A_440 = arith.constant 0 : i32
        %dma_wait3A_441 = tpu.memref_slice %arg4[%add3A_439, %dma_wait3A_440] : memref<160x128xi32, #tpu.memory_space<vmem>> -> memref<1x128xi32, #tpu.memory_space<vmem>>
        %dma_wait3A_442 = tpu.memref_squeeze %dma_wait3A_441 : memref<1x128xi32, #tpu.memory_space<vmem>> -> memref<128xi32, #tpu.memory_space<vmem>>
        %dma_wait3A_443 = arith.constant 0 : i32
        %dma_wait3A_444 = tpu.memref_slice %arg7[%dma_wait3A_443] : memref<10240xf32, #tpu.memory_space<vmem_shared>> -> memref<10240xf32, #tpu.memory_space<vmem_shared>>
        tpu.wait_indirect_dma semaphore(%arg8 : memref<!tpu.dma_semaphore, #tpu.memory_space<semaphore_mem>>) src(%arg5 : memref<128xf32, #tpu.memory_space<vmem>>) dst(%dma_wait3A_444 : memref<10240xf32, #tpu.memory_space<vmem_shared>>)
        %scan3A_445 = arith.constant 0 : i32
        scf.yield %scan3A_445 : i32
      }
      %scan3A_296 = arith.constant 20 : i32
      %barrier3A_297 = arith.constant 0 : index
      tpu.barrier barrier_id(%barrier3A_297)
      %mul3A_298 = arith.constant 640 : i32
      %mul3A_299 = arith.muli %arg1, %mul3A_298 : i32
      %mul3A_300 = arith.constant 640 : i32
      %mul3A_301 = arith.muli %arg1, %mul3A_300 : i32
      "tpu.region"() ({
        %run_scoped3A = tpu.sem_alloc : memref<!tpu.dma_semaphore, #tpu.memory_space<semaphore_mem>>
        %dma_start3A = tpu.memref_slice %arg3[%mul3A_301] : memref<10240xf32, #tpu.memory_space<hbm>> -> memref<640xf32, #tpu.memory_space<hbm>>
        %dma_start3A_302 = tpu.memref_slice %arg7[%mul3A_299] : memref<10240xf32, #tpu.memory_space<vmem_shared>> -> memref<640xf32, #tpu.memory_space<vmem_shared>>
        tpu.enqueue_dma source(%dma_start3A_302 : memref<640xf32, #tpu.memory_space<vmem_shared>>) target(%dma_start3A : memref<640xf32, #tpu.memory_space<hbm>>) target_semaphore(%run_scoped3A : memref<!tpu.dma_semaphore, #tpu.memory_space<semaphore_mem>>)
        %dma_wait3A = tpu.memref_slice %arg3[%mul3A_301] : memref<10240xf32, #tpu.memory_space<hbm>> -> memref<640xf32, #tpu.memory_space<hbm>>
        %dma_wait3A_303 = tpu.memref_slice %arg7[%mul3A_299] : memref<10240xf32, #tpu.memory_space<vmem_shared>> -> memref<640xf32, #tpu.memory_space<vmem_shared>>
        tpu.wait_dma2 semaphore(%run_scoped3A : memref<!tpu.dma_semaphore, #tpu.memory_space<semaphore_mem>>) src(%dma_wait3A_303 : memref<640xf32, #tpu.memory_space<vmem_shared>>) dst(%dma_wait3A : memref<640xf32, #tpu.memory_space<hbm>>)
        tpu.yield
      }) : () -> ()
    } else {
    }
    return
  }
}

#map = affine_map<(d0, d1) -> (0, 0)>
#map1 = affine_map<(d0, d1) -> (0, 0, 0)>
module attributes {stable_mosaic.version = 14 : i64} {
  func.func @_agg16_sc(%arg0: i32, %arg1: i32, %arg2: memref<10240x16xf32, #tpu.memory_space<hbm>>, %arg3: memref<32x80x128xi32, #tpu.memory_space<hbm>>, %arg4: memref<32x80x128xi32, #tpu.memory_space<hbm>>, %arg5: memref<2x10240x16xf32, #tpu.memory_space<hbm>>, %arg6: memref<80x128xi32, #tpu.memory_space<vmem>>, %arg7: memref<80x128xi32, #tpu.memory_space<vmem>>, %arg8: memref<8x128x16xf32, #tpu.memory_space<vmem>>, %arg9: memref<10240x16xf32, #tpu.memory_space<vmem_shared>>, %arg10: memref<!tpu.dma_semaphore, #tpu.memory_space<semaphore_mem>>, %arg11: memref<!tpu.dma_semaphore, #tpu.memory_space<semaphore_mem>>, %arg12: memref<!tpu.dma_semaphore, #tpu.memory_space<semaphore_mem>>, %arg13: memref<!tpu.dma_semaphore, #tpu.memory_space<semaphore_mem>>, %arg14: memref<!tpu.dma_semaphore, #tpu.memory_space<semaphore_mem>>, %arg15: memref<!tpu.dma_semaphore, #tpu.memory_space<semaphore_mem>>, %arg16: memref<!tpu.dma_semaphore, #tpu.memory_space<semaphore_mem>>, %arg17: memref<!tpu.dma_semaphore, #tpu.memory_space<semaphore_mem>>, %arg18: memref<!tpu.dma_semaphore, #tpu.memory_space<semaphore_mem>>, %arg19: memref<!tpu.dma_semaphore, #tpu.memory_space<semaphore_mem>>, %arg20: memref<!tpu.dma_semaphore, #tpu.memory_space<semaphore_mem>>, %arg21: memref<!tpu.dma_semaphore, #tpu.memory_space<semaphore_mem>>, %arg22: memref<!tpu.dma_semaphore, #tpu.memory_space<semaphore_mem>>, %arg23: memref<!tpu.dma_semaphore, #tpu.memory_space<semaphore_mem>>, %arg24: memref<!tpu.dma_semaphore, #tpu.memory_space<semaphore_mem>>, %arg25: memref<!tpu.dma_semaphore, #tpu.memory_space<semaphore_mem>>) attributes {dimension_semantics = [#tpu.dimension_semantics<core_parallel>, #tpu.dimension_semantics<subcore_parallel>], iteration_bounds = array<i64: 2, 16>, scalar_prefetch = 0 : i64, scratch_operands = 20 : i64, tpu.core_type = #tpu.core_type<sc_vector_subcore>, window_params = [{transform_indices = #map}, {transform_indices = #map1}, {transform_indices = #map1}, {transform_indices = #map1}]} {
    %mul3A = arith.constant 2 : i32
    %mul3A_0 = arith.muli %arg1, %mul3A : i32
    %add3A = arith.addi %mul3A_0, %arg0 : i32
    %scan3A = arith.constant 0 : i32
    %scan3A_1 = arith.constant 0 : i32
    %scan3A_2 = arith.constant 128 : i32
    %scan3A_3 = arith.addi %scan3A_1, %scan3A_2 : i32
    %scan3A_4 = arith.constant 1 : i32
    %scan3A_5 = scf.for %scan3A_233 = %scan3A_1 to %scan3A_3 step %scan3A_4 iter_args(%scan3A_234 = %scan3A) -> (i32)  : i32 {
      %broadcast_in_dim3A = arith.constant 0.000000e+00 : f32
      %broadcast_in_dim3A_235 = vector.broadcast %broadcast_in_dim3A : f32 to vector<16xf32>
      %swap3A = arith.constant 0 : i32
      %swap3A_236 = arith.index_cast %swap3A : i32 to index
      %swap3A_237 = arith.index_cast %scan3A_233 : i32 to index
      %swap3A_238 = arith.constant 0 : index
      %swap3A_239 = tpu.vector_load %arg8[%swap3A_236, %swap3A_237, %swap3A_238] {strides = array<i32>} : memref<8x128x16xf32, #tpu.memory_space<vmem>>, vector<1x1x16xf32>,
      %swap3A_240 = vector.shape_cast %swap3A_239 : vector<1x1x16xf32> to vector<16xf32>
      %swap3A_241 = vector.shape_cast %broadcast_in_dim3A_235 : vector<16xf32> to vector<1x1x16xf32>
      tpu.vector_store %arg8[%swap3A_236, %swap3A_237, %swap3A_238], %swap3A_241 {strides = array<i32>} : memref<8x128x16xf32, #tpu.memory_space<vmem>>, vector<1x1x16xf32>,
      %scan3A_242 = arith.constant 0 : i32
      scf.yield %scan3A_242 : i32
    }
    %scan3A_6 = arith.constant 128 : i32
    %mul3A_7 = arith.constant 640 : i32
    %mul3A_8 = arith.muli %arg1, %mul3A_7 : i32
    %add3A_9 = arith.constant 0 : i32
    %add3A_10 = arith.addi %mul3A_8, %add3A_9 : i32
    %run_scoped3A = arith.constant 0 : i32
    "tpu.region"() ({
      %run_scoped3A_233 = tpu.sem_alloc : memref<!tpu.dma_semaphore, #tpu.memory_space<semaphore_mem>>
      %dma_start3A_234 = arith.constant 0 : i32
      %dma_start3A_235 = arith.constant 0 : i32
      %dma_start3A_236 = tpu.memref_slice %arg8[%run_scoped3A, %dma_start3A_234, %dma_start3A_235] : memref<8x128x16xf32, #tpu.memory_space<vmem>> -> memref<1x128x16xf32, #tpu.memory_space<vmem>>
      %dma_start3A_237 = tpu.memref_squeeze %dma_start3A_236 : memref<1x128x16xf32, #tpu.memory_space<vmem>> -> memref<128x16xf32, #tpu.memory_space<vmem>>
      %dma_start3A_238 = arith.constant 0 : i32
      %dma_start3A_239 = tpu.memref_slice %arg9[%add3A_10, %dma_start3A_238] : memref<10240x16xf32, #tpu.memory_space<vmem_shared>> -> memref<128x16xf32, #tpu.memory_space<vmem_shared>>
      %dma_start3A_240 = arith.constant 0 : i32
      %dma_start3A_241 = tpu.memref_slice %arg9[%add3A_10, %dma_start3A_240] : memref<10240x16xf32, #tpu.memory_space<vmem_shared>> -> memref<128x16xf32, #tpu.memory_space<vmem_shared>>
      %dma_start3A_242 = arith.constant 0 : i32
      %dma_start3A_243 = arith.constant 0 : i32
      %dma_start3A_244 = tpu.memref_slice %arg8[%run_scoped3A, %dma_start3A_242, %dma_start3A_243] : memref<8x128x16xf32, #tpu.memory_space<vmem>> -> memref<1x128x16xf32, #tpu.memory_space<vmem>>
      %dma_start3A_245 = tpu.memref_squeeze %dma_start3A_244 : memref<1x128x16xf32, #tpu.memory_space<vmem>> -> memref<128x16xf32, #tpu.memory_space<vmem>>
      tpu.enqueue_dma source(%dma_start3A_245 : memref<128x16xf32, #tpu.memory_space<vmem>>) target(%dma_start3A_241 : memref<128x16xf32, #tpu.memory_space<vmem_shared>>) target_semaphore(%run_scoped3A_233 : memref<!tpu.dma_semaphore, #tpu.memory_space<semaphore_mem>>)
      %dma_wait3A_246 = arith.constant 0 : i32
      %dma_wait3A_247 = arith.constant 0 : i32
      %dma_wait3A_248 = tpu.memref_slice %arg8[%run_scoped3A, %dma_wait3A_246, %dma_wait3A_247] : memref<8x128x16xf32, #tpu.memory_space<vmem>> -> memref<1x128x16xf32, #tpu.memory_space<vmem>>
      %dma_wait3A_249 = tpu.memref_squeeze %dma_wait3A_248 : memref<1x128x16xf32, #tpu.memory_space<vmem>> -> memref<128x16xf32, #tpu.memory_space<vmem>>
      %dma_wait3A_250 = arith.constant 0 : i32
      %dma_wait3A_251 = tpu.memref_slice %arg9[%add3A_10, %dma_wait3A_250] : memref<10240x16xf32, #tpu.memory_space<vmem_shared>> -> memref<128x16xf32, #tpu.memory_space<vmem_shared>>
      %dma_wait3A_252 = arith.constant 0 : i32
      %dma_wait3A_253 = tpu.memref_slice %arg9[%add3A_10, %dma_wait3A_252] : memref<10240x16xf32, #tpu.memory_space<vmem_shared>> -> memref<128x16xf32, #tpu.memory_space<vmem_shared>>
      %dma_wait3A_254 = arith.constant 0 : i32
      %dma_wait3A_255 = arith.constant 0 : i32
      %dma_wait3A_256 = tpu.memref_slice %arg8[%run_scoped3A, %dma_wait3A_254, %dma_wait3A_255] : memref<8x128x16xf32, #tpu.memory_space<vmem>> -> memref<1x128x16xf32, #tpu.memory_space<vmem>>
      %dma_wait3A_257 = tpu.memref_squeeze %dma_wait3A_256 : memref<1x128x16xf32, #tpu.memory_space<vmem>> -> memref<128x16xf32, #tpu.memory_space<vmem>>
      tpu.wait_dma2 semaphore(%run_scoped3A_233 : memref<!tpu.dma_semaphore, #tpu.memory_space<semaphore_mem>>) src(%dma_wait3A_257 : memref<128x16xf32, #tpu.memory_space<vmem>>) dst(%dma_wait3A_253 : memref<128x16xf32, #tpu.memory_space<vmem_shared>>)
      tpu.yield
    }) : () -> ()
    %mul3A_11 = arith.constant 640 : i32
    %mul3A_12 = arith.muli %arg1, %mul3A_11 : i32
    %add3A_13 = arith.constant 128 : i32
    %add3A_14 = arith.addi %mul3A_12, %add3A_13 : i32
    %run_scoped3A_15 = arith.constant 0 : i32
    "tpu.region"() ({
      %run_scoped3A_233 = tpu.sem_alloc : memref<!tpu.dma_semaphore, #tpu.memory_space<semaphore_mem>>
      %dma_start3A_234 = arith.constant 0 : i32
      %dma_start3A_235 = arith.constant 0 : i32
      %dma_start3A_236 = tpu.memref_slice %arg8[%run_scoped3A_15, %dma_start3A_234, %dma_start3A_235] : memref<8x128x16xf32, #tpu.memory_space<vmem>> -> memref<1x128x16xf32, #tpu.memory_space<vmem>>
      %dma_start3A_237 = tpu.memref_squeeze %dma_start3A_236 : memref<1x128x16xf32, #tpu.memory_space<vmem>> -> memref<128x16xf32, #tpu.memory_space<vmem>>
      %dma_start3A_238 = arith.constant 0 : i32
      %dma_start3A_239 = tpu.memref_slice %arg9[%add3A_14, %dma_start3A_238] : memref<10240x16xf32, #tpu.memory_space<vmem_shared>> -> memref<128x16xf32, #tpu.memory_space<vmem_shared>>
      %dma_start3A_240 = arith.constant 0 : i32
      %dma_start3A_241 = tpu.memref_slice %arg9[%add3A_14, %dma_start3A_240] : memref<10240x16xf32, #tpu.memory_space<vmem_shared>> -> memref<128x16xf32, #tpu.memory_space<vmem_shared>>
      %dma_start3A_242 = arith.constant 0 : i32
      %dma_start3A_243 = arith.constant 0 : i32
      %dma_start3A_244 = tpu.memref_slice %arg8[%run_scoped3A_15, %dma_start3A_242, %dma_start3A_243] : memref<8x128x16xf32, #tpu.memory_space<vmem>> -> memref<1x128x16xf32, #tpu.memory_space<vmem>>
      %dma_start3A_245 = tpu.memref_squeeze %dma_start3A_244 : memref<1x128x16xf32, #tpu.memory_space<vmem>> -> memref<128x16xf32, #tpu.memory_space<vmem>>
      tpu.enqueue_dma source(%dma_start3A_245 : memref<128x16xf32, #tpu.memory_space<vmem>>) target(%dma_start3A_241 : memref<128x16xf32, #tpu.memory_space<vmem_shared>>) target_semaphore(%run_scoped3A_233 : memref<!tpu.dma_semaphore, #tpu.memory_space<semaphore_mem>>)
      %dma_wait3A_246 = arith.constant 0 : i32
      %dma_wait3A_247 = arith.constant 0 : i32
      %dma_wait3A_248 = tpu.memref_slice %arg8[%run_scoped3A_15, %dma_wait3A_246, %dma_wait3A_247] : memref<8x128x16xf32, #tpu.memory_space<vmem>> -> memref<1x128x16xf32, #tpu.memory_space<vmem>>
      %dma_wait3A_249 = tpu.memref_squeeze %dma_wait3A_248 : memref<1x128x16xf32, #tpu.memory_space<vmem>> -> memref<128x16xf32, #tpu.memory_space<vmem>>
      %dma_wait3A_250 = arith.constant 0 : i32
      %dma_wait3A_251 = tpu.memref_slice %arg9[%add3A_14, %dma_wait3A_250] : memref<10240x16xf32, #tpu.memory_space<vmem_shared>> -> memref<128x16xf32, #tpu.memory_space<vmem_shared>>
      %dma_wait3A_252 = arith.constant 0 : i32
      %dma_wait3A_253 = tpu.memref_slice %arg9[%add3A_14, %dma_wait3A_252] : memref<10240x16xf32, #tpu.memory_space<vmem_shared>> -> memref<128x16xf32, #tpu.memory_space<vmem_shared>>
      %dma_wait3A_254 = arith.constant 0 : i32
      %dma_wait3A_255 = arith.constant 0 : i32
      %dma_wait3A_256 = tpu.memref_slice %arg8[%run_scoped3A_15, %dma_wait3A_254, %dma_wait3A_255] : memref<8x128x16xf32, #tpu.memory_space<vmem>> -> memref<1x128x16xf32, #tpu.memory_space<vmem>>
      %dma_wait3A_257 = tpu.memref_squeeze %dma_wait3A_256 : memref<1x128x16xf32, #tpu.memory_space<vmem>> -> memref<128x16xf32, #tpu.memory_space<vmem>>
      tpu.wait_dma2 semaphore(%run_scoped3A_233 : memref<!tpu.dma_semaphore, #tpu.memory_space<semaphore_mem>>) src(%dma_wait3A_257 : memref<128x16xf32, #tpu.memory_space<vmem>>) dst(%dma_wait3A_253 : memref<128x16xf32, #tpu.memory_space<vmem_shared>>)
      tpu.yield
    }) : () -> ()
    %mul3A_16 = arith.constant 640 : i32
    %mul3A_17 = arith.muli %arg1, %mul3A_16 : i32
    %add3A_18 = arith.constant 256 : i32
    %add3A_19 = arith.addi %mul3A_17, %add3A_18 : i32
    %run_scoped3A_20 = arith.constant 0 : i32
    "tpu.region"() ({
      %run_scoped3A_233 = tpu.sem_alloc : memref<!tpu.dma_semaphore, #tpu.memory_space<semaphore_mem>>
      %dma_start3A_234 = arith.constant 0 : i32
      %dma_start3A_235 = arith.constant 0 : i32
      %dma_start3A_236 = tpu.memref_slice %arg8[%run_scoped3A_20, %dma_start3A_234, %dma_start3A_235] : memref<8x128x16xf32, #tpu.memory_space<vmem>> -> memref<1x128x16xf32, #tpu.memory_space<vmem>>
      %dma_start3A_237 = tpu.memref_squeeze %dma_start3A_236 : memref<1x128x16xf32, #tpu.memory_space<vmem>> -> memref<128x16xf32, #tpu.memory_space<vmem>>
      %dma_start3A_238 = arith.constant 0 : i32
      %dma_start3A_239 = tpu.memref_slice %arg9[%add3A_19, %dma_start3A_238] : memref<10240x16xf32, #tpu.memory_space<vmem_shared>> -> memref<128x16xf32, #tpu.memory_space<vmem_shared>>
      %dma_start3A_240 = arith.constant 0 : i32
      %dma_start3A_241 = tpu.memref_slice %arg9[%add3A_19, %dma_start3A_240] : memref<10240x16xf32, #tpu.memory_space<vmem_shared>> -> memref<128x16xf32, #tpu.memory_space<vmem_shared>>
      %dma_start3A_242 = arith.constant 0 : i32
      %dma_start3A_243 = arith.constant 0 : i32
      %dma_start3A_244 = tpu.memref_slice %arg8[%run_scoped3A_20, %dma_start3A_242, %dma_start3A_243] : memref<8x128x16xf32, #tpu.memory_space<vmem>> -> memref<1x128x16xf32, #tpu.memory_space<vmem>>
      %dma_start3A_245 = tpu.memref_squeeze %dma_start3A_244 : memref<1x128x16xf32, #tpu.memory_space<vmem>> -> memref<128x16xf32, #tpu.memory_space<vmem>>
      tpu.enqueue_dma source(%dma_start3A_245 : memref<128x16xf32, #tpu.memory_space<vmem>>) target(%dma_start3A_241 : memref<128x16xf32, #tpu.memory_space<vmem_shared>>) target_semaphore(%run_scoped3A_233 : memref<!tpu.dma_semaphore, #tpu.memory_space<semaphore_mem>>)
      %dma_wait3A_246 = arith.constant 0 : i32
      %dma_wait3A_247 = arith.constant 0 : i32
      %dma_wait3A_248 = tpu.memref_slice %arg8[%run_scoped3A_20, %dma_wait3A_246, %dma_wait3A_247] : memref<8x128x16xf32, #tpu.memory_space<vmem>> -> memref<1x128x16xf32, #tpu.memory_space<vmem>>
      %dma_wait3A_249 = tpu.memref_squeeze %dma_wait3A_248 : memref<1x128x16xf32, #tpu.memory_space<vmem>> -> memref<128x16xf32, #tpu.memory_space<vmem>>
      %dma_wait3A_250 = arith.constant 0 : i32
      %dma_wait3A_251 = tpu.memref_slice %arg9[%add3A_19, %dma_wait3A_250] : memref<10240x16xf32, #tpu.memory_space<vmem_shared>> -> memref<128x16xf32, #tpu.memory_space<vmem_shared>>
      %dma_wait3A_252 = arith.constant 0 : i32
      %dma_wait3A_253 = tpu.memref_slice %arg9[%add3A_19, %dma_wait3A_252] : memref<10240x16xf32, #tpu.memory_space<vmem_shared>> -> memref<128x16xf32, #tpu.memory_space<vmem_shared>>
      %dma_wait3A_254 = arith.constant 0 : i32
      %dma_wait3A_255 = arith.constant 0 : i32
      %dma_wait3A_256 = tpu.memref_slice %arg8[%run_scoped3A_20, %dma_wait3A_254, %dma_wait3A_255] : memref<8x128x16xf32, #tpu.memory_space<vmem>> -> memref<1x128x16xf32, #tpu.memory_space<vmem>>
      %dma_wait3A_257 = tpu.memref_squeeze %dma_wait3A_256 : memref<1x128x16xf32, #tpu.memory_space<vmem>> -> memref<128x16xf32, #tpu.memory_space<vmem>>
      tpu.wait_dma2 semaphore(%run_scoped3A_233 : memref<!tpu.dma_semaphore, #tpu.memory_space<semaphore_mem>>) src(%dma_wait3A_257 : memref<128x16xf32, #tpu.memory_space<vmem>>) dst(%dma_wait3A_253 : memref<128x16xf32, #tpu.memory_space<vmem_shared>>)
      tpu.yield
    }) : () -> ()
    %mul3A_21 = arith.constant 640 : i32
    %mul3A_22 = arith.muli %arg1, %mul3A_21 : i32
    %add3A_23 = arith.constant 384 : i32
    %add3A_24 = arith.addi %mul3A_22, %add3A_23 : i32
    %run_scoped3A_25 = arith.constant 0 : i32
    "tpu.region"() ({
      %run_scoped3A_233 = tpu.sem_alloc : memref<!tpu.dma_semaphore, #tpu.memory_space<semaphore_mem>>
      %dma_start3A_234 = arith.constant 0 : i32
      %dma_start3A_235 = arith.constant 0 : i32
      %dma_start3A_236 = tpu.memref_slice %arg8[%run_scoped3A_25, %dma_start3A_234, %dma_start3A_235] : memref<8x128x16xf32, #tpu.memory_space<vmem>> -> memref<1x128x16xf32, #tpu.memory_space<vmem>>
      %dma_start3A_237 = tpu.memref_squeeze %dma_start3A_236 : memref<1x128x16xf32, #tpu.memory_space<vmem>> -> memref<128x16xf32, #tpu.memory_space<vmem>>
      %dma_start3A_238 = arith.constant 0 : i32
      %dma_start3A_239 = tpu.memref_slice %arg9[%add3A_24, %dma_start3A_238] : memref<10240x16xf32, #tpu.memory_space<vmem_shared>> -> memref<128x16xf32, #tpu.memory_space<vmem_shared>>
      %dma_start3A_240 = arith.constant 0 : i32
      %dma_start3A_241 = tpu.memref_slice %arg9[%add3A_24, %dma_start3A_240] : memref<10240x16xf32, #tpu.memory_space<vmem_shared>> -> memref<128x16xf32, #tpu.memory_space<vmem_shared>>
      %dma_start3A_242 = arith.constant 0 : i32
      %dma_start3A_243 = arith.constant 0 : i32
      %dma_start3A_244 = tpu.memref_slice %arg8[%run_scoped3A_25, %dma_start3A_242, %dma_start3A_243] : memref<8x128x16xf32, #tpu.memory_space<vmem>> -> memref<1x128x16xf32, #tpu.memory_space<vmem>>
      %dma_start3A_245 = tpu.memref_squeeze %dma_start3A_244 : memref<1x128x16xf32, #tpu.memory_space<vmem>> -> memref<128x16xf32, #tpu.memory_space<vmem>>
      tpu.enqueue_dma source(%dma_start3A_245 : memref<128x16xf32, #tpu.memory_space<vmem>>) target(%dma_start3A_241 : memref<128x16xf32, #tpu.memory_space<vmem_shared>>) target_semaphore(%run_scoped3A_233 : memref<!tpu.dma_semaphore, #tpu.memory_space<semaphore_mem>>)
      %dma_wait3A_246 = arith.constant 0 : i32
      %dma_wait3A_247 = arith.constant 0 : i32
      %dma_wait3A_248 = tpu.memref_slice %arg8[%run_scoped3A_25, %dma_wait3A_246, %dma_wait3A_247] : memref<8x128x16xf32, #tpu.memory_space<vmem>> -> memref<1x128x16xf32, #tpu.memory_space<vmem>>
      %dma_wait3A_249 = tpu.memref_squeeze %dma_wait3A_248 : memref<1x128x16xf32, #tpu.memory_space<vmem>> -> memref<128x16xf32, #tpu.memory_space<vmem>>
      %dma_wait3A_250 = arith.constant 0 : i32
      %dma_wait3A_251 = tpu.memref_slice %arg9[%add3A_24, %dma_wait3A_250] : memref<10240x16xf32, #tpu.memory_space<vmem_shared>> -> memref<128x16xf32, #tpu.memory_space<vmem_shared>>
      %dma_wait3A_252 = arith.constant 0 : i32
      %dma_wait3A_253 = tpu.memref_slice %arg9[%add3A_24, %dma_wait3A_252] : memref<10240x16xf32, #tpu.memory_space<vmem_shared>> -> memref<128x16xf32, #tpu.memory_space<vmem_shared>>
      %dma_wait3A_254 = arith.constant 0 : i32
      %dma_wait3A_255 = arith.constant 0 : i32
      %dma_wait3A_256 = tpu.memref_slice %arg8[%run_scoped3A_25, %dma_wait3A_254, %dma_wait3A_255] : memref<8x128x16xf32, #tpu.memory_space<vmem>> -> memref<1x128x16xf32, #tpu.memory_space<vmem>>
      %dma_wait3A_257 = tpu.memref_squeeze %dma_wait3A_256 : memref<1x128x16xf32, #tpu.memory_space<vmem>> -> memref<128x16xf32, #tpu.memory_space<vmem>>
      tpu.wait_dma2 semaphore(%run_scoped3A_233 : memref<!tpu.dma_semaphore, #tpu.memory_space<semaphore_mem>>) src(%dma_wait3A_257 : memref<128x16xf32, #tpu.memory_space<vmem>>) dst(%dma_wait3A_253 : memref<128x16xf32, #tpu.memory_space<vmem_shared>>)
      tpu.yield
    }) : () -> ()
    %mul3A_26 = arith.constant 640 : i32
    %mul3A_27 = arith.muli %arg1, %mul3A_26 : i32
    %add3A_28 = arith.constant 512 : i32
    %add3A_29 = arith.addi %mul3A_27, %add3A_28 : i32
    %run_scoped3A_30 = arith.constant 0 : i32
    "tpu.region"() ({
      %run_scoped3A_233 = tpu.sem_alloc : memref<!tpu.dma_semaphore, #tpu.memory_space<semaphore_mem>>
      %dma_start3A_234 = arith.constant 0 : i32
      %dma_start3A_235 = arith.constant 0 : i32
      %dma_start3A_236 = tpu.memref_slice %arg8[%run_scoped3A_30, %dma_start3A_234, %dma_start3A_235] : memref<8x128x16xf32, #tpu.memory_space<vmem>> -> memref<1x128x16xf32, #tpu.memory_space<vmem>>
      %dma_start3A_237 = tpu.memref_squeeze %dma_start3A_236 : memref<1x128x16xf32, #tpu.memory_space<vmem>> -> memref<128x16xf32, #tpu.memory_space<vmem>>
      %dma_start3A_238 = arith.constant 0 : i32
      %dma_start3A_239 = tpu.memref_slice %arg9[%add3A_29, %dma_start3A_238] : memref<10240x16xf32, #tpu.memory_space<vmem_shared>> -> memref<128x16xf32, #tpu.memory_space<vmem_shared>>
      %dma_start3A_240 = arith.constant 0 : i32
      %dma_start3A_241 = tpu.memref_slice %arg9[%add3A_29, %dma_start3A_240] : memref<10240x16xf32, #tpu.memory_space<vmem_shared>> -> memref<128x16xf32, #tpu.memory_space<vmem_shared>>
      %dma_start3A_242 = arith.constant 0 : i32
      %dma_start3A_243 = arith.constant 0 : i32
      %dma_start3A_244 = tpu.memref_slice %arg8[%run_scoped3A_30, %dma_start3A_242, %dma_start3A_243] : memref<8x128x16xf32, #tpu.memory_space<vmem>> -> memref<1x128x16xf32, #tpu.memory_space<vmem>>
      %dma_start3A_245 = tpu.memref_squeeze %dma_start3A_244 : memref<1x128x16xf32, #tpu.memory_space<vmem>> -> memref<128x16xf32, #tpu.memory_space<vmem>>
      tpu.enqueue_dma source(%dma_start3A_245 : memref<128x16xf32, #tpu.memory_space<vmem>>) target(%dma_start3A_241 : memref<128x16xf32, #tpu.memory_space<vmem_shared>>) target_semaphore(%run_scoped3A_233 : memref<!tpu.dma_semaphore, #tpu.memory_space<semaphore_mem>>)
      %dma_wait3A_246 = arith.constant 0 : i32
      %dma_wait3A_247 = arith.constant 0 : i32
      %dma_wait3A_248 = tpu.memref_slice %arg8[%run_scoped3A_30, %dma_wait3A_246, %dma_wait3A_247] : memref<8x128x16xf32, #tpu.memory_space<vmem>> -> memref<1x128x16xf32, #tpu.memory_space<vmem>>
      %dma_wait3A_249 = tpu.memref_squeeze %dma_wait3A_248 : memref<1x128x16xf32, #tpu.memory_space<vmem>> -> memref<128x16xf32, #tpu.memory_space<vmem>>
      %dma_wait3A_250 = arith.constant 0 : i32
      %dma_wait3A_251 = tpu.memref_slice %arg9[%add3A_29, %dma_wait3A_250] : memref<10240x16xf32, #tpu.memory_space<vmem_shared>> -> memref<128x16xf32, #tpu.memory_space<vmem_shared>>
      %dma_wait3A_252 = arith.constant 0 : i32
      %dma_wait3A_253 = tpu.memref_slice %arg9[%add3A_29, %dma_wait3A_252] : memref<10240x16xf32, #tpu.memory_space<vmem_shared>> -> memref<128x16xf32, #tpu.memory_space<vmem_shared>>
      %dma_wait3A_254 = arith.constant 0 : i32
      %dma_wait3A_255 = arith.constant 0 : i32
      %dma_wait3A_256 = tpu.memref_slice %arg8[%run_scoped3A_30, %dma_wait3A_254, %dma_wait3A_255] : memref<8x128x16xf32, #tpu.memory_space<vmem>> -> memref<1x128x16xf32, #tpu.memory_space<vmem>>
      %dma_wait3A_257 = tpu.memref_squeeze %dma_wait3A_256 : memref<1x128x16xf32, #tpu.memory_space<vmem>> -> memref<128x16xf32, #tpu.memory_space<vmem>>
      tpu.wait_dma2 semaphore(%run_scoped3A_233 : memref<!tpu.dma_semaphore, #tpu.memory_space<semaphore_mem>>) src(%dma_wait3A_257 : memref<128x16xf32, #tpu.memory_space<vmem>>) dst(%dma_wait3A_253 : memref<128x16xf32, #tpu.memory_space<vmem_shared>>)
      tpu.yield
    }) : () -> ()
    "tpu.region"() ({
      %run_scoped3A_233 = tpu.sem_alloc : memref<!tpu.dma_semaphore, #tpu.memory_space<semaphore_mem>>
      %dma_start3A_234 = arith.constant 0 : i32
      %dma_start3A_235 = arith.constant 0 : i32
      %dma_start3A_236 = tpu.memref_slice %arg3[%add3A, %dma_start3A_234, %dma_start3A_235] : memref<32x80x128xi32, #tpu.memory_space<hbm>> -> memref<1x80x128xi32, #tpu.memory_space<hbm>>
      %dma_start3A_237 = tpu.memref_squeeze %dma_start3A_236 : memref<1x80x128xi32, #tpu.memory_space<hbm>> -> memref<80x128xi32, #tpu.memory_space<hbm>>
      %dma_start3A_238 = arith.constant 0 : i32
      %dma_start3A_239 = arith.constant 0 : i32
      %dma_start3A_240 = tpu.memref_slice %arg3[%add3A, %dma_start3A_238, %dma_start3A_239] : memref<32x80x128xi32, #tpu.memory_space<hbm>> -> memref<1x80x128xi32, #tpu.memory_space<hbm>>
      %dma_start3A_241 = tpu.memref_squeeze %dma_start3A_240 : memref<1x80x128xi32, #tpu.memory_space<hbm>> -> memref<80x128xi32, #tpu.memory_space<hbm>>
      tpu.enqueue_dma source(%dma_start3A_241 : memref<80x128xi32, #tpu.memory_space<hbm>>) target(%arg6 : memref<80x128xi32, #tpu.memory_space<vmem>>) target_semaphore(%run_scoped3A_233 : memref<!tpu.dma_semaphore, #tpu.memory_space<semaphore_mem>>)
      %dma_wait3A_242 = arith.constant 0 : i32
      %dma_wait3A_243 = arith.constant 0 : i32
      %dma_wait3A_244 = tpu.memref_slice %arg3[%add3A, %dma_wait3A_242, %dma_wait3A_243] : memref<32x80x128xi32, #tpu.memory_space<hbm>> -> memref<1x80x128xi32, #tpu.memory_space<hbm>>
      %dma_wait3A_245 = tpu.memref_squeeze %dma_wait3A_244 : memref<1x80x128xi32, #tpu.memory_space<hbm>> -> memref<80x128xi32, #tpu.memory_space<hbm>>
      %dma_wait3A_246 = arith.constant 0 : i32
      %dma_wait3A_247 = arith.constant 0 : i32
      %dma_wait3A_248 = tpu.memref_slice %arg3[%add3A, %dma_wait3A_246, %dma_wait3A_247] : memref<32x80x128xi32, #tpu.memory_space<hbm>> -> memref<1x80x128xi32, #tpu.memory_space<hbm>>
      %dma_wait3A_249 = tpu.memref_squeeze %dma_wait3A_248 : memref<1x80x128xi32, #tpu.memory_space<hbm>> -> memref<80x128xi32, #tpu.memory_space<hbm>>
      tpu.wait_dma2 semaphore(%run_scoped3A_233 : memref<!tpu.dma_semaphore, #tpu.memory_space<semaphore_mem>>) src(%dma_wait3A_249 : memref<80x128xi32, #tpu.memory_space<hbm>>) dst(%arg6 : memref<80x128xi32, #tpu.memory_space<vmem>>)
      tpu.yield
    }) : () -> ()
    "tpu.region"() ({
      %run_scoped3A_233 = tpu.sem_alloc : memref<!tpu.dma_semaphore, #tpu.memory_space<semaphore_mem>>
      %dma_start3A_234 = arith.constant 0 : i32
      %dma_start3A_235 = arith.constant 0 : i32
      %dma_start3A_236 = tpu.memref_slice %arg4[%add3A, %dma_start3A_234, %dma_start3A_235] : memref<32x80x128xi32, #tpu.memory_space<hbm>> -> memref<1x80x128xi32, #tpu.memory_space<hbm>>
      %dma_start3A_237 = tpu.memref_squeeze %dma_start3A_236 : memref<1x80x128xi32, #tpu.memory_space<hbm>> -> memref<80x128xi32, #tpu.memory_space<hbm>>
      %dma_start3A_238 = arith.constant 0 : i32
      %dma_start3A_239 = arith.constant 0 : i32
      %dma_start3A_240 = tpu.memref_slice %arg4[%add3A, %dma_start3A_238, %dma_start3A_239] : memref<32x80x128xi32, #tpu.memory_space<hbm>> -> memref<1x80x128xi32, #tpu.memory_space<hbm>>
      %dma_start3A_241 = tpu.memref_squeeze %dma_start3A_240 : memref<1x80x128xi32, #tpu.memory_space<hbm>> -> memref<80x128xi32, #tpu.memory_space<hbm>>
      tpu.enqueue_dma source(%dma_start3A_241 : memref<80x128xi32, #tpu.memory_space<hbm>>) target(%arg7 : memref<80x128xi32, #tpu.memory_space<vmem>>) target_semaphore(%run_scoped3A_233 : memref<!tpu.dma_semaphore, #tpu.memory_space<semaphore_mem>>)
      %dma_wait3A_242 = arith.constant 0 : i32
      %dma_wait3A_243 = arith.constant 0 : i32
      %dma_wait3A_244 = tpu.memref_slice %arg4[%add3A, %dma_wait3A_242, %dma_wait3A_243] : memref<32x80x128xi32, #tpu.memory_space<hbm>> -> memref<1x80x128xi32, #tpu.memory_space<hbm>>
      %dma_wait3A_245 = tpu.memref_squeeze %dma_wait3A_244 : memref<1x80x128xi32, #tpu.memory_space<hbm>> -> memref<80x128xi32, #tpu.memory_space<hbm>>
      %dma_wait3A_246 = arith.constant 0 : i32
      %dma_wait3A_247 = arith.constant 0 : i32
      %dma_wait3A_248 = tpu.memref_slice %arg4[%add3A, %dma_wait3A_246, %dma_wait3A_247] : memref<32x80x128xi32, #tpu.memory_space<hbm>> -> memref<1x80x128xi32, #tpu.memory_space<hbm>>
      %dma_wait3A_249 = tpu.memref_squeeze %dma_wait3A_248 : memref<1x80x128xi32, #tpu.memory_space<hbm>> -> memref<80x128xi32, #tpu.memory_space<hbm>>
      tpu.wait_dma2 semaphore(%run_scoped3A_233 : memref<!tpu.dma_semaphore, #tpu.memory_space<semaphore_mem>>) src(%dma_wait3A_249 : memref<80x128xi32, #tpu.memory_space<hbm>>) dst(%arg7 : memref<80x128xi32, #tpu.memory_space<vmem>>)
      tpu.yield
    }) : () -> ()
    %barrier3A = arith.constant 0 : index
    tpu.barrier barrier_id(%barrier3A)
    %dma_start3A = arith.constant 0 : i32
    %dma_start3A_31 = arith.constant 0 : i32
    %dma_start3A_32 = arith.constant 0 : i32
    %dma_start3A_33 = arith.constant 0 : i32
    %dma_start3A_34 = tpu.memref_slice %arg8[%dma_start3A_31, %dma_start3A_32, %dma_start3A_33] : memref<8x128x16xf32, #tpu.memory_space<vmem>> -> memref<1x128x16xf32, #tpu.memory_space<vmem>>
    %dma_start3A_35 = tpu.memref_squeeze %dma_start3A_34 : memref<1x128x16xf32, #tpu.memory_space<vmem>> -> memref<128x16xf32, #tpu.memory_space<vmem>>
    %dma_start3A_36 = arith.constant 0 : i32
    %dma_start3A_37 = tpu.memref_slice %arg6[%dma_start3A, %dma_start3A_36] : memref<80x128xi32, #tpu.memory_space<vmem>> -> memref<1x128xi32, #tpu.memory_space<vmem>>
    %dma_start3A_38 = tpu.memref_squeeze %dma_start3A_37 : memref<1x128xi32, #tpu.memory_space<vmem>> -> memref<128xi32, #tpu.memory_space<vmem>>
    %dma_start3A_39 = arith.constant 0 : i32
    %dma_start3A_40 = arith.constant 0 : i32
    %dma_start3A_41 = tpu.memref_slice %arg2[%dma_start3A_39, %dma_start3A_40] : memref<10240x16xf32, #tpu.memory_space<hbm>> -> memref<10240x16xf32, #tpu.memory_space<hbm>>
    tpu.enqueue_indirect_dma source(%dma_start3A_41 : memref<10240x16xf32, #tpu.memory_space<hbm>>) target(%dma_start3A_35 : memref<128x16xf32, #tpu.memory_space<vmem>>) offsets(%dma_start3A_38 : memref<128xi32, #tpu.memory_space<vmem>>) semaphore(%arg10 : memref<!tpu.dma_semaphore, #tpu.memory_space<semaphore_mem>>)
    %dma_start3A_42 = arith.constant 1 : i32
    %dma_start3A_43 = arith.constant 1 : i32
    %dma_start3A_44 = arith.constant 0 : i32
    %dma_start3A_45 = arith.constant 0 : i32
    %dma_start3A_46 = tpu.memref_slice %arg8[%dma_start3A_43, %dma_start3A_44, %dma_start3A_45] : memref<8x128x16xf32, #tpu.memory_space<vmem>> -> memref<1x128x16xf32, #tpu.memory_space<vmem>>
    %dma_start3A_47 = tpu.memref_squeeze %dma_start3A_46 : memref<1x128x16xf32, #tpu.memory_space<vmem>> -> memref<128x16xf32, #tpu.memory_space<vmem>>
    %dma_start3A_48 = arith.constant 0 : i32
    %dma_start3A_49 = tpu.memref_slice %arg6[%dma_start3A_42, %dma_start3A_48] : memref<80x128xi32, #tpu.memory_space<vmem>> -> memref<1x128xi32, #tpu.memory_space<vmem>>
    %dma_start3A_50 = tpu.memref_squeeze %dma_start3A_49 : memref<1x128xi32, #tpu.memory_space<vmem>> -> memref<128xi32, #tpu.memory_space<vmem>>
    %dma_start3A_51 = arith.constant 0 : i32
    %dma_start3A_52 = arith.constant 0 : i32
    %dma_start3A_53 = tpu.memref_slice %arg2[%dma_start3A_51, %dma_start3A_52] : memref<10240x16xf32, #tpu.memory_space<hbm>> -> memref<10240x16xf32, #tpu.memory_space<hbm>>
    tpu.enqueue_indirect_dma source(%dma_start3A_53 : memref<10240x16xf32, #tpu.memory_space<hbm>>) target(%dma_start3A_47 : memref<128x16xf32, #tpu.memory_space<vmem>>) offsets(%dma_start3A_50 : memref<128xi32, #tpu.memory_space<vmem>>) semaphore(%arg11 : memref<!tpu.dma_semaphore, #tpu.memory_space<semaphore_mem>>)
    %dma_start3A_54 = arith.constant 2 : i32
    %dma_start3A_55 = arith.constant 2 : i32
    %dma_start3A_56 = arith.constant 0 : i32
    %dma_start3A_57 = arith.constant 0 : i32
    %dma_start3A_58 = tpu.memref_slice %arg8[%dma_start3A_55, %dma_start3A_56, %dma_start3A_57] : memref<8x128x16xf32, #tpu.memory_space<vmem>> -> memref<1x128x16xf32, #tpu.memory_space<vmem>>
    %dma_start3A_59 = tpu.memref_squeeze %dma_start3A_58 : memref<1x128x16xf32, #tpu.memory_space<vmem>> -> memref<128x16xf32, #tpu.memory_space<vmem>>
    %dma_start3A_60 = arith.constant 0 : i32
    %dma_start3A_61 = tpu.memref_slice %arg6[%dma_start3A_54, %dma_start3A_60] : memref<80x128xi32, #tpu.memory_space<vmem>> -> memref<1x128xi32, #tpu.memory_space<vmem>>
    %dma_start3A_62 = tpu.memref_squeeze %dma_start3A_61 : memref<1x128xi32, #tpu.memory_space<vmem>> -> memref<128xi32, #tpu.memory_space<vmem>>
    %dma_start3A_63 = arith.constant 0 : i32
    %dma_start3A_64 = arith.constant 0 : i32
    %dma_start3A_65 = tpu.memref_slice %arg2[%dma_start3A_63, %dma_start3A_64] : memref<10240x16xf32, #tpu.memory_space<hbm>> -> memref<10240x16xf32, #tpu.memory_space<hbm>>
    tpu.enqueue_indirect_dma source(%dma_start3A_65 : memref<10240x16xf32, #tpu.memory_space<hbm>>) target(%dma_start3A_59 : memref<128x16xf32, #tpu.memory_space<vmem>>) offsets(%dma_start3A_62 : memref<128xi32, #tpu.memory_space<vmem>>) semaphore(%arg12 : memref<!tpu.dma_semaphore, #tpu.memory_space<semaphore_mem>>)
    %dma_start3A_66 = arith.constant 3 : i32
    %dma_start3A_67 = arith.constant 3 : i32
    %dma_start3A_68 = arith.constant 0 : i32
    %dma_start3A_69 = arith.constant 0 : i32
    %dma_start3A_70 = tpu.memref_slice %arg8[%dma_start3A_67, %dma_start3A_68, %dma_start3A_69] : memref<8x128x16xf32, #tpu.memory_space<vmem>> -> memref<1x128x16xf32, #tpu.memory_space<vmem>>
    %dma_start3A_71 = tpu.memref_squeeze %dma_start3A_70 : memref<1x128x16xf32, #tpu.memory_space<vmem>> -> memref<128x16xf32, #tpu.memory_space<vmem>>
    %dma_start3A_72 = arith.constant 0 : i32
    %dma_start3A_73 = tpu.memref_slice %arg6[%dma_start3A_66, %dma_start3A_72] : memref<80x128xi32, #tpu.memory_space<vmem>> -> memref<1x128xi32, #tpu.memory_space<vmem>>
    %dma_start3A_74 = tpu.memref_squeeze %dma_start3A_73 : memref<1x128xi32, #tpu.memory_space<vmem>> -> memref<128xi32, #tpu.memory_space<vmem>>
    %dma_start3A_75 = arith.constant 0 : i32
    %dma_start3A_76 = arith.constant 0 : i32
    %dma_start3A_77 = tpu.memref_slice %arg2[%dma_start3A_75, %dma_start3A_76] : memref<10240x16xf32, #tpu.memory_space<hbm>> -> memref<10240x16xf32, #tpu.memory_space<hbm>>
    tpu.enqueue_indirect_dma source(%dma_start3A_77 : memref<10240x16xf32, #tpu.memory_space<hbm>>) target(%dma_start3A_71 : memref<128x16xf32, #tpu.memory_space<vmem>>) offsets(%dma_start3A_74 : memref<128xi32, #tpu.memory_space<vmem>>) semaphore(%arg13 : memref<!tpu.dma_semaphore, #tpu.memory_space<semaphore_mem>>)
    %dma_start3A_78 = arith.constant 4 : i32
    %dma_start3A_79 = arith.constant 4 : i32
    %dma_start3A_80 = arith.constant 0 : i32
    %dma_start3A_81 = arith.constant 0 : i32
    %dma_start3A_82 = tpu.memref_slice %arg8[%dma_start3A_79, %dma_start3A_80, %dma_start3A_81] : memref<8x128x16xf32, #tpu.memory_space<vmem>> -> memref<1x128x16xf32, #tpu.memory_space<vmem>>
    %dma_start3A_83 = tpu.memref_squeeze %dma_start3A_82 : memref<1x128x16xf32, #tpu.memory_space<vmem>> -> memref<128x16xf32, #tpu.memory_space<vmem>>
    %dma_start3A_84 = arith.constant 0 : i32
    %dma_start3A_85 = tpu.memref_slice %arg6[%dma_start3A_78, %dma_start3A_84] : memref<80x128xi32, #tpu.memory_space<vmem>> -> memref<1x128xi32, #tpu.memory_space<vmem>>
    %dma_start3A_86 = tpu.memref_squeeze %dma_start3A_85 : memref<1x128xi32, #tpu.memory_space<vmem>> -> memref<128xi32, #tpu.memory_space<vmem>>
    %dma_start3A_87 = arith.constant 0 : i32
    %dma_start3A_88 = arith.constant 0 : i32
    %dma_start3A_89 = tpu.memref_slice %arg2[%dma_start3A_87, %dma_start3A_88] : memref<10240x16xf32, #tpu.memory_space<hbm>> -> memref<10240x16xf32, #tpu.memory_space<hbm>>
    tpu.enqueue_indirect_dma source(%dma_start3A_89 : memref<10240x16xf32, #tpu.memory_space<hbm>>) target(%dma_start3A_83 : memref<128x16xf32, #tpu.memory_space<vmem>>) offsets(%dma_start3A_86 : memref<128xi32, #tpu.memory_space<vmem>>) semaphore(%arg14 : memref<!tpu.dma_semaphore, #tpu.memory_space<semaphore_mem>>)
    %dma_start3A_90 = arith.constant 5 : i32
    %dma_start3A_91 = arith.constant 5 : i32
    %dma_start3A_92 = arith.constant 0 : i32
    %dma_start3A_93 = arith.constant 0 : i32
    %dma_start3A_94 = tpu.memref_slice %arg8[%dma_start3A_91, %dma_start3A_92, %dma_start3A_93] : memref<8x128x16xf32, #tpu.memory_space<vmem>> -> memref<1x128x16xf32, #tpu.memory_space<vmem>>
    %dma_start3A_95 = tpu.memref_squeeze %dma_start3A_94 : memref<1x128x16xf32, #tpu.memory_space<vmem>> -> memref<128x16xf32, #tpu.memory_space<vmem>>
    %dma_start3A_96 = arith.constant 0 : i32
    %dma_start3A_97 = tpu.memref_slice %arg6[%dma_start3A_90, %dma_start3A_96] : memref<80x128xi32, #tpu.memory_space<vmem>> -> memref<1x128xi32, #tpu.memory_space<vmem>>
    %dma_start3A_98 = tpu.memref_squeeze %dma_start3A_97 : memref<1x128xi32, #tpu.memory_space<vmem>> -> memref<128xi32, #tpu.memory_space<vmem>>
    %dma_start3A_99 = arith.constant 0 : i32
    %dma_start3A_100 = arith.constant 0 : i32
    %dma_start3A_101 = tpu.memref_slice %arg2[%dma_start3A_99, %dma_start3A_100] : memref<10240x16xf32, #tpu.memory_space<hbm>> -> memref<10240x16xf32, #tpu.memory_space<hbm>>
    tpu.enqueue_indirect_dma source(%dma_start3A_101 : memref<10240x16xf32, #tpu.memory_space<hbm>>) target(%dma_start3A_95 : memref<128x16xf32, #tpu.memory_space<vmem>>) offsets(%dma_start3A_98 : memref<128xi32, #tpu.memory_space<vmem>>) semaphore(%arg15 : memref<!tpu.dma_semaphore, #tpu.memory_space<semaphore_mem>>)
    %dma_start3A_102 = arith.constant 6 : i32
    %dma_start3A_103 = arith.constant 6 : i32
    %dma_start3A_104 = arith.constant 0 : i32
    %dma_start3A_105 = arith.constant 0 : i32
    %dma_start3A_106 = tpu.memref_slice %arg8[%dma_start3A_103, %dma_start3A_104, %dma_start3A_105] : memref<8x128x16xf32, #tpu.memory_space<vmem>> -> memref<1x128x16xf32, #tpu.memory_space<vmem>>
    %dma_start3A_107 = tpu.memref_squeeze %dma_start3A_106 : memref<1x128x16xf32, #tpu.memory_space<vmem>> -> memref<128x16xf32, #tpu.memory_space<vmem>>
    %dma_start3A_108 = arith.constant 0 : i32
    %dma_start3A_109 = tpu.memref_slice %arg6[%dma_start3A_102, %dma_start3A_108] : memref<80x128xi32, #tpu.memory_space<vmem>> -> memref<1x128xi32, #tpu.memory_space<vmem>>
    %dma_start3A_110 = tpu.memref_squeeze %dma_start3A_109 : memref<1x128xi32, #tpu.memory_space<vmem>> -> memref<128xi32, #tpu.memory_space<vmem>>
    %dma_start3A_111 = arith.constant 0 : i32
    %dma_start3A_112 = arith.constant 0 : i32
    %dma_start3A_113 = tpu.memref_slice %arg2[%dma_start3A_111, %dma_start3A_112] : memref<10240x16xf32, #tpu.memory_space<hbm>> -> memref<10240x16xf32, #tpu.memory_space<hbm>>
    tpu.enqueue_indirect_dma source(%dma_start3A_113 : memref<10240x16xf32, #tpu.memory_space<hbm>>) target(%dma_start3A_107 : memref<128x16xf32, #tpu.memory_space<vmem>>) offsets(%dma_start3A_110 : memref<128xi32, #tpu.memory_space<vmem>>) semaphore(%arg16 : memref<!tpu.dma_semaphore, #tpu.memory_space<semaphore_mem>>)
    %dma_start3A_114 = arith.constant 7 : i32
    %dma_start3A_115 = arith.constant 7 : i32
    %dma_start3A_116 = arith.constant 0 : i32
    %dma_start3A_117 = arith.constant 0 : i32
    %dma_start3A_118 = tpu.memref_slice %arg8[%dma_start3A_115, %dma_start3A_116, %dma_start3A_117] : memref<8x128x16xf32, #tpu.memory_space<vmem>> -> memref<1x128x16xf32, #tpu.memory_space<vmem>>
    %dma_start3A_119 = tpu.memref_squeeze %dma_start3A_118 : memref<1x128x16xf32, #tpu.memory_space<vmem>> -> memref<128x16xf32, #tpu.memory_space<vmem>>
    %dma_start3A_120 = arith.constant 0 : i32
    %dma_start3A_121 = tpu.memref_slice %arg6[%dma_start3A_114, %dma_start3A_120] : memref<80x128xi32, #tpu.memory_space<vmem>> -> memref<1x128xi32, #tpu.memory_space<vmem>>
    %dma_start3A_122 = tpu.memref_squeeze %dma_start3A_121 : memref<1x128xi32, #tpu.memory_space<vmem>> -> memref<128xi32, #tpu.memory_space<vmem>>
    %dma_start3A_123 = arith.constant 0 : i32
    %dma_start3A_124 = arith.constant 0 : i32
    %dma_start3A_125 = tpu.memref_slice %arg2[%dma_start3A_123, %dma_start3A_124] : memref<10240x16xf32, #tpu.memory_space<hbm>> -> memref<10240x16xf32, #tpu.memory_space<hbm>>
    tpu.enqueue_indirect_dma source(%dma_start3A_125 : memref<10240x16xf32, #tpu.memory_space<hbm>>) target(%dma_start3A_119 : memref<128x16xf32, #tpu.memory_space<vmem>>) offsets(%dma_start3A_122 : memref<128xi32, #tpu.memory_space<vmem>>) semaphore(%arg17 : memref<!tpu.dma_semaphore, #tpu.memory_space<semaphore_mem>>)
    %scan3A_126 = arith.constant 0 : i32
    %scan3A_127 = arith.constant 0 : i32
    %scan3A_128 = arith.constant 10 : i32
    %scan3A_129 = arith.addi %scan3A_127, %scan3A_128 : i32
    %scan3A_130 = arith.constant 1 : i32
    %scan3A_131 = scf.for %scan3A_233 = %scan3A_127 to %scan3A_129 step %scan3A_130 iter_args(%scan3A_234 = %scan3A_126) -> (i32)  : i32 {
      %mul3A_235 = arith.constant 8 : i32
      %mul3A_236 = arith.muli %scan3A_233, %mul3A_235 : i32
      %add3A_237 = arith.constant 0 : i32
      %add3A_238 = arith.addi %mul3A_236, %add3A_237 : i32
      %dma_wait3A_239 = arith.constant 0 : i32
      %dma_wait3A_240 = arith.constant 0 : i32
      %dma_wait3A_241 = arith.constant 0 : i32
      %dma_wait3A_242 = tpu.memref_slice %arg8[%dma_wait3A_239, %dma_wait3A_240, %dma_wait3A_241] : memref<8x128x16xf32, #tpu.memory_space<vmem>> -> memref<1x128x16xf32, #tpu.memory_space<vmem>>
      %dma_wait3A_243 = tpu.memref_squeeze %dma_wait3A_242 : memref<1x128x16xf32, #tpu.memory_space<vmem>> -> memref<128x16xf32, #tpu.memory_space<vmem>>
      %dma_wait3A_244 = arith.constant 0 : i32
      %dma_wait3A_245 = tpu.memref_slice %arg6[%add3A_238, %dma_wait3A_244] : memref<80x128xi32, #tpu.memory_space<vmem>> -> memref<1x128xi32, #tpu.memory_space<vmem>>
      %dma_wait3A_246 = tpu.memref_squeeze %dma_wait3A_245 : memref<1x128xi32, #tpu.memory_space<vmem>> -> memref<128xi32, #tpu.memory_space<vmem>>
      %dma_wait3A_247 = arith.constant 0 : i32
      %dma_wait3A_248 = arith.constant 0 : i32
      %dma_wait3A_249 = tpu.memref_slice %arg2[%dma_wait3A_247, %dma_wait3A_248] : memref<10240x16xf32, #tpu.memory_space<hbm>> -> memref<10240x16xf32, #tpu.memory_space<hbm>>
      tpu.wait_indirect_dma semaphore(%arg10 : memref<!tpu.dma_semaphore, #tpu.memory_space<semaphore_mem>>) src(%dma_wait3A_249 : memref<10240x16xf32, #tpu.memory_space<hbm>>) dst(%dma_wait3A_243 : memref<128x16xf32, #tpu.memory_space<vmem>>)
      %dma_start3A_250 = arith.constant 0 : i32
      %dma_start3A_251 = arith.constant 0 : i32
      %dma_start3A_252 = arith.constant 0 : i32
      %dma_start3A_253 = tpu.memref_slice %arg8[%dma_start3A_250, %dma_start3A_251, %dma_start3A_252] : memref<8x128x16xf32, #tpu.memory_space<vmem>> -> memref<1x128x16xf32, #tpu.memory_space<vmem>>
      %dma_start3A_254 = tpu.memref_squeeze %dma_start3A_253 : memref<1x128x16xf32, #tpu.memory_space<vmem>> -> memref<128x16xf32, #tpu.memory_space<vmem>>
      %dma_start3A_255 = arith.constant 0 : i32
      %dma_start3A_256 = tpu.memref_slice %arg7[%add3A_238, %dma_start3A_255] : memref<80x128xi32, #tpu.memory_space<vmem>> -> memref<1x128xi32, #tpu.memory_space<vmem>>
      %dma_start3A_257 = tpu.memref_squeeze %dma_start3A_256 : memref<1x128xi32, #tpu.memory_space<vmem>> -> memref<128xi32, #tpu.memory_space<vmem>>
      %dma_start3A_258 = arith.constant 0 : i32
      %dma_start3A_259 = arith.constant 0 : i32
      %dma_start3A_260 = tpu.memref_slice %arg9[%dma_start3A_258, %dma_start3A_259] : memref<10240x16xf32, #tpu.memory_space<vmem_shared>> -> memref<10240x16xf32, #tpu.memory_space<vmem_shared>>
      tpu.enqueue_indirect_dma source(%dma_start3A_254 : memref<128x16xf32, #tpu.memory_space<vmem>>) target(%dma_start3A_260 : memref<10240x16xf32, #tpu.memory_space<vmem_shared>>) offsets(%dma_start3A_257 : memref<128xi32, #tpu.memory_space<vmem>>) semaphore(%arg18 : memref<!tpu.dma_semaphore, #tpu.memory_space<semaphore_mem>>) {add = true}
      %mul3A_261 = arith.constant 8 : i32
      %mul3A_262 = arith.muli %scan3A_233, %mul3A_261 : i32
      %add3A_263 = arith.constant 1 : i32
      %add3A_264 = arith.addi %mul3A_262, %add3A_263 : i32
      %dma_wait3A_265 = arith.constant 1 : i32
      %dma_wait3A_266 = arith.constant 0 : i32
      %dma_wait3A_267 = arith.constant 0 : i32
      %dma_wait3A_268 = tpu.memref_slice %arg8[%dma_wait3A_265, %dma_wait3A_266, %dma_wait3A_267] : memref<8x128x16xf32, #tpu.memory_space<vmem>> -> memref<1x128x16xf32, #tpu.memory_space<vmem>>
      %dma_wait3A_269 = tpu.memref_squeeze %dma_wait3A_268 : memref<1x128x16xf32, #tpu.memory_space<vmem>> -> memref<128x16xf32, #tpu.memory_space<vmem>>
      %dma_wait3A_270 = arith.constant 0 : i32
      %dma_wait3A_271 = tpu.memref_slice %arg6[%add3A_264, %dma_wait3A_270] : memref<80x128xi32, #tpu.memory_space<vmem>> -> memref<1x128xi32, #tpu.memory_space<vmem>>
      %dma_wait3A_272 = tpu.memref_squeeze %dma_wait3A_271 : memref<1x128xi32, #tpu.memory_space<vmem>> -> memref<128xi32, #tpu.memory_space<vmem>>
      %dma_wait3A_273 = arith.constant 0 : i32
      %dma_wait3A_274 = arith.constant 0 : i32
      %dma_wait3A_275 = tpu.memref_slice %arg2[%dma_wait3A_273, %dma_wait3A_274] : memref<10240x16xf32, #tpu.memory_space<hbm>> -> memref<10240x16xf32, #tpu.memory_space<hbm>>
      tpu.wait_indirect_dma semaphore(%arg11 : memref<!tpu.dma_semaphore, #tpu.memory_space<semaphore_mem>>) src(%dma_wait3A_275 : memref<10240x16xf32, #tpu.memory_space<hbm>>) dst(%dma_wait3A_269 : memref<128x16xf32, #tpu.memory_space<vmem>>)
      %dma_start3A_276 = arith.constant 1 : i32
      %dma_start3A_277 = arith.constant 0 : i32
      %dma_start3A_278 = arith.constant 0 : i32
      %dma_start3A_279 = tpu.memref_slice %arg8[%dma_start3A_276, %dma_start3A_277, %dma_start3A_278] : memref<8x128x16xf32, #tpu.memory_space<vmem>> -> memref<1x128x16xf32, #tpu.memory_space<vmem>>
      %dma_start3A_280 = tpu.memref_squeeze %dma_start3A_279 : memref<1x128x16xf32, #tpu.memory_space<vmem>> -> memref<128x16xf32, #tpu.memory_space<vmem>>
      %dma_start3A_281 = arith.constant 0 : i32
      %dma_start3A_282 = tpu.memref_slice %arg7[%add3A_264, %dma_start3A_281] : memref<80x128xi32, #tpu.memory_space<vmem>> -> memref<1x128xi32, #tpu.memory_space<vmem>>
      %dma_start3A_283 = tpu.memref_squeeze %dma_start3A_282 : memref<1x128xi32, #tpu.memory_space<vmem>> -> memref<128xi32, #tpu.memory_space<vmem>>
      %dma_start3A_284 = arith.constant 0 : i32
      %dma_start3A_285 = arith.constant 0 : i32
      %dma_start3A_286 = tpu.memref_slice %arg9[%dma_start3A_284, %dma_start3A_285] : memref<10240x16xf32, #tpu.memory_space<vmem_shared>> -> memref<10240x16xf32, #tpu.memory_space<vmem_shared>>
      tpu.enqueue_indirect_dma source(%dma_start3A_280 : memref<128x16xf32, #tpu.memory_space<vmem>>) target(%dma_start3A_286 : memref<10240x16xf32, #tpu.memory_space<vmem_shared>>) offsets(%dma_start3A_283 : memref<128xi32, #tpu.memory_space<vmem>>) semaphore(%arg19 : memref<!tpu.dma_semaphore, #tpu.memory_space<semaphore_mem>>) {add = true}
      %mul3A_287 = arith.constant 8 : i32
      %mul3A_288 = arith.muli %scan3A_233, %mul3A_287 : i32
      %add3A_289 = arith.constant 2 : i32
      %add3A_290 = arith.addi %mul3A_288, %add3A_289 : i32
      %dma_wait3A_291 = arith.constant 2 : i32
      %dma_wait3A_292 = arith.constant 0 : i32
      %dma_wait3A_293 = arith.constant 0 : i32
      %dma_wait3A_294 = tpu.memref_slice %arg8[%dma_wait3A_291, %dma_wait3A_292, %dma_wait3A_293] : memref<8x128x16xf32, #tpu.memory_space<vmem>> -> memref<1x128x16xf32, #tpu.memory_space<vmem>>
      %dma_wait3A_295 = tpu.memref_squeeze %dma_wait3A_294 : memref<1x128x16xf32, #tpu.memory_space<vmem>> -> memref<128x16xf32, #tpu.memory_space<vmem>>
      %dma_wait3A_296 = arith.constant 0 : i32
      %dma_wait3A_297 = tpu.memref_slice %arg6[%add3A_290, %dma_wait3A_296] : memref<80x128xi32, #tpu.memory_space<vmem>> -> memref<1x128xi32, #tpu.memory_space<vmem>>
      %dma_wait3A_298 = tpu.memref_squeeze %dma_wait3A_297 : memref<1x128xi32, #tpu.memory_space<vmem>> -> memref<128xi32, #tpu.memory_space<vmem>>
      %dma_wait3A_299 = arith.constant 0 : i32
      %dma_wait3A_300 = arith.constant 0 : i32
      %dma_wait3A_301 = tpu.memref_slice %arg2[%dma_wait3A_299, %dma_wait3A_300] : memref<10240x16xf32, #tpu.memory_space<hbm>> -> memref<10240x16xf32, #tpu.memory_space<hbm>>
      tpu.wait_indirect_dma semaphore(%arg12 : memref<!tpu.dma_semaphore, #tpu.memory_space<semaphore_mem>>) src(%dma_wait3A_301 : memref<10240x16xf32, #tpu.memory_space<hbm>>) dst(%dma_wait3A_295 : memref<128x16xf32, #tpu.memory_space<vmem>>)
      %dma_start3A_302 = arith.constant 2 : i32
      %dma_start3A_303 = arith.constant 0 : i32
      %dma_start3A_304 = arith.constant 0 : i32
      %dma_start3A_305 = tpu.memref_slice %arg8[%dma_start3A_302, %dma_start3A_303, %dma_start3A_304] : memref<8x128x16xf32, #tpu.memory_space<vmem>> -> memref<1x128x16xf32, #tpu.memory_space<vmem>>
      %dma_start3A_306 = tpu.memref_squeeze %dma_start3A_305 : memref<1x128x16xf32, #tpu.memory_space<vmem>> -> memref<128x16xf32, #tpu.memory_space<vmem>>
      %dma_start3A_307 = arith.constant 0 : i32
      %dma_start3A_308 = tpu.memref_slice %arg7[%add3A_290, %dma_start3A_307] : memref<80x128xi32, #tpu.memory_space<vmem>> -> memref<1x128xi32, #tpu.memory_space<vmem>>
      %dma_start3A_309 = tpu.memref_squeeze %dma_start3A_308 : memref<1x128xi32, #tpu.memory_space<vmem>> -> memref<128xi32, #tpu.memory_space<vmem>>
      %dma_start3A_310 = arith.constant 0 : i32
      %dma_start3A_311 = arith.constant 0 : i32
      %dma_start3A_312 = tpu.memref_slice %arg9[%dma_start3A_310, %dma_start3A_311] : memref<10240x16xf32, #tpu.memory_space<vmem_shared>> -> memref<10240x16xf32, #tpu.memory_space<vmem_shared>>
      tpu.enqueue_indirect_dma source(%dma_start3A_306 : memref<128x16xf32, #tpu.memory_space<vmem>>) target(%dma_start3A_312 : memref<10240x16xf32, #tpu.memory_space<vmem_shared>>) offsets(%dma_start3A_309 : memref<128xi32, #tpu.memory_space<vmem>>) semaphore(%arg20 : memref<!tpu.dma_semaphore, #tpu.memory_space<semaphore_mem>>) {add = true}
      %mul3A_313 = arith.constant 8 : i32
      %mul3A_314 = arith.muli %scan3A_233, %mul3A_313 : i32
      %add3A_315 = arith.constant 3 : i32
      %add3A_316 = arith.addi %mul3A_314, %add3A_315 : i32
      %dma_wait3A_317 = arith.constant 3 : i32
      %dma_wait3A_318 = arith.constant 0 : i32
      %dma_wait3A_319 = arith.constant 0 : i32
      %dma_wait3A_320 = tpu.memref_slice %arg8[%dma_wait3A_317, %dma_wait3A_318, %dma_wait3A_319] : memref<8x128x16xf32, #tpu.memory_space<vmem>> -> memref<1x128x16xf32, #tpu.memory_space<vmem>>
      %dma_wait3A_321 = tpu.memref_squeeze %dma_wait3A_320 : memref<1x128x16xf32, #tpu.memory_space<vmem>> -> memref<128x16xf32, #tpu.memory_space<vmem>>
      %dma_wait3A_322 = arith.constant 0 : i32
      %dma_wait3A_323 = tpu.memref_slice %arg6[%add3A_316, %dma_wait3A_322] : memref<80x128xi32, #tpu.memory_space<vmem>> -> memref<1x128xi32, #tpu.memory_space<vmem>>
      %dma_wait3A_324 = tpu.memref_squeeze %dma_wait3A_323 : memref<1x128xi32, #tpu.memory_space<vmem>> -> memref<128xi32, #tpu.memory_space<vmem>>
      %dma_wait3A_325 = arith.constant 0 : i32
      %dma_wait3A_326 = arith.constant 0 : i32
      %dma_wait3A_327 = tpu.memref_slice %arg2[%dma_wait3A_325, %dma_wait3A_326] : memref<10240x16xf32, #tpu.memory_space<hbm>> -> memref<10240x16xf32, #tpu.memory_space<hbm>>
      tpu.wait_indirect_dma semaphore(%arg13 : memref<!tpu.dma_semaphore, #tpu.memory_space<semaphore_mem>>) src(%dma_wait3A_327 : memref<10240x16xf32, #tpu.memory_space<hbm>>) dst(%dma_wait3A_321 : memref<128x16xf32, #tpu.memory_space<vmem>>)
      %dma_start3A_328 = arith.constant 3 : i32
      %dma_start3A_329 = arith.constant 0 : i32
      %dma_start3A_330 = arith.constant 0 : i32
      %dma_start3A_331 = tpu.memref_slice %arg8[%dma_start3A_328, %dma_start3A_329, %dma_start3A_330] : memref<8x128x16xf32, #tpu.memory_space<vmem>> -> memref<1x128x16xf32, #tpu.memory_space<vmem>>
      %dma_start3A_332 = tpu.memref_squeeze %dma_start3A_331 : memref<1x128x16xf32, #tpu.memory_space<vmem>> -> memref<128x16xf32, #tpu.memory_space<vmem>>
      %dma_start3A_333 = arith.constant 0 : i32
      %dma_start3A_334 = tpu.memref_slice %arg7[%add3A_316, %dma_start3A_333] : memref<80x128xi32, #tpu.memory_space<vmem>> -> memref<1x128xi32, #tpu.memory_space<vmem>>
      %dma_start3A_335 = tpu.memref_squeeze %dma_start3A_334 : memref<1x128xi32, #tpu.memory_space<vmem>> -> memref<128xi32, #tpu.memory_space<vmem>>
      %dma_start3A_336 = arith.constant 0 : i32
      %dma_start3A_337 = arith.constant 0 : i32
      %dma_start3A_338 = tpu.memref_slice %arg9[%dma_start3A_336, %dma_start3A_337] : memref<10240x16xf32, #tpu.memory_space<vmem_shared>> -> memref<10240x16xf32, #tpu.memory_space<vmem_shared>>
      tpu.enqueue_indirect_dma source(%dma_start3A_332 : memref<128x16xf32, #tpu.memory_space<vmem>>) target(%dma_start3A_338 : memref<10240x16xf32, #tpu.memory_space<vmem_shared>>) offsets(%dma_start3A_335 : memref<128xi32, #tpu.memory_space<vmem>>) semaphore(%arg21 : memref<!tpu.dma_semaphore, #tpu.memory_space<semaphore_mem>>) {add = true}
      %mul3A_339 = arith.constant 8 : i32
      %mul3A_340 = arith.muli %scan3A_233, %mul3A_339 : i32
      %add3A_341 = arith.constant 4 : i32
      %add3A_342 = arith.addi %mul3A_340, %add3A_341 : i32
      %dma_wait3A_343 = arith.constant 4 : i32
      %dma_wait3A_344 = arith.constant 0 : i32
      %dma_wait3A_345 = arith.constant 0 : i32
      %dma_wait3A_346 = tpu.memref_slice %arg8[%dma_wait3A_343, %dma_wait3A_344, %dma_wait3A_345] : memref<8x128x16xf32, #tpu.memory_space<vmem>> -> memref<1x128x16xf32, #tpu.memory_space<vmem>>
      %dma_wait3A_347 = tpu.memref_squeeze %dma_wait3A_346 : memref<1x128x16xf32, #tpu.memory_space<vmem>> -> memref<128x16xf32, #tpu.memory_space<vmem>>
      %dma_wait3A_348 = arith.constant 0 : i32
      %dma_wait3A_349 = tpu.memref_slice %arg6[%add3A_342, %dma_wait3A_348] : memref<80x128xi32, #tpu.memory_space<vmem>> -> memref<1x128xi32, #tpu.memory_space<vmem>>
      %dma_wait3A_350 = tpu.memref_squeeze %dma_wait3A_349 : memref<1x128xi32, #tpu.memory_space<vmem>> -> memref<128xi32, #tpu.memory_space<vmem>>
      %dma_wait3A_351 = arith.constant 0 : i32
      %dma_wait3A_352 = arith.constant 0 : i32
      %dma_wait3A_353 = tpu.memref_slice %arg2[%dma_wait3A_351, %dma_wait3A_352] : memref<10240x16xf32, #tpu.memory_space<hbm>> -> memref<10240x16xf32, #tpu.memory_space<hbm>>
      tpu.wait_indirect_dma semaphore(%arg14 : memref<!tpu.dma_semaphore, #tpu.memory_space<semaphore_mem>>) src(%dma_wait3A_353 : memref<10240x16xf32, #tpu.memory_space<hbm>>) dst(%dma_wait3A_347 : memref<128x16xf32, #tpu.memory_space<vmem>>)
      %dma_start3A_354 = arith.constant 4 : i32
      %dma_start3A_355 = arith.constant 0 : i32
      %dma_start3A_356 = arith.constant 0 : i32
      %dma_start3A_357 = tpu.memref_slice %arg8[%dma_start3A_354, %dma_start3A_355, %dma_start3A_356] : memref<8x128x16xf32, #tpu.memory_space<vmem>> -> memref<1x128x16xf32, #tpu.memory_space<vmem>>
      %dma_start3A_358 = tpu.memref_squeeze %dma_start3A_357 : memref<1x128x16xf32, #tpu.memory_space<vmem>> -> memref<128x16xf32, #tpu.memory_space<vmem>>
      %dma_start3A_359 = arith.constant 0 : i32
      %dma_start3A_360 = tpu.memref_slice %arg7[%add3A_342, %dma_start3A_359] : memref<80x128xi32, #tpu.memory_space<vmem>> -> memref<1x128xi32, #tpu.memory_space<vmem>>
      %dma_start3A_361 = tpu.memref_squeeze %dma_start3A_360 : memref<1x128xi32, #tpu.memory_space<vmem>> -> memref<128xi32, #tpu.memory_space<vmem>>
      %dma_start3A_362 = arith.constant 0 : i32
      %dma_start3A_363 = arith.constant 0 : i32
      %dma_start3A_364 = tpu.memref_slice %arg9[%dma_start3A_362, %dma_start3A_363] : memref<10240x16xf32, #tpu.memory_space<vmem_shared>> -> memref<10240x16xf32, #tpu.memory_space<vmem_shared>>
      tpu.enqueue_indirect_dma source(%dma_start3A_358 : memref<128x16xf32, #tpu.memory_space<vmem>>) target(%dma_start3A_364 : memref<10240x16xf32, #tpu.memory_space<vmem_shared>>) offsets(%dma_start3A_361 : memref<128xi32, #tpu.memory_space<vmem>>) semaphore(%arg22 : memref<!tpu.dma_semaphore, #tpu.memory_space<semaphore_mem>>) {add = true}
      %mul3A_365 = arith.constant 8 : i32
      %mul3A_366 = arith.muli %scan3A_233, %mul3A_365 : i32
      %add3A_367 = arith.constant 5 : i32
      %add3A_368 = arith.addi %mul3A_366, %add3A_367 : i32
      %dma_wait3A_369 = arith.constant 5 : i32
      %dma_wait3A_370 = arith.constant 0 : i32
      %dma_wait3A_371 = arith.constant 0 : i32
      %dma_wait3A_372 = tpu.memref_slice %arg8[%dma_wait3A_369, %dma_wait3A_370, %dma_wait3A_371] : memref<8x128x16xf32, #tpu.memory_space<vmem>> -> memref<1x128x16xf32, #tpu.memory_space<vmem>>
      %dma_wait3A_373 = tpu.memref_squeeze %dma_wait3A_372 : memref<1x128x16xf32, #tpu.memory_space<vmem>> -> memref<128x16xf32, #tpu.memory_space<vmem>>
      %dma_wait3A_374 = arith.constant 0 : i32
      %dma_wait3A_375 = tpu.memref_slice %arg6[%add3A_368, %dma_wait3A_374] : memref<80x128xi32, #tpu.memory_space<vmem>> -> memref<1x128xi32, #tpu.memory_space<vmem>>
      %dma_wait3A_376 = tpu.memref_squeeze %dma_wait3A_375 : memref<1x128xi32, #tpu.memory_space<vmem>> -> memref<128xi32, #tpu.memory_space<vmem>>
      %dma_wait3A_377 = arith.constant 0 : i32
      %dma_wait3A_378 = arith.constant 0 : i32
      %dma_wait3A_379 = tpu.memref_slice %arg2[%dma_wait3A_377, %dma_wait3A_378] : memref<10240x16xf32, #tpu.memory_space<hbm>> -> memref<10240x16xf32, #tpu.memory_space<hbm>>
      tpu.wait_indirect_dma semaphore(%arg15 : memref<!tpu.dma_semaphore, #tpu.memory_space<semaphore_mem>>) src(%dma_wait3A_379 : memref<10240x16xf32, #tpu.memory_space<hbm>>) dst(%dma_wait3A_373 : memref<128x16xf32, #tpu.memory_space<vmem>>)
      %dma_start3A_380 = arith.constant 5 : i32
      %dma_start3A_381 = arith.constant 0 : i32
      %dma_start3A_382 = arith.constant 0 : i32
      %dma_start3A_383 = tpu.memref_slice %arg8[%dma_start3A_380, %dma_start3A_381, %dma_start3A_382] : memref<8x128x16xf32, #tpu.memory_space<vmem>> -> memref<1x128x16xf32, #tpu.memory_space<vmem>>
      %dma_start3A_384 = tpu.memref_squeeze %dma_start3A_383 : memref<1x128x16xf32, #tpu.memory_space<vmem>> -> memref<128x16xf32, #tpu.memory_space<vmem>>
      %dma_start3A_385 = arith.constant 0 : i32
      %dma_start3A_386 = tpu.memref_slice %arg7[%add3A_368, %dma_start3A_385] : memref<80x128xi32, #tpu.memory_space<vmem>> -> memref<1x128xi32, #tpu.memory_space<vmem>>
      %dma_start3A_387 = tpu.memref_squeeze %dma_start3A_386 : memref<1x128xi32, #tpu.memory_space<vmem>> -> memref<128xi32, #tpu.memory_space<vmem>>
      %dma_start3A_388 = arith.constant 0 : i32
      %dma_start3A_389 = arith.constant 0 : i32
      %dma_start3A_390 = tpu.memref_slice %arg9[%dma_start3A_388, %dma_start3A_389] : memref<10240x16xf32, #tpu.memory_space<vmem_shared>> -> memref<10240x16xf32, #tpu.memory_space<vmem_shared>>
      tpu.enqueue_indirect_dma source(%dma_start3A_384 : memref<128x16xf32, #tpu.memory_space<vmem>>) target(%dma_start3A_390 : memref<10240x16xf32, #tpu.memory_space<vmem_shared>>) offsets(%dma_start3A_387 : memref<128xi32, #tpu.memory_space<vmem>>) semaphore(%arg23 : memref<!tpu.dma_semaphore, #tpu.memory_space<semaphore_mem>>) {add = true}
      %mul3A_391 = arith.constant 8 : i32
      %mul3A_392 = arith.muli %scan3A_233, %mul3A_391 : i32
      %add3A_393 = arith.constant 6 : i32
      %add3A_394 = arith.addi %mul3A_392, %add3A_393 : i32
      %dma_wait3A_395 = arith.constant 6 : i32
      %dma_wait3A_396 = arith.constant 0 : i32
      %dma_wait3A_397 = arith.constant 0 : i32
      %dma_wait3A_398 = tpu.memref_slice %arg8[%dma_wait3A_395, %dma_wait3A_396, %dma_wait3A_397] : memref<8x128x16xf32, #tpu.memory_space<vmem>> -> memref<1x128x16xf32, #tpu.memory_space<vmem>>
      %dma_wait3A_399 = tpu.memref_squeeze %dma_wait3A_398 : memref<1x128x16xf32, #tpu.memory_space<vmem>> -> memref<128x16xf32, #tpu.memory_space<vmem>>
      %dma_wait3A_400 = arith.constant 0 : i32
      %dma_wait3A_401 = tpu.memref_slice %arg6[%add3A_394, %dma_wait3A_400] : memref<80x128xi32, #tpu.memory_space<vmem>> -> memref<1x128xi32, #tpu.memory_space<vmem>>
      %dma_wait3A_402 = tpu.memref_squeeze %dma_wait3A_401 : memref<1x128xi32, #tpu.memory_space<vmem>> -> memref<128xi32, #tpu.memory_space<vmem>>
      %dma_wait3A_403 = arith.constant 0 : i32
      %dma_wait3A_404 = arith.constant 0 : i32
      %dma_wait3A_405 = tpu.memref_slice %arg2[%dma_wait3A_403, %dma_wait3A_404] : memref<10240x16xf32, #tpu.memory_space<hbm>> -> memref<10240x16xf32, #tpu.memory_space<hbm>>
      tpu.wait_indirect_dma semaphore(%arg16 : memref<!tpu.dma_semaphore, #tpu.memory_space<semaphore_mem>>) src(%dma_wait3A_405 : memref<10240x16xf32, #tpu.memory_space<hbm>>) dst(%dma_wait3A_399 : memref<128x16xf32, #tpu.memory_space<vmem>>)
      %dma_start3A_406 = arith.constant 6 : i32
      %dma_start3A_407 = arith.constant 0 : i32
      %dma_start3A_408 = arith.constant 0 : i32
      %dma_start3A_409 = tpu.memref_slice %arg8[%dma_start3A_406, %dma_start3A_407, %dma_start3A_408] : memref<8x128x16xf32, #tpu.memory_space<vmem>> -> memref<1x128x16xf32, #tpu.memory_space<vmem>>
      %dma_start3A_410 = tpu.memref_squeeze %dma_start3A_409 : memref<1x128x16xf32, #tpu.memory_space<vmem>> -> memref<128x16xf32, #tpu.memory_space<vmem>>
      %dma_start3A_411 = arith.constant 0 : i32
      %dma_start3A_412 = tpu.memref_slice %arg7[%add3A_394, %dma_start3A_411] : memref<80x128xi32, #tpu.memory_space<vmem>> -> memref<1x128xi32, #tpu.memory_space<vmem>>
      %dma_start3A_413 = tpu.memref_squeeze %dma_start3A_412 : memref<1x128xi32, #tpu.memory_space<vmem>> -> memref<128xi32, #tpu.memory_space<vmem>>
      %dma_start3A_414 = arith.constant 0 : i32
      %dma_start3A_415 = arith.constant 0 : i32
      %dma_start3A_416 = tpu.memref_slice %arg9[%dma_start3A_414, %dma_start3A_415] : memref<10240x16xf32, #tpu.memory_space<vmem_shared>> -> memref<10240x16xf32, #tpu.memory_space<vmem_shared>>
      tpu.enqueue_indirect_dma source(%dma_start3A_410 : memref<128x16xf32, #tpu.memory_space<vmem>>) target(%dma_start3A_416 : memref<10240x16xf32, #tpu.memory_space<vmem_shared>>) offsets(%dma_start3A_413 : memref<128xi32, #tpu.memory_space<vmem>>) semaphore(%arg24 : memref<!tpu.dma_semaphore, #tpu.memory_space<semaphore_mem>>) {add = true}
      %mul3A_417 = arith.constant 8 : i32
      %mul3A_418 = arith.muli %scan3A_233, %mul3A_417 : i32
      %add3A_419 = arith.constant 7 : i32
      %add3A_420 = arith.addi %mul3A_418, %add3A_419 : i32
      %dma_wait3A_421 = arith.constant 7 : i32
      %dma_wait3A_422 = arith.constant 0 : i32
      %dma_wait3A_423 = arith.constant 0 : i32
      %dma_wait3A_424 = tpu.memref_slice %arg8[%dma_wait3A_421, %dma_wait3A_422, %dma_wait3A_423] : memref<8x128x16xf32, #tpu.memory_space<vmem>> -> memref<1x128x16xf32, #tpu.memory_space<vmem>>
      %dma_wait3A_425 = tpu.memref_squeeze %dma_wait3A_424 : memref<1x128x16xf32, #tpu.memory_space<vmem>> -> memref<128x16xf32, #tpu.memory_space<vmem>>
      %dma_wait3A_426 = arith.constant 0 : i32
      %dma_wait3A_427 = tpu.memref_slice %arg6[%add3A_420, %dma_wait3A_426] : memref<80x128xi32, #tpu.memory_space<vmem>> -> memref<1x128xi32, #tpu.memory_space<vmem>>
      %dma_wait3A_428 = tpu.memref_squeeze %dma_wait3A_427 : memref<1x128xi32, #tpu.memory_space<vmem>> -> memref<128xi32, #tpu.memory_space<vmem>>
      %dma_wait3A_429 = arith.constant 0 : i32
      %dma_wait3A_430 = arith.constant 0 : i32
      %dma_wait3A_431 = tpu.memref_slice %arg2[%dma_wait3A_429, %dma_wait3A_430] : memref<10240x16xf32, #tpu.memory_space<hbm>> -> memref<10240x16xf32, #tpu.memory_space<hbm>>
      tpu.wait_indirect_dma semaphore(%arg17 : memref<!tpu.dma_semaphore, #tpu.memory_space<semaphore_mem>>) src(%dma_wait3A_431 : memref<10240x16xf32, #tpu.memory_space<hbm>>) dst(%dma_wait3A_425 : memref<128x16xf32, #tpu.memory_space<vmem>>)
      %dma_start3A_432 = arith.constant 7 : i32
      %dma_start3A_433 = arith.constant 0 : i32
      %dma_start3A_434 = arith.constant 0 : i32
      %dma_start3A_435 = tpu.memref_slice %arg8[%dma_start3A_432, %dma_start3A_433, %dma_start3A_434] : memref<8x128x16xf32, #tpu.memory_space<vmem>> -> memref<1x128x16xf32, #tpu.memory_space<vmem>>
      %dma_start3A_436 = tpu.memref_squeeze %dma_start3A_435 : memref<1x128x16xf32, #tpu.memory_space<vmem>> -> memref<128x16xf32, #tpu.memory_space<vmem>>
      %dma_start3A_437 = arith.constant 0 : i32
      %dma_start3A_438 = tpu.memref_slice %arg7[%add3A_420, %dma_start3A_437] : memref<80x128xi32, #tpu.memory_space<vmem>> -> memref<1x128xi32, #tpu.memory_space<vmem>>
      %dma_start3A_439 = tpu.memref_squeeze %dma_start3A_438 : memref<1x128xi32, #tpu.memory_space<vmem>> -> memref<128xi32, #tpu.memory_space<vmem>>
      %dma_start3A_440 = arith.constant 0 : i32
      %dma_start3A_441 = arith.constant 0 : i32
      %dma_start3A_442 = tpu.memref_slice %arg9[%dma_start3A_440, %dma_start3A_441] : memref<10240x16xf32, #tpu.memory_space<vmem_shared>> -> memref<10240x16xf32, #tpu.memory_space<vmem_shared>>
      tpu.enqueue_indirect_dma source(%dma_start3A_436 : memref<128x16xf32, #tpu.memory_space<vmem>>) target(%dma_start3A_442 : memref<10240x16xf32, #tpu.memory_space<vmem_shared>>) offsets(%dma_start3A_439 : memref<128xi32, #tpu.memory_space<vmem>>) semaphore(%arg25 : memref<!tpu.dma_semaphore, #tpu.memory_space<semaphore_mem>>) {add = true}
      %mul3A_443 = arith.constant 8 : i32
      %mul3A_444 = arith.muli %scan3A_233, %mul3A_443 : i32
      %add3A_445 = arith.constant 0 : i32
      %add3A_446 = arith.addi %mul3A_444, %add3A_445 : i32
      %lt3A = arith.constant 9 : i32
      %lt3A_447 = arith.cmpi slt, %scan3A_233, %lt3A : i32
      %convert_element_type3A = arith.extui %lt3A_447 : i1 to i32
      %cond3A = arith.constant 0 : i32
      %cond3A_448 = arith.cmpi ne, %convert_element_type3A, %cond3A : i32
      scf.if %cond3A_448 {
        %dma_wait3A_513 = arith.constant 0 : i32
        %dma_wait3A_514 = arith.constant 0 : i32
        %dma_wait3A_515 = arith.constant 0 : i32
        %dma_wait3A_516 = tpu.memref_slice %arg8[%dma_wait3A_513, %dma_wait3A_514, %dma_wait3A_515] : memref<8x128x16xf32, #tpu.memory_space<vmem>> -> memref<1x128x16xf32, #tpu.memory_space<vmem>>
        %dma_wait3A_517 = tpu.memref_squeeze %dma_wait3A_516 : memref<1x128x16xf32, #tpu.memory_space<vmem>> -> memref<128x16xf32, #tpu.memory_space<vmem>>
        %dma_wait3A_518 = arith.constant 0 : i32
        %dma_wait3A_519 = tpu.memref_slice %arg7[%add3A_446, %dma_wait3A_518] : memref<80x128xi32, #tpu.memory_space<vmem>> -> memref<1x128xi32, #tpu.memory_space<vmem>>
        %dma_wait3A_520 = tpu.memref_squeeze %dma_wait3A_519 : memref<1x128xi32, #tpu.memory_space<vmem>> -> memref<128xi32, #tpu.memory_space<vmem>>
        %dma_wait3A_521 = arith.constant 0 : i32
        %dma_wait3A_522 = arith.constant 0 : i32
        %dma_wait3A_523 = tpu.memref_slice %arg9[%dma_wait3A_521, %dma_wait3A_522] : memref<10240x16xf32, #tpu.memory_space<vmem_shared>> -> memref<10240x16xf32, #tpu.memory_space<vmem_shared>>
        tpu.wait_indirect_dma semaphore(%arg18 : memref<!tpu.dma_semaphore, #tpu.memory_space<semaphore_mem>>) src(%dma_wait3A_517 : memref<128x16xf32, #tpu.memory_space<vmem>>) dst(%dma_wait3A_523 : memref<10240x16xf32, #tpu.memory_space<vmem_shared>>)
        %add3A_524 = arith.constant 8 : i32
        %add3A_525 = arith.addi %add3A_446, %add3A_524 : i32
        %dma_start3A_526 = arith.constant 0 : i32
        %dma_start3A_527 = arith.constant 0 : i32
        %dma_start3A_528 = arith.constant 0 : i32
        %dma_start3A_529 = tpu.memref_slice %arg8[%dma_start3A_526, %dma_start3A_527, %dma_start3A_528] : memref<8x128x16xf32, #tpu.memory_space<vmem>> -> memref<1x128x16xf32, #tpu.memory_space<vmem>>
        %dma_start3A_530 = tpu.memref_squeeze %dma_start3A_529 : memref<1x128x16xf32, #tpu.memory_space<vmem>> -> memref<128x16xf32, #tpu.memory_space<vmem>>
        %dma_start3A_531 = arith.constant 0 : i32
        %dma_start3A_532 = tpu.memref_slice %arg6[%add3A_525, %dma_start3A_531] : memref<80x128xi32, #tpu.memory_space<vmem>> -> memref<1x128xi32, #tpu.memory_space<vmem>>
        %dma_start3A_533 = tpu.memref_squeeze %dma_start3A_532 : memref<1x128xi32, #tpu.memory_space<vmem>> -> memref<128xi32, #tpu.memory_space<vmem>>
        %dma_start3A_534 = arith.constant 0 : i32
        %dma_start3A_535 = arith.constant 0 : i32
        %dma_start3A_536 = tpu.memref_slice %arg2[%dma_start3A_534, %dma_start3A_535] : memref<10240x16xf32, #tpu.memory_space<hbm>> -> memref<10240x16xf32, #tpu.memory_space<hbm>>
        tpu.enqueue_indirect_dma source(%dma_start3A_536 : memref<10240x16xf32, #tpu.memory_space<hbm>>) target(%dma_start3A_530 : memref<128x16xf32, #tpu.memory_space<vmem>>) offsets(%dma_start3A_533 : memref<128xi32, #tpu.memory_space<vmem>>) semaphore(%arg10 : memref<!tpu.dma_semaphore, #tpu.memory_space<semaphore_mem>>)
      } else {
      }
      %mul3A_449 = arith.constant 8 : i32
      %mul3A_450 = arith.muli %scan3A_233, %mul3A_449 : i32
      %add3A_451 = arith.constant 1 : i32
      %add3A_452 = arith.addi %mul3A_450, %add3A_451 : i32
      %lt3A_453 = arith.constant 9 : i32
      %lt3A_454 = arith.cmpi slt, %scan3A_233, %lt3A_453 : i32
      %convert_element_type3A_455 = arith.extui %lt3A_454 : i1 to i32
      %cond3A_456 = arith.constant 0 : i32
      %cond3A_457 = arith.cmpi ne, %convert_element_type3A_455, %cond3A_456 : i32
      scf.if %cond3A_457 {
        %dma_wait3A_513 = arith.constant 1 : i32
        %dma_wait3A_514 = arith.constant 0 : i32
        %dma_wait3A_515 = arith.constant 0 : i32
        %dma_wait3A_516 = tpu.memref_slice %arg8[%dma_wait3A_513, %dma_wait3A_514, %dma_wait3A_515] : memref<8x128x16xf32, #tpu.memory_space<vmem>> -> memref<1x128x16xf32, #tpu.memory_space<vmem>>
        %dma_wait3A_517 = tpu.memref_squeeze %dma_wait3A_516 : memref<1x128x16xf32, #tpu.memory_space<vmem>> -> memref<128x16xf32, #tpu.memory_space<vmem>>
        %dma_wait3A_518 = arith.constant 0 : i32
        %dma_wait3A_519 = tpu.memref_slice %arg7[%add3A_452, %dma_wait3A_518] : memref<80x128xi32, #tpu.memory_space<vmem>> -> memref<1x128xi32, #tpu.memory_space<vmem>>
        %dma_wait3A_520 = tpu.memref_squeeze %dma_wait3A_519 : memref<1x128xi32, #tpu.memory_space<vmem>> -> memref<128xi32, #tpu.memory_space<vmem>>
        %dma_wait3A_521 = arith.constant 0 : i32
        %dma_wait3A_522 = arith.constant 0 : i32
        %dma_wait3A_523 = tpu.memref_slice %arg9[%dma_wait3A_521, %dma_wait3A_522] : memref<10240x16xf32, #tpu.memory_space<vmem_shared>> -> memref<10240x16xf32, #tpu.memory_space<vmem_shared>>
        tpu.wait_indirect_dma semaphore(%arg19 : memref<!tpu.dma_semaphore, #tpu.memory_space<semaphore_mem>>) src(%dma_wait3A_517 : memref<128x16xf32, #tpu.memory_space<vmem>>) dst(%dma_wait3A_523 : memref<10240x16xf32, #tpu.memory_space<vmem_shared>>)
        %add3A_524 = arith.constant 8 : i32
        %add3A_525 = arith.addi %add3A_452, %add3A_524 : i32
        %dma_start3A_526 = arith.constant 1 : i32
        %dma_start3A_527 = arith.constant 0 : i32
        %dma_start3A_528 = arith.constant 0 : i32
        %dma_start3A_529 = tpu.memref_slice %arg8[%dma_start3A_526, %dma_start3A_527, %dma_start3A_528] : memref<8x128x16xf32, #tpu.memory_space<vmem>> -> memref<1x128x16xf32, #tpu.memory_space<vmem>>
        %dma_start3A_530 = tpu.memref_squeeze %dma_start3A_529 : memref<1x128x16xf32, #tpu.memory_space<vmem>> -> memref<128x16xf32, #tpu.memory_space<vmem>>
        %dma_start3A_531 = arith.constant 0 : i32
        %dma_start3A_532 = tpu.memref_slice %arg6[%add3A_525, %dma_start3A_531] : memref<80x128xi32, #tpu.memory_space<vmem>> -> memref<1x128xi32, #tpu.memory_space<vmem>>
        %dma_start3A_533 = tpu.memref_squeeze %dma_start3A_532 : memref<1x128xi32, #tpu.memory_space<vmem>> -> memref<128xi32, #tpu.memory_space<vmem>>
        %dma_start3A_534 = arith.constant 0 : i32
        %dma_start3A_535 = arith.constant 0 : i32
        %dma_start3A_536 = tpu.memref_slice %arg2[%dma_start3A_534, %dma_start3A_535] : memref<10240x16xf32, #tpu.memory_space<hbm>> -> memref<10240x16xf32, #tpu.memory_space<hbm>>
        tpu.enqueue_indirect_dma source(%dma_start3A_536 : memref<10240x16xf32, #tpu.memory_space<hbm>>) target(%dma_start3A_530 : memref<128x16xf32, #tpu.memory_space<vmem>>) offsets(%dma_start3A_533 : memref<128xi32, #tpu.memory_space<vmem>>) semaphore(%arg11 : memref<!tpu.dma_semaphore, #tpu.memory_space<semaphore_mem>>)
      } else {
      }
      %mul3A_458 = arith.constant 8 : i32
      %mul3A_459 = arith.muli %scan3A_233, %mul3A_458 : i32
      %add3A_460 = arith.constant 2 : i32
      %add3A_461 = arith.addi %mul3A_459, %add3A_460 : i32
      %lt3A_462 = arith.constant 9 : i32
      %lt3A_463 = arith.cmpi slt, %scan3A_233, %lt3A_462 : i32
      %convert_element_type3A_464 = arith.extui %lt3A_463 : i1 to i32
      %cond3A_465 = arith.constant 0 : i32
      %cond3A_466 = arith.cmpi ne, %convert_element_type3A_464, %cond3A_465 : i32
      scf.if %cond3A_466 {
        %dma_wait3A_513 = arith.constant 2 : i32
        %dma_wait3A_514 = arith.constant 0 : i32
        %dma_wait3A_515 = arith.constant 0 : i32
        %dma_wait3A_516 = tpu.memref_slice %arg8[%dma_wait3A_513, %dma_wait3A_514, %dma_wait3A_515] : memref<8x128x16xf32, #tpu.memory_space<vmem>> -> memref<1x128x16xf32, #tpu.memory_space<vmem>>
        %dma_wait3A_517 = tpu.memref_squeeze %dma_wait3A_516 : memref<1x128x16xf32, #tpu.memory_space<vmem>> -> memref<128x16xf32, #tpu.memory_space<vmem>>
        %dma_wait3A_518 = arith.constant 0 : i32
        %dma_wait3A_519 = tpu.memref_slice %arg7[%add3A_461, %dma_wait3A_518] : memref<80x128xi32, #tpu.memory_space<vmem>> -> memref<1x128xi32, #tpu.memory_space<vmem>>
        %dma_wait3A_520 = tpu.memref_squeeze %dma_wait3A_519 : memref<1x128xi32, #tpu.memory_space<vmem>> -> memref<128xi32, #tpu.memory_space<vmem>>
        %dma_wait3A_521 = arith.constant 0 : i32
        %dma_wait3A_522 = arith.constant 0 : i32
        %dma_wait3A_523 = tpu.memref_slice %arg9[%dma_wait3A_521, %dma_wait3A_522] : memref<10240x16xf32, #tpu.memory_space<vmem_shared>> -> memref<10240x16xf32, #tpu.memory_space<vmem_shared>>
        tpu.wait_indirect_dma semaphore(%arg20 : memref<!tpu.dma_semaphore, #tpu.memory_space<semaphore_mem>>) src(%dma_wait3A_517 : memref<128x16xf32, #tpu.memory_space<vmem>>) dst(%dma_wait3A_523 : memref<10240x16xf32, #tpu.memory_space<vmem_shared>>)
        %add3A_524 = arith.constant 8 : i32
        %add3A_525 = arith.addi %add3A_461, %add3A_524 : i32
        %dma_start3A_526 = arith.constant 2 : i32
        %dma_start3A_527 = arith.constant 0 : i32
        %dma_start3A_528 = arith.constant 0 : i32
        %dma_start3A_529 = tpu.memref_slice %arg8[%dma_start3A_526, %dma_start3A_527, %dma_start3A_528] : memref<8x128x16xf32, #tpu.memory_space<vmem>> -> memref<1x128x16xf32, #tpu.memory_space<vmem>>
        %dma_start3A_530 = tpu.memref_squeeze %dma_start3A_529 : memref<1x128x16xf32, #tpu.memory_space<vmem>> -> memref<128x16xf32, #tpu.memory_space<vmem>>
        %dma_start3A_531 = arith.constant 0 : i32
        %dma_start3A_532 = tpu.memref_slice %arg6[%add3A_525, %dma_start3A_531] : memref<80x128xi32, #tpu.memory_space<vmem>> -> memref<1x128xi32, #tpu.memory_space<vmem>>
        %dma_start3A_533 = tpu.memref_squeeze %dma_start3A_532 : memref<1x128xi32, #tpu.memory_space<vmem>> -> memref<128xi32, #tpu.memory_space<vmem>>
        %dma_start3A_534 = arith.constant 0 : i32
        %dma_start3A_535 = arith.constant 0 : i32
        %dma_start3A_536 = tpu.memref_slice %arg2[%dma_start3A_534, %dma_start3A_535] : memref<10240x16xf32, #tpu.memory_space<hbm>> -> memref<10240x16xf32, #tpu.memory_space<hbm>>
        tpu.enqueue_indirect_dma source(%dma_start3A_536 : memref<10240x16xf32, #tpu.memory_space<hbm>>) target(%dma_start3A_530 : memref<128x16xf32, #tpu.memory_space<vmem>>) offsets(%dma_start3A_533 : memref<128xi32, #tpu.memory_space<vmem>>) semaphore(%arg12 : memref<!tpu.dma_semaphore, #tpu.memory_space<semaphore_mem>>)
      } else {
      }
      %mul3A_467 = arith.constant 8 : i32
      %mul3A_468 = arith.muli %scan3A_233, %mul3A_467 : i32
      %add3A_469 = arith.constant 3 : i32
      %add3A_470 = arith.addi %mul3A_468, %add3A_469 : i32
      %lt3A_471 = arith.constant 9 : i32
      %lt3A_472 = arith.cmpi slt, %scan3A_233, %lt3A_471 : i32
      %convert_element_type3A_473 = arith.extui %lt3A_472 : i1 to i32
      %cond3A_474 = arith.constant 0 : i32
      %cond3A_475 = arith.cmpi ne, %convert_element_type3A_473, %cond3A_474 : i32
      scf.if %cond3A_475 {
        %dma_wait3A_513 = arith.constant 3 : i32
        %dma_wait3A_514 = arith.constant 0 : i32
        %dma_wait3A_515 = arith.constant 0 : i32
        %dma_wait3A_516 = tpu.memref_slice %arg8[%dma_wait3A_513, %dma_wait3A_514, %dma_wait3A_515] : memref<8x128x16xf32, #tpu.memory_space<vmem>> -> memref<1x128x16xf32, #tpu.memory_space<vmem>>
        %dma_wait3A_517 = tpu.memref_squeeze %dma_wait3A_516 : memref<1x128x16xf32, #tpu.memory_space<vmem>> -> memref<128x16xf32, #tpu.memory_space<vmem>>
        %dma_wait3A_518 = arith.constant 0 : i32
        %dma_wait3A_519 = tpu.memref_slice %arg7[%add3A_470, %dma_wait3A_518] : memref<80x128xi32, #tpu.memory_space<vmem>> -> memref<1x128xi32, #tpu.memory_space<vmem>>
        %dma_wait3A_520 = tpu.memref_squeeze %dma_wait3A_519 : memref<1x128xi32, #tpu.memory_space<vmem>> -> memref<128xi32, #tpu.memory_space<vmem>>
        %dma_wait3A_521 = arith.constant 0 : i32
        %dma_wait3A_522 = arith.constant 0 : i32
        %dma_wait3A_523 = tpu.memref_slice %arg9[%dma_wait3A_521, %dma_wait3A_522] : memref<10240x16xf32, #tpu.memory_space<vmem_shared>> -> memref<10240x16xf32, #tpu.memory_space<vmem_shared>>
        tpu.wait_indirect_dma semaphore(%arg21 : memref<!tpu.dma_semaphore, #tpu.memory_space<semaphore_mem>>) src(%dma_wait3A_517 : memref<128x16xf32, #tpu.memory_space<vmem>>) dst(%dma_wait3A_523 : memref<10240x16xf32, #tpu.memory_space<vmem_shared>>)
        %add3A_524 = arith.constant 8 : i32
        %add3A_525 = arith.addi %add3A_470, %add3A_524 : i32
        %dma_start3A_526 = arith.constant 3 : i32
        %dma_start3A_527 = arith.constant 0 : i32
        %dma_start3A_528 = arith.constant 0 : i32
        %dma_start3A_529 = tpu.memref_slice %arg8[%dma_start3A_526, %dma_start3A_527, %dma_start3A_528] : memref<8x128x16xf32, #tpu.memory_space<vmem>> -> memref<1x128x16xf32, #tpu.memory_space<vmem>>
        %dma_start3A_530 = tpu.memref_squeeze %dma_start3A_529 : memref<1x128x16xf32, #tpu.memory_space<vmem>> -> memref<128x16xf32, #tpu.memory_space<vmem>>
        %dma_start3A_531 = arith.constant 0 : i32
        %dma_start3A_532 = tpu.memref_slice %arg6[%add3A_525, %dma_start3A_531] : memref<80x128xi32, #tpu.memory_space<vmem>> -> memref<1x128xi32, #tpu.memory_space<vmem>>
        %dma_start3A_533 = tpu.memref_squeeze %dma_start3A_532 : memref<1x128xi32, #tpu.memory_space<vmem>> -> memref<128xi32, #tpu.memory_space<vmem>>
        %dma_start3A_534 = arith.constant 0 : i32
        %dma_start3A_535 = arith.constant 0 : i32
        %dma_start3A_536 = tpu.memref_slice %arg2[%dma_start3A_534, %dma_start3A_535] : memref<10240x16xf32, #tpu.memory_space<hbm>> -> memref<10240x16xf32, #tpu.memory_space<hbm>>
        tpu.enqueue_indirect_dma source(%dma_start3A_536 : memref<10240x16xf32, #tpu.memory_space<hbm>>) target(%dma_start3A_530 : memref<128x16xf32, #tpu.memory_space<vmem>>) offsets(%dma_start3A_533 : memref<128xi32, #tpu.memory_space<vmem>>) semaphore(%arg13 : memref<!tpu.dma_semaphore, #tpu.memory_space<semaphore_mem>>)
      } else {
      }
      %mul3A_476 = arith.constant 8 : i32
      %mul3A_477 = arith.muli %scan3A_233, %mul3A_476 : i32
      %add3A_478 = arith.constant 4 : i32
      %add3A_479 = arith.addi %mul3A_477, %add3A_478 : i32
      %lt3A_480 = arith.constant 9 : i32
      %lt3A_481 = arith.cmpi slt, %scan3A_233, %lt3A_480 : i32
      %convert_element_type3A_482 = arith.extui %lt3A_481 : i1 to i32
      %cond3A_483 = arith.constant 0 : i32
      %cond3A_484 = arith.cmpi ne, %convert_element_type3A_482, %cond3A_483 : i32
      scf.if %cond3A_484 {
        %dma_wait3A_513 = arith.constant 4 : i32
        %dma_wait3A_514 = arith.constant 0 : i32
        %dma_wait3A_515 = arith.constant 0 : i32
        %dma_wait3A_516 = tpu.memref_slice %arg8[%dma_wait3A_513, %dma_wait3A_514, %dma_wait3A_515] : memref<8x128x16xf32, #tpu.memory_space<vmem>> -> memref<1x128x16xf32, #tpu.memory_space<vmem>>
        %dma_wait3A_517 = tpu.memref_squeeze %dma_wait3A_516 : memref<1x128x16xf32, #tpu.memory_space<vmem>> -> memref<128x16xf32, #tpu.memory_space<vmem>>
        %dma_wait3A_518 = arith.constant 0 : i32
        %dma_wait3A_519 = tpu.memref_slice %arg7[%add3A_479, %dma_wait3A_518] : memref<80x128xi32, #tpu.memory_space<vmem>> -> memref<1x128xi32, #tpu.memory_space<vmem>>
        %dma_wait3A_520 = tpu.memref_squeeze %dma_wait3A_519 : memref<1x128xi32, #tpu.memory_space<vmem>> -> memref<128xi32, #tpu.memory_space<vmem>>
        %dma_wait3A_521 = arith.constant 0 : i32
        %dma_wait3A_522 = arith.constant 0 : i32
        %dma_wait3A_523 = tpu.memref_slice %arg9[%dma_wait3A_521, %dma_wait3A_522] : memref<10240x16xf32, #tpu.memory_space<vmem_shared>> -> memref<10240x16xf32, #tpu.memory_space<vmem_shared>>
        tpu.wait_indirect_dma semaphore(%arg22 : memref<!tpu.dma_semaphore, #tpu.memory_space<semaphore_mem>>) src(%dma_wait3A_517 : memref<128x16xf32, #tpu.memory_space<vmem>>) dst(%dma_wait3A_523 : memref<10240x16xf32, #tpu.memory_space<vmem_shared>>)
        %add3A_524 = arith.constant 8 : i32
        %add3A_525 = arith.addi %add3A_479, %add3A_524 : i32
        %dma_start3A_526 = arith.constant 4 : i32
        %dma_start3A_527 = arith.constant 0 : i32
        %dma_start3A_528 = arith.constant 0 : i32
        %dma_start3A_529 = tpu.memref_slice %arg8[%dma_start3A_526, %dma_start3A_527, %dma_start3A_528] : memref<8x128x16xf32, #tpu.memory_space<vmem>> -> memref<1x128x16xf32, #tpu.memory_space<vmem>>
        %dma_start3A_530 = tpu.memref_squeeze %dma_start3A_529 : memref<1x128x16xf32, #tpu.memory_space<vmem>> -> memref<128x16xf32, #tpu.memory_space<vmem>>
        %dma_start3A_531 = arith.constant 0 : i32
        %dma_start3A_532 = tpu.memref_slice %arg6[%add3A_525, %dma_start3A_531] : memref<80x128xi32, #tpu.memory_space<vmem>> -> memref<1x128xi32, #tpu.memory_space<vmem>>
        %dma_start3A_533 = tpu.memref_squeeze %dma_start3A_532 : memref<1x128xi32, #tpu.memory_space<vmem>> -> memref<128xi32, #tpu.memory_space<vmem>>
        %dma_start3A_534 = arith.constant 0 : i32
        %dma_start3A_535 = arith.constant 0 : i32
        %dma_start3A_536 = tpu.memref_slice %arg2[%dma_start3A_534, %dma_start3A_535] : memref<10240x16xf32, #tpu.memory_space<hbm>> -> memref<10240x16xf32, #tpu.memory_space<hbm>>
        tpu.enqueue_indirect_dma source(%dma_start3A_536 : memref<10240x16xf32, #tpu.memory_space<hbm>>) target(%dma_start3A_530 : memref<128x16xf32, #tpu.memory_space<vmem>>) offsets(%dma_start3A_533 : memref<128xi32, #tpu.memory_space<vmem>>) semaphore(%arg14 : memref<!tpu.dma_semaphore, #tpu.memory_space<semaphore_mem>>)
      } else {
      }
      %mul3A_485 = arith.constant 8 : i32
      %mul3A_486 = arith.muli %scan3A_233, %mul3A_485 : i32
      %add3A_487 = arith.constant 5 : i32
      %add3A_488 = arith.addi %mul3A_486, %add3A_487 : i32
      %lt3A_489 = arith.constant 9 : i32
      %lt3A_490 = arith.cmpi slt, %scan3A_233, %lt3A_489 : i32
      %convert_element_type3A_491 = arith.extui %lt3A_490 : i1 to i32
      %cond3A_492 = arith.constant 0 : i32
      %cond3A_493 = arith.cmpi ne, %convert_element_type3A_491, %cond3A_492 : i32
      scf.if %cond3A_493 {
        %dma_wait3A_513 = arith.constant 5 : i32
        %dma_wait3A_514 = arith.constant 0 : i32
        %dma_wait3A_515 = arith.constant 0 : i32
        %dma_wait3A_516 = tpu.memref_slice %arg8[%dma_wait3A_513, %dma_wait3A_514, %dma_wait3A_515] : memref<8x128x16xf32, #tpu.memory_space<vmem>> -> memref<1x128x16xf32, #tpu.memory_space<vmem>>
        %dma_wait3A_517 = tpu.memref_squeeze %dma_wait3A_516 : memref<1x128x16xf32, #tpu.memory_space<vmem>> -> memref<128x16xf32, #tpu.memory_space<vmem>>
        %dma_wait3A_518 = arith.constant 0 : i32
        %dma_wait3A_519 = tpu.memref_slice %arg7[%add3A_488, %dma_wait3A_518] : memref<80x128xi32, #tpu.memory_space<vmem>> -> memref<1x128xi32, #tpu.memory_space<vmem>>
        %dma_wait3A_520 = tpu.memref_squeeze %dma_wait3A_519 : memref<1x128xi32, #tpu.memory_space<vmem>> -> memref<128xi32, #tpu.memory_space<vmem>>
        %dma_wait3A_521 = arith.constant 0 : i32
        %dma_wait3A_522 = arith.constant 0 : i32
        %dma_wait3A_523 = tpu.memref_slice %arg9[%dma_wait3A_521, %dma_wait3A_522] : memref<10240x16xf32, #tpu.memory_space<vmem_shared>> -> memref<10240x16xf32, #tpu.memory_space<vmem_shared>>
        tpu.wait_indirect_dma semaphore(%arg23 : memref<!tpu.dma_semaphore, #tpu.memory_space<semaphore_mem>>) src(%dma_wait3A_517 : memref<128x16xf32, #tpu.memory_space<vmem>>) dst(%dma_wait3A_523 : memref<10240x16xf32, #tpu.memory_space<vmem_shared>>)
        %add3A_524 = arith.constant 8 : i32
        %add3A_525 = arith.addi %add3A_488, %add3A_524 : i32
        %dma_start3A_526 = arith.constant 5 : i32
        %dma_start3A_527 = arith.constant 0 : i32
        %dma_start3A_528 = arith.constant 0 : i32
        %dma_start3A_529 = tpu.memref_slice %arg8[%dma_start3A_526, %dma_start3A_527, %dma_start3A_528] : memref<8x128x16xf32, #tpu.memory_space<vmem>> -> memref<1x128x16xf32, #tpu.memory_space<vmem>>
        %dma_start3A_530 = tpu.memref_squeeze %dma_start3A_529 : memref<1x128x16xf32, #tpu.memory_space<vmem>> -> memref<128x16xf32, #tpu.memory_space<vmem>>
        %dma_start3A_531 = arith.constant 0 : i32
        %dma_start3A_532 = tpu.memref_slice %arg6[%add3A_525, %dma_start3A_531] : memref<80x128xi32, #tpu.memory_space<vmem>> -> memref<1x128xi32, #tpu.memory_space<vmem>>
        %dma_start3A_533 = tpu.memref_squeeze %dma_start3A_532 : memref<1x128xi32, #tpu.memory_space<vmem>> -> memref<128xi32, #tpu.memory_space<vmem>>
        %dma_start3A_534 = arith.constant 0 : i32
        %dma_start3A_535 = arith.constant 0 : i32
        %dma_start3A_536 = tpu.memref_slice %arg2[%dma_start3A_534, %dma_start3A_535] : memref<10240x16xf32, #tpu.memory_space<hbm>> -> memref<10240x16xf32, #tpu.memory_space<hbm>>
        tpu.enqueue_indirect_dma source(%dma_start3A_536 : memref<10240x16xf32, #tpu.memory_space<hbm>>) target(%dma_start3A_530 : memref<128x16xf32, #tpu.memory_space<vmem>>) offsets(%dma_start3A_533 : memref<128xi32, #tpu.memory_space<vmem>>) semaphore(%arg15 : memref<!tpu.dma_semaphore, #tpu.memory_space<semaphore_mem>>)
      } else {
      }
      %mul3A_494 = arith.constant 8 : i32
      %mul3A_495 = arith.muli %scan3A_233, %mul3A_494 : i32
      %add3A_496 = arith.constant 6 : i32
      %add3A_497 = arith.addi %mul3A_495, %add3A_496 : i32
      %lt3A_498 = arith.constant 9 : i32
      %lt3A_499 = arith.cmpi slt, %scan3A_233, %lt3A_498 : i32
      %convert_element_type3A_500 = arith.extui %lt3A_499 : i1 to i32
      %cond3A_501 = arith.constant 0 : i32
      %cond3A_502 = arith.cmpi ne, %convert_element_type3A_500, %cond3A_501 : i32
      scf.if %cond3A_502 {
        %dma_wait3A_513 = arith.constant 6 : i32
        %dma_wait3A_514 = arith.constant 0 : i32
        %dma_wait3A_515 = arith.constant 0 : i32
        %dma_wait3A_516 = tpu.memref_slice %arg8[%dma_wait3A_513, %dma_wait3A_514, %dma_wait3A_515] : memref<8x128x16xf32, #tpu.memory_space<vmem>> -> memref<1x128x16xf32, #tpu.memory_space<vmem>>
        %dma_wait3A_517 = tpu.memref_squeeze %dma_wait3A_516 : memref<1x128x16xf32, #tpu.memory_space<vmem>> -> memref<128x16xf32, #tpu.memory_space<vmem>>
        %dma_wait3A_518 = arith.constant 0 : i32
        %dma_wait3A_519 = tpu.memref_slice %arg7[%add3A_497, %dma_wait3A_518] : memref<80x128xi32, #tpu.memory_space<vmem>> -> memref<1x128xi32, #tpu.memory_space<vmem>>
        %dma_wait3A_520 = tpu.memref_squeeze %dma_wait3A_519 : memref<1x128xi32, #tpu.memory_space<vmem>> -> memref<128xi32, #tpu.memory_space<vmem>>
        %dma_wait3A_521 = arith.constant 0 : i32
        %dma_wait3A_522 = arith.constant 0 : i32
        %dma_wait3A_523 = tpu.memref_slice %arg9[%dma_wait3A_521, %dma_wait3A_522] : memref<10240x16xf32, #tpu.memory_space<vmem_shared>> -> memref<10240x16xf32, #tpu.memory_space<vmem_shared>>
        tpu.wait_indirect_dma semaphore(%arg24 : memref<!tpu.dma_semaphore, #tpu.memory_space<semaphore_mem>>) src(%dma_wait3A_517 : memref<128x16xf32, #tpu.memory_space<vmem>>) dst(%dma_wait3A_523 : memref<10240x16xf32, #tpu.memory_space<vmem_shared>>)
        %add3A_524 = arith.constant 8 : i32
        %add3A_525 = arith.addi %add3A_497, %add3A_524 : i32
        %dma_start3A_526 = arith.constant 6 : i32
        %dma_start3A_527 = arith.constant 0 : i32
        %dma_start3A_528 = arith.constant 0 : i32
        %dma_start3A_529 = tpu.memref_slice %arg8[%dma_start3A_526, %dma_start3A_527, %dma_start3A_528] : memref<8x128x16xf32, #tpu.memory_space<vmem>> -> memref<1x128x16xf32, #tpu.memory_space<vmem>>
        %dma_start3A_530 = tpu.memref_squeeze %dma_start3A_529 : memref<1x128x16xf32, #tpu.memory_space<vmem>> -> memref<128x16xf32, #tpu.memory_space<vmem>>
        %dma_start3A_531 = arith.constant 0 : i32
        %dma_start3A_532 = tpu.memref_slice %arg6[%add3A_525, %dma_start3A_531] : memref<80x128xi32, #tpu.memory_space<vmem>> -> memref<1x128xi32, #tpu.memory_space<vmem>>
        %dma_start3A_533 = tpu.memref_squeeze %dma_start3A_532 : memref<1x128xi32, #tpu.memory_space<vmem>> -> memref<128xi32, #tpu.memory_space<vmem>>
        %dma_start3A_534 = arith.constant 0 : i32
        %dma_start3A_535 = arith.constant 0 : i32
        %dma_start3A_536 = tpu.memref_slice %arg2[%dma_start3A_534, %dma_start3A_535] : memref<10240x16xf32, #tpu.memory_space<hbm>> -> memref<10240x16xf32, #tpu.memory_space<hbm>>
        tpu.enqueue_indirect_dma source(%dma_start3A_536 : memref<10240x16xf32, #tpu.memory_space<hbm>>) target(%dma_start3A_530 : memref<128x16xf32, #tpu.memory_space<vmem>>) offsets(%dma_start3A_533 : memref<128xi32, #tpu.memory_space<vmem>>) semaphore(%arg16 : memref<!tpu.dma_semaphore, #tpu.memory_space<semaphore_mem>>)
      } else {
      }
      %mul3A_503 = arith.constant 8 : i32
      %mul3A_504 = arith.muli %scan3A_233, %mul3A_503 : i32
      %add3A_505 = arith.constant 7 : i32
      %add3A_506 = arith.addi %mul3A_504, %add3A_505 : i32
      %lt3A_507 = arith.constant 9 : i32
      %lt3A_508 = arith.cmpi slt, %scan3A_233, %lt3A_507 : i32
      %convert_element_type3A_509 = arith.extui %lt3A_508 : i1 to i32
      %cond3A_510 = arith.constant 0 : i32
      %cond3A_511 = arith.cmpi ne, %convert_element_type3A_509, %cond3A_510 : i32
      scf.if %cond3A_511 {
        %dma_wait3A_513 = arith.constant 7 : i32
        %dma_wait3A_514 = arith.constant 0 : i32
        %dma_wait3A_515 = arith.constant 0 : i32
        %dma_wait3A_516 = tpu.memref_slice %arg8[%dma_wait3A_513, %dma_wait3A_514, %dma_wait3A_515] : memref<8x128x16xf32, #tpu.memory_space<vmem>> -> memref<1x128x16xf32, #tpu.memory_space<vmem>>
        %dma_wait3A_517 = tpu.memref_squeeze %dma_wait3A_516 : memref<1x128x16xf32, #tpu.memory_space<vmem>> -> memref<128x16xf32, #tpu.memory_space<vmem>>
        %dma_wait3A_518 = arith.constant 0 : i32
        %dma_wait3A_519 = tpu.memref_slice %arg7[%add3A_506, %dma_wait3A_518] : memref<80x128xi32, #tpu.memory_space<vmem>> -> memref<1x128xi32, #tpu.memory_space<vmem>>
        %dma_wait3A_520 = tpu.memref_squeeze %dma_wait3A_519 : memref<1x128xi32, #tpu.memory_space<vmem>> -> memref<128xi32, #tpu.memory_space<vmem>>
        %dma_wait3A_521 = arith.constant 0 : i32
        %dma_wait3A_522 = arith.constant 0 : i32
        %dma_wait3A_523 = tpu.memref_slice %arg9[%dma_wait3A_521, %dma_wait3A_522] : memref<10240x16xf32, #tpu.memory_space<vmem_shared>> -> memref<10240x16xf32, #tpu.memory_space<vmem_shared>>
        tpu.wait_indirect_dma semaphore(%arg25 : memref<!tpu.dma_semaphore, #tpu.memory_space<semaphore_mem>>) src(%dma_wait3A_517 : memref<128x16xf32, #tpu.memory_space<vmem>>) dst(%dma_wait3A_523 : memref<10240x16xf32, #tpu.memory_space<vmem_shared>>)
        %add3A_524 = arith.constant 8 : i32
        %add3A_525 = arith.addi %add3A_506, %add3A_524 : i32
        %dma_start3A_526 = arith.constant 7 : i32
        %dma_start3A_527 = arith.constant 0 : i32
        %dma_start3A_528 = arith.constant 0 : i32
        %dma_start3A_529 = tpu.memref_slice %arg8[%dma_start3A_526, %dma_start3A_527, %dma_start3A_528] : memref<8x128x16xf32, #tpu.memory_space<vmem>> -> memref<1x128x16xf32, #tpu.memory_space<vmem>>
        %dma_start3A_530 = tpu.memref_squeeze %dma_start3A_529 : memref<1x128x16xf32, #tpu.memory_space<vmem>> -> memref<128x16xf32, #tpu.memory_space<vmem>>
        %dma_start3A_531 = arith.constant 0 : i32
        %dma_start3A_532 = tpu.memref_slice %arg6[%add3A_525, %dma_start3A_531] : memref<80x128xi32, #tpu.memory_space<vmem>> -> memref<1x128xi32, #tpu.memory_space<vmem>>
        %dma_start3A_533 = tpu.memref_squeeze %dma_start3A_532 : memref<1x128xi32, #tpu.memory_space<vmem>> -> memref<128xi32, #tpu.memory_space<vmem>>
        %dma_start3A_534 = arith.constant 0 : i32
        %dma_start3A_535 = arith.constant 0 : i32
        %dma_start3A_536 = tpu.memref_slice %arg2[%dma_start3A_534, %dma_start3A_535] : memref<10240x16xf32, #tpu.memory_space<hbm>> -> memref<10240x16xf32, #tpu.memory_space<hbm>>
        tpu.enqueue_indirect_dma source(%dma_start3A_536 : memref<10240x16xf32, #tpu.memory_space<hbm>>) target(%dma_start3A_530 : memref<128x16xf32, #tpu.memory_space<vmem>>) offsets(%dma_start3A_533 : memref<128xi32, #tpu.memory_space<vmem>>) semaphore(%arg17 : memref<!tpu.dma_semaphore, #tpu.memory_space<semaphore_mem>>)
      } else {
      }
      %scan3A_512 = arith.constant 0 : i32
      scf.yield %scan3A_512 : i32
    }
    %scan3A_132 = arith.constant 10 : i32
    %dma_wait3A = arith.constant 0 : i32
    %dma_wait3A_133 = arith.constant 72 : i32
    %dma_wait3A_134 = arith.constant 0 : i32
    %dma_wait3A_135 = arith.constant 0 : i32
    %dma_wait3A_136 = tpu.memref_slice %arg8[%dma_wait3A, %dma_wait3A_134, %dma_wait3A_135] : memref<8x128x16xf32, #tpu.memory_space<vmem>> -> memref<1x128x16xf32, #tpu.memory_space<vmem>>
    %dma_wait3A_137 = tpu.memref_squeeze %dma_wait3A_136 : memref<1x128x16xf32, #tpu.memory_space<vmem>> -> memref<128x16xf32, #tpu.memory_space<vmem>>
    %dma_wait3A_138 = arith.constant 0 : i32
    %dma_wait3A_139 = tpu.memref_slice %arg7[%dma_wait3A_133, %dma_wait3A_138] : memref<80x128xi32, #tpu.memory_space<vmem>> -> memref<1x128xi32, #tpu.memory_space<vmem>>
    %dma_wait3A_140 = tpu.memref_squeeze %dma_wait3A_139 : memref<1x128xi32, #tpu.memory_space<vmem>> -> memref<128xi32, #tpu.memory_space<vmem>>
    %dma_wait3A_141 = arith.constant 0 : i32
    %dma_wait3A_142 = arith.constant 0 : i32
    %dma_wait3A_143 = tpu.memref_slice %arg9[%dma_wait3A_141, %dma_wait3A_142] : memref<10240x16xf32, #tpu.memory_space<vmem_shared>> -> memref<10240x16xf32, #tpu.memory_space<vmem_shared>>
    tpu.wait_indirect_dma semaphore(%arg18 : memref<!tpu.dma_semaphore, #tpu.memory_space<semaphore_mem>>) src(%dma_wait3A_137 : memref<128x16xf32, #tpu.memory_space<vmem>>) dst(%dma_wait3A_143 : memref<10240x16xf32, #tpu.memory_space<vmem_shared>>)
    %dma_wait3A_144 = arith.constant 1 : i32
    %dma_wait3A_145 = arith.constant 73 : i32
    %dma_wait3A_146 = arith.constant 0 : i32
    %dma_wait3A_147 = arith.constant 0 : i32
    %dma_wait3A_148 = tpu.memref_slice %arg8[%dma_wait3A_144, %dma_wait3A_146, %dma_wait3A_147] : memref<8x128x16xf32, #tpu.memory_space<vmem>> -> memref<1x128x16xf32, #tpu.memory_space<vmem>>
    %dma_wait3A_149 = tpu.memref_squeeze %dma_wait3A_148 : memref<1x128x16xf32, #tpu.memory_space<vmem>> -> memref<128x16xf32, #tpu.memory_space<vmem>>
    %dma_wait3A_150 = arith.constant 0 : i32
    %dma_wait3A_151 = tpu.memref_slice %arg7[%dma_wait3A_145, %dma_wait3A_150] : memref<80x128xi32, #tpu.memory_space<vmem>> -> memref<1x128xi32, #tpu.memory_space<vmem>>
    %dma_wait3A_152 = tpu.memref_squeeze %dma_wait3A_151 : memref<1x128xi32, #tpu.memory_space<vmem>> -> memref<128xi32, #tpu.memory_space<vmem>>
    %dma_wait3A_153 = arith.constant 0 : i32
    %dma_wait3A_154 = arith.constant 0 : i32
    %dma_wait3A_155 = tpu.memref_slice %arg9[%dma_wait3A_153, %dma_wait3A_154] : memref<10240x16xf32, #tpu.memory_space<vmem_shared>> -> memref<10240x16xf32, #tpu.memory_space<vmem_shared>>
    tpu.wait_indirect_dma semaphore(%arg19 : memref<!tpu.dma_semaphore, #tpu.memory_space<semaphore_mem>>) src(%dma_wait3A_149 : memref<128x16xf32, #tpu.memory_space<vmem>>) dst(%dma_wait3A_155 : memref<10240x16xf32, #tpu.memory_space<vmem_shared>>)
    %dma_wait3A_156 = arith.constant 2 : i32
    %dma_wait3A_157 = arith.constant 74 : i32
    %dma_wait3A_158 = arith.constant 0 : i32
    %dma_wait3A_159 = arith.constant 0 : i32
    %dma_wait3A_160 = tpu.memref_slice %arg8[%dma_wait3A_156, %dma_wait3A_158, %dma_wait3A_159] : memref<8x128x16xf32, #tpu.memory_space<vmem>> -> memref<1x128x16xf32, #tpu.memory_space<vmem>>
    %dma_wait3A_161 = tpu.memref_squeeze %dma_wait3A_160 : memref<1x128x16xf32, #tpu.memory_space<vmem>> -> memref<128x16xf32, #tpu.memory_space<vmem>>
    %dma_wait3A_162 = arith.constant 0 : i32
    %dma_wait3A_163 = tpu.memref_slice %arg7[%dma_wait3A_157, %dma_wait3A_162] : memref<80x128xi32, #tpu.memory_space<vmem>> -> memref<1x128xi32, #tpu.memory_space<vmem>>
    %dma_wait3A_164 = tpu.memref_squeeze %dma_wait3A_163 : memref<1x128xi32, #tpu.memory_space<vmem>> -> memref<128xi32, #tpu.memory_space<vmem>>
    %dma_wait3A_165 = arith.constant 0 : i32
    %dma_wait3A_166 = arith.constant 0 : i32
    %dma_wait3A_167 = tpu.memref_slice %arg9[%dma_wait3A_165, %dma_wait3A_166] : memref<10240x16xf32, #tpu.memory_space<vmem_shared>> -> memref<10240x16xf32, #tpu.memory_space<vmem_shared>>
    tpu.wait_indirect_dma semaphore(%arg20 : memref<!tpu.dma_semaphore, #tpu.memory_space<semaphore_mem>>) src(%dma_wait3A_161 : memref<128x16xf32, #tpu.memory_space<vmem>>) dst(%dma_wait3A_167 : memref<10240x16xf32, #tpu.memory_space<vmem_shared>>)
    %dma_wait3A_168 = arith.constant 3 : i32
    %dma_wait3A_169 = arith.constant 75 : i32
    %dma_wait3A_170 = arith.constant 0 : i32
    %dma_wait3A_171 = arith.constant 0 : i32
    %dma_wait3A_172 = tpu.memref_slice %arg8[%dma_wait3A_168, %dma_wait3A_170, %dma_wait3A_171] : memref<8x128x16xf32, #tpu.memory_space<vmem>> -> memref<1x128x16xf32, #tpu.memory_space<vmem>>
    %dma_wait3A_173 = tpu.memref_squeeze %dma_wait3A_172 : memref<1x128x16xf32, #tpu.memory_space<vmem>> -> memref<128x16xf32, #tpu.memory_space<vmem>>
    %dma_wait3A_174 = arith.constant 0 : i32
    %dma_wait3A_175 = tpu.memref_slice %arg7[%dma_wait3A_169, %dma_wait3A_174] : memref<80x128xi32, #tpu.memory_space<vmem>> -> memref<1x128xi32, #tpu.memory_space<vmem>>
    %dma_wait3A_176 = tpu.memref_squeeze %dma_wait3A_175 : memref<1x128xi32, #tpu.memory_space<vmem>> -> memref<128xi32, #tpu.memory_space<vmem>>
    %dma_wait3A_177 = arith.constant 0 : i32
    %dma_wait3A_178 = arith.constant 0 : i32
    %dma_wait3A_179 = tpu.memref_slice %arg9[%dma_wait3A_177, %dma_wait3A_178] : memref<10240x16xf32, #tpu.memory_space<vmem_shared>> -> memref<10240x16xf32, #tpu.memory_space<vmem_shared>>
    tpu.wait_indirect_dma semaphore(%arg21 : memref<!tpu.dma_semaphore, #tpu.memory_space<semaphore_mem>>) src(%dma_wait3A_173 : memref<128x16xf32, #tpu.memory_space<vmem>>) dst(%dma_wait3A_179 : memref<10240x16xf32, #tpu.memory_space<vmem_shared>>)
    %dma_wait3A_180 = arith.constant 4 : i32
    %dma_wait3A_181 = arith.constant 76 : i32
    %dma_wait3A_182 = arith.constant 0 : i32
    %dma_wait3A_183 = arith.constant 0 : i32
    %dma_wait3A_184 = tpu.memref_slice %arg8[%dma_wait3A_180, %dma_wait3A_182, %dma_wait3A_183] : memref<8x128x16xf32, #tpu.memory_space<vmem>> -> memref<1x128x16xf32, #tpu.memory_space<vmem>>
    %dma_wait3A_185 = tpu.memref_squeeze %dma_wait3A_184 : memref<1x128x16xf32, #tpu.memory_space<vmem>> -> memref<128x16xf32, #tpu.memory_space<vmem>>
    %dma_wait3A_186 = arith.constant 0 : i32
    %dma_wait3A_187 = tpu.memref_slice %arg7[%dma_wait3A_181, %dma_wait3A_186] : memref<80x128xi32, #tpu.memory_space<vmem>> -> memref<1x128xi32, #tpu.memory_space<vmem>>
    %dma_wait3A_188 = tpu.memref_squeeze %dma_wait3A_187 : memref<1x128xi32, #tpu.memory_space<vmem>> -> memref<128xi32, #tpu.memory_space<vmem>>
    %dma_wait3A_189 = arith.constant 0 : i32
    %dma_wait3A_190 = arith.constant 0 : i32
    %dma_wait3A_191 = tpu.memref_slice %arg9[%dma_wait3A_189, %dma_wait3A_190] : memref<10240x16xf32, #tpu.memory_space<vmem_shared>> -> memref<10240x16xf32, #tpu.memory_space<vmem_shared>>
    tpu.wait_indirect_dma semaphore(%arg22 : memref<!tpu.dma_semaphore, #tpu.memory_space<semaphore_mem>>) src(%dma_wait3A_185 : memref<128x16xf32, #tpu.memory_space<vmem>>) dst(%dma_wait3A_191 : memref<10240x16xf32, #tpu.memory_space<vmem_shared>>)
    %dma_wait3A_192 = arith.constant 5 : i32
    %dma_wait3A_193 = arith.constant 77 : i32
    %dma_wait3A_194 = arith.constant 0 : i32
    %dma_wait3A_195 = arith.constant 0 : i32
    %dma_wait3A_196 = tpu.memref_slice %arg8[%dma_wait3A_192, %dma_wait3A_194, %dma_wait3A_195] : memref<8x128x16xf32, #tpu.memory_space<vmem>> -> memref<1x128x16xf32, #tpu.memory_space<vmem>>
    %dma_wait3A_197 = tpu.memref_squeeze %dma_wait3A_196 : memref<1x128x16xf32, #tpu.memory_space<vmem>> -> memref<128x16xf32, #tpu.memory_space<vmem>>
    %dma_wait3A_198 = arith.constant 0 : i32
    %dma_wait3A_199 = tpu.memref_slice %arg7[%dma_wait3A_193, %dma_wait3A_198] : memref<80x128xi32, #tpu.memory_space<vmem>> -> memref<1x128xi32, #tpu.memory_space<vmem>>
    %dma_wait3A_200 = tpu.memref_squeeze %dma_wait3A_199 : memref<1x128xi32, #tpu.memory_space<vmem>> -> memref<128xi32, #tpu.memory_space<vmem>>
    %dma_wait3A_201 = arith.constant 0 : i32
    %dma_wait3A_202 = arith.constant 0 : i32
    %dma_wait3A_203 = tpu.memref_slice %arg9[%dma_wait3A_201, %dma_wait3A_202] : memref<10240x16xf32, #tpu.memory_space<vmem_shared>> -> memref<10240x16xf32, #tpu.memory_space<vmem_shared>>
    tpu.wait_indirect_dma semaphore(%arg23 : memref<!tpu.dma_semaphore, #tpu.memory_space<semaphore_mem>>) src(%dma_wait3A_197 : memref<128x16xf32, #tpu.memory_space<vmem>>) dst(%dma_wait3A_203 : memref<10240x16xf32, #tpu.memory_space<vmem_shared>>)
    %dma_wait3A_204 = arith.constant 6 : i32
    %dma_wait3A_205 = arith.constant 78 : i32
    %dma_wait3A_206 = arith.constant 0 : i32
    %dma_wait3A_207 = arith.constant 0 : i32
    %dma_wait3A_208 = tpu.memref_slice %arg8[%dma_wait3A_204, %dma_wait3A_206, %dma_wait3A_207] : memref<8x128x16xf32, #tpu.memory_space<vmem>> -> memref<1x128x16xf32, #tpu.memory_space<vmem>>
    %dma_wait3A_209 = tpu.memref_squeeze %dma_wait3A_208 : memref<1x128x16xf32, #tpu.memory_space<vmem>> -> memref<128x16xf32, #tpu.memory_space<vmem>>
    %dma_wait3A_210 = arith.constant 0 : i32
    %dma_wait3A_211 = tpu.memref_slice %arg7[%dma_wait3A_205, %dma_wait3A_210] : memref<80x128xi32, #tpu.memory_space<vmem>> -> memref<1x128xi32, #tpu.memory_space<vmem>>
    %dma_wait3A_212 = tpu.memref_squeeze %dma_wait3A_211 : memref<1x128xi32, #tpu.memory_space<vmem>> -> memref<128xi32, #tpu.memory_space<vmem>>
    %dma_wait3A_213 = arith.constant 0 : i32
    %dma_wait3A_214 = arith.constant 0 : i32
    %dma_wait3A_215 = tpu.memref_slice %arg9[%dma_wait3A_213, %dma_wait3A_214] : memref<10240x16xf32, #tpu.memory_space<vmem_shared>> -> memref<10240x16xf32, #tpu.memory_space<vmem_shared>>
    tpu.wait_indirect_dma semaphore(%arg24 : memref<!tpu.dma_semaphore, #tpu.memory_space<semaphore_mem>>) src(%dma_wait3A_209 : memref<128x16xf32, #tpu.memory_space<vmem>>) dst(%dma_wait3A_215 : memref<10240x16xf32, #tpu.memory_space<vmem_shared>>)
    %dma_wait3A_216 = arith.constant 7 : i32
    %dma_wait3A_217 = arith.constant 79 : i32
    %dma_wait3A_218 = arith.constant 0 : i32
    %dma_wait3A_219 = arith.constant 0 : i32
    %dma_wait3A_220 = tpu.memref_slice %arg8[%dma_wait3A_216, %dma_wait3A_218, %dma_wait3A_219] : memref<8x128x16xf32, #tpu.memory_space<vmem>> -> memref<1x128x16xf32, #tpu.memory_space<vmem>>
    %dma_wait3A_221 = tpu.memref_squeeze %dma_wait3A_220 : memref<1x128x16xf32, #tpu.memory_space<vmem>> -> memref<128x16xf32, #tpu.memory_space<vmem>>
    %dma_wait3A_222 = arith.constant 0 : i32
    %dma_wait3A_223 = tpu.memref_slice %arg7[%dma_wait3A_217, %dma_wait3A_222] : memref<80x128xi32, #tpu.memory_space<vmem>> -> memref<1x128xi32, #tpu.memory_space<vmem>>
    %dma_wait3A_224 = tpu.memref_squeeze %dma_wait3A_223 : memref<1x128xi32, #tpu.memory_space<vmem>> -> memref<128xi32, #tpu.memory_space<vmem>>
    %dma_wait3A_225 = arith.constant 0 : i32
    %dma_wait3A_226 = arith.constant 0 : i32
    %dma_wait3A_227 = tpu.memref_slice %arg9[%dma_wait3A_225, %dma_wait3A_226] : memref<10240x16xf32, #tpu.memory_space<vmem_shared>> -> memref<10240x16xf32, #tpu.memory_space<vmem_shared>>
    tpu.wait_indirect_dma semaphore(%arg25 : memref<!tpu.dma_semaphore, #tpu.memory_space<semaphore_mem>>) src(%dma_wait3A_221 : memref<128x16xf32, #tpu.memory_space<vmem>>) dst(%dma_wait3A_227 : memref<10240x16xf32, #tpu.memory_space<vmem_shared>>)
    %barrier3A_228 = arith.constant 0 : index
    tpu.barrier barrier_id(%barrier3A_228)
    %mul3A_229 = arith.constant 640 : i32
    %mul3A_230 = arith.muli %arg1, %mul3A_229 : i32
    %mul3A_231 = arith.constant 640 : i32
    %mul3A_232 = arith.muli %arg1, %mul3A_231 : i32
    "tpu.region"() ({
      %run_scoped3A_233 = tpu.sem_alloc : memref<!tpu.dma_semaphore, #tpu.memory_space<semaphore_mem>>
      %dma_start3A_234 = arith.constant 0 : i32
      %dma_start3A_235 = tpu.memref_slice %arg5[%arg0, %mul3A_232, %dma_start3A_234] : memref<2x10240x16xf32, #tpu.memory_space<hbm>> -> memref<1x640x16xf32, #tpu.memory_space<hbm>>
      %dma_start3A_236 = tpu.memref_squeeze %dma_start3A_235 : memref<1x640x16xf32, #tpu.memory_space<hbm>> -> memref<640x16xf32, #tpu.memory_space<hbm>>
      %dma_start3A_237 = arith.constant 0 : i32
      %dma_start3A_238 = tpu.memref_slice %arg9[%mul3A_230, %dma_start3A_237] : memref<10240x16xf32, #tpu.memory_space<vmem_shared>> -> memref<640x16xf32, #tpu.memory_space<vmem_shared>>
      tpu.enqueue_dma source(%dma_start3A_238 : memref<640x16xf32, #tpu.memory_space<vmem_shared>>) target(%dma_start3A_236 : memref<640x16xf32, #tpu.memory_space<hbm>>) target_semaphore(%run_scoped3A_233 : memref<!tpu.dma_semaphore, #tpu.memory_space<semaphore_mem>>)
      %dma_wait3A_239 = arith.constant 0 : i32
      %dma_wait3A_240 = tpu.memref_slice %arg5[%arg0, %mul3A_232, %dma_wait3A_239] : memref<2x10240x16xf32, #tpu.memory_space<hbm>> -> memref<1x640x16xf32, #tpu.memory_space<hbm>>
      %dma_wait3A_241 = tpu.memref_squeeze %dma_wait3A_240 : memref<1x640x16xf32, #tpu.memory_space<hbm>> -> memref<640x16xf32, #tpu.memory_space<hbm>>
      %dma_wait3A_242 = arith.constant 0 : i32
      %dma_wait3A_243 = tpu.memref_slice %arg9[%mul3A_230, %dma_wait3A_242] : memref<10240x16xf32, #tpu.memory_space<vmem_shared>> -> memref<640x16xf32, #tpu.memory_space<vmem_shared>>
      tpu.wait_dma2 semaphore(%run_scoped3A_233 : memref<!tpu.dma_semaphore, #tpu.memory_space<semaphore_mem>>) src(%dma_wait3A_243 : memref<640x16xf32, #tpu.memory_space<vmem_shared>>) dst(%dma_wait3A_241 : memref<640x16xf32, #tpu.memory_space<hbm>>)
      tpu.yield
    }) : () -> ()
    return
  }
}

#map = affine_map<(d0, d1) -> (0, 0)>
#map1 = affine_map<(d0, d1) -> (0, 0, 0)>
module attributes {stable_mosaic.version = 14 : i64} {
  func.func @_agg128_sc(%arg0: i32, %arg1: i32, %arg2: memref<10240x128xf32, #tpu.memory_space<hbm>>, %arg3: memref<32x128x80xi32, #tpu.memory_space<hbm>>, %arg4: memref<32x128x80xi32, #tpu.memory_space<hbm>>, %arg5: memref<2x10240x128xf32, #tpu.memory_space<hbm>>, %arg6: memref<32x80xi32, #tpu.memory_space<vmem>>, %arg7: memref<32x80xi32, #tpu.memory_space<vmem>>, %arg8: memref<4x80x128xf32, #tpu.memory_space<vmem>>, %arg9: memref<10240x128xf32, #tpu.memory_space<vmem_shared>>, %arg10: memref<!tpu.dma_semaphore, #tpu.memory_space<semaphore_mem>>, %arg11: memref<!tpu.dma_semaphore, #tpu.memory_space<semaphore_mem>>, %arg12: memref<!tpu.dma_semaphore, #tpu.memory_space<semaphore_mem>>, %arg13: memref<!tpu.dma_semaphore, #tpu.memory_space<semaphore_mem>>, %arg14: memref<!tpu.dma_semaphore, #tpu.memory_space<semaphore_mem>>, %arg15: memref<!tpu.dma_semaphore, #tpu.memory_space<semaphore_mem>>, %arg16: memref<!tpu.dma_semaphore, #tpu.memory_space<semaphore_mem>>, %arg17: memref<!tpu.dma_semaphore, #tpu.memory_space<semaphore_mem>>) attributes {dimension_semantics = [#tpu.dimension_semantics<core_parallel>, #tpu.dimension_semantics<subcore_parallel>], iteration_bounds = array<i64: 2, 16>, scalar_prefetch = 0 : i64, scratch_operands = 12 : i64, tpu.core_type = #tpu.core_type<sc_vector_subcore>, window_params = [{transform_indices = #map}, {transform_indices = #map1}, {transform_indices = #map1}, {transform_indices = #map1}]} {
    %mul3A = arith.constant 2 : i32
    %mul3A_0 = arith.muli %arg1, %mul3A : i32
    %add3A = arith.addi %mul3A_0, %arg0 : i32
    %scan3A = arith.constant 0 : i32
    %scan3A_1 = arith.constant 0 : i32
    %scan3A_2 = arith.constant 80 : i32
    %scan3A_3 = arith.addi %scan3A_1, %scan3A_2 : i32
    %scan3A_4 = arith.constant 1 : i32
    %scan3A_5 = scf.for %scan3A_461 = %scan3A_1 to %scan3A_3 step %scan3A_4 iter_args(%scan3A_462 = %scan3A) -> (i32)  : i32 {
      %broadcast_in_dim3A = arith.constant 0.000000e+00 : f32
      %broadcast_in_dim3A_463 = vector.broadcast %broadcast_in_dim3A : f32 to vector<16xf32>
      %swap3A = arith.constant 0 : i32
      %swap3A_464 = arith.index_cast %swap3A : i32 to index
      %swap3A_465 = arith.index_cast %scan3A_461 : i32 to index
      %swap3A_466 = arith.constant 0 : index
      %swap3A_467 = tpu.vector_load %arg8[%swap3A_464, %swap3A_465, %swap3A_466] {strides = array<i32>} : memref<4x80x128xf32, #tpu.memory_space<vmem>>, vector<1x1x16xf32>,
      %swap3A_468 = vector.shape_cast %swap3A_467 : vector<1x1x16xf32> to vector<16xf32>
      %swap3A_469 = vector.shape_cast %broadcast_in_dim3A_463 : vector<16xf32> to vector<1x1x16xf32>
      tpu.vector_store %arg8[%swap3A_464, %swap3A_465, %swap3A_466], %swap3A_469 {strides = array<i32>} : memref<4x80x128xf32, #tpu.memory_space<vmem>>, vector<1x1x16xf32>,
      %broadcast_in_dim3A_470 = arith.constant 0.000000e+00 : f32
      %broadcast_in_dim3A_471 = vector.broadcast %broadcast_in_dim3A_470 : f32 to vector<16xf32>
      %swap3A_472 = arith.constant 0 : i32
      %swap3A_473 = arith.index_cast %swap3A_472 : i32 to index
      %swap3A_474 = arith.index_cast %scan3A_461 : i32 to index
      %swap3A_475 = arith.constant 16 : index
      %swap3A_476 = tpu.vector_load %arg8[%swap3A_473, %swap3A_474, %swap3A_475] {strides = array<i32>} : memref<4x80x128xf32, #tpu.memory_space<vmem>>, vector<1x1x16xf32>,
      %swap3A_477 = vector.shape_cast %swap3A_476 : vector<1x1x16xf32> to vector<16xf32>
      %swap3A_478 = vector.shape_cast %broadcast_in_dim3A_471 : vector<16xf32> to vector<1x1x16xf32>
      tpu.vector_store %arg8[%swap3A_473, %swap3A_474, %swap3A_475], %swap3A_478 {strides = array<i32>} : memref<4x80x128xf32, #tpu.memory_space<vmem>>, vector<1x1x16xf32>,
      %broadcast_in_dim3A_479 = arith.constant 0.000000e+00 : f32
      %broadcast_in_dim3A_480 = vector.broadcast %broadcast_in_dim3A_479 : f32 to vector<16xf32>
      %swap3A_481 = arith.constant 0 : i32
      %swap3A_482 = arith.index_cast %swap3A_481 : i32 to index
      %swap3A_483 = arith.index_cast %scan3A_461 : i32 to index
      %swap3A_484 = arith.constant 32 : index
      %swap3A_485 = tpu.vector_load %arg8[%swap3A_482, %swap3A_483, %swap3A_484] {strides = array<i32>} : memref<4x80x128xf32, #tpu.memory_space<vmem>>, vector<1x1x16xf32>,
      %swap3A_486 = vector.shape_cast %swap3A_485 : vector<1x1x16xf32> to vector<16xf32>
      %swap3A_487 = vector.shape_cast %broadcast_in_dim3A_480 : vector<16xf32> to vector<1x1x16xf32>
      tpu.vector_store %arg8[%swap3A_482, %swap3A_483, %swap3A_484], %swap3A_487 {strides = array<i32>} : memref<4x80x128xf32, #tpu.memory_space<vmem>>, vector<1x1x16xf32>,
      %broadcast_in_dim3A_488 = arith.constant 0.000000e+00 : f32
      %broadcast_in_dim3A_489 = vector.broadcast %broadcast_in_dim3A_488 : f32 to vector<16xf32>
      %swap3A_490 = arith.constant 0 : i32
      %swap3A_491 = arith.index_cast %swap3A_490 : i32 to index
      %swap3A_492 = arith.index_cast %scan3A_461 : i32 to index
      %swap3A_493 = arith.constant 48 : index
      %swap3A_494 = tpu.vector_load %arg8[%swap3A_491, %swap3A_492, %swap3A_493] {strides = array<i32>} : memref<4x80x128xf32, #tpu.memory_space<vmem>>, vector<1x1x16xf32>,
      %swap3A_495 = vector.shape_cast %swap3A_494 : vector<1x1x16xf32> to vector<16xf32>
      %swap3A_496 = vector.shape_cast %broadcast_in_dim3A_489 : vector<16xf32> to vector<1x1x16xf32>
      tpu.vector_store %arg8[%swap3A_491, %swap3A_492, %swap3A_493], %swap3A_496 {strides = array<i32>} : memref<4x80x128xf32, #tpu.memory_space<vmem>>, vector<1x1x16xf32>,
      %broadcast_in_dim3A_497 = arith.constant 0.000000e+00 : f32
      %broadcast_in_dim3A_498 = vector.broadcast %broadcast_in_dim3A_497 : f32 to vector<16xf32>
      %swap3A_499 = arith.constant 0 : i32
      %swap3A_500 = arith.index_cast %swap3A_499 : i32 to index
      %swap3A_501 = arith.index_cast %scan3A_461 : i32 to index
      %swap3A_502 = arith.constant 64 : index
      %swap3A_503 = tpu.vector_load %arg8[%swap3A_500, %swap3A_501, %swap3A_502] {strides = array<i32>} : memref<4x80x128xf32, #tpu.memory_space<vmem>>, vector<1x1x16xf32>,
      %swap3A_504 = vector.shape_cast %swap3A_503 : vector<1x1x16xf32> to vector<16xf32>
      %swap3A_505 = vector.shape_cast %broadcast_in_dim3A_498 : vector<16xf32> to vector<1x1x16xf32>
      tpu.vector_store %arg8[%swap3A_500, %swap3A_501, %swap3A_502], %swap3A_505 {strides = array<i32>} : memref<4x80x128xf32, #tpu.memory_space<vmem>>, vector<1x1x16xf32>,
      %broadcast_in_dim3A_506 = arith.constant 0.000000e+00 : f32
      %broadcast_in_dim3A_507 = vector.broadcast %broadcast_in_dim3A_506 : f32 to vector<16xf32>
      %swap3A_508 = arith.constant 0 : i32
      %swap3A_509 = arith.index_cast %swap3A_508 : i32 to index
      %swap3A_510 = arith.index_cast %scan3A_461 : i32 to index
      %swap3A_511 = arith.constant 80 : index
      %swap3A_512 = tpu.vector_load %arg8[%swap3A_509, %swap3A_510, %swap3A_511] {strides = array<i32>} : memref<4x80x128xf32, #tpu.memory_space<vmem>>, vector<1x1x16xf32>,
      %swap3A_513 = vector.shape_cast %swap3A_512 : vector<1x1x16xf32> to vector<16xf32>
      %swap3A_514 = vector.shape_cast %broadcast_in_dim3A_507 : vector<16xf32> to vector<1x1x16xf32>
      tpu.vector_store %arg8[%swap3A_509, %swap3A_510, %swap3A_511], %swap3A_514 {strides = array<i32>} : memref<4x80x128xf32, #tpu.memory_space<vmem>>, vector<1x1x16xf32>,
      %broadcast_in_dim3A_515 = arith.constant 0.000000e+00 : f32
      %broadcast_in_dim3A_516 = vector.broadcast %broadcast_in_dim3A_515 : f32 to vector<16xf32>
      %swap3A_517 = arith.constant 0 : i32
      %swap3A_518 = arith.index_cast %swap3A_517 : i32 to index
      %swap3A_519 = arith.index_cast %scan3A_461 : i32 to index
      %swap3A_520 = arith.constant 96 : index
      %swap3A_521 = tpu.vector_load %arg8[%swap3A_518, %swap3A_519, %swap3A_520] {strides = array<i32>} : memref<4x80x128xf32, #tpu.memory_space<vmem>>, vector<1x1x16xf32>,
      %swap3A_522 = vector.shape_cast %swap3A_521 : vector<1x1x16xf32> to vector<16xf32>
      %swap3A_523 = vector.shape_cast %broadcast_in_dim3A_516 : vector<16xf32> to vector<1x1x16xf32>
      tpu.vector_store %arg8[%swap3A_518, %swap3A_519, %swap3A_520], %swap3A_523 {strides = array<i32>} : memref<4x80x128xf32, #tpu.memory_space<vmem>>, vector<1x1x16xf32>,
      %broadcast_in_dim3A_524 = arith.constant 0.000000e+00 : f32
      %broadcast_in_dim3A_525 = vector.broadcast %broadcast_in_dim3A_524 : f32 to vector<16xf32>
      %swap3A_526 = arith.constant 0 : i32
      %swap3A_527 = arith.index_cast %swap3A_526 : i32 to index
      %swap3A_528 = arith.index_cast %scan3A_461 : i32 to index
      %swap3A_529 = arith.constant 112 : index
      %swap3A_530 = tpu.vector_load %arg8[%swap3A_527, %swap3A_528, %swap3A_529] {strides = array<i32>} : memref<4x80x128xf32, #tpu.memory_space<vmem>>, vector<1x1x16xf32>,
      %swap3A_531 = vector.shape_cast %swap3A_530 : vector<1x1x16xf32> to vector<16xf32>
      %swap3A_532 = vector.shape_cast %broadcast_in_dim3A_525 : vector<16xf32> to vector<1x1x16xf32>
      tpu.vector_store %arg8[%swap3A_527, %swap3A_528, %swap3A_529], %swap3A_532 {strides = array<i32>} : memref<4x80x128xf32, #tpu.memory_space<vmem>>, vector<1x1x16xf32>,
      %scan3A_533 = arith.constant 0 : i32
      scf.yield %scan3A_533 : i32
    }
    %scan3A_6 = arith.constant 80 : i32
    %mul3A_7 = arith.constant 640 : i32
    %mul3A_8 = arith.muli %arg1, %mul3A_7 : i32
    %add3A_9 = arith.constant 0 : i32
    %add3A_10 = arith.addi %mul3A_8, %add3A_9 : i32
    %run_scoped3A = arith.constant 0 : i32
    "tpu.region"() ({
      %run_scoped3A_461 = tpu.sem_alloc : memref<!tpu.dma_semaphore, #tpu.memory_space<semaphore_mem>>
      %dma_start3A_462 = arith.constant 0 : i32
      %dma_start3A_463 = arith.constant 0 : i32
      %dma_start3A_464 = tpu.memref_slice %arg8[%run_scoped3A, %dma_start3A_462, %dma_start3A_463] : memref<4x80x128xf32, #tpu.memory_space<vmem>> -> memref<1x80x128xf32, #tpu.memory_space<vmem>>
      %dma_start3A_465 = tpu.memref_squeeze %dma_start3A_464 : memref<1x80x128xf32, #tpu.memory_space<vmem>> -> memref<80x128xf32, #tpu.memory_space<vmem>>
      %dma_start3A_466 = arith.constant 0 : i32
      %dma_start3A_467 = tpu.memref_slice %arg9[%add3A_10, %dma_start3A_466] : memref<10240x128xf32, #tpu.memory_space<vmem_shared>> -> memref<80x128xf32, #tpu.memory_space<vmem_shared>>
      %dma_start3A_468 = arith.constant 0 : i32
      %dma_start3A_469 = tpu.memref_slice %arg9[%add3A_10, %dma_start3A_468] : memref<10240x128xf32, #tpu.memory_space<vmem_shared>> -> memref<80x128xf32, #tpu.memory_space<vmem_shared>>
      %dma_start3A_470 = arith.constant 0 : i32
      %dma_start3A_471 = arith.constant 0 : i32
      %dma_start3A_472 = tpu.memref_slice %arg8[%run_scoped3A, %dma_start3A_470, %dma_start3A_471] : memref<4x80x128xf32, #tpu.memory_space<vmem>> -> memref<1x80x128xf32, #tpu.memory_space<vmem>>
      %dma_start3A_473 = tpu.memref_squeeze %dma_start3A_472 : memref<1x80x128xf32, #tpu.memory_space<vmem>> -> memref<80x128xf32, #tpu.memory_space<vmem>>
      tpu.enqueue_dma source(%dma_start3A_473 : memref<80x128xf32, #tpu.memory_space<vmem>>) target(%dma_start3A_469 : memref<80x128xf32, #tpu.memory_space<vmem_shared>>) target_semaphore(%run_scoped3A_461 : memref<!tpu.dma_semaphore, #tpu.memory_space<semaphore_mem>>)
      %dma_wait3A_474 = arith.constant 0 : i32
      %dma_wait3A_475 = arith.constant 0 : i32
      %dma_wait3A_476 = tpu.memref_slice %arg8[%run_scoped3A, %dma_wait3A_474, %dma_wait3A_475] : memref<4x80x128xf32, #tpu.memory_space<vmem>> -> memref<1x80x128xf32, #tpu.memory_space<vmem>>
      %dma_wait3A_477 = tpu.memref_squeeze %dma_wait3A_476 : memref<1x80x128xf32, #tpu.memory_space<vmem>> -> memref<80x128xf32, #tpu.memory_space<vmem>>
      %dma_wait3A_478 = arith.constant 0 : i32
      %dma_wait3A_479 = tpu.memref_slice %arg9[%add3A_10, %dma_wait3A_478] : memref<10240x128xf32, #tpu.memory_space<vmem_shared>> -> memref<80x128xf32, #tpu.memory_space<vmem_shared>>
      %dma_wait3A_480 = arith.constant 0 : i32
      %dma_wait3A_481 = tpu.memref_slice %arg9[%add3A_10, %dma_wait3A_480] : memref<10240x128xf32, #tpu.memory_space<vmem_shared>> -> memref<80x128xf32, #tpu.memory_space<vmem_shared>>
      %dma_wait3A_482 = arith.constant 0 : i32
      %dma_wait3A_483 = arith.constant 0 : i32
      %dma_wait3A_484 = tpu.memref_slice %arg8[%run_scoped3A, %dma_wait3A_482, %dma_wait3A_483] : memref<4x80x128xf32, #tpu.memory_space<vmem>> -> memref<1x80x128xf32, #tpu.memory_space<vmem>>
      %dma_wait3A_485 = tpu.memref_squeeze %dma_wait3A_484 : memref<1x80x128xf32, #tpu.memory_space<vmem>> -> memref<80x128xf32, #tpu.memory_space<vmem>>
      tpu.wait_dma2 semaphore(%run_scoped3A_461 : memref<!tpu.dma_semaphore, #tpu.memory_space<semaphore_mem>>) src(%dma_wait3A_485 : memref<80x128xf32, #tpu.memory_space<vmem>>) dst(%dma_wait3A_481 : memref<80x128xf32, #tpu.memory_space<vmem_shared>>)
      tpu.yield
    }) : () -> ()
    %mul3A_11 = arith.constant 640 : i32
    %mul3A_12 = arith.muli %arg1, %mul3A_11 : i32
    %add3A_13 = arith.constant 80 : i32
    %add3A_14 = arith.addi %mul3A_12, %add3A_13 : i32
    %run_scoped3A_15 = arith.constant 0 : i32
    "tpu.region"() ({
      %run_scoped3A_461 = tpu.sem_alloc : memref<!tpu.dma_semaphore, #tpu.memory_space<semaphore_mem>>
      %dma_start3A_462 = arith.constant 0 : i32
      %dma_start3A_463 = arith.constant 0 : i32
      %dma_start3A_464 = tpu.memref_slice %arg8[%run_scoped3A_15, %dma_start3A_462, %dma_start3A_463] : memref<4x80x128xf32, #tpu.memory_space<vmem>> -> memref<1x80x128xf32, #tpu.memory_space<vmem>>
      %dma_start3A_465 = tpu.memref_squeeze %dma_start3A_464 : memref<1x80x128xf32, #tpu.memory_space<vmem>> -> memref<80x128xf32, #tpu.memory_space<vmem>>
      %dma_start3A_466 = arith.constant 0 : i32
      %dma_start3A_467 = tpu.memref_slice %arg9[%add3A_14, %dma_start3A_466] : memref<10240x128xf32, #tpu.memory_space<vmem_shared>> -> memref<80x128xf32, #tpu.memory_space<vmem_shared>>
      %dma_start3A_468 = arith.constant 0 : i32
      %dma_start3A_469 = tpu.memref_slice %arg9[%add3A_14, %dma_start3A_468] : memref<10240x128xf32, #tpu.memory_space<vmem_shared>> -> memref<80x128xf32, #tpu.memory_space<vmem_shared>>
      %dma_start3A_470 = arith.constant 0 : i32
      %dma_start3A_471 = arith.constant 0 : i32
      %dma_start3A_472 = tpu.memref_slice %arg8[%run_scoped3A_15, %dma_start3A_470, %dma_start3A_471] : memref<4x80x128xf32, #tpu.memory_space<vmem>> -> memref<1x80x128xf32, #tpu.memory_space<vmem>>
      %dma_start3A_473 = tpu.memref_squeeze %dma_start3A_472 : memref<1x80x128xf32, #tpu.memory_space<vmem>> -> memref<80x128xf32, #tpu.memory_space<vmem>>
      tpu.enqueue_dma source(%dma_start3A_473 : memref<80x128xf32, #tpu.memory_space<vmem>>) target(%dma_start3A_469 : memref<80x128xf32, #tpu.memory_space<vmem_shared>>) target_semaphore(%run_scoped3A_461 : memref<!tpu.dma_semaphore, #tpu.memory_space<semaphore_mem>>)
      %dma_wait3A_474 = arith.constant 0 : i32
      %dma_wait3A_475 = arith.constant 0 : i32
      %dma_wait3A_476 = tpu.memref_slice %arg8[%run_scoped3A_15, %dma_wait3A_474, %dma_wait3A_475] : memref<4x80x128xf32, #tpu.memory_space<vmem>> -> memref<1x80x128xf32, #tpu.memory_space<vmem>>
      %dma_wait3A_477 = tpu.memref_squeeze %dma_wait3A_476 : memref<1x80x128xf32, #tpu.memory_space<vmem>> -> memref<80x128xf32, #tpu.memory_space<vmem>>
      %dma_wait3A_478 = arith.constant 0 : i32
      %dma_wait3A_479 = tpu.memref_slice %arg9[%add3A_14, %dma_wait3A_478] : memref<10240x128xf32, #tpu.memory_space<vmem_shared>> -> memref<80x128xf32, #tpu.memory_space<vmem_shared>>
      %dma_wait3A_480 = arith.constant 0 : i32
      %dma_wait3A_481 = tpu.memref_slice %arg9[%add3A_14, %dma_wait3A_480] : memref<10240x128xf32, #tpu.memory_space<vmem_shared>> -> memref<80x128xf32, #tpu.memory_space<vmem_shared>>
      %dma_wait3A_482 = arith.constant 0 : i32
      %dma_wait3A_483 = arith.constant 0 : i32
      %dma_wait3A_484 = tpu.memref_slice %arg8[%run_scoped3A_15, %dma_wait3A_482, %dma_wait3A_483] : memref<4x80x128xf32, #tpu.memory_space<vmem>> -> memref<1x80x128xf32, #tpu.memory_space<vmem>>
      %dma_wait3A_485 = tpu.memref_squeeze %dma_wait3A_484 : memref<1x80x128xf32, #tpu.memory_space<vmem>> -> memref<80x128xf32, #tpu.memory_space<vmem>>
      tpu.wait_dma2 semaphore(%run_scoped3A_461 : memref<!tpu.dma_semaphore, #tpu.memory_space<semaphore_mem>>) src(%dma_wait3A_485 : memref<80x128xf32, #tpu.memory_space<vmem>>) dst(%dma_wait3A_481 : memref<80x128xf32, #tpu.memory_space<vmem_shared>>)
      tpu.yield
    }) : () -> ()
    %mul3A_16 = arith.constant 640 : i32
    %mul3A_17 = arith.muli %arg1, %mul3A_16 : i32
    %add3A_18 = arith.constant 160 : i32
    %add3A_19 = arith.addi %mul3A_17, %add3A_18 : i32
    %run_scoped3A_20 = arith.constant 0 : i32
    "tpu.region"() ({
      %run_scoped3A_461 = tpu.sem_alloc : memref<!tpu.dma_semaphore, #tpu.memory_space<semaphore_mem>>
      %dma_start3A_462 = arith.constant 0 : i32
      %dma_start3A_463 = arith.constant 0 : i32
      %dma_start3A_464 = tpu.memref_slice %arg8[%run_scoped3A_20, %dma_start3A_462, %dma_start3A_463] : memref<4x80x128xf32, #tpu.memory_space<vmem>> -> memref<1x80x128xf32, #tpu.memory_space<vmem>>
      %dma_start3A_465 = tpu.memref_squeeze %dma_start3A_464 : memref<1x80x128xf32, #tpu.memory_space<vmem>> -> memref<80x128xf32, #tpu.memory_space<vmem>>
      %dma_start3A_466 = arith.constant 0 : i32
      %dma_start3A_467 = tpu.memref_slice %arg9[%add3A_19, %dma_start3A_466] : memref<10240x128xf32, #tpu.memory_space<vmem_shared>> -> memref<80x128xf32, #tpu.memory_space<vmem_shared>>
      %dma_start3A_468 = arith.constant 0 : i32
      %dma_start3A_469 = tpu.memref_slice %arg9[%add3A_19, %dma_start3A_468] : memref<10240x128xf32, #tpu.memory_space<vmem_shared>> -> memref<80x128xf32, #tpu.memory_space<vmem_shared>>
      %dma_start3A_470 = arith.constant 0 : i32
      %dma_start3A_471 = arith.constant 0 : i32
      %dma_start3A_472 = tpu.memref_slice %arg8[%run_scoped3A_20, %dma_start3A_470, %dma_start3A_471] : memref<4x80x128xf32, #tpu.memory_space<vmem>> -> memref<1x80x128xf32, #tpu.memory_space<vmem>>
      %dma_start3A_473 = tpu.memref_squeeze %dma_start3A_472 : memref<1x80x128xf32, #tpu.memory_space<vmem>> -> memref<80x128xf32, #tpu.memory_space<vmem>>
      tpu.enqueue_dma source(%dma_start3A_473 : memref<80x128xf32, #tpu.memory_space<vmem>>) target(%dma_start3A_469 : memref<80x128xf32, #tpu.memory_space<vmem_shared>>) target_semaphore(%run_scoped3A_461 : memref<!tpu.dma_semaphore, #tpu.memory_space<semaphore_mem>>)
      %dma_wait3A_474 = arith.constant 0 : i32
      %dma_wait3A_475 = arith.constant 0 : i32
      %dma_wait3A_476 = tpu.memref_slice %arg8[%run_scoped3A_20, %dma_wait3A_474, %dma_wait3A_475] : memref<4x80x128xf32, #tpu.memory_space<vmem>> -> memref<1x80x128xf32, #tpu.memory_space<vmem>>
      %dma_wait3A_477 = tpu.memref_squeeze %dma_wait3A_476 : memref<1x80x128xf32, #tpu.memory_space<vmem>> -> memref<80x128xf32, #tpu.memory_space<vmem>>
      %dma_wait3A_478 = arith.constant 0 : i32
      %dma_wait3A_479 = tpu.memref_slice %arg9[%add3A_19, %dma_wait3A_478] : memref<10240x128xf32, #tpu.memory_space<vmem_shared>> -> memref<80x128xf32, #tpu.memory_space<vmem_shared>>
      %dma_wait3A_480 = arith.constant 0 : i32
      %dma_wait3A_481 = tpu.memref_slice %arg9[%add3A_19, %dma_wait3A_480] : memref<10240x128xf32, #tpu.memory_space<vmem_shared>> -> memref<80x128xf32, #tpu.memory_space<vmem_shared>>
      %dma_wait3A_482 = arith.constant 0 : i32
      %dma_wait3A_483 = arith.constant 0 : i32
      %dma_wait3A_484 = tpu.memref_slice %arg8[%run_scoped3A_20, %dma_wait3A_482, %dma_wait3A_483] : memref<4x80x128xf32, #tpu.memory_space<vmem>> -> memref<1x80x128xf32, #tpu.memory_space<vmem>>
      %dma_wait3A_485 = tpu.memref_squeeze %dma_wait3A_484 : memref<1x80x128xf32, #tpu.memory_space<vmem>> -> memref<80x128xf32, #tpu.memory_space<vmem>>
      tpu.wait_dma2 semaphore(%run_scoped3A_461 : memref<!tpu.dma_semaphore, #tpu.memory_space<semaphore_mem>>) src(%dma_wait3A_485 : memref<80x128xf32, #tpu.memory_space<vmem>>) dst(%dma_wait3A_481 : memref<80x128xf32, #tpu.memory_space<vmem_shared>>)
      tpu.yield
    }) : () -> ()
    %mul3A_21 = arith.constant 640 : i32
    %mul3A_22 = arith.muli %arg1, %mul3A_21 : i32
    %add3A_23 = arith.constant 240 : i32
    %add3A_24 = arith.addi %mul3A_22, %add3A_23 : i32
    %run_scoped3A_25 = arith.constant 0 : i32
    "tpu.region"() ({
      %run_scoped3A_461 = tpu.sem_alloc : memref<!tpu.dma_semaphore, #tpu.memory_space<semaphore_mem>>
      %dma_start3A_462 = arith.constant 0 : i32
      %dma_start3A_463 = arith.constant 0 : i32
      %dma_start3A_464 = tpu.memref_slice %arg8[%run_scoped3A_25, %dma_start3A_462, %dma_start3A_463] : memref<4x80x128xf32, #tpu.memory_space<vmem>> -> memref<1x80x128xf32, #tpu.memory_space<vmem>>
      %dma_start3A_465 = tpu.memref_squeeze %dma_start3A_464 : memref<1x80x128xf32, #tpu.memory_space<vmem>> -> memref<80x128xf32, #tpu.memory_space<vmem>>
      %dma_start3A_466 = arith.constant 0 : i32
      %dma_start3A_467 = tpu.memref_slice %arg9[%add3A_24, %dma_start3A_466] : memref<10240x128xf32, #tpu.memory_space<vmem_shared>> -> memref<80x128xf32, #tpu.memory_space<vmem_shared>>
      %dma_start3A_468 = arith.constant 0 : i32
      %dma_start3A_469 = tpu.memref_slice %arg9[%add3A_24, %dma_start3A_468] : memref<10240x128xf32, #tpu.memory_space<vmem_shared>> -> memref<80x128xf32, #tpu.memory_space<vmem_shared>>
      %dma_start3A_470 = arith.constant 0 : i32
      %dma_start3A_471 = arith.constant 0 : i32
      %dma_start3A_472 = tpu.memref_slice %arg8[%run_scoped3A_25, %dma_start3A_470, %dma_start3A_471] : memref<4x80x128xf32, #tpu.memory_space<vmem>> -> memref<1x80x128xf32, #tpu.memory_space<vmem>>
      %dma_start3A_473 = tpu.memref_squeeze %dma_start3A_472 : memref<1x80x128xf32, #tpu.memory_space<vmem>> -> memref<80x128xf32, #tpu.memory_space<vmem>>
      tpu.enqueue_dma source(%dma_start3A_473 : memref<80x128xf32, #tpu.memory_space<vmem>>) target(%dma_start3A_469 : memref<80x128xf32, #tpu.memory_space<vmem_shared>>) target_semaphore(%run_scoped3A_461 : memref<!tpu.dma_semaphore, #tpu.memory_space<semaphore_mem>>)
      %dma_wait3A_474 = arith.constant 0 : i32
      %dma_wait3A_475 = arith.constant 0 : i32
      %dma_wait3A_476 = tpu.memref_slice %arg8[%run_scoped3A_25, %dma_wait3A_474, %dma_wait3A_475] : memref<4x80x128xf32, #tpu.memory_space<vmem>> -> memref<1x80x128xf32, #tpu.memory_space<vmem>>
      %dma_wait3A_477 = tpu.memref_squeeze %dma_wait3A_476 : memref<1x80x128xf32, #tpu.memory_space<vmem>> -> memref<80x128xf32, #tpu.memory_space<vmem>>
      %dma_wait3A_478 = arith.constant 0 : i32
      %dma_wait3A_479 = tpu.memref_slice %arg9[%add3A_24, %dma_wait3A_478] : memref<10240x128xf32, #tpu.memory_space<vmem_shared>> -> memref<80x128xf32, #tpu.memory_space<vmem_shared>>
      %dma_wait3A_480 = arith.constant 0 : i32
      %dma_wait3A_481 = tpu.memref_slice %arg9[%add3A_24, %dma_wait3A_480] : memref<10240x128xf32, #tpu.memory_space<vmem_shared>> -> memref<80x128xf32, #tpu.memory_space<vmem_shared>>
      %dma_wait3A_482 = arith.constant 0 : i32
      %dma_wait3A_483 = arith.constant 0 : i32
      %dma_wait3A_484 = tpu.memref_slice %arg8[%run_scoped3A_25, %dma_wait3A_482, %dma_wait3A_483] : memref<4x80x128xf32, #tpu.memory_space<vmem>> -> memref<1x80x128xf32, #tpu.memory_space<vmem>>
      %dma_wait3A_485 = tpu.memref_squeeze %dma_wait3A_484 : memref<1x80x128xf32, #tpu.memory_space<vmem>> -> memref<80x128xf32, #tpu.memory_space<vmem>>
      tpu.wait_dma2 semaphore(%run_scoped3A_461 : memref<!tpu.dma_semaphore, #tpu.memory_space<semaphore_mem>>) src(%dma_wait3A_485 : memref<80x128xf32, #tpu.memory_space<vmem>>) dst(%dma_wait3A_481 : memref<80x128xf32, #tpu.memory_space<vmem_shared>>)
      tpu.yield
    }) : () -> ()
    %mul3A_26 = arith.constant 640 : i32
    %mul3A_27 = arith.muli %arg1, %mul3A_26 : i32
    %add3A_28 = arith.constant 320 : i32
    %add3A_29 = arith.addi %mul3A_27, %add3A_28 : i32
    %run_scoped3A_30 = arith.constant 0 : i32
    "tpu.region"() ({
      %run_scoped3A_461 = tpu.sem_alloc : memref<!tpu.dma_semaphore, #tpu.memory_space<semaphore_mem>>
      %dma_start3A_462 = arith.constant 0 : i32
      %dma_start3A_463 = arith.constant 0 : i32
      %dma_start3A_464 = tpu.memref_slice %arg8[%run_scoped3A_30, %dma_start3A_462, %dma_start3A_463] : memref<4x80x128xf32, #tpu.memory_space<vmem>> -> memref<1x80x128xf32, #tpu.memory_space<vmem>>
      %dma_start3A_465 = tpu.memref_squeeze %dma_start3A_464 : memref<1x80x128xf32, #tpu.memory_space<vmem>> -> memref<80x128xf32, #tpu.memory_space<vmem>>
      %dma_start3A_466 = arith.constant 0 : i32
      %dma_start3A_467 = tpu.memref_slice %arg9[%add3A_29, %dma_start3A_466] : memref<10240x128xf32, #tpu.memory_space<vmem_shared>> -> memref<80x128xf32, #tpu.memory_space<vmem_shared>>
      %dma_start3A_468 = arith.constant 0 : i32
      %dma_start3A_469 = tpu.memref_slice %arg9[%add3A_29, %dma_start3A_468] : memref<10240x128xf32, #tpu.memory_space<vmem_shared>> -> memref<80x128xf32, #tpu.memory_space<vmem_shared>>
      %dma_start3A_470 = arith.constant 0 : i32
      %dma_start3A_471 = arith.constant 0 : i32
      %dma_start3A_472 = tpu.memref_slice %arg8[%run_scoped3A_30, %dma_start3A_470, %dma_start3A_471] : memref<4x80x128xf32, #tpu.memory_space<vmem>> -> memref<1x80x128xf32, #tpu.memory_space<vmem>>
      %dma_start3A_473 = tpu.memref_squeeze %dma_start3A_472 : memref<1x80x128xf32, #tpu.memory_space<vmem>> -> memref<80x128xf32, #tpu.memory_space<vmem>>
      tpu.enqueue_dma source(%dma_start3A_473 : memref<80x128xf32, #tpu.memory_space<vmem>>) target(%dma_start3A_469 : memref<80x128xf32, #tpu.memory_space<vmem_shared>>) target_semaphore(%run_scoped3A_461 : memref<!tpu.dma_semaphore, #tpu.memory_space<semaphore_mem>>)
      %dma_wait3A_474 = arith.constant 0 : i32
      %dma_wait3A_475 = arith.constant 0 : i32
      %dma_wait3A_476 = tpu.memref_slice %arg8[%run_scoped3A_30, %dma_wait3A_474, %dma_wait3A_475] : memref<4x80x128xf32, #tpu.memory_space<vmem>> -> memref<1x80x128xf32, #tpu.memory_space<vmem>>
      %dma_wait3A_477 = tpu.memref_squeeze %dma_wait3A_476 : memref<1x80x128xf32, #tpu.memory_space<vmem>> -> memref<80x128xf32, #tpu.memory_space<vmem>>
      %dma_wait3A_478 = arith.constant 0 : i32
      %dma_wait3A_479 = tpu.memref_slice %arg9[%add3A_29, %dma_wait3A_478] : memref<10240x128xf32, #tpu.memory_space<vmem_shared>> -> memref<80x128xf32, #tpu.memory_space<vmem_shared>>
      %dma_wait3A_480 = arith.constant 0 : i32
      %dma_wait3A_481 = tpu.memref_slice %arg9[%add3A_29, %dma_wait3A_480] : memref<10240x128xf32, #tpu.memory_space<vmem_shared>> -> memref<80x128xf32, #tpu.memory_space<vmem_shared>>
      %dma_wait3A_482 = arith.constant 0 : i32
      %dma_wait3A_483 = arith.constant 0 : i32
      %dma_wait3A_484 = tpu.memref_slice %arg8[%run_scoped3A_30, %dma_wait3A_482, %dma_wait3A_483] : memref<4x80x128xf32, #tpu.memory_space<vmem>> -> memref<1x80x128xf32, #tpu.memory_space<vmem>>
      %dma_wait3A_485 = tpu.memref_squeeze %dma_wait3A_484 : memref<1x80x128xf32, #tpu.memory_space<vmem>> -> memref<80x128xf32, #tpu.memory_space<vmem>>
      tpu.wait_dma2 semaphore(%run_scoped3A_461 : memref<!tpu.dma_semaphore, #tpu.memory_space<semaphore_mem>>) src(%dma_wait3A_485 : memref<80x128xf32, #tpu.memory_space<vmem>>) dst(%dma_wait3A_481 : memref<80x128xf32, #tpu.memory_space<vmem_shared>>)
      tpu.yield
    }) : () -> ()
    %mul3A_31 = arith.constant 640 : i32
    %mul3A_32 = arith.muli %arg1, %mul3A_31 : i32
    %add3A_33 = arith.constant 400 : i32
    %add3A_34 = arith.addi %mul3A_32, %add3A_33 : i32
    %run_scoped3A_35 = arith.constant 0 : i32
    "tpu.region"() ({
      %run_scoped3A_461 = tpu.sem_alloc : memref<!tpu.dma_semaphore, #tpu.memory_space<semaphore_mem>>
      %dma_start3A_462 = arith.constant 0 : i32
      %dma_start3A_463 = arith.constant 0 : i32
      %dma_start3A_464 = tpu.memref_slice %arg8[%run_scoped3A_35, %dma_start3A_462, %dma_start3A_463] : memref<4x80x128xf32, #tpu.memory_space<vmem>> -> memref<1x80x128xf32, #tpu.memory_space<vmem>>
      %dma_start3A_465 = tpu.memref_squeeze %dma_start3A_464 : memref<1x80x128xf32, #tpu.memory_space<vmem>> -> memref<80x128xf32, #tpu.memory_space<vmem>>
      %dma_start3A_466 = arith.constant 0 : i32
      %dma_start3A_467 = tpu.memref_slice %arg9[%add3A_34, %dma_start3A_466] : memref<10240x128xf32, #tpu.memory_space<vmem_shared>> -> memref<80x128xf32, #tpu.memory_space<vmem_shared>>
      %dma_start3A_468 = arith.constant 0 : i32
      %dma_start3A_469 = tpu.memref_slice %arg9[%add3A_34, %dma_start3A_468] : memref<10240x128xf32, #tpu.memory_space<vmem_shared>> -> memref<80x128xf32, #tpu.memory_space<vmem_shared>>
      %dma_start3A_470 = arith.constant 0 : i32
      %dma_start3A_471 = arith.constant 0 : i32
      %dma_start3A_472 = tpu.memref_slice %arg8[%run_scoped3A_35, %dma_start3A_470, %dma_start3A_471] : memref<4x80x128xf32, #tpu.memory_space<vmem>> -> memref<1x80x128xf32, #tpu.memory_space<vmem>>
      %dma_start3A_473 = tpu.memref_squeeze %dma_start3A_472 : memref<1x80x128xf32, #tpu.memory_space<vmem>> -> memref<80x128xf32, #tpu.memory_space<vmem>>
      tpu.enqueue_dma source(%dma_start3A_473 : memref<80x128xf32, #tpu.memory_space<vmem>>) target(%dma_start3A_469 : memref<80x128xf32, #tpu.memory_space<vmem_shared>>) target_semaphore(%run_scoped3A_461 : memref<!tpu.dma_semaphore, #tpu.memory_space<semaphore_mem>>)
      %dma_wait3A_474 = arith.constant 0 : i32
      %dma_wait3A_475 = arith.constant 0 : i32
      %dma_wait3A_476 = tpu.memref_slice %arg8[%run_scoped3A_35, %dma_wait3A_474, %dma_wait3A_475] : memref<4x80x128xf32, #tpu.memory_space<vmem>> -> memref<1x80x128xf32, #tpu.memory_space<vmem>>
      %dma_wait3A_477 = tpu.memref_squeeze %dma_wait3A_476 : memref<1x80x128xf32, #tpu.memory_space<vmem>> -> memref<80x128xf32, #tpu.memory_space<vmem>>
      %dma_wait3A_478 = arith.constant 0 : i32
      %dma_wait3A_479 = tpu.memref_slice %arg9[%add3A_34, %dma_wait3A_478] : memref<10240x128xf32, #tpu.memory_space<vmem_shared>> -> memref<80x128xf32, #tpu.memory_space<vmem_shared>>
      %dma_wait3A_480 = arith.constant 0 : i32
      %dma_wait3A_481 = tpu.memref_slice %arg9[%add3A_34, %dma_wait3A_480] : memref<10240x128xf32, #tpu.memory_space<vmem_shared>> -> memref<80x128xf32, #tpu.memory_space<vmem_shared>>
      %dma_wait3A_482 = arith.constant 0 : i32
      %dma_wait3A_483 = arith.constant 0 : i32
      %dma_wait3A_484 = tpu.memref_slice %arg8[%run_scoped3A_35, %dma_wait3A_482, %dma_wait3A_483] : memref<4x80x128xf32, #tpu.memory_space<vmem>> -> memref<1x80x128xf32, #tpu.memory_space<vmem>>
      %dma_wait3A_485 = tpu.memref_squeeze %dma_wait3A_484 : memref<1x80x128xf32, #tpu.memory_space<vmem>> -> memref<80x128xf32, #tpu.memory_space<vmem>>
      tpu.wait_dma2 semaphore(%run_scoped3A_461 : memref<!tpu.dma_semaphore, #tpu.memory_space<semaphore_mem>>) src(%dma_wait3A_485 : memref<80x128xf32, #tpu.memory_space<vmem>>) dst(%dma_wait3A_481 : memref<80x128xf32, #tpu.memory_space<vmem_shared>>)
      tpu.yield
    }) : () -> ()
    %mul3A_36 = arith.constant 640 : i32
    %mul3A_37 = arith.muli %arg1, %mul3A_36 : i32
    %add3A_38 = arith.constant 480 : i32
    %add3A_39 = arith.addi %mul3A_37, %add3A_38 : i32
    %run_scoped3A_40 = arith.constant 0 : i32
    "tpu.region"() ({
      %run_scoped3A_461 = tpu.sem_alloc : memref<!tpu.dma_semaphore, #tpu.memory_space<semaphore_mem>>
      %dma_start3A_462 = arith.constant 0 : i32
      %dma_start3A_463 = arith.constant 0 : i32
      %dma_start3A_464 = tpu.memref_slice %arg8[%run_scoped3A_40, %dma_start3A_462, %dma_start3A_463] : memref<4x80x128xf32, #tpu.memory_space<vmem>> -> memref<1x80x128xf32, #tpu.memory_space<vmem>>
      %dma_start3A_465 = tpu.memref_squeeze %dma_start3A_464 : memref<1x80x128xf32, #tpu.memory_space<vmem>> -> memref<80x128xf32, #tpu.memory_space<vmem>>
      %dma_start3A_466 = arith.constant 0 : i32
      %dma_start3A_467 = tpu.memref_slice %arg9[%add3A_39, %dma_start3A_466] : memref<10240x128xf32, #tpu.memory_space<vmem_shared>> -> memref<80x128xf32, #tpu.memory_space<vmem_shared>>
      %dma_start3A_468 = arith.constant 0 : i32
      %dma_start3A_469 = tpu.memref_slice %arg9[%add3A_39, %dma_start3A_468] : memref<10240x128xf32, #tpu.memory_space<vmem_shared>> -> memref<80x128xf32, #tpu.memory_space<vmem_shared>>
      %dma_start3A_470 = arith.constant 0 : i32
      %dma_start3A_471 = arith.constant 0 : i32
      %dma_start3A_472 = tpu.memref_slice %arg8[%run_scoped3A_40, %dma_start3A_470, %dma_start3A_471] : memref<4x80x128xf32, #tpu.memory_space<vmem>> -> memref<1x80x128xf32, #tpu.memory_space<vmem>>
      %dma_start3A_473 = tpu.memref_squeeze %dma_start3A_472 : memref<1x80x128xf32, #tpu.memory_space<vmem>> -> memref<80x128xf32, #tpu.memory_space<vmem>>
      tpu.enqueue_dma source(%dma_start3A_473 : memref<80x128xf32, #tpu.memory_space<vmem>>) target(%dma_start3A_469 : memref<80x128xf32, #tpu.memory_space<vmem_shared>>) target_semaphore(%run_scoped3A_461 : memref<!tpu.dma_semaphore, #tpu.memory_space<semaphore_mem>>)
      %dma_wait3A_474 = arith.constant 0 : i32
      %dma_wait3A_475 = arith.constant 0 : i32
      %dma_wait3A_476 = tpu.memref_slice %arg8[%run_scoped3A_40, %dma_wait3A_474, %dma_wait3A_475] : memref<4x80x128xf32, #tpu.memory_space<vmem>> -> memref<1x80x128xf32, #tpu.memory_space<vmem>>
      %dma_wait3A_477 = tpu.memref_squeeze %dma_wait3A_476 : memref<1x80x128xf32, #tpu.memory_space<vmem>> -> memref<80x128xf32, #tpu.memory_space<vmem>>
      %dma_wait3A_478 = arith.constant 0 : i32
      %dma_wait3A_479 = tpu.memref_slice %arg9[%add3A_39, %dma_wait3A_478] : memref<10240x128xf32, #tpu.memory_space<vmem_shared>> -> memref<80x128xf32, #tpu.memory_space<vmem_shared>>
      %dma_wait3A_480 = arith.constant 0 : i32
      %dma_wait3A_481 = tpu.memref_slice %arg9[%add3A_39, %dma_wait3A_480] : memref<10240x128xf32, #tpu.memory_space<vmem_shared>> -> memref<80x128xf32, #tpu.memory_space<vmem_shared>>
      %dma_wait3A_482 = arith.constant 0 : i32
      %dma_wait3A_483 = arith.constant 0 : i32
      %dma_wait3A_484 = tpu.memref_slice %arg8[%run_scoped3A_40, %dma_wait3A_482, %dma_wait3A_483] : memref<4x80x128xf32, #tpu.memory_space<vmem>> -> memref<1x80x128xf32, #tpu.memory_space<vmem>>
      %dma_wait3A_485 = tpu.memref_squeeze %dma_wait3A_484 : memref<1x80x128xf32, #tpu.memory_space<vmem>> -> memref<80x128xf32, #tpu.memory_space<vmem>>
      tpu.wait_dma2 semaphore(%run_scoped3A_461 : memref<!tpu.dma_semaphore, #tpu.memory_space<semaphore_mem>>) src(%dma_wait3A_485 : memref<80x128xf32, #tpu.memory_space<vmem>>) dst(%dma_wait3A_481 : memref<80x128xf32, #tpu.memory_space<vmem_shared>>)
      tpu.yield
    }) : () -> ()
    %mul3A_41 = arith.constant 640 : i32
    %mul3A_42 = arith.muli %arg1, %mul3A_41 : i32
    %add3A_43 = arith.constant 560 : i32
    %add3A_44 = arith.addi %mul3A_42, %add3A_43 : i32
    %run_scoped3A_45 = arith.constant 0 : i32
    "tpu.region"() ({
      %run_scoped3A_461 = tpu.sem_alloc : memref<!tpu.dma_semaphore, #tpu.memory_space<semaphore_mem>>
      %dma_start3A_462 = arith.constant 0 : i32
      %dma_start3A_463 = arith.constant 0 : i32
      %dma_start3A_464 = tpu.memref_slice %arg8[%run_scoped3A_45, %dma_start3A_462, %dma_start3A_463] : memref<4x80x128xf32, #tpu.memory_space<vmem>> -> memref<1x80x128xf32, #tpu.memory_space<vmem>>
      %dma_start3A_465 = tpu.memref_squeeze %dma_start3A_464 : memref<1x80x128xf32, #tpu.memory_space<vmem>> -> memref<80x128xf32, #tpu.memory_space<vmem>>
      %dma_start3A_466 = arith.constant 0 : i32
      %dma_start3A_467 = tpu.memref_slice %arg9[%add3A_44, %dma_start3A_466] : memref<10240x128xf32, #tpu.memory_space<vmem_shared>> -> memref<80x128xf32, #tpu.memory_space<vmem_shared>>
      %dma_start3A_468 = arith.constant 0 : i32
      %dma_start3A_469 = tpu.memref_slice %arg9[%add3A_44, %dma_start3A_468] : memref<10240x128xf32, #tpu.memory_space<vmem_shared>> -> memref<80x128xf32, #tpu.memory_space<vmem_shared>>
      %dma_start3A_470 = arith.constant 0 : i32
      %dma_start3A_471 = arith.constant 0 : i32
      %dma_start3A_472 = tpu.memref_slice %arg8[%run_scoped3A_45, %dma_start3A_470, %dma_start3A_471] : memref<4x80x128xf32, #tpu.memory_space<vmem>> -> memref<1x80x128xf32, #tpu.memory_space<vmem>>
      %dma_start3A_473 = tpu.memref_squeeze %dma_start3A_472 : memref<1x80x128xf32, #tpu.memory_space<vmem>> -> memref<80x128xf32, #tpu.memory_space<vmem>>
      tpu.enqueue_dma source(%dma_start3A_473 : memref<80x128xf32, #tpu.memory_space<vmem>>) target(%dma_start3A_469 : memref<80x128xf32, #tpu.memory_space<vmem_shared>>) target_semaphore(%run_scoped3A_461 : memref<!tpu.dma_semaphore, #tpu.memory_space<semaphore_mem>>)
      %dma_wait3A_474 = arith.constant 0 : i32
      %dma_wait3A_475 = arith.constant 0 : i32
      %dma_wait3A_476 = tpu.memref_slice %arg8[%run_scoped3A_45, %dma_wait3A_474, %dma_wait3A_475] : memref<4x80x128xf32, #tpu.memory_space<vmem>> -> memref<1x80x128xf32, #tpu.memory_space<vmem>>
      %dma_wait3A_477 = tpu.memref_squeeze %dma_wait3A_476 : memref<1x80x128xf32, #tpu.memory_space<vmem>> -> memref<80x128xf32, #tpu.memory_space<vmem>>
      %dma_wait3A_478 = arith.constant 0 : i32
      %dma_wait3A_479 = tpu.memref_slice %arg9[%add3A_44, %dma_wait3A_478] : memref<10240x128xf32, #tpu.memory_space<vmem_shared>> -> memref<80x128xf32, #tpu.memory_space<vmem_shared>>
      %dma_wait3A_480 = arith.constant 0 : i32
      %dma_wait3A_481 = tpu.memref_slice %arg9[%add3A_44, %dma_wait3A_480] : memref<10240x128xf32, #tpu.memory_space<vmem_shared>> -> memref<80x128xf32, #tpu.memory_space<vmem_shared>>
      %dma_wait3A_482 = arith.constant 0 : i32
      %dma_wait3A_483 = arith.constant 0 : i32
      %dma_wait3A_484 = tpu.memref_slice %arg8[%run_scoped3A_45, %dma_wait3A_482, %dma_wait3A_483] : memref<4x80x128xf32, #tpu.memory_space<vmem>> -> memref<1x80x128xf32, #tpu.memory_space<vmem>>
      %dma_wait3A_485 = tpu.memref_squeeze %dma_wait3A_484 : memref<1x80x128xf32, #tpu.memory_space<vmem>> -> memref<80x128xf32, #tpu.memory_space<vmem>>
      tpu.wait_dma2 semaphore(%run_scoped3A_461 : memref<!tpu.dma_semaphore, #tpu.memory_space<semaphore_mem>>) src(%dma_wait3A_485 : memref<80x128xf32, #tpu.memory_space<vmem>>) dst(%dma_wait3A_481 : memref<80x128xf32, #tpu.memory_space<vmem_shared>>)
      tpu.yield
    }) : () -> ()
    %barrier3A = arith.constant 0 : index
    tpu.barrier barrier_id(%barrier3A)
    "tpu.region"() ({
      %run_scoped3A_461 = tpu.sem_alloc : memref<!tpu.dma_semaphore, #tpu.memory_space<semaphore_mem>>
      %dma_start3A_462 = arith.constant 0 : i32
      %dma_start3A_463 = arith.constant 0 : i32
      %dma_start3A_464 = tpu.memref_slice %arg3[%add3A, %dma_start3A_462, %dma_start3A_463] : memref<32x128x80xi32, #tpu.memory_space<hbm>> -> memref<1x32x80xi32, #tpu.memory_space<hbm>>
      %dma_start3A_465 = tpu.memref_squeeze %dma_start3A_464 : memref<1x32x80xi32, #tpu.memory_space<hbm>> -> memref<32x80xi32, #tpu.memory_space<hbm>>
      %dma_start3A_466 = arith.constant 0 : i32
      %dma_start3A_467 = arith.constant 0 : i32
      %dma_start3A_468 = tpu.memref_slice %arg3[%add3A, %dma_start3A_466, %dma_start3A_467] : memref<32x128x80xi32, #tpu.memory_space<hbm>> -> memref<1x32x80xi32, #tpu.memory_space<hbm>>
      %dma_start3A_469 = tpu.memref_squeeze %dma_start3A_468 : memref<1x32x80xi32, #tpu.memory_space<hbm>> -> memref<32x80xi32, #tpu.memory_space<hbm>>
      tpu.enqueue_dma source(%dma_start3A_469 : memref<32x80xi32, #tpu.memory_space<hbm>>) target(%arg6 : memref<32x80xi32, #tpu.memory_space<vmem>>) target_semaphore(%run_scoped3A_461 : memref<!tpu.dma_semaphore, #tpu.memory_space<semaphore_mem>>)
      %dma_wait3A_470 = arith.constant 0 : i32
      %dma_wait3A_471 = arith.constant 0 : i32
      %dma_wait3A_472 = tpu.memref_slice %arg3[%add3A, %dma_wait3A_470, %dma_wait3A_471] : memref<32x128x80xi32, #tpu.memory_space<hbm>> -> memref<1x32x80xi32, #tpu.memory_space<hbm>>
      %dma_wait3A_473 = tpu.memref_squeeze %dma_wait3A_472 : memref<1x32x80xi32, #tpu.memory_space<hbm>> -> memref<32x80xi32, #tpu.memory_space<hbm>>
      %dma_wait3A_474 = arith.constant 0 : i32
      %dma_wait3A_475 = arith.constant 0 : i32
      %dma_wait3A_476 = tpu.memref_slice %arg3[%add3A, %dma_wait3A_474, %dma_wait3A_475] : memref<32x128x80xi32, #tpu.memory_space<hbm>> -> memref<1x32x80xi32, #tpu.memory_space<hbm>>
      %dma_wait3A_477 = tpu.memref_squeeze %dma_wait3A_476 : memref<1x32x80xi32, #tpu.memory_space<hbm>> -> memref<32x80xi32, #tpu.memory_space<hbm>>
      tpu.wait_dma2 semaphore(%run_scoped3A_461 : memref<!tpu.dma_semaphore, #tpu.memory_space<semaphore_mem>>) src(%dma_wait3A_477 : memref<32x80xi32, #tpu.memory_space<hbm>>) dst(%arg6 : memref<32x80xi32, #tpu.memory_space<vmem>>)
      tpu.yield
    }) : () -> ()
    "tpu.region"() ({
      %run_scoped3A_461 = tpu.sem_alloc : memref<!tpu.dma_semaphore, #tpu.memory_space<semaphore_mem>>
      %dma_start3A_462 = arith.constant 0 : i32
      %dma_start3A_463 = arith.constant 0 : i32
      %dma_start3A_464 = tpu.memref_slice %arg4[%add3A, %dma_start3A_462, %dma_start3A_463] : memref<32x128x80xi32, #tpu.memory_space<hbm>> -> memref<1x32x80xi32, #tpu.memory_space<hbm>>
      %dma_start3A_465 = tpu.memref_squeeze %dma_start3A_464 : memref<1x32x80xi32, #tpu.memory_space<hbm>> -> memref<32x80xi32, #tpu.memory_space<hbm>>
      %dma_start3A_466 = arith.constant 0 : i32
      %dma_start3A_467 = arith.constant 0 : i32
      %dma_start3A_468 = tpu.memref_slice %arg4[%add3A, %dma_start3A_466, %dma_start3A_467] : memref<32x128x80xi32, #tpu.memory_space<hbm>> -> memref<1x32x80xi32, #tpu.memory_space<hbm>>
      %dma_start3A_469 = tpu.memref_squeeze %dma_start3A_468 : memref<1x32x80xi32, #tpu.memory_space<hbm>> -> memref<32x80xi32, #tpu.memory_space<hbm>>
      tpu.enqueue_dma source(%dma_start3A_469 : memref<32x80xi32, #tpu.memory_space<hbm>>) target(%arg7 : memref<32x80xi32, #tpu.memory_space<vmem>>) target_semaphore(%run_scoped3A_461 : memref<!tpu.dma_semaphore, #tpu.memory_space<semaphore_mem>>)
      %dma_wait3A_470 = arith.constant 0 : i32
      %dma_wait3A_471 = arith.constant 0 : i32
      %dma_wait3A_472 = tpu.memref_slice %arg4[%add3A, %dma_wait3A_470, %dma_wait3A_471] : memref<32x128x80xi32, #tpu.memory_space<hbm>> -> memref<1x32x80xi32, #tpu.memory_space<hbm>>
      %dma_wait3A_473 = tpu.memref_squeeze %dma_wait3A_472 : memref<1x32x80xi32, #tpu.memory_space<hbm>> -> memref<32x80xi32, #tpu.memory_space<hbm>>
      %dma_wait3A_474 = arith.constant 0 : i32
      %dma_wait3A_475 = arith.constant 0 : i32
      %dma_wait3A_476 = tpu.memref_slice %arg4[%add3A, %dma_wait3A_474, %dma_wait3A_475] : memref<32x128x80xi32, #tpu.memory_space<hbm>> -> memref<1x32x80xi32, #tpu.memory_space<hbm>>
      %dma_wait3A_477 = tpu.memref_squeeze %dma_wait3A_476 : memref<1x32x80xi32, #tpu.memory_space<hbm>> -> memref<32x80xi32, #tpu.memory_space<hbm>>
      tpu.wait_dma2 semaphore(%run_scoped3A_461 : memref<!tpu.dma_semaphore, #tpu.memory_space<semaphore_mem>>) src(%dma_wait3A_477 : memref<32x80xi32, #tpu.memory_space<hbm>>) dst(%arg7 : memref<32x80xi32, #tpu.memory_space<vmem>>)
      tpu.yield
    }) : () -> ()
    %dma_start3A = arith.constant 0 : i32
    %dma_start3A_46 = arith.constant 0 : i32
    %dma_start3A_47 = arith.constant 0 : i32
    %dma_start3A_48 = arith.constant 0 : i32
    %dma_start3A_49 = tpu.memref_slice %arg8[%dma_start3A_46, %dma_start3A_47, %dma_start3A_48] : memref<4x80x128xf32, #tpu.memory_space<vmem>> -> memref<1x80x128xf32, #tpu.memory_space<vmem>>
    %dma_start3A_50 = tpu.memref_squeeze %dma_start3A_49 : memref<1x80x128xf32, #tpu.memory_space<vmem>> -> memref<80x128xf32, #tpu.memory_space<vmem>>
    %dma_start3A_51 = arith.constant 0 : i32
    %dma_start3A_52 = tpu.memref_slice %arg6[%dma_start3A, %dma_start3A_51] : memref<32x80xi32, #tpu.memory_space<vmem>> -> memref<1x80xi32, #tpu.memory_space<vmem>>
    %dma_start3A_53 = tpu.memref_squeeze %dma_start3A_52 : memref<1x80xi32, #tpu.memory_space<vmem>> -> memref<80xi32, #tpu.memory_space<vmem>>
    %dma_start3A_54 = arith.constant 0 : i32
    %dma_start3A_55 = arith.constant 0 : i32
    %dma_start3A_56 = tpu.memref_slice %arg2[%dma_start3A_54, %dma_start3A_55] : memref<10240x128xf32, #tpu.memory_space<hbm>> -> memref<10240x128xf32, #tpu.memory_space<hbm>>
    tpu.enqueue_indirect_dma source(%dma_start3A_56 : memref<10240x128xf32, #tpu.memory_space<hbm>>) target(%dma_start3A_50 : memref<80x128xf32, #tpu.memory_space<vmem>>) offsets(%dma_start3A_53 : memref<80xi32, #tpu.memory_space<vmem>>) semaphore(%arg10 : memref<!tpu.dma_semaphore, #tpu.memory_space<semaphore_mem>>)
    %dma_start3A_57 = arith.constant 1 : i32
    %dma_start3A_58 = arith.constant 1 : i32
    %dma_start3A_59 = arith.constant 0 : i32
    %dma_start3A_60 = arith.constant 0 : i32
    %dma_start3A_61 = tpu.memref_slice %arg8[%dma_start3A_58, %dma_start3A_59, %dma_start3A_60] : memref<4x80x128xf32, #tpu.memory_space<vmem>> -> memref<1x80x128xf32, #tpu.memory_space<vmem>>
    %dma_start3A_62 = tpu.memref_squeeze %dma_start3A_61 : memref<1x80x128xf32, #tpu.memory_space<vmem>> -> memref<80x128xf32, #tpu.memory_space<vmem>>
    %dma_start3A_63 = arith.constant 0 : i32
    %dma_start3A_64 = tpu.memref_slice %arg6[%dma_start3A_57, %dma_start3A_63] : memref<32x80xi32, #tpu.memory_space<vmem>> -> memref<1x80xi32, #tpu.memory_space<vmem>>
    %dma_start3A_65 = tpu.memref_squeeze %dma_start3A_64 : memref<1x80xi32, #tpu.memory_space<vmem>> -> memref<80xi32, #tpu.memory_space<vmem>>
    %dma_start3A_66 = arith.constant 0 : i32
    %dma_start3A_67 = arith.constant 0 : i32
    %dma_start3A_68 = tpu.memref_slice %arg2[%dma_start3A_66, %dma_start3A_67] : memref<10240x128xf32, #tpu.memory_space<hbm>> -> memref<10240x128xf32, #tpu.memory_space<hbm>>
    tpu.enqueue_indirect_dma source(%dma_start3A_68 : memref<10240x128xf32, #tpu.memory_space<hbm>>) target(%dma_start3A_62 : memref<80x128xf32, #tpu.memory_space<vmem>>) offsets(%dma_start3A_65 : memref<80xi32, #tpu.memory_space<vmem>>) semaphore(%arg11 : memref<!tpu.dma_semaphore, #tpu.memory_space<semaphore_mem>>)
    %dma_start3A_69 = arith.constant 2 : i32
    %dma_start3A_70 = arith.constant 2 : i32
    %dma_start3A_71 = arith.constant 0 : i32
    %dma_start3A_72 = arith.constant 0 : i32
    %dma_start3A_73 = tpu.memref_slice %arg8[%dma_start3A_70, %dma_start3A_71, %dma_start3A_72] : memref<4x80x128xf32, #tpu.memory_space<vmem>> -> memref<1x80x128xf32, #tpu.memory_space<vmem>>
    %dma_start3A_74 = tpu.memref_squeeze %dma_start3A_73 : memref<1x80x128xf32, #tpu.memory_space<vmem>> -> memref<80x128xf32, #tpu.memory_space<vmem>>
    %dma_start3A_75 = arith.constant 0 : i32
    %dma_start3A_76 = tpu.memref_slice %arg6[%dma_start3A_69, %dma_start3A_75] : memref<32x80xi32, #tpu.memory_space<vmem>> -> memref<1x80xi32, #tpu.memory_space<vmem>>
    %dma_start3A_77 = tpu.memref_squeeze %dma_start3A_76 : memref<1x80xi32, #tpu.memory_space<vmem>> -> memref<80xi32, #tpu.memory_space<vmem>>
    %dma_start3A_78 = arith.constant 0 : i32
    %dma_start3A_79 = arith.constant 0 : i32
    %dma_start3A_80 = tpu.memref_slice %arg2[%dma_start3A_78, %dma_start3A_79] : memref<10240x128xf32, #tpu.memory_space<hbm>> -> memref<10240x128xf32, #tpu.memory_space<hbm>>
    tpu.enqueue_indirect_dma source(%dma_start3A_80 : memref<10240x128xf32, #tpu.memory_space<hbm>>) target(%dma_start3A_74 : memref<80x128xf32, #tpu.memory_space<vmem>>) offsets(%dma_start3A_77 : memref<80xi32, #tpu.memory_space<vmem>>) semaphore(%arg12 : memref<!tpu.dma_semaphore, #tpu.memory_space<semaphore_mem>>)
    %dma_start3A_81 = arith.constant 3 : i32
    %dma_start3A_82 = arith.constant 3 : i32
    %dma_start3A_83 = arith.constant 0 : i32
    %dma_start3A_84 = arith.constant 0 : i32
    %dma_start3A_85 = tpu.memref_slice %arg8[%dma_start3A_82, %dma_start3A_83, %dma_start3A_84] : memref<4x80x128xf32, #tpu.memory_space<vmem>> -> memref<1x80x128xf32, #tpu.memory_space<vmem>>
    %dma_start3A_86 = tpu.memref_squeeze %dma_start3A_85 : memref<1x80x128xf32, #tpu.memory_space<vmem>> -> memref<80x128xf32, #tpu.memory_space<vmem>>
    %dma_start3A_87 = arith.constant 0 : i32
    %dma_start3A_88 = tpu.memref_slice %arg6[%dma_start3A_81, %dma_start3A_87] : memref<32x80xi32, #tpu.memory_space<vmem>> -> memref<1x80xi32, #tpu.memory_space<vmem>>
    %dma_start3A_89 = tpu.memref_squeeze %dma_start3A_88 : memref<1x80xi32, #tpu.memory_space<vmem>> -> memref<80xi32, #tpu.memory_space<vmem>>
    %dma_start3A_90 = arith.constant 0 : i32
    %dma_start3A_91 = arith.constant 0 : i32
    %dma_start3A_92 = tpu.memref_slice %arg2[%dma_start3A_90, %dma_start3A_91] : memref<10240x128xf32, #tpu.memory_space<hbm>> -> memref<10240x128xf32, #tpu.memory_space<hbm>>
    tpu.enqueue_indirect_dma source(%dma_start3A_92 : memref<10240x128xf32, #tpu.memory_space<hbm>>) target(%dma_start3A_86 : memref<80x128xf32, #tpu.memory_space<vmem>>) offsets(%dma_start3A_89 : memref<80xi32, #tpu.memory_space<vmem>>) semaphore(%arg13 : memref<!tpu.dma_semaphore, #tpu.memory_space<semaphore_mem>>)
    %scan3A_93 = arith.constant 0 : i32
    %scan3A_94 = arith.constant 0 : i32
    %scan3A_95 = arith.constant 8 : i32
    %scan3A_96 = arith.addi %scan3A_94, %scan3A_95 : i32
    %scan3A_97 = arith.constant 1 : i32
    %scan3A_98 = scf.for %scan3A_461 = %scan3A_94 to %scan3A_96 step %scan3A_97 iter_args(%scan3A_462 = %scan3A_93) -> (i32)  : i32 {
      %mul3A_463 = arith.constant 4 : i32
      %mul3A_464 = arith.muli %scan3A_461, %mul3A_463 : i32
      %add3A_465 = arith.constant 0 : i32
      %add3A_466 = arith.addi %mul3A_464, %add3A_465 : i32
      %dma_wait3A_467 = arith.constant 0 : i32
      %dma_wait3A_468 = arith.constant 0 : i32
      %dma_wait3A_469 = arith.constant 0 : i32
      %dma_wait3A_470 = tpu.memref_slice %arg8[%dma_wait3A_467, %dma_wait3A_468, %dma_wait3A_469] : memref<4x80x128xf32, #tpu.memory_space<vmem>> -> memref<1x80x128xf32, #tpu.memory_space<vmem>>
      %dma_wait3A_471 = tpu.memref_squeeze %dma_wait3A_470 : memref<1x80x128xf32, #tpu.memory_space<vmem>> -> memref<80x128xf32, #tpu.memory_space<vmem>>
      %dma_wait3A_472 = arith.constant 0 : i32
      %dma_wait3A_473 = tpu.memref_slice %arg6[%add3A_466, %dma_wait3A_472] : memref<32x80xi32, #tpu.memory_space<vmem>> -> memref<1x80xi32, #tpu.memory_space<vmem>>
      %dma_wait3A_474 = tpu.memref_squeeze %dma_wait3A_473 : memref<1x80xi32, #tpu.memory_space<vmem>> -> memref<80xi32, #tpu.memory_space<vmem>>
      %dma_wait3A_475 = arith.constant 0 : i32
      %dma_wait3A_476 = arith.constant 0 : i32
      %dma_wait3A_477 = tpu.memref_slice %arg2[%dma_wait3A_475, %dma_wait3A_476] : memref<10240x128xf32, #tpu.memory_space<hbm>> -> memref<10240x128xf32, #tpu.memory_space<hbm>>
      tpu.wait_indirect_dma semaphore(%arg10 : memref<!tpu.dma_semaphore, #tpu.memory_space<semaphore_mem>>) src(%dma_wait3A_477 : memref<10240x128xf32, #tpu.memory_space<hbm>>) dst(%dma_wait3A_471 : memref<80x128xf32, #tpu.memory_space<vmem>>)
      %dma_start3A_478 = arith.constant 0 : i32
      %dma_start3A_479 = arith.constant 0 : i32
      %dma_start3A_480 = arith.constant 0 : i32
      %dma_start3A_481 = tpu.memref_slice %arg8[%dma_start3A_478, %dma_start3A_479, %dma_start3A_480] : memref<4x80x128xf32, #tpu.memory_space<vmem>> -> memref<1x80x128xf32, #tpu.memory_space<vmem>>
      %dma_start3A_482 = tpu.memref_squeeze %dma_start3A_481 : memref<1x80x128xf32, #tpu.memory_space<vmem>> -> memref<80x128xf32, #tpu.memory_space<vmem>>
      %dma_start3A_483 = arith.constant 0 : i32
      %dma_start3A_484 = tpu.memref_slice %arg7[%add3A_466, %dma_start3A_483] : memref<32x80xi32, #tpu.memory_space<vmem>> -> memref<1x80xi32, #tpu.memory_space<vmem>>
      %dma_start3A_485 = tpu.memref_squeeze %dma_start3A_484 : memref<1x80xi32, #tpu.memory_space<vmem>> -> memref<80xi32, #tpu.memory_space<vmem>>
      %dma_start3A_486 = arith.constant 0 : i32
      %dma_start3A_487 = arith.constant 0 : i32
      %dma_start3A_488 = tpu.memref_slice %arg9[%dma_start3A_486, %dma_start3A_487] : memref<10240x128xf32, #tpu.memory_space<vmem_shared>> -> memref<10240x128xf32, #tpu.memory_space<vmem_shared>>
      tpu.enqueue_indirect_dma source(%dma_start3A_482 : memref<80x128xf32, #tpu.memory_space<vmem>>) target(%dma_start3A_488 : memref<10240x128xf32, #tpu.memory_space<vmem_shared>>) offsets(%dma_start3A_485 : memref<80xi32, #tpu.memory_space<vmem>>) semaphore(%arg14 : memref<!tpu.dma_semaphore, #tpu.memory_space<semaphore_mem>>) {add = true}
      %mul3A_489 = arith.constant 4 : i32
      %mul3A_490 = arith.muli %scan3A_461, %mul3A_489 : i32
      %add3A_491 = arith.constant 1 : i32
      %add3A_492 = arith.addi %mul3A_490, %add3A_491 : i32
      %dma_wait3A_493 = arith.constant 1 : i32
      %dma_wait3A_494 = arith.constant 0 : i32
      %dma_wait3A_495 = arith.constant 0 : i32
      %dma_wait3A_496 = tpu.memref_slice %arg8[%dma_wait3A_493, %dma_wait3A_494, %dma_wait3A_495] : memref<4x80x128xf32, #tpu.memory_space<vmem>> -> memref<1x80x128xf32, #tpu.memory_space<vmem>>
      %dma_wait3A_497 = tpu.memref_squeeze %dma_wait3A_496 : memref<1x80x128xf32, #tpu.memory_space<vmem>> -> memref<80x128xf32, #tpu.memory_space<vmem>>
      %dma_wait3A_498 = arith.constant 0 : i32
      %dma_wait3A_499 = tpu.memref_slice %arg6[%add3A_492, %dma_wait3A_498] : memref<32x80xi32, #tpu.memory_space<vmem>> -> memref<1x80xi32, #tpu.memory_space<vmem>>
      %dma_wait3A_500 = tpu.memref_squeeze %dma_wait3A_499 : memref<1x80xi32, #tpu.memory_space<vmem>> -> memref<80xi32, #tpu.memory_space<vmem>>
      %dma_wait3A_501 = arith.constant 0 : i32
      %dma_wait3A_502 = arith.constant 0 : i32
      %dma_wait3A_503 = tpu.memref_slice %arg2[%dma_wait3A_501, %dma_wait3A_502] : memref<10240x128xf32, #tpu.memory_space<hbm>> -> memref<10240x128xf32, #tpu.memory_space<hbm>>
      tpu.wait_indirect_dma semaphore(%arg11 : memref<!tpu.dma_semaphore, #tpu.memory_space<semaphore_mem>>) src(%dma_wait3A_503 : memref<10240x128xf32, #tpu.memory_space<hbm>>) dst(%dma_wait3A_497 : memref<80x128xf32, #tpu.memory_space<vmem>>)
      %dma_start3A_504 = arith.constant 1 : i32
      %dma_start3A_505 = arith.constant 0 : i32
      %dma_start3A_506 = arith.constant 0 : i32
      %dma_start3A_507 = tpu.memref_slice %arg8[%dma_start3A_504, %dma_start3A_505, %dma_start3A_506] : memref<4x80x128xf32, #tpu.memory_space<vmem>> -> memref<1x80x128xf32, #tpu.memory_space<vmem>>
      %dma_start3A_508 = tpu.memref_squeeze %dma_start3A_507 : memref<1x80x128xf32, #tpu.memory_space<vmem>> -> memref<80x128xf32, #tpu.memory_space<vmem>>
      %dma_start3A_509 = arith.constant 0 : i32
      %dma_start3A_510 = tpu.memref_slice %arg7[%add3A_492, %dma_start3A_509] : memref<32x80xi32, #tpu.memory_space<vmem>> -> memref<1x80xi32, #tpu.memory_space<vmem>>
      %dma_start3A_511 = tpu.memref_squeeze %dma_start3A_510 : memref<1x80xi32, #tpu.memory_space<vmem>> -> memref<80xi32, #tpu.memory_space<vmem>>
      %dma_start3A_512 = arith.constant 0 : i32
      %dma_start3A_513 = arith.constant 0 : i32
      %dma_start3A_514 = tpu.memref_slice %arg9[%dma_start3A_512, %dma_start3A_513] : memref<10240x128xf32, #tpu.memory_space<vmem_shared>> -> memref<10240x128xf32, #tpu.memory_space<vmem_shared>>
      tpu.enqueue_indirect_dma source(%dma_start3A_508 : memref<80x128xf32, #tpu.memory_space<vmem>>) target(%dma_start3A_514 : memref<10240x128xf32, #tpu.memory_space<vmem_shared>>) offsets(%dma_start3A_511 : memref<80xi32, #tpu.memory_space<vmem>>) semaphore(%arg15 : memref<!tpu.dma_semaphore, #tpu.memory_space<semaphore_mem>>) {add = true}
      %mul3A_515 = arith.constant 4 : i32
      %mul3A_516 = arith.muli %scan3A_461, %mul3A_515 : i32
      %add3A_517 = arith.constant 2 : i32
      %add3A_518 = arith.addi %mul3A_516, %add3A_517 : i32
      %dma_wait3A_519 = arith.constant 2 : i32
      %dma_wait3A_520 = arith.constant 0 : i32
      %dma_wait3A_521 = arith.constant 0 : i32
      %dma_wait3A_522 = tpu.memref_slice %arg8[%dma_wait3A_519, %dma_wait3A_520, %dma_wait3A_521] : memref<4x80x128xf32, #tpu.memory_space<vmem>> -> memref<1x80x128xf32, #tpu.memory_space<vmem>>
      %dma_wait3A_523 = tpu.memref_squeeze %dma_wait3A_522 : memref<1x80x128xf32, #tpu.memory_space<vmem>> -> memref<80x128xf32, #tpu.memory_space<vmem>>
      %dma_wait3A_524 = arith.constant 0 : i32
      %dma_wait3A_525 = tpu.memref_slice %arg6[%add3A_518, %dma_wait3A_524] : memref<32x80xi32, #tpu.memory_space<vmem>> -> memref<1x80xi32, #tpu.memory_space<vmem>>
      %dma_wait3A_526 = tpu.memref_squeeze %dma_wait3A_525 : memref<1x80xi32, #tpu.memory_space<vmem>> -> memref<80xi32, #tpu.memory_space<vmem>>
      %dma_wait3A_527 = arith.constant 0 : i32
      %dma_wait3A_528 = arith.constant 0 : i32
      %dma_wait3A_529 = tpu.memref_slice %arg2[%dma_wait3A_527, %dma_wait3A_528] : memref<10240x128xf32, #tpu.memory_space<hbm>> -> memref<10240x128xf32, #tpu.memory_space<hbm>>
      tpu.wait_indirect_dma semaphore(%arg12 : memref<!tpu.dma_semaphore, #tpu.memory_space<semaphore_mem>>) src(%dma_wait3A_529 : memref<10240x128xf32, #tpu.memory_space<hbm>>) dst(%dma_wait3A_523 : memref<80x128xf32, #tpu.memory_space<vmem>>)
      %dma_start3A_530 = arith.constant 2 : i32
      %dma_start3A_531 = arith.constant 0 : i32
      %dma_start3A_532 = arith.constant 0 : i32
      %dma_start3A_533 = tpu.memref_slice %arg8[%dma_start3A_530, %dma_start3A_531, %dma_start3A_532] : memref<4x80x128xf32, #tpu.memory_space<vmem>> -> memref<1x80x128xf32, #tpu.memory_space<vmem>>
      %dma_start3A_534 = tpu.memref_squeeze %dma_start3A_533 : memref<1x80x128xf32, #tpu.memory_space<vmem>> -> memref<80x128xf32, #tpu.memory_space<vmem>>
      %dma_start3A_535 = arith.constant 0 : i32
      %dma_start3A_536 = tpu.memref_slice %arg7[%add3A_518, %dma_start3A_535] : memref<32x80xi32, #tpu.memory_space<vmem>> -> memref<1x80xi32, #tpu.memory_space<vmem>>
      %dma_start3A_537 = tpu.memref_squeeze %dma_start3A_536 : memref<1x80xi32, #tpu.memory_space<vmem>> -> memref<80xi32, #tpu.memory_space<vmem>>
      %dma_start3A_538 = arith.constant 0 : i32
      %dma_start3A_539 = arith.constant 0 : i32
      %dma_start3A_540 = tpu.memref_slice %arg9[%dma_start3A_538, %dma_start3A_539] : memref<10240x128xf32, #tpu.memory_space<vmem_shared>> -> memref<10240x128xf32, #tpu.memory_space<vmem_shared>>
      tpu.enqueue_indirect_dma source(%dma_start3A_534 : memref<80x128xf32, #tpu.memory_space<vmem>>) target(%dma_start3A_540 : memref<10240x128xf32, #tpu.memory_space<vmem_shared>>) offsets(%dma_start3A_537 : memref<80xi32, #tpu.memory_space<vmem>>) semaphore(%arg16 : memref<!tpu.dma_semaphore, #tpu.memory_space<semaphore_mem>>) {add = true}
      %mul3A_541 = arith.constant 4 : i32
      %mul3A_542 = arith.muli %scan3A_461, %mul3A_541 : i32
      %add3A_543 = arith.constant 3 : i32
      %add3A_544 = arith.addi %mul3A_542, %add3A_543 : i32
      %dma_wait3A_545 = arith.constant 3 : i32
      %dma_wait3A_546 = arith.constant 0 : i32
      %dma_wait3A_547 = arith.constant 0 : i32
      %dma_wait3A_548 = tpu.memref_slice %arg8[%dma_wait3A_545, %dma_wait3A_546, %dma_wait3A_547] : memref<4x80x128xf32, #tpu.memory_space<vmem>> -> memref<1x80x128xf32, #tpu.memory_space<vmem>>
      %dma_wait3A_549 = tpu.memref_squeeze %dma_wait3A_548 : memref<1x80x128xf32, #tpu.memory_space<vmem>> -> memref<80x128xf32, #tpu.memory_space<vmem>>
      %dma_wait3A_550 = arith.constant 0 : i32
      %dma_wait3A_551 = tpu.memref_slice %arg6[%add3A_544, %dma_wait3A_550] : memref<32x80xi32, #tpu.memory_space<vmem>> -> memref<1x80xi32, #tpu.memory_space<vmem>>
      %dma_wait3A_552 = tpu.memref_squeeze %dma_wait3A_551 : memref<1x80xi32, #tpu.memory_space<vmem>> -> memref<80xi32, #tpu.memory_space<vmem>>
      %dma_wait3A_553 = arith.constant 0 : i32
      %dma_wait3A_554 = arith.constant 0 : i32
      %dma_wait3A_555 = tpu.memref_slice %arg2[%dma_wait3A_553, %dma_wait3A_554] : memref<10240x128xf32, #tpu.memory_space<hbm>> -> memref<10240x128xf32, #tpu.memory_space<hbm>>
      tpu.wait_indirect_dma semaphore(%arg13 : memref<!tpu.dma_semaphore, #tpu.memory_space<semaphore_mem>>) src(%dma_wait3A_555 : memref<10240x128xf32, #tpu.memory_space<hbm>>) dst(%dma_wait3A_549 : memref<80x128xf32, #tpu.memory_space<vmem>>)
      %dma_start3A_556 = arith.constant 3 : i32
      %dma_start3A_557 = arith.constant 0 : i32
      %dma_start3A_558 = arith.constant 0 : i32
      %dma_start3A_559 = tpu.memref_slice %arg8[%dma_start3A_556, %dma_start3A_557, %dma_start3A_558] : memref<4x80x128xf32, #tpu.memory_space<vmem>> -> memref<1x80x128xf32, #tpu.memory_space<vmem>>
      %dma_start3A_560 = tpu.memref_squeeze %dma_start3A_559 : memref<1x80x128xf32, #tpu.memory_space<vmem>> -> memref<80x128xf32, #tpu.memory_space<vmem>>
      %dma_start3A_561 = arith.constant 0 : i32
      %dma_start3A_562 = tpu.memref_slice %arg7[%add3A_544, %dma_start3A_561] : memref<32x80xi32, #tpu.memory_space<vmem>> -> memref<1x80xi32, #tpu.memory_space<vmem>>
      %dma_start3A_563 = tpu.memref_squeeze %dma_start3A_562 : memref<1x80xi32, #tpu.memory_space<vmem>> -> memref<80xi32, #tpu.memory_space<vmem>>
      %dma_start3A_564 = arith.constant 0 : i32
      %dma_start3A_565 = arith.constant 0 : i32
      %dma_start3A_566 = tpu.memref_slice %arg9[%dma_start3A_564, %dma_start3A_565] : memref<10240x128xf32, #tpu.memory_space<vmem_shared>> -> memref<10240x128xf32, #tpu.memory_space<vmem_shared>>
      tpu.enqueue_indirect_dma source(%dma_start3A_560 : memref<80x128xf32, #tpu.memory_space<vmem>>) target(%dma_start3A_566 : memref<10240x128xf32, #tpu.memory_space<vmem_shared>>) offsets(%dma_start3A_563 : memref<80xi32, #tpu.memory_space<vmem>>) semaphore(%arg17 : memref<!tpu.dma_semaphore, #tpu.memory_space<semaphore_mem>>) {add = true}
      %mul3A_567 = arith.constant 4 : i32
      %mul3A_568 = arith.muli %scan3A_461, %mul3A_567 : i32
      %add3A_569 = arith.constant 0 : i32
      %add3A_570 = arith.addi %mul3A_568, %add3A_569 : i32
      %lt3A = arith.constant 7 : i32
      %lt3A_571 = arith.cmpi slt, %scan3A_461, %lt3A : i32
      %convert_element_type3A = arith.extui %lt3A_571 : i1 to i32
      %cond3A = arith.constant 0 : i32
      %cond3A_572 = arith.cmpi ne, %convert_element_type3A, %cond3A : i32
      scf.if %cond3A_572 {
        %dma_wait3A_601 = arith.constant 0 : i32
        %dma_wait3A_602 = arith.constant 0 : i32
        %dma_wait3A_603 = arith.constant 0 : i32
        %dma_wait3A_604 = tpu.memref_slice %arg8[%dma_wait3A_601, %dma_wait3A_602, %dma_wait3A_603] : memref<4x80x128xf32, #tpu.memory_space<vmem>> -> memref<1x80x128xf32, #tpu.memory_space<vmem>>
        %dma_wait3A_605 = tpu.memref_squeeze %dma_wait3A_604 : memref<1x80x128xf32, #tpu.memory_space<vmem>> -> memref<80x128xf32, #tpu.memory_space<vmem>>
        %dma_wait3A_606 = arith.constant 0 : i32
        %dma_wait3A_607 = tpu.memref_slice %arg7[%add3A_570, %dma_wait3A_606] : memref<32x80xi32, #tpu.memory_space<vmem>> -> memref<1x80xi32, #tpu.memory_space<vmem>>
        %dma_wait3A_608 = tpu.memref_squeeze %dma_wait3A_607 : memref<1x80xi32, #tpu.memory_space<vmem>> -> memref<80xi32, #tpu.memory_space<vmem>>
        %dma_wait3A_609 = arith.constant 0 : i32
        %dma_wait3A_610 = arith.constant 0 : i32
        %dma_wait3A_611 = tpu.memref_slice %arg9[%dma_wait3A_609, %dma_wait3A_610] : memref<10240x128xf32, #tpu.memory_space<vmem_shared>> -> memref<10240x128xf32, #tpu.memory_space<vmem_shared>>
        tpu.wait_indirect_dma semaphore(%arg14 : memref<!tpu.dma_semaphore, #tpu.memory_space<semaphore_mem>>) src(%dma_wait3A_605 : memref<80x128xf32, #tpu.memory_space<vmem>>) dst(%dma_wait3A_611 : memref<10240x128xf32, #tpu.memory_space<vmem_shared>>)
        %add3A_612 = arith.constant 4 : i32
        %add3A_613 = arith.addi %add3A_570, %add3A_612 : i32
        %dma_start3A_614 = arith.constant 0 : i32
        %dma_start3A_615 = arith.constant 0 : i32
        %dma_start3A_616 = arith.constant 0 : i32
        %dma_start3A_617 = tpu.memref_slice %arg8[%dma_start3A_614, %dma_start3A_615, %dma_start3A_616] : memref<4x80x128xf32, #tpu.memory_space<vmem>> -> memref<1x80x128xf32, #tpu.memory_space<vmem>>
        %dma_start3A_618 = tpu.memref_squeeze %dma_start3A_617 : memref<1x80x128xf32, #tpu.memory_space<vmem>> -> memref<80x128xf32, #tpu.memory_space<vmem>>
        %dma_start3A_619 = arith.constant 0 : i32
        %dma_start3A_620 = tpu.memref_slice %arg6[%add3A_613, %dma_start3A_619] : memref<32x80xi32, #tpu.memory_space<vmem>> -> memref<1x80xi32, #tpu.memory_space<vmem>>
        %dma_start3A_621 = tpu.memref_squeeze %dma_start3A_620 : memref<1x80xi32, #tpu.memory_space<vmem>> -> memref<80xi32, #tpu.memory_space<vmem>>
        %dma_start3A_622 = arith.constant 0 : i32
        %dma_start3A_623 = arith.constant 0 : i32
        %dma_start3A_624 = tpu.memref_slice %arg2[%dma_start3A_622, %dma_start3A_623] : memref<10240x128xf32, #tpu.memory_space<hbm>> -> memref<10240x128xf32, #tpu.memory_space<hbm>>
        tpu.enqueue_indirect_dma source(%dma_start3A_624 : memref<10240x128xf32, #tpu.memory_space<hbm>>) target(%dma_start3A_618 : memref<80x128xf32, #tpu.memory_space<vmem>>) offsets(%dma_start3A_621 : memref<80xi32, #tpu.memory_space<vmem>>) semaphore(%arg10 : memref<!tpu.dma_semaphore, #tpu.memory_space<semaphore_mem>>)
      } else {
      }
      %mul3A_573 = arith.constant 4 : i32
      %mul3A_574 = arith.muli %scan3A_461, %mul3A_573 : i32
      %add3A_575 = arith.constant 1 : i32
      %add3A_576 = arith.addi %mul3A_574, %add3A_575 : i32
      %lt3A_577 = arith.constant 7 : i32
      %lt3A_578 = arith.cmpi slt, %scan3A_461, %lt3A_577 : i32
      %convert_element_type3A_579 = arith.extui %lt3A_578 : i1 to i32
      %cond3A_580 = arith.constant 0 : i32
      %cond3A_581 = arith.cmpi ne, %convert_element_type3A_579, %cond3A_580 : i32
      scf.if %cond3A_581 {
        %dma_wait3A_601 = arith.constant 1 : i32
        %dma_wait3A_602 = arith.constant 0 : i32
        %dma_wait3A_603 = arith.constant 0 : i32
        %dma_wait3A_604 = tpu.memref_slice %arg8[%dma_wait3A_601, %dma_wait3A_602, %dma_wait3A_603] : memref<4x80x128xf32, #tpu.memory_space<vmem>> -> memref<1x80x128xf32, #tpu.memory_space<vmem>>
        %dma_wait3A_605 = tpu.memref_squeeze %dma_wait3A_604 : memref<1x80x128xf32, #tpu.memory_space<vmem>> -> memref<80x128xf32, #tpu.memory_space<vmem>>
        %dma_wait3A_606 = arith.constant 0 : i32
        %dma_wait3A_607 = tpu.memref_slice %arg7[%add3A_576, %dma_wait3A_606] : memref<32x80xi32, #tpu.memory_space<vmem>> -> memref<1x80xi32, #tpu.memory_space<vmem>>
        %dma_wait3A_608 = tpu.memref_squeeze %dma_wait3A_607 : memref<1x80xi32, #tpu.memory_space<vmem>> -> memref<80xi32, #tpu.memory_space<vmem>>
        %dma_wait3A_609 = arith.constant 0 : i32
        %dma_wait3A_610 = arith.constant 0 : i32
        %dma_wait3A_611 = tpu.memref_slice %arg9[%dma_wait3A_609, %dma_wait3A_610] : memref<10240x128xf32, #tpu.memory_space<vmem_shared>> -> memref<10240x128xf32, #tpu.memory_space<vmem_shared>>
        tpu.wait_indirect_dma semaphore(%arg15 : memref<!tpu.dma_semaphore, #tpu.memory_space<semaphore_mem>>) src(%dma_wait3A_605 : memref<80x128xf32, #tpu.memory_space<vmem>>) dst(%dma_wait3A_611 : memref<10240x128xf32, #tpu.memory_space<vmem_shared>>)
        %add3A_612 = arith.constant 4 : i32
        %add3A_613 = arith.addi %add3A_576, %add3A_612 : i32
        %dma_start3A_614 = arith.constant 1 : i32
        %dma_start3A_615 = arith.constant 0 : i32
        %dma_start3A_616 = arith.constant 0 : i32
        %dma_start3A_617 = tpu.memref_slice %arg8[%dma_start3A_614, %dma_start3A_615, %dma_start3A_616] : memref<4x80x128xf32, #tpu.memory_space<vmem>> -> memref<1x80x128xf32, #tpu.memory_space<vmem>>
        %dma_start3A_618 = tpu.memref_squeeze %dma_start3A_617 : memref<1x80x128xf32, #tpu.memory_space<vmem>> -> memref<80x128xf32, #tpu.memory_space<vmem>>
        %dma_start3A_619 = arith.constant 0 : i32
        %dma_start3A_620 = tpu.memref_slice %arg6[%add3A_613, %dma_start3A_619] : memref<32x80xi32, #tpu.memory_space<vmem>> -> memref<1x80xi32, #tpu.memory_space<vmem>>
        %dma_start3A_621 = tpu.memref_squeeze %dma_start3A_620 : memref<1x80xi32, #tpu.memory_space<vmem>> -> memref<80xi32, #tpu.memory_space<vmem>>
        %dma_start3A_622 = arith.constant 0 : i32
        %dma_start3A_623 = arith.constant 0 : i32
        %dma_start3A_624 = tpu.memref_slice %arg2[%dma_start3A_622, %dma_start3A_623] : memref<10240x128xf32, #tpu.memory_space<hbm>> -> memref<10240x128xf32, #tpu.memory_space<hbm>>
        tpu.enqueue_indirect_dma source(%dma_start3A_624 : memref<10240x128xf32, #tpu.memory_space<hbm>>) target(%dma_start3A_618 : memref<80x128xf32, #tpu.memory_space<vmem>>) offsets(%dma_start3A_621 : memref<80xi32, #tpu.memory_space<vmem>>) semaphore(%arg11 : memref<!tpu.dma_semaphore, #tpu.memory_space<semaphore_mem>>)
      } else {
      }
      %mul3A_582 = arith.constant 4 : i32
      %mul3A_583 = arith.muli %scan3A_461, %mul3A_582 : i32
      %add3A_584 = arith.constant 2 : i32
      %add3A_585 = arith.addi %mul3A_583, %add3A_584 : i32
      %lt3A_586 = arith.constant 7 : i32
      %lt3A_587 = arith.cmpi slt, %scan3A_461, %lt3A_586 : i32
      %convert_element_type3A_588 = arith.extui %lt3A_587 : i1 to i32
      %cond3A_589 = arith.constant 0 : i32
      %cond3A_590 = arith.cmpi ne, %convert_element_type3A_588, %cond3A_589 : i32
      scf.if %cond3A_590 {
        %dma_wait3A_601 = arith.constant 2 : i32
        %dma_wait3A_602 = arith.constant 0 : i32
        %dma_wait3A_603 = arith.constant 0 : i32
        %dma_wait3A_604 = tpu.memref_slice %arg8[%dma_wait3A_601, %dma_wait3A_602, %dma_wait3A_603] : memref<4x80x128xf32, #tpu.memory_space<vmem>> -> memref<1x80x128xf32, #tpu.memory_space<vmem>>
        %dma_wait3A_605 = tpu.memref_squeeze %dma_wait3A_604 : memref<1x80x128xf32, #tpu.memory_space<vmem>> -> memref<80x128xf32, #tpu.memory_space<vmem>>
        %dma_wait3A_606 = arith.constant 0 : i32
        %dma_wait3A_607 = tpu.memref_slice %arg7[%add3A_585, %dma_wait3A_606] : memref<32x80xi32, #tpu.memory_space<vmem>> -> memref<1x80xi32, #tpu.memory_space<vmem>>
        %dma_wait3A_608 = tpu.memref_squeeze %dma_wait3A_607 : memref<1x80xi32, #tpu.memory_space<vmem>> -> memref<80xi32, #tpu.memory_space<vmem>>
        %dma_wait3A_609 = arith.constant 0 : i32
        %dma_wait3A_610 = arith.constant 0 : i32
        %dma_wait3A_611 = tpu.memref_slice %arg9[%dma_wait3A_609, %dma_wait3A_610] : memref<10240x128xf32, #tpu.memory_space<vmem_shared>> -> memref<10240x128xf32, #tpu.memory_space<vmem_shared>>
        tpu.wait_indirect_dma semaphore(%arg16 : memref<!tpu.dma_semaphore, #tpu.memory_space<semaphore_mem>>) src(%dma_wait3A_605 : memref<80x128xf32, #tpu.memory_space<vmem>>) dst(%dma_wait3A_611 : memref<10240x128xf32, #tpu.memory_space<vmem_shared>>)
        %add3A_612 = arith.constant 4 : i32
        %add3A_613 = arith.addi %add3A_585, %add3A_612 : i32
        %dma_start3A_614 = arith.constant 2 : i32
        %dma_start3A_615 = arith.constant 0 : i32
        %dma_start3A_616 = arith.constant 0 : i32
        %dma_start3A_617 = tpu.memref_slice %arg8[%dma_start3A_614, %dma_start3A_615, %dma_start3A_616] : memref<4x80x128xf32, #tpu.memory_space<vmem>> -> memref<1x80x128xf32, #tpu.memory_space<vmem>>
        %dma_start3A_618 = tpu.memref_squeeze %dma_start3A_617 : memref<1x80x128xf32, #tpu.memory_space<vmem>> -> memref<80x128xf32, #tpu.memory_space<vmem>>
        %dma_start3A_619 = arith.constant 0 : i32
        %dma_start3A_620 = tpu.memref_slice %arg6[%add3A_613, %dma_start3A_619] : memref<32x80xi32, #tpu.memory_space<vmem>> -> memref<1x80xi32, #tpu.memory_space<vmem>>
        %dma_start3A_621 = tpu.memref_squeeze %dma_start3A_620 : memref<1x80xi32, #tpu.memory_space<vmem>> -> memref<80xi32, #tpu.memory_space<vmem>>
        %dma_start3A_622 = arith.constant 0 : i32
        %dma_start3A_623 = arith.constant 0 : i32
        %dma_start3A_624 = tpu.memref_slice %arg2[%dma_start3A_622, %dma_start3A_623] : memref<10240x128xf32, #tpu.memory_space<hbm>> -> memref<10240x128xf32, #tpu.memory_space<hbm>>
        tpu.enqueue_indirect_dma source(%dma_start3A_624 : memref<10240x128xf32, #tpu.memory_space<hbm>>) target(%dma_start3A_618 : memref<80x128xf32, #tpu.memory_space<vmem>>) offsets(%dma_start3A_621 : memref<80xi32, #tpu.memory_space<vmem>>) semaphore(%arg12 : memref<!tpu.dma_semaphore, #tpu.memory_space<semaphore_mem>>)
      } else {
      }
      %mul3A_591 = arith.constant 4 : i32
      %mul3A_592 = arith.muli %scan3A_461, %mul3A_591 : i32
      %add3A_593 = arith.constant 3 : i32
      %add3A_594 = arith.addi %mul3A_592, %add3A_593 : i32
      %lt3A_595 = arith.constant 7 : i32
      %lt3A_596 = arith.cmpi slt, %scan3A_461, %lt3A_595 : i32
      %convert_element_type3A_597 = arith.extui %lt3A_596 : i1 to i32
      %cond3A_598 = arith.constant 0 : i32
      %cond3A_599 = arith.cmpi ne, %convert_element_type3A_597, %cond3A_598 : i32
      scf.if %cond3A_599 {
        %dma_wait3A_601 = arith.constant 3 : i32
        %dma_wait3A_602 = arith.constant 0 : i32
        %dma_wait3A_603 = arith.constant 0 : i32
        %dma_wait3A_604 = tpu.memref_slice %arg8[%dma_wait3A_601, %dma_wait3A_602, %dma_wait3A_603] : memref<4x80x128xf32, #tpu.memory_space<vmem>> -> memref<1x80x128xf32, #tpu.memory_space<vmem>>
        %dma_wait3A_605 = tpu.memref_squeeze %dma_wait3A_604 : memref<1x80x128xf32, #tpu.memory_space<vmem>> -> memref<80x128xf32, #tpu.memory_space<vmem>>
        %dma_wait3A_606 = arith.constant 0 : i32
        %dma_wait3A_607 = tpu.memref_slice %arg7[%add3A_594, %dma_wait3A_606] : memref<32x80xi32, #tpu.memory_space<vmem>> -> memref<1x80xi32, #tpu.memory_space<vmem>>
        %dma_wait3A_608 = tpu.memref_squeeze %dma_wait3A_607 : memref<1x80xi32, #tpu.memory_space<vmem>> -> memref<80xi32, #tpu.memory_space<vmem>>
        %dma_wait3A_609 = arith.constant 0 : i32
        %dma_wait3A_610 = arith.constant 0 : i32
        %dma_wait3A_611 = tpu.memref_slice %arg9[%dma_wait3A_609, %dma_wait3A_610] : memref<10240x128xf32, #tpu.memory_space<vmem_shared>> -> memref<10240x128xf32, #tpu.memory_space<vmem_shared>>
        tpu.wait_indirect_dma semaphore(%arg17 : memref<!tpu.dma_semaphore, #tpu.memory_space<semaphore_mem>>) src(%dma_wait3A_605 : memref<80x128xf32, #tpu.memory_space<vmem>>) dst(%dma_wait3A_611 : memref<10240x128xf32, #tpu.memory_space<vmem_shared>>)
        %add3A_612 = arith.constant 4 : i32
        %add3A_613 = arith.addi %add3A_594, %add3A_612 : i32
        %dma_start3A_614 = arith.constant 3 : i32
        %dma_start3A_615 = arith.constant 0 : i32
        %dma_start3A_616 = arith.constant 0 : i32
        %dma_start3A_617 = tpu.memref_slice %arg8[%dma_start3A_614, %dma_start3A_615, %dma_start3A_616] : memref<4x80x128xf32, #tpu.memory_space<vmem>> -> memref<1x80x128xf32, #tpu.memory_space<vmem>>
        %dma_start3A_618 = tpu.memref_squeeze %dma_start3A_617 : memref<1x80x128xf32, #tpu.memory_space<vmem>> -> memref<80x128xf32, #tpu.memory_space<vmem>>
        %dma_start3A_619 = arith.constant 0 : i32
        %dma_start3A_620 = tpu.memref_slice %arg6[%add3A_613, %dma_start3A_619] : memref<32x80xi32, #tpu.memory_space<vmem>> -> memref<1x80xi32, #tpu.memory_space<vmem>>
        %dma_start3A_621 = tpu.memref_squeeze %dma_start3A_620 : memref<1x80xi32, #tpu.memory_space<vmem>> -> memref<80xi32, #tpu.memory_space<vmem>>
        %dma_start3A_622 = arith.constant 0 : i32
        %dma_start3A_623 = arith.constant 0 : i32
        %dma_start3A_624 = tpu.memref_slice %arg2[%dma_start3A_622, %dma_start3A_623] : memref<10240x128xf32, #tpu.memory_space<hbm>> -> memref<10240x128xf32, #tpu.memory_space<hbm>>
        tpu.enqueue_indirect_dma source(%dma_start3A_624 : memref<10240x128xf32, #tpu.memory_space<hbm>>) target(%dma_start3A_618 : memref<80x128xf32, #tpu.memory_space<vmem>>) offsets(%dma_start3A_621 : memref<80xi32, #tpu.memory_space<vmem>>) semaphore(%arg13 : memref<!tpu.dma_semaphore, #tpu.memory_space<semaphore_mem>>)
      } else {
      }
      %scan3A_600 = arith.constant 0 : i32
      scf.yield %scan3A_600 : i32
    }
    %scan3A_99 = arith.constant 8 : i32
    %dma_wait3A = arith.constant 0 : i32
    %dma_wait3A_100 = arith.constant 28 : i32
    %dma_wait3A_101 = arith.constant 0 : i32
    %dma_wait3A_102 = arith.constant 0 : i32
    %dma_wait3A_103 = tpu.memref_slice %arg8[%dma_wait3A, %dma_wait3A_101, %dma_wait3A_102] : memref<4x80x128xf32, #tpu.memory_space<vmem>> -> memref<1x80x128xf32, #tpu.memory_space<vmem>>
    %dma_wait3A_104 = tpu.memref_squeeze %dma_wait3A_103 : memref<1x80x128xf32, #tpu.memory_space<vmem>> -> memref<80x128xf32, #tpu.memory_space<vmem>>
    %dma_wait3A_105 = arith.constant 0 : i32
    %dma_wait3A_106 = tpu.memref_slice %arg7[%dma_wait3A_100, %dma_wait3A_105] : memref<32x80xi32, #tpu.memory_space<vmem>> -> memref<1x80xi32, #tpu.memory_space<vmem>>
    %dma_wait3A_107 = tpu.memref_squeeze %dma_wait3A_106 : memref<1x80xi32, #tpu.memory_space<vmem>> -> memref<80xi32, #tpu.memory_space<vmem>>
    %dma_wait3A_108 = arith.constant 0 : i32
    %dma_wait3A_109 = arith.constant 0 : i32
    %dma_wait3A_110 = tpu.memref_slice %arg9[%dma_wait3A_108, %dma_wait3A_109] : memref<10240x128xf32, #tpu.memory_space<vmem_shared>> -> memref<10240x128xf32, #tpu.memory_space<vmem_shared>>
    tpu.wait_indirect_dma semaphore(%arg14 : memref<!tpu.dma_semaphore, #tpu.memory_space<semaphore_mem>>) src(%dma_wait3A_104 : memref<80x128xf32, #tpu.memory_space<vmem>>) dst(%dma_wait3A_110 : memref<10240x128xf32, #tpu.memory_space<vmem_shared>>)
    %dma_wait3A_111 = arith.constant 1 : i32
    %dma_wait3A_112 = arith.constant 29 : i32
    %dma_wait3A_113 = arith.constant 0 : i32
    %dma_wait3A_114 = arith.constant 0 : i32
    %dma_wait3A_115 = tpu.memref_slice %arg8[%dma_wait3A_111, %dma_wait3A_113, %dma_wait3A_114] : memref<4x80x128xf32, #tpu.memory_space<vmem>> -> memref<1x80x128xf32, #tpu.memory_space<vmem>>
    %dma_wait3A_116 = tpu.memref_squeeze %dma_wait3A_115 : memref<1x80x128xf32, #tpu.memory_space<vmem>> -> memref<80x128xf32, #tpu.memory_space<vmem>>
    %dma_wait3A_117 = arith.constant 0 : i32
    %dma_wait3A_118 = tpu.memref_slice %arg7[%dma_wait3A_112, %dma_wait3A_117] : memref<32x80xi32, #tpu.memory_space<vmem>> -> memref<1x80xi32, #tpu.memory_space<vmem>>
    %dma_wait3A_119 = tpu.memref_squeeze %dma_wait3A_118 : memref<1x80xi32, #tpu.memory_space<vmem>> -> memref<80xi32, #tpu.memory_space<vmem>>
    %dma_wait3A_120 = arith.constant 0 : i32
    %dma_wait3A_121 = arith.constant 0 : i32
    %dma_wait3A_122 = tpu.memref_slice %arg9[%dma_wait3A_120, %dma_wait3A_121] : memref<10240x128xf32, #tpu.memory_space<vmem_shared>> -> memref<10240x128xf32, #tpu.memory_space<vmem_shared>>
    tpu.wait_indirect_dma semaphore(%arg15 : memref<!tpu.dma_semaphore, #tpu.memory_space<semaphore_mem>>) src(%dma_wait3A_116 : memref<80x128xf32, #tpu.memory_space<vmem>>) dst(%dma_wait3A_122 : memref<10240x128xf32, #tpu.memory_space<vmem_shared>>)
    %dma_wait3A_123 = arith.constant 2 : i32
    %dma_wait3A_124 = arith.constant 30 : i32
    %dma_wait3A_125 = arith.constant 0 : i32
    %dma_wait3A_126 = arith.constant 0 : i32
    %dma_wait3A_127 = tpu.memref_slice %arg8[%dma_wait3A_123, %dma_wait3A_125, %dma_wait3A_126] : memref<4x80x128xf32, #tpu.memory_space<vmem>> -> memref<1x80x128xf32, #tpu.memory_space<vmem>>
    %dma_wait3A_128 = tpu.memref_squeeze %dma_wait3A_127 : memref<1x80x128xf32, #tpu.memory_space<vmem>> -> memref<80x128xf32, #tpu.memory_space<vmem>>
    %dma_wait3A_129 = arith.constant 0 : i32
    %dma_wait3A_130 = tpu.memref_slice %arg7[%dma_wait3A_124, %dma_wait3A_129] : memref<32x80xi32, #tpu.memory_space<vmem>> -> memref<1x80xi32, #tpu.memory_space<vmem>>
    %dma_wait3A_131 = tpu.memref_squeeze %dma_wait3A_130 : memref<1x80xi32, #tpu.memory_space<vmem>> -> memref<80xi32, #tpu.memory_space<vmem>>
    %dma_wait3A_132 = arith.constant 0 : i32
    %dma_wait3A_133 = arith.constant 0 : i32
    %dma_wait3A_134 = tpu.memref_slice %arg9[%dma_wait3A_132, %dma_wait3A_133] : memref<10240x128xf32, #tpu.memory_space<vmem_shared>> -> memref<10240x128xf32, #tpu.memory_space<vmem_shared>>
    tpu.wait_indirect_dma semaphore(%arg16 : memref<!tpu.dma_semaphore, #tpu.memory_space<semaphore_mem>>) src(%dma_wait3A_128 : memref<80x128xf32, #tpu.memory_space<vmem>>) dst(%dma_wait3A_134 : memref<10240x128xf32, #tpu.memory_space<vmem_shared>>)
    %dma_wait3A_135 = arith.constant 3 : i32
    %dma_wait3A_136 = arith.constant 31 : i32
    %dma_wait3A_137 = arith.constant 0 : i32
    %dma_wait3A_138 = arith.constant 0 : i32
    %dma_wait3A_139 = tpu.memref_slice %arg8[%dma_wait3A_135, %dma_wait3A_137, %dma_wait3A_138] : memref<4x80x128xf32, #tpu.memory_space<vmem>> -> memref<1x80x128xf32, #tpu.memory_space<vmem>>
    %dma_wait3A_140 = tpu.memref_squeeze %dma_wait3A_139 : memref<1x80x128xf32, #tpu.memory_space<vmem>> -> memref<80x128xf32, #tpu.memory_space<vmem>>
    %dma_wait3A_141 = arith.constant 0 : i32
    %dma_wait3A_142 = tpu.memref_slice %arg7[%dma_wait3A_136, %dma_wait3A_141] : memref<32x80xi32, #tpu.memory_space<vmem>> -> memref<1x80xi32, #tpu.memory_space<vmem>>
    %dma_wait3A_143 = tpu.memref_squeeze %dma_wait3A_142 : memref<1x80xi32, #tpu.memory_space<vmem>> -> memref<80xi32, #tpu.memory_space<vmem>>
    %dma_wait3A_144 = arith.constant 0 : i32
    %dma_wait3A_145 = arith.constant 0 : i32
    %dma_wait3A_146 = tpu.memref_slice %arg9[%dma_wait3A_144, %dma_wait3A_145] : memref<10240x128xf32, #tpu.memory_space<vmem_shared>> -> memref<10240x128xf32, #tpu.memory_space<vmem_shared>>
    tpu.wait_indirect_dma semaphore(%arg17 : memref<!tpu.dma_semaphore, #tpu.memory_space<semaphore_mem>>) src(%dma_wait3A_140 : memref<80x128xf32, #tpu.memory_space<vmem>>) dst(%dma_wait3A_146 : memref<10240x128xf32, #tpu.memory_space<vmem_shared>>)
    "tpu.region"() ({
      %run_scoped3A_461 = tpu.sem_alloc : memref<!tpu.dma_semaphore, #tpu.memory_space<semaphore_mem>>
      %dma_start3A_462 = arith.constant 32 : i32
      %dma_start3A_463 = arith.constant 0 : i32
      %dma_start3A_464 = tpu.memref_slice %arg3[%add3A, %dma_start3A_462, %dma_start3A_463] : memref<32x128x80xi32, #tpu.memory_space<hbm>> -> memref<1x32x80xi32, #tpu.memory_space<hbm>>
      %dma_start3A_465 = tpu.memref_squeeze %dma_start3A_464 : memref<1x32x80xi32, #tpu.memory_space<hbm>> -> memref<32x80xi32, #tpu.memory_space<hbm>>
      %dma_start3A_466 = arith.constant 32 : i32
      %dma_start3A_467 = arith.constant 0 : i32
      %dma_start3A_468 = tpu.memref_slice %arg3[%add3A, %dma_start3A_466, %dma_start3A_467] : memref<32x128x80xi32, #tpu.memory_space<hbm>> -> memref<1x32x80xi32, #tpu.memory_space<hbm>>
      %dma_start3A_469 = tpu.memref_squeeze %dma_start3A_468 : memref<1x32x80xi32, #tpu.memory_space<hbm>> -> memref<32x80xi32, #tpu.memory_space<hbm>>
      tpu.enqueue_dma source(%dma_start3A_469 : memref<32x80xi32, #tpu.memory_space<hbm>>) target(%arg6 : memref<32x80xi32, #tpu.memory_space<vmem>>) target_semaphore(%run_scoped3A_461 : memref<!tpu.dma_semaphore, #tpu.memory_space<semaphore_mem>>)
      %dma_wait3A_470 = arith.constant 32 : i32
      %dma_wait3A_471 = arith.constant 0 : i32
      %dma_wait3A_472 = tpu.memref_slice %arg3[%add3A, %dma_wait3A_470, %dma_wait3A_471] : memref<32x128x80xi32, #tpu.memory_space<hbm>> -> memref<1x32x80xi32, #tpu.memory_space<hbm>>
      %dma_wait3A_473 = tpu.memref_squeeze %dma_wait3A_472 : memref<1x32x80xi32, #tpu.memory_space<hbm>> -> memref<32x80xi32, #tpu.memory_space<hbm>>
      %dma_wait3A_474 = arith.constant 32 : i32
      %dma_wait3A_475 = arith.constant 0 : i32
      %dma_wait3A_476 = tpu.memref_slice %arg3[%add3A, %dma_wait3A_474, %dma_wait3A_475] : memref<32x128x80xi32, #tpu.memory_space<hbm>> -> memref<1x32x80xi32, #tpu.memory_space<hbm>>
      %dma_wait3A_477 = tpu.memref_squeeze %dma_wait3A_476 : memref<1x32x80xi32, #tpu.memory_space<hbm>> -> memref<32x80xi32, #tpu.memory_space<hbm>>
      tpu.wait_dma2 semaphore(%run_scoped3A_461 : memref<!tpu.dma_semaphore, #tpu.memory_space<semaphore_mem>>) src(%dma_wait3A_477 : memref<32x80xi32, #tpu.memory_space<hbm>>) dst(%arg6 : memref<32x80xi32, #tpu.memory_space<vmem>>)
      tpu.yield
    }) : () -> ()
    "tpu.region"() ({
      %run_scoped3A_461 = tpu.sem_alloc : memref<!tpu.dma_semaphore, #tpu.memory_space<semaphore_mem>>
      %dma_start3A_462 = arith.constant 32 : i32
      %dma_start3A_463 = arith.constant 0 : i32
      %dma_start3A_464 = tpu.memref_slice %arg4[%add3A, %dma_start3A_462, %dma_start3A_463] : memref<32x128x80xi32, #tpu.memory_space<hbm>> -> memref<1x32x80xi32, #tpu.memory_space<hbm>>
      %dma_start3A_465 = tpu.memref_squeeze %dma_start3A_464 : memref<1x32x80xi32, #tpu.memory_space<hbm>> -> memref<32x80xi32, #tpu.memory_space<hbm>>
      %dma_start3A_466 = arith.constant 32 : i32
      %dma_start3A_467 = arith.constant 0 : i32
      %dma_start3A_468 = tpu.memref_slice %arg4[%add3A, %dma_start3A_466, %dma_start3A_467] : memref<32x128x80xi32, #tpu.memory_space<hbm>> -> memref<1x32x80xi32, #tpu.memory_space<hbm>>
      %dma_start3A_469 = tpu.memref_squeeze %dma_start3A_468 : memref<1x32x80xi32, #tpu.memory_space<hbm>> -> memref<32x80xi32, #tpu.memory_space<hbm>>
      tpu.enqueue_dma source(%dma_start3A_469 : memref<32x80xi32, #tpu.memory_space<hbm>>) target(%arg7 : memref<32x80xi32, #tpu.memory_space<vmem>>) target_semaphore(%run_scoped3A_461 : memref<!tpu.dma_semaphore, #tpu.memory_space<semaphore_mem>>)
      %dma_wait3A_470 = arith.constant 32 : i32
      %dma_wait3A_471 = arith.constant 0 : i32
      %dma_wait3A_472 = tpu.memref_slice %arg4[%add3A, %dma_wait3A_470, %dma_wait3A_471] : memref<32x128x80xi32, #tpu.memory_space<hbm>> -> memref<1x32x80xi32, #tpu.memory_space<hbm>>
      %dma_wait3A_473 = tpu.memref_squeeze %dma_wait3A_472 : memref<1x32x80xi32, #tpu.memory_space<hbm>> -> memref<32x80xi32, #tpu.memory_space<hbm>>
      %dma_wait3A_474 = arith.constant 32 : i32
      %dma_wait3A_475 = arith.constant 0 : i32
      %dma_wait3A_476 = tpu.memref_slice %arg4[%add3A, %dma_wait3A_474, %dma_wait3A_475] : memref<32x128x80xi32, #tpu.memory_space<hbm>> -> memref<1x32x80xi32, #tpu.memory_space<hbm>>
      %dma_wait3A_477 = tpu.memref_squeeze %dma_wait3A_476 : memref<1x32x80xi32, #tpu.memory_space<hbm>> -> memref<32x80xi32, #tpu.memory_space<hbm>>
      tpu.wait_dma2 semaphore(%run_scoped3A_461 : memref<!tpu.dma_semaphore, #tpu.memory_space<semaphore_mem>>) src(%dma_wait3A_477 : memref<32x80xi32, #tpu.memory_space<hbm>>) dst(%arg7 : memref<32x80xi32, #tpu.memory_space<vmem>>)
      tpu.yield
    }) : () -> ()
    %dma_start3A_147 = arith.constant 0 : i32
    %dma_start3A_148 = arith.constant 0 : i32
    %dma_start3A_149 = arith.constant 0 : i32
    %dma_start3A_150 = arith.constant 0 : i32
    %dma_start3A_151 = tpu.memref_slice %arg8[%dma_start3A_148, %dma_start3A_149, %dma_start3A_150] : memref<4x80x128xf32, #tpu.memory_space<vmem>> -> memref<1x80x128xf32, #tpu.memory_space<vmem>>
    %dma_start3A_152 = tpu.memref_squeeze %dma_start3A_151 : memref<1x80x128xf32, #tpu.memory_space<vmem>> -> memref<80x128xf32, #tpu.memory_space<vmem>>
    %dma_start3A_153 = arith.constant 0 : i32
    %dma_start3A_154 = tpu.memref_slice %arg6[%dma_start3A_147, %dma_start3A_153] : memref<32x80xi32, #tpu.memory_space<vmem>> -> memref<1x80xi32, #tpu.memory_space<vmem>>
    %dma_start3A_155 = tpu.memref_squeeze %dma_start3A_154 : memref<1x80xi32, #tpu.memory_space<vmem>> -> memref<80xi32, #tpu.memory_space<vmem>>
    %dma_start3A_156 = arith.constant 0 : i32
    %dma_start3A_157 = arith.constant 0 : i32
    %dma_start3A_158 = tpu.memref_slice %arg2[%dma_start3A_156, %dma_start3A_157] : memref<10240x128xf32, #tpu.memory_space<hbm>> -> memref<10240x128xf32, #tpu.memory_space<hbm>>
    tpu.enqueue_indirect_dma source(%dma_start3A_158 : memref<10240x128xf32, #tpu.memory_space<hbm>>) target(%dma_start3A_152 : memref<80x128xf32, #tpu.memory_space<vmem>>) offsets(%dma_start3A_155 : memref<80xi32, #tpu.memory_space<vmem>>) semaphore(%arg10 : memref<!tpu.dma_semaphore, #tpu.memory_space<semaphore_mem>>)
    %dma_start3A_159 = arith.constant 1 : i32
    %dma_start3A_160 = arith.constant 1 : i32
    %dma_start3A_161 = arith.constant 0 : i32
    %dma_start3A_162 = arith.constant 0 : i32
    %dma_start3A_163 = tpu.memref_slice %arg8[%dma_start3A_160, %dma_start3A_161, %dma_start3A_162] : memref<4x80x128xf32, #tpu.memory_space<vmem>> -> memref<1x80x128xf32, #tpu.memory_space<vmem>>
    %dma_start3A_164 = tpu.memref_squeeze %dma_start3A_163 : memref<1x80x128xf32, #tpu.memory_space<vmem>> -> memref<80x128xf32, #tpu.memory_space<vmem>>
    %dma_start3A_165 = arith.constant 0 : i32
    %dma_start3A_166 = tpu.memref_slice %arg6[%dma_start3A_159, %dma_start3A_165] : memref<32x80xi32, #tpu.memory_space<vmem>> -> memref<1x80xi32, #tpu.memory_space<vmem>>
    %dma_start3A_167 = tpu.memref_squeeze %dma_start3A_166 : memref<1x80xi32, #tpu.memory_space<vmem>> -> memref<80xi32, #tpu.memory_space<vmem>>
    %dma_start3A_168 = arith.constant 0 : i32
    %dma_start3A_169 = arith.constant 0 : i32
    %dma_start3A_170 = tpu.memref_slice %arg2[%dma_start3A_168, %dma_start3A_169] : memref<10240x128xf32, #tpu.memory_space<hbm>> -> memref<10240x128xf32, #tpu.memory_space<hbm>>
    tpu.enqueue_indirect_dma source(%dma_start3A_170 : memref<10240x128xf32, #tpu.memory_space<hbm>>) target(%dma_start3A_164 : memref<80x128xf32, #tpu.memory_space<vmem>>) offsets(%dma_start3A_167 : memref<80xi32, #tpu.memory_space<vmem>>) semaphore(%arg11 : memref<!tpu.dma_semaphore, #tpu.memory_space<semaphore_mem>>)
    %dma_start3A_171 = arith.constant 2 : i32
    %dma_start3A_172 = arith.constant 2 : i32
    %dma_start3A_173 = arith.constant 0 : i32
    %dma_start3A_174 = arith.constant 0 : i32
    %dma_start3A_175 = tpu.memref_slice %arg8[%dma_start3A_172, %dma_start3A_173, %dma_start3A_174] : memref<4x80x128xf32, #tpu.memory_space<vmem>> -> memref<1x80x128xf32, #tpu.memory_space<vmem>>
    %dma_start3A_176 = tpu.memref_squeeze %dma_start3A_175 : memref<1x80x128xf32, #tpu.memory_space<vmem>> -> memref<80x128xf32, #tpu.memory_space<vmem>>
    %dma_start3A_177 = arith.constant 0 : i32
    %dma_start3A_178 = tpu.memref_slice %arg6[%dma_start3A_171, %dma_start3A_177] : memref<32x80xi32, #tpu.memory_space<vmem>> -> memref<1x80xi32, #tpu.memory_space<vmem>>
    %dma_start3A_179 = tpu.memref_squeeze %dma_start3A_178 : memref<1x80xi32, #tpu.memory_space<vmem>> -> memref<80xi32, #tpu.memory_space<vmem>>
    %dma_start3A_180 = arith.constant 0 : i32
    %dma_start3A_181 = arith.constant 0 : i32
    %dma_start3A_182 = tpu.memref_slice %arg2[%dma_start3A_180, %dma_start3A_181] : memref<10240x128xf32, #tpu.memory_space<hbm>> -> memref<10240x128xf32, #tpu.memory_space<hbm>>
    tpu.enqueue_indirect_dma source(%dma_start3A_182 : memref<10240x128xf32, #tpu.memory_space<hbm>>) target(%dma_start3A_176 : memref<80x128xf32, #tpu.memory_space<vmem>>) offsets(%dma_start3A_179 : memref<80xi32, #tpu.memory_space<vmem>>) semaphore(%arg12 : memref<!tpu.dma_semaphore, #tpu.memory_space<semaphore_mem>>)
    %dma_start3A_183 = arith.constant 3 : i32
    %dma_start3A_184 = arith.constant 3 : i32
    %dma_start3A_185 = arith.constant 0 : i32
    %dma_start3A_186 = arith.constant 0 : i32
    %dma_start3A_187 = tpu.memref_slice %arg8[%dma_start3A_184, %dma_start3A_185, %dma_start3A_186] : memref<4x80x128xf32, #tpu.memory_space<vmem>> -> memref<1x80x128xf32, #tpu.memory_space<vmem>>
    %dma_start3A_188 = tpu.memref_squeeze %dma_start3A_187 : memref<1x80x128xf32, #tpu.memory_space<vmem>> -> memref<80x128xf32, #tpu.memory_space<vmem>>
    %dma_start3A_189 = arith.constant 0 : i32
    %dma_start3A_190 = tpu.memref_slice %arg6[%dma_start3A_183, %dma_start3A_189] : memref<32x80xi32, #tpu.memory_space<vmem>> -> memref<1x80xi32, #tpu.memory_space<vmem>>
    %dma_start3A_191 = tpu.memref_squeeze %dma_start3A_190 : memref<1x80xi32, #tpu.memory_space<vmem>> -> memref<80xi32, #tpu.memory_space<vmem>>
    %dma_start3A_192 = arith.constant 0 : i32
    %dma_start3A_193 = arith.constant 0 : i32
    %dma_start3A_194 = tpu.memref_slice %arg2[%dma_start3A_192, %dma_start3A_193] : memref<10240x128xf32, #tpu.memory_space<hbm>> -> memref<10240x128xf32, #tpu.memory_space<hbm>>
    tpu.enqueue_indirect_dma source(%dma_start3A_194 : memref<10240x128xf32, #tpu.memory_space<hbm>>) target(%dma_start3A_188 : memref<80x128xf32, #tpu.memory_space<vmem>>) offsets(%dma_start3A_191 : memref<80xi32, #tpu.memory_space<vmem>>) semaphore(%arg13 : memref<!tpu.dma_semaphore, #tpu.memory_space<semaphore_mem>>)
    %scan3A_195 = arith.constant 0 : i32
    %scan3A_196 = arith.constant 0 : i32
    %scan3A_197 = arith.constant 8 : i32
    %scan3A_198 = arith.addi %scan3A_196, %scan3A_197 : i32
    %scan3A_199 = arith.constant 1 : i32
    %scan3A_200 = scf.for %scan3A_461 = %scan3A_196 to %scan3A_198 step %scan3A_199 iter_args(%scan3A_462 = %scan3A_195) -> (i32)  : i32 {
      %mul3A_463 = arith.constant 4 : i32
      %mul3A_464 = arith.muli %scan3A_461, %mul3A_463 : i32
      %add3A_465 = arith.constant 0 : i32
      %add3A_466 = arith.addi %mul3A_464, %add3A_465 : i32
      %dma_wait3A_467 = arith.constant 0 : i32
      %dma_wait3A_468 = arith.constant 0 : i32
      %dma_wait3A_469 = arith.constant 0 : i32
      %dma_wait3A_470 = tpu.memref_slice %arg8[%dma_wait3A_467, %dma_wait3A_468, %dma_wait3A_469] : memref<4x80x128xf32, #tpu.memory_space<vmem>> -> memref<1x80x128xf32, #tpu.memory_space<vmem>>
      %dma_wait3A_471 = tpu.memref_squeeze %dma_wait3A_470 : memref<1x80x128xf32, #tpu.memory_space<vmem>> -> memref<80x128xf32, #tpu.memory_space<vmem>>
      %dma_wait3A_472 = arith.constant 0 : i32
      %dma_wait3A_473 = tpu.memref_slice %arg6[%add3A_466, %dma_wait3A_472] : memref<32x80xi32, #tpu.memory_space<vmem>> -> memref<1x80xi32, #tpu.memory_space<vmem>>
      %dma_wait3A_474 = tpu.memref_squeeze %dma_wait3A_473 : memref<1x80xi32, #tpu.memory_space<vmem>> -> memref<80xi32, #tpu.memory_space<vmem>>
      %dma_wait3A_475 = arith.constant 0 : i32
      %dma_wait3A_476 = arith.constant 0 : i32
      %dma_wait3A_477 = tpu.memref_slice %arg2[%dma_wait3A_475, %dma_wait3A_476] : memref<10240x128xf32, #tpu.memory_space<hbm>> -> memref<10240x128xf32, #tpu.memory_space<hbm>>
      tpu.wait_indirect_dma semaphore(%arg10 : memref<!tpu.dma_semaphore, #tpu.memory_space<semaphore_mem>>) src(%dma_wait3A_477 : memref<10240x128xf32, #tpu.memory_space<hbm>>) dst(%dma_wait3A_471 : memref<80x128xf32, #tpu.memory_space<vmem>>)
      %dma_start3A_478 = arith.constant 0 : i32
      %dma_start3A_479 = arith.constant 0 : i32
      %dma_start3A_480 = arith.constant 0 : i32
      %dma_start3A_481 = tpu.memref_slice %arg8[%dma_start3A_478, %dma_start3A_479, %dma_start3A_480] : memref<4x80x128xf32, #tpu.memory_space<vmem>> -> memref<1x80x128xf32, #tpu.memory_space<vmem>>
      %dma_start3A_482 = tpu.memref_squeeze %dma_start3A_481 : memref<1x80x128xf32, #tpu.memory_space<vmem>> -> memref<80x128xf32, #tpu.memory_space<vmem>>
      %dma_start3A_483 = arith.constant 0 : i32
      %dma_start3A_484 = tpu.memref_slice %arg7[%add3A_466, %dma_start3A_483] : memref<32x80xi32, #tpu.memory_space<vmem>> -> memref<1x80xi32, #tpu.memory_space<vmem>>
      %dma_start3A_485 = tpu.memref_squeeze %dma_start3A_484 : memref<1x80xi32, #tpu.memory_space<vmem>> -> memref<80xi32, #tpu.memory_space<vmem>>
      %dma_start3A_486 = arith.constant 0 : i32
      %dma_start3A_487 = arith.constant 0 : i32
      %dma_start3A_488 = tpu.memref_slice %arg9[%dma_start3A_486, %dma_start3A_487] : memref<10240x128xf32, #tpu.memory_space<vmem_shared>> -> memref<10240x128xf32, #tpu.memory_space<vmem_shared>>
      tpu.enqueue_indirect_dma source(%dma_start3A_482 : memref<80x128xf32, #tpu.memory_space<vmem>>) target(%dma_start3A_488 : memref<10240x128xf32, #tpu.memory_space<vmem_shared>>) offsets(%dma_start3A_485 : memref<80xi32, #tpu.memory_space<vmem>>) semaphore(%arg14 : memref<!tpu.dma_semaphore, #tpu.memory_space<semaphore_mem>>) {add = true}
      %mul3A_489 = arith.constant 4 : i32
      %mul3A_490 = arith.muli %scan3A_461, %mul3A_489 : i32
      %add3A_491 = arith.constant 1 : i32
      %add3A_492 = arith.addi %mul3A_490, %add3A_491 : i32
      %dma_wait3A_493 = arith.constant 1 : i32
      %dma_wait3A_494 = arith.constant 0 : i32
      %dma_wait3A_495 = arith.constant 0 : i32
      %dma_wait3A_496 = tpu.memref_slice %arg8[%dma_wait3A_493, %dma_wait3A_494, %dma_wait3A_495] : memref<4x80x128xf32, #tpu.memory_space<vmem>> -> memref<1x80x128xf32, #tpu.memory_space<vmem>>
      %dma_wait3A_497 = tpu.memref_squeeze %dma_wait3A_496 : memref<1x80x128xf32, #tpu.memory_space<vmem>> -> memref<80x128xf32, #tpu.memory_space<vmem>>
      %dma_wait3A_498 = arith.constant 0 : i32
      %dma_wait3A_499 = tpu.memref_slice %arg6[%add3A_492, %dma_wait3A_498] : memref<32x80xi32, #tpu.memory_space<vmem>> -> memref<1x80xi32, #tpu.memory_space<vmem>>
      %dma_wait3A_500 = tpu.memref_squeeze %dma_wait3A_499 : memref<1x80xi32, #tpu.memory_space<vmem>> -> memref<80xi32, #tpu.memory_space<vmem>>
      %dma_wait3A_501 = arith.constant 0 : i32
      %dma_wait3A_502 = arith.constant 0 : i32
      %dma_wait3A_503 = tpu.memref_slice %arg2[%dma_wait3A_501, %dma_wait3A_502] : memref<10240x128xf32, #tpu.memory_space<hbm>> -> memref<10240x128xf32, #tpu.memory_space<hbm>>
      tpu.wait_indirect_dma semaphore(%arg11 : memref<!tpu.dma_semaphore, #tpu.memory_space<semaphore_mem>>) src(%dma_wait3A_503 : memref<10240x128xf32, #tpu.memory_space<hbm>>) dst(%dma_wait3A_497 : memref<80x128xf32, #tpu.memory_space<vmem>>)
      %dma_start3A_504 = arith.constant 1 : i32
      %dma_start3A_505 = arith.constant 0 : i32
      %dma_start3A_506 = arith.constant 0 : i32
      %dma_start3A_507 = tpu.memref_slice %arg8[%dma_start3A_504, %dma_start3A_505, %dma_start3A_506] : memref<4x80x128xf32, #tpu.memory_space<vmem>> -> memref<1x80x128xf32, #tpu.memory_space<vmem>>
      %dma_start3A_508 = tpu.memref_squeeze %dma_start3A_507 : memref<1x80x128xf32, #tpu.memory_space<vmem>> -> memref<80x128xf32, #tpu.memory_space<vmem>>
      %dma_start3A_509 = arith.constant 0 : i32
      %dma_start3A_510 = tpu.memref_slice %arg7[%add3A_492, %dma_start3A_509] : memref<32x80xi32, #tpu.memory_space<vmem>> -> memref<1x80xi32, #tpu.memory_space<vmem>>
      %dma_start3A_511 = tpu.memref_squeeze %dma_start3A_510 : memref<1x80xi32, #tpu.memory_space<vmem>> -> memref<80xi32, #tpu.memory_space<vmem>>
      %dma_start3A_512 = arith.constant 0 : i32
      %dma_start3A_513 = arith.constant 0 : i32
      %dma_start3A_514 = tpu.memref_slice %arg9[%dma_start3A_512, %dma_start3A_513] : memref<10240x128xf32, #tpu.memory_space<vmem_shared>> -> memref<10240x128xf32, #tpu.memory_space<vmem_shared>>
      tpu.enqueue_indirect_dma source(%dma_start3A_508 : memref<80x128xf32, #tpu.memory_space<vmem>>) target(%dma_start3A_514 : memref<10240x128xf32, #tpu.memory_space<vmem_shared>>) offsets(%dma_start3A_511 : memref<80xi32, #tpu.memory_space<vmem>>) semaphore(%arg15 : memref<!tpu.dma_semaphore, #tpu.memory_space<semaphore_mem>>) {add = true}
      %mul3A_515 = arith.constant 4 : i32
      %mul3A_516 = arith.muli %scan3A_461, %mul3A_515 : i32
      %add3A_517 = arith.constant 2 : i32
      %add3A_518 = arith.addi %mul3A_516, %add3A_517 : i32
      %dma_wait3A_519 = arith.constant 2 : i32
      %dma_wait3A_520 = arith.constant 0 : i32
      %dma_wait3A_521 = arith.constant 0 : i32
      %dma_wait3A_522 = tpu.memref_slice %arg8[%dma_wait3A_519, %dma_wait3A_520, %dma_wait3A_521] : memref<4x80x128xf32, #tpu.memory_space<vmem>> -> memref<1x80x128xf32, #tpu.memory_space<vmem>>
      %dma_wait3A_523 = tpu.memref_squeeze %dma_wait3A_522 : memref<1x80x128xf32, #tpu.memory_space<vmem>> -> memref<80x128xf32, #tpu.memory_space<vmem>>
      %dma_wait3A_524 = arith.constant 0 : i32
      %dma_wait3A_525 = tpu.memref_slice %arg6[%add3A_518, %dma_wait3A_524] : memref<32x80xi32, #tpu.memory_space<vmem>> -> memref<1x80xi32, #tpu.memory_space<vmem>>
      %dma_wait3A_526 = tpu.memref_squeeze %dma_wait3A_525 : memref<1x80xi32, #tpu.memory_space<vmem>> -> memref<80xi32, #tpu.memory_space<vmem>>
      %dma_wait3A_527 = arith.constant 0 : i32
      %dma_wait3A_528 = arith.constant 0 : i32
      %dma_wait3A_529 = tpu.memref_slice %arg2[%dma_wait3A_527, %dma_wait3A_528] : memref<10240x128xf32, #tpu.memory_space<hbm>> -> memref<10240x128xf32, #tpu.memory_space<hbm>>
      tpu.wait_indirect_dma semaphore(%arg12 : memref<!tpu.dma_semaphore, #tpu.memory_space<semaphore_mem>>) src(%dma_wait3A_529 : memref<10240x128xf32, #tpu.memory_space<hbm>>) dst(%dma_wait3A_523 : memref<80x128xf32, #tpu.memory_space<vmem>>)
      %dma_start3A_530 = arith.constant 2 : i32
      %dma_start3A_531 = arith.constant 0 : i32
      %dma_start3A_532 = arith.constant 0 : i32
      %dma_start3A_533 = tpu.memref_slice %arg8[%dma_start3A_530, %dma_start3A_531, %dma_start3A_532] : memref<4x80x128xf32, #tpu.memory_space<vmem>> -> memref<1x80x128xf32, #tpu.memory_space<vmem>>
      %dma_start3A_534 = tpu.memref_squeeze %dma_start3A_533 : memref<1x80x128xf32, #tpu.memory_space<vmem>> -> memref<80x128xf32, #tpu.memory_space<vmem>>
      %dma_start3A_535 = arith.constant 0 : i32
      %dma_start3A_536 = tpu.memref_slice %arg7[%add3A_518, %dma_start3A_535] : memref<32x80xi32, #tpu.memory_space<vmem>> -> memref<1x80xi32, #tpu.memory_space<vmem>>
      %dma_start3A_537 = tpu.memref_squeeze %dma_start3A_536 : memref<1x80xi32, #tpu.memory_space<vmem>> -> memref<80xi32, #tpu.memory_space<vmem>>
      %dma_start3A_538 = arith.constant 0 : i32
      %dma_start3A_539 = arith.constant 0 : i32
      %dma_start3A_540 = tpu.memref_slice %arg9[%dma_start3A_538, %dma_start3A_539] : memref<10240x128xf32, #tpu.memory_space<vmem_shared>> -> memref<10240x128xf32, #tpu.memory_space<vmem_shared>>
      tpu.enqueue_indirect_dma source(%dma_start3A_534 : memref<80x128xf32, #tpu.memory_space<vmem>>) target(%dma_start3A_540 : memref<10240x128xf32, #tpu.memory_space<vmem_shared>>) offsets(%dma_start3A_537 : memref<80xi32, #tpu.memory_space<vmem>>) semaphore(%arg16 : memref<!tpu.dma_semaphore, #tpu.memory_space<semaphore_mem>>) {add = true}
      %mul3A_541 = arith.constant 4 : i32
      %mul3A_542 = arith.muli %scan3A_461, %mul3A_541 : i32
      %add3A_543 = arith.constant 3 : i32
      %add3A_544 = arith.addi %mul3A_542, %add3A_543 : i32
      %dma_wait3A_545 = arith.constant 3 : i32
      %dma_wait3A_546 = arith.constant 0 : i32
      %dma_wait3A_547 = arith.constant 0 : i32
      %dma_wait3A_548 = tpu.memref_slice %arg8[%dma_wait3A_545, %dma_wait3A_546, %dma_wait3A_547] : memref<4x80x128xf32, #tpu.memory_space<vmem>> -> memref<1x80x128xf32, #tpu.memory_space<vmem>>
      %dma_wait3A_549 = tpu.memref_squeeze %dma_wait3A_548 : memref<1x80x128xf32, #tpu.memory_space<vmem>> -> memref<80x128xf32, #tpu.memory_space<vmem>>
      %dma_wait3A_550 = arith.constant 0 : i32
      %dma_wait3A_551 = tpu.memref_slice %arg6[%add3A_544, %dma_wait3A_550] : memref<32x80xi32, #tpu.memory_space<vmem>> -> memref<1x80xi32, #tpu.memory_space<vmem>>
      %dma_wait3A_552 = tpu.memref_squeeze %dma_wait3A_551 : memref<1x80xi32, #tpu.memory_space<vmem>> -> memref<80xi32, #tpu.memory_space<vmem>>
      %dma_wait3A_553 = arith.constant 0 : i32
      %dma_wait3A_554 = arith.constant 0 : i32
      %dma_wait3A_555 = tpu.memref_slice %arg2[%dma_wait3A_553, %dma_wait3A_554] : memref<10240x128xf32, #tpu.memory_space<hbm>> -> memref<10240x128xf32, #tpu.memory_space<hbm>>
      tpu.wait_indirect_dma semaphore(%arg13 : memref<!tpu.dma_semaphore, #tpu.memory_space<semaphore_mem>>) src(%dma_wait3A_555 : memref<10240x128xf32, #tpu.memory_space<hbm>>) dst(%dma_wait3A_549 : memref<80x128xf32, #tpu.memory_space<vmem>>)
      %dma_start3A_556 = arith.constant 3 : i32
      %dma_start3A_557 = arith.constant 0 : i32
      %dma_start3A_558 = arith.constant 0 : i32
      %dma_start3A_559 = tpu.memref_slice %arg8[%dma_start3A_556, %dma_start3A_557, %dma_start3A_558] : memref<4x80x128xf32, #tpu.memory_space<vmem>> -> memref<1x80x128xf32, #tpu.memory_space<vmem>>
      %dma_start3A_560 = tpu.memref_squeeze %dma_start3A_559 : memref<1x80x128xf32, #tpu.memory_space<vmem>> -> memref<80x128xf32, #tpu.memory_space<vmem>>
      %dma_start3A_561 = arith.constant 0 : i32
      %dma_start3A_562 = tpu.memref_slice %arg7[%add3A_544, %dma_start3A_561] : memref<32x80xi32, #tpu.memory_space<vmem>> -> memref<1x80xi32, #tpu.memory_space<vmem>>
      %dma_start3A_563 = tpu.memref_squeeze %dma_start3A_562 : memref<1x80xi32, #tpu.memory_space<vmem>> -> memref<80xi32, #tpu.memory_space<vmem>>
      %dma_start3A_564 = arith.constant 0 : i32
      %dma_start3A_565 = arith.constant 0 : i32
      %dma_start3A_566 = tpu.memref_slice %arg9[%dma_start3A_564, %dma_start3A_565] : memref<10240x128xf32, #tpu.memory_space<vmem_shared>> -> memref<10240x128xf32, #tpu.memory_space<vmem_shared>>
      tpu.enqueue_indirect_dma source(%dma_start3A_560 : memref<80x128xf32, #tpu.memory_space<vmem>>) target(%dma_start3A_566 : memref<10240x128xf32, #tpu.memory_space<vmem_shared>>) offsets(%dma_start3A_563 : memref<80xi32, #tpu.memory_space<vmem>>) semaphore(%arg17 : memref<!tpu.dma_semaphore, #tpu.memory_space<semaphore_mem>>) {add = true}
      %mul3A_567 = arith.constant 4 : i32
      %mul3A_568 = arith.muli %scan3A_461, %mul3A_567 : i32
      %add3A_569 = arith.constant 0 : i32
      %add3A_570 = arith.addi %mul3A_568, %add3A_569 : i32
      %lt3A = arith.constant 7 : i32
      %lt3A_571 = arith.cmpi slt, %scan3A_461, %lt3A : i32
      %convert_element_type3A = arith.extui %lt3A_571 : i1 to i32
      %cond3A = arith.constant 0 : i32
      %cond3A_572 = arith.cmpi ne, %convert_element_type3A, %cond3A : i32
      scf.if %cond3A_572 {
        %dma_wait3A_601 = arith.constant 0 : i32
        %dma_wait3A_602 = arith.constant 0 : i32
        %dma_wait3A_603 = arith.constant 0 : i32
        %dma_wait3A_604 = tpu.memref_slice %arg8[%dma_wait3A_601, %dma_wait3A_602, %dma_wait3A_603] : memref<4x80x128xf32, #tpu.memory_space<vmem>> -> memref<1x80x128xf32, #tpu.memory_space<vmem>>
        %dma_wait3A_605 = tpu.memref_squeeze %dma_wait3A_604 : memref<1x80x128xf32, #tpu.memory_space<vmem>> -> memref<80x128xf32, #tpu.memory_space<vmem>>
        %dma_wait3A_606 = arith.constant 0 : i32
        %dma_wait3A_607 = tpu.memref_slice %arg7[%add3A_570, %dma_wait3A_606] : memref<32x80xi32, #tpu.memory_space<vmem>> -> memref<1x80xi32, #tpu.memory_space<vmem>>
        %dma_wait3A_608 = tpu.memref_squeeze %dma_wait3A_607 : memref<1x80xi32, #tpu.memory_space<vmem>> -> memref<80xi32, #tpu.memory_space<vmem>>
        %dma_wait3A_609 = arith.constant 0 : i32
        %dma_wait3A_610 = arith.constant 0 : i32
        %dma_wait3A_611 = tpu.memref_slice %arg9[%dma_wait3A_609, %dma_wait3A_610] : memref<10240x128xf32, #tpu.memory_space<vmem_shared>> -> memref<10240x128xf32, #tpu.memory_space<vmem_shared>>
        tpu.wait_indirect_dma semaphore(%arg14 : memref<!tpu.dma_semaphore, #tpu.memory_space<semaphore_mem>>) src(%dma_wait3A_605 : memref<80x128xf32, #tpu.memory_space<vmem>>) dst(%dma_wait3A_611 : memref<10240x128xf32, #tpu.memory_space<vmem_shared>>)
        %add3A_612 = arith.constant 4 : i32
        %add3A_613 = arith.addi %add3A_570, %add3A_612 : i32
        %dma_start3A_614 = arith.constant 0 : i32
        %dma_start3A_615 = arith.constant 0 : i32
        %dma_start3A_616 = arith.constant 0 : i32
        %dma_start3A_617 = tpu.memref_slice %arg8[%dma_start3A_614, %dma_start3A_615, %dma_start3A_616] : memref<4x80x128xf32, #tpu.memory_space<vmem>> -> memref<1x80x128xf32, #tpu.memory_space<vmem>>
        %dma_start3A_618 = tpu.memref_squeeze %dma_start3A_617 : memref<1x80x128xf32, #tpu.memory_space<vmem>> -> memref<80x128xf32, #tpu.memory_space<vmem>>
        %dma_start3A_619 = arith.constant 0 : i32
        %dma_start3A_620 = tpu.memref_slice %arg6[%add3A_613, %dma_start3A_619] : memref<32x80xi32, #tpu.memory_space<vmem>> -> memref<1x80xi32, #tpu.memory_space<vmem>>
        %dma_start3A_621 = tpu.memref_squeeze %dma_start3A_620 : memref<1x80xi32, #tpu.memory_space<vmem>> -> memref<80xi32, #tpu.memory_space<vmem>>
        %dma_start3A_622 = arith.constant 0 : i32
        %dma_start3A_623 = arith.constant 0 : i32
        %dma_start3A_624 = tpu.memref_slice %arg2[%dma_start3A_622, %dma_start3A_623] : memref<10240x128xf32, #tpu.memory_space<hbm>> -> memref<10240x128xf32, #tpu.memory_space<hbm>>
        tpu.enqueue_indirect_dma source(%dma_start3A_624 : memref<10240x128xf32, #tpu.memory_space<hbm>>) target(%dma_start3A_618 : memref<80x128xf32, #tpu.memory_space<vmem>>) offsets(%dma_start3A_621 : memref<80xi32, #tpu.memory_space<vmem>>) semaphore(%arg10 : memref<!tpu.dma_semaphore, #tpu.memory_space<semaphore_mem>>)
      } else {
      }
      %mul3A_573 = arith.constant 4 : i32
      %mul3A_574 = arith.muli %scan3A_461, %mul3A_573 : i32
      %add3A_575 = arith.constant 1 : i32
      %add3A_576 = arith.addi %mul3A_574, %add3A_575 : i32
      %lt3A_577 = arith.constant 7 : i32
      %lt3A_578 = arith.cmpi slt, %scan3A_461, %lt3A_577 : i32
      %convert_element_type3A_579 = arith.extui %lt3A_578 : i1 to i32
      %cond3A_580 = arith.constant 0 : i32
      %cond3A_581 = arith.cmpi ne, %convert_element_type3A_579, %cond3A_580 : i32
      scf.if %cond3A_581 {
        %dma_wait3A_601 = arith.constant 1 : i32
        %dma_wait3A_602 = arith.constant 0 : i32
        %dma_wait3A_603 = arith.constant 0 : i32
        %dma_wait3A_604 = tpu.memref_slice %arg8[%dma_wait3A_601, %dma_wait3A_602, %dma_wait3A_603] : memref<4x80x128xf32, #tpu.memory_space<vmem>> -> memref<1x80x128xf32, #tpu.memory_space<vmem>>
        %dma_wait3A_605 = tpu.memref_squeeze %dma_wait3A_604 : memref<1x80x128xf32, #tpu.memory_space<vmem>> -> memref<80x128xf32, #tpu.memory_space<vmem>>
        %dma_wait3A_606 = arith.constant 0 : i32
        %dma_wait3A_607 = tpu.memref_slice %arg7[%add3A_576, %dma_wait3A_606] : memref<32x80xi32, #tpu.memory_space<vmem>> -> memref<1x80xi32, #tpu.memory_space<vmem>>
        %dma_wait3A_608 = tpu.memref_squeeze %dma_wait3A_607 : memref<1x80xi32, #tpu.memory_space<vmem>> -> memref<80xi32, #tpu.memory_space<vmem>>
        %dma_wait3A_609 = arith.constant 0 : i32
        %dma_wait3A_610 = arith.constant 0 : i32
        %dma_wait3A_611 = tpu.memref_slice %arg9[%dma_wait3A_609, %dma_wait3A_610] : memref<10240x128xf32, #tpu.memory_space<vmem_shared>> -> memref<10240x128xf32, #tpu.memory_space<vmem_shared>>
        tpu.wait_indirect_dma semaphore(%arg15 : memref<!tpu.dma_semaphore, #tpu.memory_space<semaphore_mem>>) src(%dma_wait3A_605 : memref<80x128xf32, #tpu.memory_space<vmem>>) dst(%dma_wait3A_611 : memref<10240x128xf32, #tpu.memory_space<vmem_shared>>)
        %add3A_612 = arith.constant 4 : i32
        %add3A_613 = arith.addi %add3A_576, %add3A_612 : i32
        %dma_start3A_614 = arith.constant 1 : i32
        %dma_start3A_615 = arith.constant 0 : i32
        %dma_start3A_616 = arith.constant 0 : i32
        %dma_start3A_617 = tpu.memref_slice %arg8[%dma_start3A_614, %dma_start3A_615, %dma_start3A_616] : memref<4x80x128xf32, #tpu.memory_space<vmem>> -> memref<1x80x128xf32, #tpu.memory_space<vmem>>
        %dma_start3A_618 = tpu.memref_squeeze %dma_start3A_617 : memref<1x80x128xf32, #tpu.memory_space<vmem>> -> memref<80x128xf32, #tpu.memory_space<vmem>>
        %dma_start3A_619 = arith.constant 0 : i32
        %dma_start3A_620 = tpu.memref_slice %arg6[%add3A_613, %dma_start3A_619] : memref<32x80xi32, #tpu.memory_space<vmem>> -> memref<1x80xi32, #tpu.memory_space<vmem>>
        %dma_start3A_621 = tpu.memref_squeeze %dma_start3A_620 : memref<1x80xi32, #tpu.memory_space<vmem>> -> memref<80xi32, #tpu.memory_space<vmem>>
        %dma_start3A_622 = arith.constant 0 : i32
        %dma_start3A_623 = arith.constant 0 : i32
        %dma_start3A_624 = tpu.memref_slice %arg2[%dma_start3A_622, %dma_start3A_623] : memref<10240x128xf32, #tpu.memory_space<hbm>> -> memref<10240x128xf32, #tpu.memory_space<hbm>>
        tpu.enqueue_indirect_dma source(%dma_start3A_624 : memref<10240x128xf32, #tpu.memory_space<hbm>>) target(%dma_start3A_618 : memref<80x128xf32, #tpu.memory_space<vmem>>) offsets(%dma_start3A_621 : memref<80xi32, #tpu.memory_space<vmem>>) semaphore(%arg11 : memref<!tpu.dma_semaphore, #tpu.memory_space<semaphore_mem>>)
      } else {
      }
      %mul3A_582 = arith.constant 4 : i32
      %mul3A_583 = arith.muli %scan3A_461, %mul3A_582 : i32
      %add3A_584 = arith.constant 2 : i32
      %add3A_585 = arith.addi %mul3A_583, %add3A_584 : i32
      %lt3A_586 = arith.constant 7 : i32
      %lt3A_587 = arith.cmpi slt, %scan3A_461, %lt3A_586 : i32
      %convert_element_type3A_588 = arith.extui %lt3A_587 : i1 to i32
      %cond3A_589 = arith.constant 0 : i32
      %cond3A_590 = arith.cmpi ne, %convert_element_type3A_588, %cond3A_589 : i32
      scf.if %cond3A_590 {
        %dma_wait3A_601 = arith.constant 2 : i32
        %dma_wait3A_602 = arith.constant 0 : i32
        %dma_wait3A_603 = arith.constant 0 : i32
        %dma_wait3A_604 = tpu.memref_slice %arg8[%dma_wait3A_601, %dma_wait3A_602, %dma_wait3A_603] : memref<4x80x128xf32, #tpu.memory_space<vmem>> -> memref<1x80x128xf32, #tpu.memory_space<vmem>>
        %dma_wait3A_605 = tpu.memref_squeeze %dma_wait3A_604 : memref<1x80x128xf32, #tpu.memory_space<vmem>> -> memref<80x128xf32, #tpu.memory_space<vmem>>
        %dma_wait3A_606 = arith.constant 0 : i32
        %dma_wait3A_607 = tpu.memref_slice %arg7[%add3A_585, %dma_wait3A_606] : memref<32x80xi32, #tpu.memory_space<vmem>> -> memref<1x80xi32, #tpu.memory_space<vmem>>
        %dma_wait3A_608 = tpu.memref_squeeze %dma_wait3A_607 : memref<1x80xi32, #tpu.memory_space<vmem>> -> memref<80xi32, #tpu.memory_space<vmem>>
        %dma_wait3A_609 = arith.constant 0 : i32
        %dma_wait3A_610 = arith.constant 0 : i32
        %dma_wait3A_611 = tpu.memref_slice %arg9[%dma_wait3A_609, %dma_wait3A_610] : memref<10240x128xf32, #tpu.memory_space<vmem_shared>> -> memref<10240x128xf32, #tpu.memory_space<vmem_shared>>
        tpu.wait_indirect_dma semaphore(%arg16 : memref<!tpu.dma_semaphore, #tpu.memory_space<semaphore_mem>>) src(%dma_wait3A_605 : memref<80x128xf32, #tpu.memory_space<vmem>>) dst(%dma_wait3A_611 : memref<10240x128xf32, #tpu.memory_space<vmem_shared>>)
        %add3A_612 = arith.constant 4 : i32
        %add3A_613 = arith.addi %add3A_585, %add3A_612 : i32
        %dma_start3A_614 = arith.constant 2 : i32
        %dma_start3A_615 = arith.constant 0 : i32
        %dma_start3A_616 = arith.constant 0 : i32
        %dma_start3A_617 = tpu.memref_slice %arg8[%dma_start3A_614, %dma_start3A_615, %dma_start3A_616] : memref<4x80x128xf32, #tpu.memory_space<vmem>> -> memref<1x80x128xf32, #tpu.memory_space<vmem>>
        %dma_start3A_618 = tpu.memref_squeeze %dma_start3A_617 : memref<1x80x128xf32, #tpu.memory_space<vmem>> -> memref<80x128xf32, #tpu.memory_space<vmem>>
        %dma_start3A_619 = arith.constant 0 : i32
        %dma_start3A_620 = tpu.memref_slice %arg6[%add3A_613, %dma_start3A_619] : memref<32x80xi32, #tpu.memory_space<vmem>> -> memref<1x80xi32, #tpu.memory_space<vmem>>
        %dma_start3A_621 = tpu.memref_squeeze %dma_start3A_620 : memref<1x80xi32, #tpu.memory_space<vmem>> -> memref<80xi32, #tpu.memory_space<vmem>>
        %dma_start3A_622 = arith.constant 0 : i32
        %dma_start3A_623 = arith.constant 0 : i32
        %dma_start3A_624 = tpu.memref_slice %arg2[%dma_start3A_622, %dma_start3A_623] : memref<10240x128xf32, #tpu.memory_space<hbm>> -> memref<10240x128xf32, #tpu.memory_space<hbm>>
        tpu.enqueue_indirect_dma source(%dma_start3A_624 : memref<10240x128xf32, #tpu.memory_space<hbm>>) target(%dma_start3A_618 : memref<80x128xf32, #tpu.memory_space<vmem>>) offsets(%dma_start3A_621 : memref<80xi32, #tpu.memory_space<vmem>>) semaphore(%arg12 : memref<!tpu.dma_semaphore, #tpu.memory_space<semaphore_mem>>)
      } else {
      }
      %mul3A_591 = arith.constant 4 : i32
      %mul3A_592 = arith.muli %scan3A_461, %mul3A_591 : i32
      %add3A_593 = arith.constant 3 : i32
      %add3A_594 = arith.addi %mul3A_592, %add3A_593 : i32
      %lt3A_595 = arith.constant 7 : i32
      %lt3A_596 = arith.cmpi slt, %scan3A_461, %lt3A_595 : i32
      %convert_element_type3A_597 = arith.extui %lt3A_596 : i1 to i32
      %cond3A_598 = arith.constant 0 : i32
      %cond3A_599 = arith.cmpi ne, %convert_element_type3A_597, %cond3A_598 : i32
      scf.if %cond3A_599 {
        %dma_wait3A_601 = arith.constant 3 : i32
        %dma_wait3A_602 = arith.constant 0 : i32
        %dma_wait3A_603 = arith.constant 0 : i32
        %dma_wait3A_604 = tpu.memref_slice %arg8[%dma_wait3A_601, %dma_wait3A_602, %dma_wait3A_603] : memref<4x80x128xf32, #tpu.memory_space<vmem>> -> memref<1x80x128xf32, #tpu.memory_space<vmem>>
        %dma_wait3A_605 = tpu.memref_squeeze %dma_wait3A_604 : memref<1x80x128xf32, #tpu.memory_space<vmem>> -> memref<80x128xf32, #tpu.memory_space<vmem>>
        %dma_wait3A_606 = arith.constant 0 : i32
        %dma_wait3A_607 = tpu.memref_slice %arg7[%add3A_594, %dma_wait3A_606] : memref<32x80xi32, #tpu.memory_space<vmem>> -> memref<1x80xi32, #tpu.memory_space<vmem>>
        %dma_wait3A_608 = tpu.memref_squeeze %dma_wait3A_607 : memref<1x80xi32, #tpu.memory_space<vmem>> -> memref<80xi32, #tpu.memory_space<vmem>>
        %dma_wait3A_609 = arith.constant 0 : i32
        %dma_wait3A_610 = arith.constant 0 : i32
        %dma_wait3A_611 = tpu.memref_slice %arg9[%dma_wait3A_609, %dma_wait3A_610] : memref<10240x128xf32, #tpu.memory_space<vmem_shared>> -> memref<10240x128xf32, #tpu.memory_space<vmem_shared>>
        tpu.wait_indirect_dma semaphore(%arg17 : memref<!tpu.dma_semaphore, #tpu.memory_space<semaphore_mem>>) src(%dma_wait3A_605 : memref<80x128xf32, #tpu.memory_space<vmem>>) dst(%dma_wait3A_611 : memref<10240x128xf32, #tpu.memory_space<vmem_shared>>)
        %add3A_612 = arith.constant 4 : i32
        %add3A_613 = arith.addi %add3A_594, %add3A_612 : i32
        %dma_start3A_614 = arith.constant 3 : i32
        %dma_start3A_615 = arith.constant 0 : i32
        %dma_start3A_616 = arith.constant 0 : i32
        %dma_start3A_617 = tpu.memref_slice %arg8[%dma_start3A_614, %dma_start3A_615, %dma_start3A_616] : memref<4x80x128xf32, #tpu.memory_space<vmem>> -> memref<1x80x128xf32, #tpu.memory_space<vmem>>
        %dma_start3A_618 = tpu.memref_squeeze %dma_start3A_617 : memref<1x80x128xf32, #tpu.memory_space<vmem>> -> memref<80x128xf32, #tpu.memory_space<vmem>>
        %dma_start3A_619 = arith.constant 0 : i32
        %dma_start3A_620 = tpu.memref_slice %arg6[%add3A_613, %dma_start3A_619] : memref<32x80xi32, #tpu.memory_space<vmem>> -> memref<1x80xi32, #tpu.memory_space<vmem>>
        %dma_start3A_621 = tpu.memref_squeeze %dma_start3A_620 : memref<1x80xi32, #tpu.memory_space<vmem>> -> memref<80xi32, #tpu.memory_space<vmem>>
        %dma_start3A_622 = arith.constant 0 : i32
        %dma_start3A_623 = arith.constant 0 : i32
        %dma_start3A_624 = tpu.memref_slice %arg2[%dma_start3A_622, %dma_start3A_623] : memref<10240x128xf32, #tpu.memory_space<hbm>> -> memref<10240x128xf32, #tpu.memory_space<hbm>>
        tpu.enqueue_indirect_dma source(%dma_start3A_624 : memref<10240x128xf32, #tpu.memory_space<hbm>>) target(%dma_start3A_618 : memref<80x128xf32, #tpu.memory_space<vmem>>) offsets(%dma_start3A_621 : memref<80xi32, #tpu.memory_space<vmem>>) semaphore(%arg13 : memref<!tpu.dma_semaphore, #tpu.memory_space<semaphore_mem>>)
      } else {
      }
      %scan3A_600 = arith.constant 0 : i32
      scf.yield %scan3A_600 : i32
    }
    %scan3A_201 = arith.constant 8 : i32
    %dma_wait3A_202 = arith.constant 0 : i32
    %dma_wait3A_203 = arith.constant 28 : i32
    %dma_wait3A_204 = arith.constant 0 : i32
    %dma_wait3A_205 = arith.constant 0 : i32
    %dma_wait3A_206 = tpu.memref_slice %arg8[%dma_wait3A_202, %dma_wait3A_204, %dma_wait3A_205] : memref<4x80x128xf32, #tpu.memory_space<vmem>> -> memref<1x80x128xf32, #tpu.memory_space<vmem>>
    %dma_wait3A_207 = tpu.memref_squeeze %dma_wait3A_206 : memref<1x80x128xf32, #tpu.memory_space<vmem>> -> memref<80x128xf32, #tpu.memory_space<vmem>>
    %dma_wait3A_208 = arith.constant 0 : i32
    %dma_wait3A_209 = tpu.memref_slice %arg7[%dma_wait3A_203, %dma_wait3A_208] : memref<32x80xi32, #tpu.memory_space<vmem>> -> memref<1x80xi32, #tpu.memory_space<vmem>>
    %dma_wait3A_210 = tpu.memref_squeeze %dma_wait3A_209 : memref<1x80xi32, #tpu.memory_space<vmem>> -> memref<80xi32, #tpu.memory_space<vmem>>
    %dma_wait3A_211 = arith.constant 0 : i32
    %dma_wait3A_212 = arith.constant 0 : i32
    %dma_wait3A_213 = tpu.memref_slice %arg9[%dma_wait3A_211, %dma_wait3A_212] : memref<10240x128xf32, #tpu.memory_space<vmem_shared>> -> memref<10240x128xf32, #tpu.memory_space<vmem_shared>>
    tpu.wait_indirect_dma semaphore(%arg14 : memref<!tpu.dma_semaphore, #tpu.memory_space<semaphore_mem>>) src(%dma_wait3A_207 : memref<80x128xf32, #tpu.memory_space<vmem>>) dst(%dma_wait3A_213 : memref<10240x128xf32, #tpu.memory_space<vmem_shared>>)
    %dma_wait3A_214 = arith.constant 1 : i32
    %dma_wait3A_215 = arith.constant 29 : i32
    %dma_wait3A_216 = arith.constant 0 : i32
    %dma_wait3A_217 = arith.constant 0 : i32
    %dma_wait3A_218 = tpu.memref_slice %arg8[%dma_wait3A_214, %dma_wait3A_216, %dma_wait3A_217] : memref<4x80x128xf32, #tpu.memory_space<vmem>> -> memref<1x80x128xf32, #tpu.memory_space<vmem>>
    %dma_wait3A_219 = tpu.memref_squeeze %dma_wait3A_218 : memref<1x80x128xf32, #tpu.memory_space<vmem>> -> memref<80x128xf32, #tpu.memory_space<vmem>>
    %dma_wait3A_220 = arith.constant 0 : i32
    %dma_wait3A_221 = tpu.memref_slice %arg7[%dma_wait3A_215, %dma_wait3A_220] : memref<32x80xi32, #tpu.memory_space<vmem>> -> memref<1x80xi32, #tpu.memory_space<vmem>>
    %dma_wait3A_222 = tpu.memref_squeeze %dma_wait3A_221 : memref<1x80xi32, #tpu.memory_space<vmem>> -> memref<80xi32, #tpu.memory_space<vmem>>
    %dma_wait3A_223 = arith.constant 0 : i32
    %dma_wait3A_224 = arith.constant 0 : i32
    %dma_wait3A_225 = tpu.memref_slice %arg9[%dma_wait3A_223, %dma_wait3A_224] : memref<10240x128xf32, #tpu.memory_space<vmem_shared>> -> memref<10240x128xf32, #tpu.memory_space<vmem_shared>>
    tpu.wait_indirect_dma semaphore(%arg15 : memref<!tpu.dma_semaphore, #tpu.memory_space<semaphore_mem>>) src(%dma_wait3A_219 : memref<80x128xf32, #tpu.memory_space<vmem>>) dst(%dma_wait3A_225 : memref<10240x128xf32, #tpu.memory_space<vmem_shared>>)
    %dma_wait3A_226 = arith.constant 2 : i32
    %dma_wait3A_227 = arith.constant 30 : i32
    %dma_wait3A_228 = arith.constant 0 : i32
    %dma_wait3A_229 = arith.constant 0 : i32
    %dma_wait3A_230 = tpu.memref_slice %arg8[%dma_wait3A_226, %dma_wait3A_228, %dma_wait3A_229] : memref<4x80x128xf32, #tpu.memory_space<vmem>> -> memref<1x80x128xf32, #tpu.memory_space<vmem>>
    %dma_wait3A_231 = tpu.memref_squeeze %dma_wait3A_230 : memref<1x80x128xf32, #tpu.memory_space<vmem>> -> memref<80x128xf32, #tpu.memory_space<vmem>>
    %dma_wait3A_232 = arith.constant 0 : i32
    %dma_wait3A_233 = tpu.memref_slice %arg7[%dma_wait3A_227, %dma_wait3A_232] : memref<32x80xi32, #tpu.memory_space<vmem>> -> memref<1x80xi32, #tpu.memory_space<vmem>>
    %dma_wait3A_234 = tpu.memref_squeeze %dma_wait3A_233 : memref<1x80xi32, #tpu.memory_space<vmem>> -> memref<80xi32, #tpu.memory_space<vmem>>
    %dma_wait3A_235 = arith.constant 0 : i32
    %dma_wait3A_236 = arith.constant 0 : i32
    %dma_wait3A_237 = tpu.memref_slice %arg9[%dma_wait3A_235, %dma_wait3A_236] : memref<10240x128xf32, #tpu.memory_space<vmem_shared>> -> memref<10240x128xf32, #tpu.memory_space<vmem_shared>>
    tpu.wait_indirect_dma semaphore(%arg16 : memref<!tpu.dma_semaphore, #tpu.memory_space<semaphore_mem>>) src(%dma_wait3A_231 : memref<80x128xf32, #tpu.memory_space<vmem>>) dst(%dma_wait3A_237 : memref<10240x128xf32, #tpu.memory_space<vmem_shared>>)
    %dma_wait3A_238 = arith.constant 3 : i32
    %dma_wait3A_239 = arith.constant 31 : i32
    %dma_wait3A_240 = arith.constant 0 : i32
    %dma_wait3A_241 = arith.constant 0 : i32
    %dma_wait3A_242 = tpu.memref_slice %arg8[%dma_wait3A_238, %dma_wait3A_240, %dma_wait3A_241] : memref<4x80x128xf32, #tpu.memory_space<vmem>> -> memref<1x80x128xf32, #tpu.memory_space<vmem>>
    %dma_wait3A_243 = tpu.memref_squeeze %dma_wait3A_242 : memref<1x80x128xf32, #tpu.memory_space<vmem>> -> memref<80x128xf32, #tpu.memory_space<vmem>>
    %dma_wait3A_244 = arith.constant 0 : i32
    %dma_wait3A_245 = tpu.memref_slice %arg7[%dma_wait3A_239, %dma_wait3A_244] : memref<32x80xi32, #tpu.memory_space<vmem>> -> memref<1x80xi32, #tpu.memory_space<vmem>>
    %dma_wait3A_246 = tpu.memref_squeeze %dma_wait3A_245 : memref<1x80xi32, #tpu.memory_space<vmem>> -> memref<80xi32, #tpu.memory_space<vmem>>
    %dma_wait3A_247 = arith.constant 0 : i32
    %dma_wait3A_248 = arith.constant 0 : i32
    %dma_wait3A_249 = tpu.memref_slice %arg9[%dma_wait3A_247, %dma_wait3A_248] : memref<10240x128xf32, #tpu.memory_space<vmem_shared>> -> memref<10240x128xf32, #tpu.memory_space<vmem_shared>>
    tpu.wait_indirect_dma semaphore(%arg17 : memref<!tpu.dma_semaphore, #tpu.memory_space<semaphore_mem>>) src(%dma_wait3A_243 : memref<80x128xf32, #tpu.memory_space<vmem>>) dst(%dma_wait3A_249 : memref<10240x128xf32, #tpu.memory_space<vmem_shared>>)
    "tpu.region"() ({
      %run_scoped3A_461 = tpu.sem_alloc : memref<!tpu.dma_semaphore, #tpu.memory_space<semaphore_mem>>
      %dma_start3A_462 = arith.constant 64 : i32
      %dma_start3A_463 = arith.constant 0 : i32
      %dma_start3A_464 = tpu.memref_slice %arg3[%add3A, %dma_start3A_462, %dma_start3A_463] : memref<32x128x80xi32, #tpu.memory_space<hbm>> -> memref<1x32x80xi32, #tpu.memory_space<hbm>>
      %dma_start3A_465 = tpu.memref_squeeze %dma_start3A_464 : memref<1x32x80xi32, #tpu.memory_space<hbm>> -> memref<32x80xi32, #tpu.memory_space<hbm>>
      %dma_start3A_466 = arith.constant 64 : i32
      %dma_start3A_467 = arith.constant 0 : i32
      %dma_start3A_468 = tpu.memref_slice %arg3[%add3A, %dma_start3A_466, %dma_start3A_467] : memref<32x128x80xi32, #tpu.memory_space<hbm>> -> memref<1x32x80xi32, #tpu.memory_space<hbm>>
      %dma_start3A_469 = tpu.memref_squeeze %dma_start3A_468 : memref<1x32x80xi32, #tpu.memory_space<hbm>> -> memref<32x80xi32, #tpu.memory_space<hbm>>
      tpu.enqueue_dma source(%dma_start3A_469 : memref<32x80xi32, #tpu.memory_space<hbm>>) target(%arg6 : memref<32x80xi32, #tpu.memory_space<vmem>>) target_semaphore(%run_scoped3A_461 : memref<!tpu.dma_semaphore, #tpu.memory_space<semaphore_mem>>)
      %dma_wait3A_470 = arith.constant 64 : i32
      %dma_wait3A_471 = arith.constant 0 : i32
      %dma_wait3A_472 = tpu.memref_slice %arg3[%add3A, %dma_wait3A_470, %dma_wait3A_471] : memref<32x128x80xi32, #tpu.memory_space<hbm>> -> memref<1x32x80xi32, #tpu.memory_space<hbm>>
      %dma_wait3A_473 = tpu.memref_squeeze %dma_wait3A_472 : memref<1x32x80xi32, #tpu.memory_space<hbm>> -> memref<32x80xi32, #tpu.memory_space<hbm>>
      %dma_wait3A_474 = arith.constant 64 : i32
      %dma_wait3A_475 = arith.constant 0 : i32
      %dma_wait3A_476 = tpu.memref_slice %arg3[%add3A, %dma_wait3A_474, %dma_wait3A_475] : memref<32x128x80xi32, #tpu.memory_space<hbm>> -> memref<1x32x80xi32, #tpu.memory_space<hbm>>
      %dma_wait3A_477 = tpu.memref_squeeze %dma_wait3A_476 : memref<1x32x80xi32, #tpu.memory_space<hbm>> -> memref<32x80xi32, #tpu.memory_space<hbm>>
      tpu.wait_dma2 semaphore(%run_scoped3A_461 : memref<!tpu.dma_semaphore, #tpu.memory_space<semaphore_mem>>) src(%dma_wait3A_477 : memref<32x80xi32, #tpu.memory_space<hbm>>) dst(%arg6 : memref<32x80xi32, #tpu.memory_space<vmem>>)
      tpu.yield
    }) : () -> ()
    "tpu.region"() ({
      %run_scoped3A_461 = tpu.sem_alloc : memref<!tpu.dma_semaphore, #tpu.memory_space<semaphore_mem>>
      %dma_start3A_462 = arith.constant 64 : i32
      %dma_start3A_463 = arith.constant 0 : i32
      %dma_start3A_464 = tpu.memref_slice %arg4[%add3A, %dma_start3A_462, %dma_start3A_463] : memref<32x128x80xi32, #tpu.memory_space<hbm>> -> memref<1x32x80xi32, #tpu.memory_space<hbm>>
      %dma_start3A_465 = tpu.memref_squeeze %dma_start3A_464 : memref<1x32x80xi32, #tpu.memory_space<hbm>> -> memref<32x80xi32, #tpu.memory_space<hbm>>
      %dma_start3A_466 = arith.constant 64 : i32
      %dma_start3A_467 = arith.constant 0 : i32
      %dma_start3A_468 = tpu.memref_slice %arg4[%add3A, %dma_start3A_466, %dma_start3A_467] : memref<32x128x80xi32, #tpu.memory_space<hbm>> -> memref<1x32x80xi32, #tpu.memory_space<hbm>>
      %dma_start3A_469 = tpu.memref_squeeze %dma_start3A_468 : memref<1x32x80xi32, #tpu.memory_space<hbm>> -> memref<32x80xi32, #tpu.memory_space<hbm>>
      tpu.enqueue_dma source(%dma_start3A_469 : memref<32x80xi32, #tpu.memory_space<hbm>>) target(%arg7 : memref<32x80xi32, #tpu.memory_space<vmem>>) target_semaphore(%run_scoped3A_461 : memref<!tpu.dma_semaphore, #tpu.memory_space<semaphore_mem>>)
      %dma_wait3A_470 = arith.constant 64 : i32
      %dma_wait3A_471 = arith.constant 0 : i32
      %dma_wait3A_472 = tpu.memref_slice %arg4[%add3A, %dma_wait3A_470, %dma_wait3A_471] : memref<32x128x80xi32, #tpu.memory_space<hbm>> -> memref<1x32x80xi32, #tpu.memory_space<hbm>>
      %dma_wait3A_473 = tpu.memref_squeeze %dma_wait3A_472 : memref<1x32x80xi32, #tpu.memory_space<hbm>> -> memref<32x80xi32, #tpu.memory_space<hbm>>
      %dma_wait3A_474 = arith.constant 64 : i32
      %dma_wait3A_475 = arith.constant 0 : i32
      %dma_wait3A_476 = tpu.memref_slice %arg4[%add3A, %dma_wait3A_474, %dma_wait3A_475] : memref<32x128x80xi32, #tpu.memory_space<hbm>> -> memref<1x32x80xi32, #tpu.memory_space<hbm>>
      %dma_wait3A_477 = tpu.memref_squeeze %dma_wait3A_476 : memref<1x32x80xi32, #tpu.memory_space<hbm>> -> memref<32x80xi32, #tpu.memory_space<hbm>>
      tpu.wait_dma2 semaphore(%run_scoped3A_461 : memref<!tpu.dma_semaphore, #tpu.memory_space<semaphore_mem>>) src(%dma_wait3A_477 : memref<32x80xi32, #tpu.memory_space<hbm>>) dst(%arg7 : memref<32x80xi32, #tpu.memory_space<vmem>>)
      tpu.yield
    }) : () -> ()
    %dma_start3A_250 = arith.constant 0 : i32
    %dma_start3A_251 = arith.constant 0 : i32
    %dma_start3A_252 = arith.constant 0 : i32
    %dma_start3A_253 = arith.constant 0 : i32
    %dma_start3A_254 = tpu.memref_slice %arg8[%dma_start3A_251, %dma_start3A_252, %dma_start3A_253] : memref<4x80x128xf32, #tpu.memory_space<vmem>> -> memref<1x80x128xf32, #tpu.memory_space<vmem>>
    %dma_start3A_255 = tpu.memref_squeeze %dma_start3A_254 : memref<1x80x128xf32, #tpu.memory_space<vmem>> -> memref<80x128xf32, #tpu.memory_space<vmem>>
    %dma_start3A_256 = arith.constant 0 : i32
    %dma_start3A_257 = tpu.memref_slice %arg6[%dma_start3A_250, %dma_start3A_256] : memref<32x80xi32, #tpu.memory_space<vmem>> -> memref<1x80xi32, #tpu.memory_space<vmem>>
    %dma_start3A_258 = tpu.memref_squeeze %dma_start3A_257 : memref<1x80xi32, #tpu.memory_space<vmem>> -> memref<80xi32, #tpu.memory_space<vmem>>
    %dma_start3A_259 = arith.constant 0 : i32
    %dma_start3A_260 = arith.constant 0 : i32
    %dma_start3A_261 = tpu.memref_slice %arg2[%dma_start3A_259, %dma_start3A_260] : memref<10240x128xf32, #tpu.memory_space<hbm>> -> memref<10240x128xf32, #tpu.memory_space<hbm>>
    tpu.enqueue_indirect_dma source(%dma_start3A_261 : memref<10240x128xf32, #tpu.memory_space<hbm>>) target(%dma_start3A_255 : memref<80x128xf32, #tpu.memory_space<vmem>>) offsets(%dma_start3A_258 : memref<80xi32, #tpu.memory_space<vmem>>) semaphore(%arg10 : memref<!tpu.dma_semaphore, #tpu.memory_space<semaphore_mem>>)
    %dma_start3A_262 = arith.constant 1 : i32
    %dma_start3A_263 = arith.constant 1 : i32
    %dma_start3A_264 = arith.constant 0 : i32
    %dma_start3A_265 = arith.constant 0 : i32
    %dma_start3A_266 = tpu.memref_slice %arg8[%dma_start3A_263, %dma_start3A_264, %dma_start3A_265] : memref<4x80x128xf32, #tpu.memory_space<vmem>> -> memref<1x80x128xf32, #tpu.memory_space<vmem>>
    %dma_start3A_267 = tpu.memref_squeeze %dma_start3A_266 : memref<1x80x128xf32, #tpu.memory_space<vmem>> -> memref<80x128xf32, #tpu.memory_space<vmem>>
    %dma_start3A_268 = arith.constant 0 : i32
    %dma_start3A_269 = tpu.memref_slice %arg6[%dma_start3A_262, %dma_start3A_268] : memref<32x80xi32, #tpu.memory_space<vmem>> -> memref<1x80xi32, #tpu.memory_space<vmem>>
    %dma_start3A_270 = tpu.memref_squeeze %dma_start3A_269 : memref<1x80xi32, #tpu.memory_space<vmem>> -> memref<80xi32, #tpu.memory_space<vmem>>
    %dma_start3A_271 = arith.constant 0 : i32
    %dma_start3A_272 = arith.constant 0 : i32
    %dma_start3A_273 = tpu.memref_slice %arg2[%dma_start3A_271, %dma_start3A_272] : memref<10240x128xf32, #tpu.memory_space<hbm>> -> memref<10240x128xf32, #tpu.memory_space<hbm>>
    tpu.enqueue_indirect_dma source(%dma_start3A_273 : memref<10240x128xf32, #tpu.memory_space<hbm>>) target(%dma_start3A_267 : memref<80x128xf32, #tpu.memory_space<vmem>>) offsets(%dma_start3A_270 : memref<80xi32, #tpu.memory_space<vmem>>) semaphore(%arg11 : memref<!tpu.dma_semaphore, #tpu.memory_space<semaphore_mem>>)
    %dma_start3A_274 = arith.constant 2 : i32
    %dma_start3A_275 = arith.constant 2 : i32
    %dma_start3A_276 = arith.constant 0 : i32
    %dma_start3A_277 = arith.constant 0 : i32
    %dma_start3A_278 = tpu.memref_slice %arg8[%dma_start3A_275, %dma_start3A_276, %dma_start3A_277] : memref<4x80x128xf32, #tpu.memory_space<vmem>> -> memref<1x80x128xf32, #tpu.memory_space<vmem>>
    %dma_start3A_279 = tpu.memref_squeeze %dma_start3A_278 : memref<1x80x128xf32, #tpu.memory_space<vmem>> -> memref<80x128xf32, #tpu.memory_space<vmem>>
    %dma_start3A_280 = arith.constant 0 : i32
    %dma_start3A_281 = tpu.memref_slice %arg6[%dma_start3A_274, %dma_start3A_280] : memref<32x80xi32, #tpu.memory_space<vmem>> -> memref<1x80xi32, #tpu.memory_space<vmem>>
    %dma_start3A_282 = tpu.memref_squeeze %dma_start3A_281 : memref<1x80xi32, #tpu.memory_space<vmem>> -> memref<80xi32, #tpu.memory_space<vmem>>
    %dma_start3A_283 = arith.constant 0 : i32
    %dma_start3A_284 = arith.constant 0 : i32
    %dma_start3A_285 = tpu.memref_slice %arg2[%dma_start3A_283, %dma_start3A_284] : memref<10240x128xf32, #tpu.memory_space<hbm>> -> memref<10240x128xf32, #tpu.memory_space<hbm>>
    tpu.enqueue_indirect_dma source(%dma_start3A_285 : memref<10240x128xf32, #tpu.memory_space<hbm>>) target(%dma_start3A_279 : memref<80x128xf32, #tpu.memory_space<vmem>>) offsets(%dma_start3A_282 : memref<80xi32, #tpu.memory_space<vmem>>) semaphore(%arg12 : memref<!tpu.dma_semaphore, #tpu.memory_space<semaphore_mem>>)
    %dma_start3A_286 = arith.constant 3 : i32
    %dma_start3A_287 = arith.constant 3 : i32
    %dma_start3A_288 = arith.constant 0 : i32
    %dma_start3A_289 = arith.constant 0 : i32
    %dma_start3A_290 = tpu.memref_slice %arg8[%dma_start3A_287, %dma_start3A_288, %dma_start3A_289] : memref<4x80x128xf32, #tpu.memory_space<vmem>> -> memref<1x80x128xf32, #tpu.memory_space<vmem>>
    %dma_start3A_291 = tpu.memref_squeeze %dma_start3A_290 : memref<1x80x128xf32, #tpu.memory_space<vmem>> -> memref<80x128xf32, #tpu.memory_space<vmem>>
    %dma_start3A_292 = arith.constant 0 : i32
    %dma_start3A_293 = tpu.memref_slice %arg6[%dma_start3A_286, %dma_start3A_292] : memref<32x80xi32, #tpu.memory_space<vmem>> -> memref<1x80xi32, #tpu.memory_space<vmem>>
    %dma_start3A_294 = tpu.memref_squeeze %dma_start3A_293 : memref<1x80xi32, #tpu.memory_space<vmem>> -> memref<80xi32, #tpu.memory_space<vmem>>
    %dma_start3A_295 = arith.constant 0 : i32
    %dma_start3A_296 = arith.constant 0 : i32
    %dma_start3A_297 = tpu.memref_slice %arg2[%dma_start3A_295, %dma_start3A_296] : memref<10240x128xf32, #tpu.memory_space<hbm>> -> memref<10240x128xf32, #tpu.memory_space<hbm>>
    tpu.enqueue_indirect_dma source(%dma_start3A_297 : memref<10240x128xf32, #tpu.memory_space<hbm>>) target(%dma_start3A_291 : memref<80x128xf32, #tpu.memory_space<vmem>>) offsets(%dma_start3A_294 : memref<80xi32, #tpu.memory_space<vmem>>) semaphore(%arg13 : memref<!tpu.dma_semaphore, #tpu.memory_space<semaphore_mem>>)
    %scan3A_298 = arith.constant 0 : i32
    %scan3A_299 = arith.constant 0 : i32
    %scan3A_300 = arith.constant 8 : i32
    %scan3A_301 = arith.addi %scan3A_299, %scan3A_300 : i32
    %scan3A_302 = arith.constant 1 : i32
    %scan3A_303 = scf.for %scan3A_461 = %scan3A_299 to %scan3A_301 step %scan3A_302 iter_args(%scan3A_462 = %scan3A_298) -> (i32)  : i32 {
      %mul3A_463 = arith.constant 4 : i32
      %mul3A_464 = arith.muli %scan3A_461, %mul3A_463 : i32
      %add3A_465 = arith.constant 0 : i32
      %add3A_466 = arith.addi %mul3A_464, %add3A_465 : i32
      %dma_wait3A_467 = arith.constant 0 : i32
      %dma_wait3A_468 = arith.constant 0 : i32
      %dma_wait3A_469 = arith.constant 0 : i32
      %dma_wait3A_470 = tpu.memref_slice %arg8[%dma_wait3A_467, %dma_wait3A_468, %dma_wait3A_469] : memref<4x80x128xf32, #tpu.memory_space<vmem>> -> memref<1x80x128xf32, #tpu.memory_space<vmem>>
      %dma_wait3A_471 = tpu.memref_squeeze %dma_wait3A_470 : memref<1x80x128xf32, #tpu.memory_space<vmem>> -> memref<80x128xf32, #tpu.memory_space<vmem>>
      %dma_wait3A_472 = arith.constant 0 : i32
      %dma_wait3A_473 = tpu.memref_slice %arg6[%add3A_466, %dma_wait3A_472] : memref<32x80xi32, #tpu.memory_space<vmem>> -> memref<1x80xi32, #tpu.memory_space<vmem>>
      %dma_wait3A_474 = tpu.memref_squeeze %dma_wait3A_473 : memref<1x80xi32, #tpu.memory_space<vmem>> -> memref<80xi32, #tpu.memory_space<vmem>>
      %dma_wait3A_475 = arith.constant 0 : i32
      %dma_wait3A_476 = arith.constant 0 : i32
      %dma_wait3A_477 = tpu.memref_slice %arg2[%dma_wait3A_475, %dma_wait3A_476] : memref<10240x128xf32, #tpu.memory_space<hbm>> -> memref<10240x128xf32, #tpu.memory_space<hbm>>
      tpu.wait_indirect_dma semaphore(%arg10 : memref<!tpu.dma_semaphore, #tpu.memory_space<semaphore_mem>>) src(%dma_wait3A_477 : memref<10240x128xf32, #tpu.memory_space<hbm>>) dst(%dma_wait3A_471 : memref<80x128xf32, #tpu.memory_space<vmem>>)
      %dma_start3A_478 = arith.constant 0 : i32
      %dma_start3A_479 = arith.constant 0 : i32
      %dma_start3A_480 = arith.constant 0 : i32
      %dma_start3A_481 = tpu.memref_slice %arg8[%dma_start3A_478, %dma_start3A_479, %dma_start3A_480] : memref<4x80x128xf32, #tpu.memory_space<vmem>> -> memref<1x80x128xf32, #tpu.memory_space<vmem>>
      %dma_start3A_482 = tpu.memref_squeeze %dma_start3A_481 : memref<1x80x128xf32, #tpu.memory_space<vmem>> -> memref<80x128xf32, #tpu.memory_space<vmem>>
      %dma_start3A_483 = arith.constant 0 : i32
      %dma_start3A_484 = tpu.memref_slice %arg7[%add3A_466, %dma_start3A_483] : memref<32x80xi32, #tpu.memory_space<vmem>> -> memref<1x80xi32, #tpu.memory_space<vmem>>
      %dma_start3A_485 = tpu.memref_squeeze %dma_start3A_484 : memref<1x80xi32, #tpu.memory_space<vmem>> -> memref<80xi32, #tpu.memory_space<vmem>>
      %dma_start3A_486 = arith.constant 0 : i32
      %dma_start3A_487 = arith.constant 0 : i32
      %dma_start3A_488 = tpu.memref_slice %arg9[%dma_start3A_486, %dma_start3A_487] : memref<10240x128xf32, #tpu.memory_space<vmem_shared>> -> memref<10240x128xf32, #tpu.memory_space<vmem_shared>>
      tpu.enqueue_indirect_dma source(%dma_start3A_482 : memref<80x128xf32, #tpu.memory_space<vmem>>) target(%dma_start3A_488 : memref<10240x128xf32, #tpu.memory_space<vmem_shared>>) offsets(%dma_start3A_485 : memref<80xi32, #tpu.memory_space<vmem>>) semaphore(%arg14 : memref<!tpu.dma_semaphore, #tpu.memory_space<semaphore_mem>>) {add = true}
      %mul3A_489 = arith.constant 4 : i32
      %mul3A_490 = arith.muli %scan3A_461, %mul3A_489 : i32
      %add3A_491 = arith.constant 1 : i32
      %add3A_492 = arith.addi %mul3A_490, %add3A_491 : i32
      %dma_wait3A_493 = arith.constant 1 : i32
      %dma_wait3A_494 = arith.constant 0 : i32
      %dma_wait3A_495 = arith.constant 0 : i32
      %dma_wait3A_496 = tpu.memref_slice %arg8[%dma_wait3A_493, %dma_wait3A_494, %dma_wait3A_495] : memref<4x80x128xf32, #tpu.memory_space<vmem>> -> memref<1x80x128xf32, #tpu.memory_space<vmem>>
      %dma_wait3A_497 = tpu.memref_squeeze %dma_wait3A_496 : memref<1x80x128xf32, #tpu.memory_space<vmem>> -> memref<80x128xf32, #tpu.memory_space<vmem>>
      %dma_wait3A_498 = arith.constant 0 : i32
      %dma_wait3A_499 = tpu.memref_slice %arg6[%add3A_492, %dma_wait3A_498] : memref<32x80xi32, #tpu.memory_space<vmem>> -> memref<1x80xi32, #tpu.memory_space<vmem>>
      %dma_wait3A_500 = tpu.memref_squeeze %dma_wait3A_499 : memref<1x80xi32, #tpu.memory_space<vmem>> -> memref<80xi32, #tpu.memory_space<vmem>>
      %dma_wait3A_501 = arith.constant 0 : i32
      %dma_wait3A_502 = arith.constant 0 : i32
      %dma_wait3A_503 = tpu.memref_slice %arg2[%dma_wait3A_501, %dma_wait3A_502] : memref<10240x128xf32, #tpu.memory_space<hbm>> -> memref<10240x128xf32, #tpu.memory_space<hbm>>
      tpu.wait_indirect_dma semaphore(%arg11 : memref<!tpu.dma_semaphore, #tpu.memory_space<semaphore_mem>>) src(%dma_wait3A_503 : memref<10240x128xf32, #tpu.memory_space<hbm>>) dst(%dma_wait3A_497 : memref<80x128xf32, #tpu.memory_space<vmem>>)
      %dma_start3A_504 = arith.constant 1 : i32
      %dma_start3A_505 = arith.constant 0 : i32
      %dma_start3A_506 = arith.constant 0 : i32
      %dma_start3A_507 = tpu.memref_slice %arg8[%dma_start3A_504, %dma_start3A_505, %dma_start3A_506] : memref<4x80x128xf32, #tpu.memory_space<vmem>> -> memref<1x80x128xf32, #tpu.memory_space<vmem>>
      %dma_start3A_508 = tpu.memref_squeeze %dma_start3A_507 : memref<1x80x128xf32, #tpu.memory_space<vmem>> -> memref<80x128xf32, #tpu.memory_space<vmem>>
      %dma_start3A_509 = arith.constant 0 : i32
      %dma_start3A_510 = tpu.memref_slice %arg7[%add3A_492, %dma_start3A_509] : memref<32x80xi32, #tpu.memory_space<vmem>> -> memref<1x80xi32, #tpu.memory_space<vmem>>
      %dma_start3A_511 = tpu.memref_squeeze %dma_start3A_510 : memref<1x80xi32, #tpu.memory_space<vmem>> -> memref<80xi32, #tpu.memory_space<vmem>>
      %dma_start3A_512 = arith.constant 0 : i32
      %dma_start3A_513 = arith.constant 0 : i32
      %dma_start3A_514 = tpu.memref_slice %arg9[%dma_start3A_512, %dma_start3A_513] : memref<10240x128xf32, #tpu.memory_space<vmem_shared>> -> memref<10240x128xf32, #tpu.memory_space<vmem_shared>>
      tpu.enqueue_indirect_dma source(%dma_start3A_508 : memref<80x128xf32, #tpu.memory_space<vmem>>) target(%dma_start3A_514 : memref<10240x128xf32, #tpu.memory_space<vmem_shared>>) offsets(%dma_start3A_511 : memref<80xi32, #tpu.memory_space<vmem>>) semaphore(%arg15 : memref<!tpu.dma_semaphore, #tpu.memory_space<semaphore_mem>>) {add = true}
      %mul3A_515 = arith.constant 4 : i32
      %mul3A_516 = arith.muli %scan3A_461, %mul3A_515 : i32
      %add3A_517 = arith.constant 2 : i32
      %add3A_518 = arith.addi %mul3A_516, %add3A_517 : i32
      %dma_wait3A_519 = arith.constant 2 : i32
      %dma_wait3A_520 = arith.constant 0 : i32
      %dma_wait3A_521 = arith.constant 0 : i32
      %dma_wait3A_522 = tpu.memref_slice %arg8[%dma_wait3A_519, %dma_wait3A_520, %dma_wait3A_521] : memref<4x80x128xf32, #tpu.memory_space<vmem>> -> memref<1x80x128xf32, #tpu.memory_space<vmem>>
      %dma_wait3A_523 = tpu.memref_squeeze %dma_wait3A_522 : memref<1x80x128xf32, #tpu.memory_space<vmem>> -> memref<80x128xf32, #tpu.memory_space<vmem>>
      %dma_wait3A_524 = arith.constant 0 : i32
      %dma_wait3A_525 = tpu.memref_slice %arg6[%add3A_518, %dma_wait3A_524] : memref<32x80xi32, #tpu.memory_space<vmem>> -> memref<1x80xi32, #tpu.memory_space<vmem>>
      %dma_wait3A_526 = tpu.memref_squeeze %dma_wait3A_525 : memref<1x80xi32, #tpu.memory_space<vmem>> -> memref<80xi32, #tpu.memory_space<vmem>>
      %dma_wait3A_527 = arith.constant 0 : i32
      %dma_wait3A_528 = arith.constant 0 : i32
      %dma_wait3A_529 = tpu.memref_slice %arg2[%dma_wait3A_527, %dma_wait3A_528] : memref<10240x128xf32, #tpu.memory_space<hbm>> -> memref<10240x128xf32, #tpu.memory_space<hbm>>
      tpu.wait_indirect_dma semaphore(%arg12 : memref<!tpu.dma_semaphore, #tpu.memory_space<semaphore_mem>>) src(%dma_wait3A_529 : memref<10240x128xf32, #tpu.memory_space<hbm>>) dst(%dma_wait3A_523 : memref<80x128xf32, #tpu.memory_space<vmem>>)
      %dma_start3A_530 = arith.constant 2 : i32
      %dma_start3A_531 = arith.constant 0 : i32
      %dma_start3A_532 = arith.constant 0 : i32
      %dma_start3A_533 = tpu.memref_slice %arg8[%dma_start3A_530, %dma_start3A_531, %dma_start3A_532] : memref<4x80x128xf32, #tpu.memory_space<vmem>> -> memref<1x80x128xf32, #tpu.memory_space<vmem>>
      %dma_start3A_534 = tpu.memref_squeeze %dma_start3A_533 : memref<1x80x128xf32, #tpu.memory_space<vmem>> -> memref<80x128xf32, #tpu.memory_space<vmem>>
      %dma_start3A_535 = arith.constant 0 : i32
      %dma_start3A_536 = tpu.memref_slice %arg7[%add3A_518, %dma_start3A_535] : memref<32x80xi32, #tpu.memory_space<vmem>> -> memref<1x80xi32, #tpu.memory_space<vmem>>
      %dma_start3A_537 = tpu.memref_squeeze %dma_start3A_536 : memref<1x80xi32, #tpu.memory_space<vmem>> -> memref<80xi32, #tpu.memory_space<vmem>>
      %dma_start3A_538 = arith.constant 0 : i32
      %dma_start3A_539 = arith.constant 0 : i32
      %dma_start3A_540 = tpu.memref_slice %arg9[%dma_start3A_538, %dma_start3A_539] : memref<10240x128xf32, #tpu.memory_space<vmem_shared>> -> memref<10240x128xf32, #tpu.memory_space<vmem_shared>>
      tpu.enqueue_indirect_dma source(%dma_start3A_534 : memref<80x128xf32, #tpu.memory_space<vmem>>) target(%dma_start3A_540 : memref<10240x128xf32, #tpu.memory_space<vmem_shared>>) offsets(%dma_start3A_537 : memref<80xi32, #tpu.memory_space<vmem>>) semaphore(%arg16 : memref<!tpu.dma_semaphore, #tpu.memory_space<semaphore_mem>>) {add = true}
      %mul3A_541 = arith.constant 4 : i32
      %mul3A_542 = arith.muli %scan3A_461, %mul3A_541 : i32
      %add3A_543 = arith.constant 3 : i32
      %add3A_544 = arith.addi %mul3A_542, %add3A_543 : i32
      %dma_wait3A_545 = arith.constant 3 : i32
      %dma_wait3A_546 = arith.constant 0 : i32
      %dma_wait3A_547 = arith.constant 0 : i32
      %dma_wait3A_548 = tpu.memref_slice %arg8[%dma_wait3A_545, %dma_wait3A_546, %dma_wait3A_547] : memref<4x80x128xf32, #tpu.memory_space<vmem>> -> memref<1x80x128xf32, #tpu.memory_space<vmem>>
      %dma_wait3A_549 = tpu.memref_squeeze %dma_wait3A_548 : memref<1x80x128xf32, #tpu.memory_space<vmem>> -> memref<80x128xf32, #tpu.memory_space<vmem>>
      %dma_wait3A_550 = arith.constant 0 : i32
      %dma_wait3A_551 = tpu.memref_slice %arg6[%add3A_544, %dma_wait3A_550] : memref<32x80xi32, #tpu.memory_space<vmem>> -> memref<1x80xi32, #tpu.memory_space<vmem>>
      %dma_wait3A_552 = tpu.memref_squeeze %dma_wait3A_551 : memref<1x80xi32, #tpu.memory_space<vmem>> -> memref<80xi32, #tpu.memory_space<vmem>>
      %dma_wait3A_553 = arith.constant 0 : i32
      %dma_wait3A_554 = arith.constant 0 : i32
      %dma_wait3A_555 = tpu.memref_slice %arg2[%dma_wait3A_553, %dma_wait3A_554] : memref<10240x128xf32, #tpu.memory_space<hbm>> -> memref<10240x128xf32, #tpu.memory_space<hbm>>
      tpu.wait_indirect_dma semaphore(%arg13 : memref<!tpu.dma_semaphore, #tpu.memory_space<semaphore_mem>>) src(%dma_wait3A_555 : memref<10240x128xf32, #tpu.memory_space<hbm>>) dst(%dma_wait3A_549 : memref<80x128xf32, #tpu.memory_space<vmem>>)
      %dma_start3A_556 = arith.constant 3 : i32
      %dma_start3A_557 = arith.constant 0 : i32
      %dma_start3A_558 = arith.constant 0 : i32
      %dma_start3A_559 = tpu.memref_slice %arg8[%dma_start3A_556, %dma_start3A_557, %dma_start3A_558] : memref<4x80x128xf32, #tpu.memory_space<vmem>> -> memref<1x80x128xf32, #tpu.memory_space<vmem>>
      %dma_start3A_560 = tpu.memref_squeeze %dma_start3A_559 : memref<1x80x128xf32, #tpu.memory_space<vmem>> -> memref<80x128xf32, #tpu.memory_space<vmem>>
      %dma_start3A_561 = arith.constant 0 : i32
      %dma_start3A_562 = tpu.memref_slice %arg7[%add3A_544, %dma_start3A_561] : memref<32x80xi32, #tpu.memory_space<vmem>> -> memref<1x80xi32, #tpu.memory_space<vmem>>
      %dma_start3A_563 = tpu.memref_squeeze %dma_start3A_562 : memref<1x80xi32, #tpu.memory_space<vmem>> -> memref<80xi32, #tpu.memory_space<vmem>>
      %dma_start3A_564 = arith.constant 0 : i32
      %dma_start3A_565 = arith.constant 0 : i32
      %dma_start3A_566 = tpu.memref_slice %arg9[%dma_start3A_564, %dma_start3A_565] : memref<10240x128xf32, #tpu.memory_space<vmem_shared>> -> memref<10240x128xf32, #tpu.memory_space<vmem_shared>>
      tpu.enqueue_indirect_dma source(%dma_start3A_560 : memref<80x128xf32, #tpu.memory_space<vmem>>) target(%dma_start3A_566 : memref<10240x128xf32, #tpu.memory_space<vmem_shared>>) offsets(%dma_start3A_563 : memref<80xi32, #tpu.memory_space<vmem>>) semaphore(%arg17 : memref<!tpu.dma_semaphore, #tpu.memory_space<semaphore_mem>>) {add = true}
      %mul3A_567 = arith.constant 4 : i32
      %mul3A_568 = arith.muli %scan3A_461, %mul3A_567 : i32
      %add3A_569 = arith.constant 0 : i32
      %add3A_570 = arith.addi %mul3A_568, %add3A_569 : i32
      %lt3A = arith.constant 7 : i32
      %lt3A_571 = arith.cmpi slt, %scan3A_461, %lt3A : i32
      %convert_element_type3A = arith.extui %lt3A_571 : i1 to i32
      %cond3A = arith.constant 0 : i32
      %cond3A_572 = arith.cmpi ne, %convert_element_type3A, %cond3A : i32
      scf.if %cond3A_572 {
        %dma_wait3A_601 = arith.constant 0 : i32
        %dma_wait3A_602 = arith.constant 0 : i32
        %dma_wait3A_603 = arith.constant 0 : i32
        %dma_wait3A_604 = tpu.memref_slice %arg8[%dma_wait3A_601, %dma_wait3A_602, %dma_wait3A_603] : memref<4x80x128xf32, #tpu.memory_space<vmem>> -> memref<1x80x128xf32, #tpu.memory_space<vmem>>
        %dma_wait3A_605 = tpu.memref_squeeze %dma_wait3A_604 : memref<1x80x128xf32, #tpu.memory_space<vmem>> -> memref<80x128xf32, #tpu.memory_space<vmem>>
        %dma_wait3A_606 = arith.constant 0 : i32
        %dma_wait3A_607 = tpu.memref_slice %arg7[%add3A_570, %dma_wait3A_606] : memref<32x80xi32, #tpu.memory_space<vmem>> -> memref<1x80xi32, #tpu.memory_space<vmem>>
        %dma_wait3A_608 = tpu.memref_squeeze %dma_wait3A_607 : memref<1x80xi32, #tpu.memory_space<vmem>> -> memref<80xi32, #tpu.memory_space<vmem>>
        %dma_wait3A_609 = arith.constant 0 : i32
        %dma_wait3A_610 = arith.constant 0 : i32
        %dma_wait3A_611 = tpu.memref_slice %arg9[%dma_wait3A_609, %dma_wait3A_610] : memref<10240x128xf32, #tpu.memory_space<vmem_shared>> -> memref<10240x128xf32, #tpu.memory_space<vmem_shared>>
        tpu.wait_indirect_dma semaphore(%arg14 : memref<!tpu.dma_semaphore, #tpu.memory_space<semaphore_mem>>) src(%dma_wait3A_605 : memref<80x128xf32, #tpu.memory_space<vmem>>) dst(%dma_wait3A_611 : memref<10240x128xf32, #tpu.memory_space<vmem_shared>>)
        %add3A_612 = arith.constant 4 : i32
        %add3A_613 = arith.addi %add3A_570, %add3A_612 : i32
        %dma_start3A_614 = arith.constant 0 : i32
        %dma_start3A_615 = arith.constant 0 : i32
        %dma_start3A_616 = arith.constant 0 : i32
        %dma_start3A_617 = tpu.memref_slice %arg8[%dma_start3A_614, %dma_start3A_615, %dma_start3A_616] : memref<4x80x128xf32, #tpu.memory_space<vmem>> -> memref<1x80x128xf32, #tpu.memory_space<vmem>>
        %dma_start3A_618 = tpu.memref_squeeze %dma_start3A_617 : memref<1x80x128xf32, #tpu.memory_space<vmem>> -> memref<80x128xf32, #tpu.memory_space<vmem>>
        %dma_start3A_619 = arith.constant 0 : i32
        %dma_start3A_620 = tpu.memref_slice %arg6[%add3A_613, %dma_start3A_619] : memref<32x80xi32, #tpu.memory_space<vmem>> -> memref<1x80xi32, #tpu.memory_space<vmem>>
        %dma_start3A_621 = tpu.memref_squeeze %dma_start3A_620 : memref<1x80xi32, #tpu.memory_space<vmem>> -> memref<80xi32, #tpu.memory_space<vmem>>
        %dma_start3A_622 = arith.constant 0 : i32
        %dma_start3A_623 = arith.constant 0 : i32
        %dma_start3A_624 = tpu.memref_slice %arg2[%dma_start3A_622, %dma_start3A_623] : memref<10240x128xf32, #tpu.memory_space<hbm>> -> memref<10240x128xf32, #tpu.memory_space<hbm>>
        tpu.enqueue_indirect_dma source(%dma_start3A_624 : memref<10240x128xf32, #tpu.memory_space<hbm>>) target(%dma_start3A_618 : memref<80x128xf32, #tpu.memory_space<vmem>>) offsets(%dma_start3A_621 : memref<80xi32, #tpu.memory_space<vmem>>) semaphore(%arg10 : memref<!tpu.dma_semaphore, #tpu.memory_space<semaphore_mem>>)
      } else {
      }
      %mul3A_573 = arith.constant 4 : i32
      %mul3A_574 = arith.muli %scan3A_461, %mul3A_573 : i32
      %add3A_575 = arith.constant 1 : i32
      %add3A_576 = arith.addi %mul3A_574, %add3A_575 : i32
      %lt3A_577 = arith.constant 7 : i32
      %lt3A_578 = arith.cmpi slt, %scan3A_461, %lt3A_577 : i32
      %convert_element_type3A_579 = arith.extui %lt3A_578 : i1 to i32
      %cond3A_580 = arith.constant 0 : i32
      %cond3A_581 = arith.cmpi ne, %convert_element_type3A_579, %cond3A_580 : i32
      scf.if %cond3A_581 {
        %dma_wait3A_601 = arith.constant 1 : i32
        %dma_wait3A_602 = arith.constant 0 : i32
        %dma_wait3A_603 = arith.constant 0 : i32
        %dma_wait3A_604 = tpu.memref_slice %arg8[%dma_wait3A_601, %dma_wait3A_602, %dma_wait3A_603] : memref<4x80x128xf32, #tpu.memory_space<vmem>> -> memref<1x80x128xf32, #tpu.memory_space<vmem>>
        %dma_wait3A_605 = tpu.memref_squeeze %dma_wait3A_604 : memref<1x80x128xf32, #tpu.memory_space<vmem>> -> memref<80x128xf32, #tpu.memory_space<vmem>>
        %dma_wait3A_606 = arith.constant 0 : i32
        %dma_wait3A_607 = tpu.memref_slice %arg7[%add3A_576, %dma_wait3A_606] : memref<32x80xi32, #tpu.memory_space<vmem>> -> memref<1x80xi32, #tpu.memory_space<vmem>>
        %dma_wait3A_608 = tpu.memref_squeeze %dma_wait3A_607 : memref<1x80xi32, #tpu.memory_space<vmem>> -> memref<80xi32, #tpu.memory_space<vmem>>
        %dma_wait3A_609 = arith.constant 0 : i32
        %dma_wait3A_610 = arith.constant 0 : i32
        %dma_wait3A_611 = tpu.memref_slice %arg9[%dma_wait3A_609, %dma_wait3A_610] : memref<10240x128xf32, #tpu.memory_space<vmem_shared>> -> memref<10240x128xf32, #tpu.memory_space<vmem_shared>>
        tpu.wait_indirect_dma semaphore(%arg15 : memref<!tpu.dma_semaphore, #tpu.memory_space<semaphore_mem>>) src(%dma_wait3A_605 : memref<80x128xf32, #tpu.memory_space<vmem>>) dst(%dma_wait3A_611 : memref<10240x128xf32, #tpu.memory_space<vmem_shared>>)
        %add3A_612 = arith.constant 4 : i32
        %add3A_613 = arith.addi %add3A_576, %add3A_612 : i32
        %dma_start3A_614 = arith.constant 1 : i32
        %dma_start3A_615 = arith.constant 0 : i32
        %dma_start3A_616 = arith.constant 0 : i32
        %dma_start3A_617 = tpu.memref_slice %arg8[%dma_start3A_614, %dma_start3A_615, %dma_start3A_616] : memref<4x80x128xf32, #tpu.memory_space<vmem>> -> memref<1x80x128xf32, #tpu.memory_space<vmem>>
        %dma_start3A_618 = tpu.memref_squeeze %dma_start3A_617 : memref<1x80x128xf32, #tpu.memory_space<vmem>> -> memref<80x128xf32, #tpu.memory_space<vmem>>
        %dma_start3A_619 = arith.constant 0 : i32
        %dma_start3A_620 = tpu.memref_slice %arg6[%add3A_613, %dma_start3A_619] : memref<32x80xi32, #tpu.memory_space<vmem>> -> memref<1x80xi32, #tpu.memory_space<vmem>>
        %dma_start3A_621 = tpu.memref_squeeze %dma_start3A_620 : memref<1x80xi32, #tpu.memory_space<vmem>> -> memref<80xi32, #tpu.memory_space<vmem>>
        %dma_start3A_622 = arith.constant 0 : i32
        %dma_start3A_623 = arith.constant 0 : i32
        %dma_start3A_624 = tpu.memref_slice %arg2[%dma_start3A_622, %dma_start3A_623] : memref<10240x128xf32, #tpu.memory_space<hbm>> -> memref<10240x128xf32, #tpu.memory_space<hbm>>
        tpu.enqueue_indirect_dma source(%dma_start3A_624 : memref<10240x128xf32, #tpu.memory_space<hbm>>) target(%dma_start3A_618 : memref<80x128xf32, #tpu.memory_space<vmem>>) offsets(%dma_start3A_621 : memref<80xi32, #tpu.memory_space<vmem>>) semaphore(%arg11 : memref<!tpu.dma_semaphore, #tpu.memory_space<semaphore_mem>>)
      } else {
      }
      %mul3A_582 = arith.constant 4 : i32
      %mul3A_583 = arith.muli %scan3A_461, %mul3A_582 : i32
      %add3A_584 = arith.constant 2 : i32
      %add3A_585 = arith.addi %mul3A_583, %add3A_584 : i32
      %lt3A_586 = arith.constant 7 : i32
      %lt3A_587 = arith.cmpi slt, %scan3A_461, %lt3A_586 : i32
      %convert_element_type3A_588 = arith.extui %lt3A_587 : i1 to i32
      %cond3A_589 = arith.constant 0 : i32
      %cond3A_590 = arith.cmpi ne, %convert_element_type3A_588, %cond3A_589 : i32
      scf.if %cond3A_590 {
        %dma_wait3A_601 = arith.constant 2 : i32
        %dma_wait3A_602 = arith.constant 0 : i32
        %dma_wait3A_603 = arith.constant 0 : i32
        %dma_wait3A_604 = tpu.memref_slice %arg8[%dma_wait3A_601, %dma_wait3A_602, %dma_wait3A_603] : memref<4x80x128xf32, #tpu.memory_space<vmem>> -> memref<1x80x128xf32, #tpu.memory_space<vmem>>
        %dma_wait3A_605 = tpu.memref_squeeze %dma_wait3A_604 : memref<1x80x128xf32, #tpu.memory_space<vmem>> -> memref<80x128xf32, #tpu.memory_space<vmem>>
        %dma_wait3A_606 = arith.constant 0 : i32
        %dma_wait3A_607 = tpu.memref_slice %arg7[%add3A_585, %dma_wait3A_606] : memref<32x80xi32, #tpu.memory_space<vmem>> -> memref<1x80xi32, #tpu.memory_space<vmem>>
        %dma_wait3A_608 = tpu.memref_squeeze %dma_wait3A_607 : memref<1x80xi32, #tpu.memory_space<vmem>> -> memref<80xi32, #tpu.memory_space<vmem>>
        %dma_wait3A_609 = arith.constant 0 : i32
        %dma_wait3A_610 = arith.constant 0 : i32
        %dma_wait3A_611 = tpu.memref_slice %arg9[%dma_wait3A_609, %dma_wait3A_610] : memref<10240x128xf32, #tpu.memory_space<vmem_shared>> -> memref<10240x128xf32, #tpu.memory_space<vmem_shared>>
        tpu.wait_indirect_dma semaphore(%arg16 : memref<!tpu.dma_semaphore, #tpu.memory_space<semaphore_mem>>) src(%dma_wait3A_605 : memref<80x128xf32, #tpu.memory_space<vmem>>) dst(%dma_wait3A_611 : memref<10240x128xf32, #tpu.memory_space<vmem_shared>>)
        %add3A_612 = arith.constant 4 : i32
        %add3A_613 = arith.addi %add3A_585, %add3A_612 : i32
        %dma_start3A_614 = arith.constant 2 : i32
        %dma_start3A_615 = arith.constant 0 : i32
        %dma_start3A_616 = arith.constant 0 : i32
        %dma_start3A_617 = tpu.memref_slice %arg8[%dma_start3A_614, %dma_start3A_615, %dma_start3A_616] : memref<4x80x128xf32, #tpu.memory_space<vmem>> -> memref<1x80x128xf32, #tpu.memory_space<vmem>>
        %dma_start3A_618 = tpu.memref_squeeze %dma_start3A_617 : memref<1x80x128xf32, #tpu.memory_space<vmem>> -> memref<80x128xf32, #tpu.memory_space<vmem>>
        %dma_start3A_619 = arith.constant 0 : i32
        %dma_start3A_620 = tpu.memref_slice %arg6[%add3A_613, %dma_start3A_619] : memref<32x80xi32, #tpu.memory_space<vmem>> -> memref<1x80xi32, #tpu.memory_space<vmem>>
        %dma_start3A_621 = tpu.memref_squeeze %dma_start3A_620 : memref<1x80xi32, #tpu.memory_space<vmem>> -> memref<80xi32, #tpu.memory_space<vmem>>
        %dma_start3A_622 = arith.constant 0 : i32
        %dma_start3A_623 = arith.constant 0 : i32
        %dma_start3A_624 = tpu.memref_slice %arg2[%dma_start3A_622, %dma_start3A_623] : memref<10240x128xf32, #tpu.memory_space<hbm>> -> memref<10240x128xf32, #tpu.memory_space<hbm>>
        tpu.enqueue_indirect_dma source(%dma_start3A_624 : memref<10240x128xf32, #tpu.memory_space<hbm>>) target(%dma_start3A_618 : memref<80x128xf32, #tpu.memory_space<vmem>>) offsets(%dma_start3A_621 : memref<80xi32, #tpu.memory_space<vmem>>) semaphore(%arg12 : memref<!tpu.dma_semaphore, #tpu.memory_space<semaphore_mem>>)
      } else {
      }
      %mul3A_591 = arith.constant 4 : i32
      %mul3A_592 = arith.muli %scan3A_461, %mul3A_591 : i32
      %add3A_593 = arith.constant 3 : i32
      %add3A_594 = arith.addi %mul3A_592, %add3A_593 : i32
      %lt3A_595 = arith.constant 7 : i32
      %lt3A_596 = arith.cmpi slt, %scan3A_461, %lt3A_595 : i32
      %convert_element_type3A_597 = arith.extui %lt3A_596 : i1 to i32
      %cond3A_598 = arith.constant 0 : i32
      %cond3A_599 = arith.cmpi ne, %convert_element_type3A_597, %cond3A_598 : i32
      scf.if %cond3A_599 {
        %dma_wait3A_601 = arith.constant 3 : i32
        %dma_wait3A_602 = arith.constant 0 : i32
        %dma_wait3A_603 = arith.constant 0 : i32
        %dma_wait3A_604 = tpu.memref_slice %arg8[%dma_wait3A_601, %dma_wait3A_602, %dma_wait3A_603] : memref<4x80x128xf32, #tpu.memory_space<vmem>> -> memref<1x80x128xf32, #tpu.memory_space<vmem>>
        %dma_wait3A_605 = tpu.memref_squeeze %dma_wait3A_604 : memref<1x80x128xf32, #tpu.memory_space<vmem>> -> memref<80x128xf32, #tpu.memory_space<vmem>>
        %dma_wait3A_606 = arith.constant 0 : i32
        %dma_wait3A_607 = tpu.memref_slice %arg7[%add3A_594, %dma_wait3A_606] : memref<32x80xi32, #tpu.memory_space<vmem>> -> memref<1x80xi32, #tpu.memory_space<vmem>>
        %dma_wait3A_608 = tpu.memref_squeeze %dma_wait3A_607 : memref<1x80xi32, #tpu.memory_space<vmem>> -> memref<80xi32, #tpu.memory_space<vmem>>
        %dma_wait3A_609 = arith.constant 0 : i32
        %dma_wait3A_610 = arith.constant 0 : i32
        %dma_wait3A_611 = tpu.memref_slice %arg9[%dma_wait3A_609, %dma_wait3A_610] : memref<10240x128xf32, #tpu.memory_space<vmem_shared>> -> memref<10240x128xf32, #tpu.memory_space<vmem_shared>>
        tpu.wait_indirect_dma semaphore(%arg17 : memref<!tpu.dma_semaphore, #tpu.memory_space<semaphore_mem>>) src(%dma_wait3A_605 : memref<80x128xf32, #tpu.memory_space<vmem>>) dst(%dma_wait3A_611 : memref<10240x128xf32, #tpu.memory_space<vmem_shared>>)
        %add3A_612 = arith.constant 4 : i32
        %add3A_613 = arith.addi %add3A_594, %add3A_612 : i32
        %dma_start3A_614 = arith.constant 3 : i32
        %dma_start3A_615 = arith.constant 0 : i32
        %dma_start3A_616 = arith.constant 0 : i32
        %dma_start3A_617 = tpu.memref_slice %arg8[%dma_start3A_614, %dma_start3A_615, %dma_start3A_616] : memref<4x80x128xf32, #tpu.memory_space<vmem>> -> memref<1x80x128xf32, #tpu.memory_space<vmem>>
        %dma_start3A_618 = tpu.memref_squeeze %dma_start3A_617 : memref<1x80x128xf32, #tpu.memory_space<vmem>> -> memref<80x128xf32, #tpu.memory_space<vmem>>
        %dma_start3A_619 = arith.constant 0 : i32
        %dma_start3A_620 = tpu.memref_slice %arg6[%add3A_613, %dma_start3A_619] : memref<32x80xi32, #tpu.memory_space<vmem>> -> memref<1x80xi32, #tpu.memory_space<vmem>>
        %dma_start3A_621 = tpu.memref_squeeze %dma_start3A_620 : memref<1x80xi32, #tpu.memory_space<vmem>> -> memref<80xi32, #tpu.memory_space<vmem>>
        %dma_start3A_622 = arith.constant 0 : i32
        %dma_start3A_623 = arith.constant 0 : i32
        %dma_start3A_624 = tpu.memref_slice %arg2[%dma_start3A_622, %dma_start3A_623] : memref<10240x128xf32, #tpu.memory_space<hbm>> -> memref<10240x128xf32, #tpu.memory_space<hbm>>
        tpu.enqueue_indirect_dma source(%dma_start3A_624 : memref<10240x128xf32, #tpu.memory_space<hbm>>) target(%dma_start3A_618 : memref<80x128xf32, #tpu.memory_space<vmem>>) offsets(%dma_start3A_621 : memref<80xi32, #tpu.memory_space<vmem>>) semaphore(%arg13 : memref<!tpu.dma_semaphore, #tpu.memory_space<semaphore_mem>>)
      } else {
      }
      %scan3A_600 = arith.constant 0 : i32
      scf.yield %scan3A_600 : i32
    }
    %scan3A_304 = arith.constant 8 : i32
    %dma_wait3A_305 = arith.constant 0 : i32
    %dma_wait3A_306 = arith.constant 28 : i32
    %dma_wait3A_307 = arith.constant 0 : i32
    %dma_wait3A_308 = arith.constant 0 : i32
    %dma_wait3A_309 = tpu.memref_slice %arg8[%dma_wait3A_305, %dma_wait3A_307, %dma_wait3A_308] : memref<4x80x128xf32, #tpu.memory_space<vmem>> -> memref<1x80x128xf32, #tpu.memory_space<vmem>>
    %dma_wait3A_310 = tpu.memref_squeeze %dma_wait3A_309 : memref<1x80x128xf32, #tpu.memory_space<vmem>> -> memref<80x128xf32, #tpu.memory_space<vmem>>
    %dma_wait3A_311 = arith.constant 0 : i32
    %dma_wait3A_312 = tpu.memref_slice %arg7[%dma_wait3A_306, %dma_wait3A_311] : memref<32x80xi32, #tpu.memory_space<vmem>> -> memref<1x80xi32, #tpu.memory_space<vmem>>
    %dma_wait3A_313 = tpu.memref_squeeze %dma_wait3A_312 : memref<1x80xi32, #tpu.memory_space<vmem>> -> memref<80xi32, #tpu.memory_space<vmem>>
    %dma_wait3A_314 = arith.constant 0 : i32
    %dma_wait3A_315 = arith.constant 0 : i32
    %dma_wait3A_316 = tpu.memref_slice %arg9[%dma_wait3A_314, %dma_wait3A_315] : memref<10240x128xf32, #tpu.memory_space<vmem_shared>> -> memref<10240x128xf32, #tpu.memory_space<vmem_shared>>
    tpu.wait_indirect_dma semaphore(%arg14 : memref<!tpu.dma_semaphore, #tpu.memory_space<semaphore_mem>>) src(%dma_wait3A_310 : memref<80x128xf32, #tpu.memory_space<vmem>>) dst(%dma_wait3A_316 : memref<10240x128xf32, #tpu.memory_space<vmem_shared>>)
    %dma_wait3A_317 = arith.constant 1 : i32
    %dma_wait3A_318 = arith.constant 29 : i32
    %dma_wait3A_319 = arith.constant 0 : i32
    %dma_wait3A_320 = arith.constant 0 : i32
    %dma_wait3A_321 = tpu.memref_slice %arg8[%dma_wait3A_317, %dma_wait3A_319, %dma_wait3A_320] : memref<4x80x128xf32, #tpu.memory_space<vmem>> -> memref<1x80x128xf32, #tpu.memory_space<vmem>>
    %dma_wait3A_322 = tpu.memref_squeeze %dma_wait3A_321 : memref<1x80x128xf32, #tpu.memory_space<vmem>> -> memref<80x128xf32, #tpu.memory_space<vmem>>
    %dma_wait3A_323 = arith.constant 0 : i32
    %dma_wait3A_324 = tpu.memref_slice %arg7[%dma_wait3A_318, %dma_wait3A_323] : memref<32x80xi32, #tpu.memory_space<vmem>> -> memref<1x80xi32, #tpu.memory_space<vmem>>
    %dma_wait3A_325 = tpu.memref_squeeze %dma_wait3A_324 : memref<1x80xi32, #tpu.memory_space<vmem>> -> memref<80xi32, #tpu.memory_space<vmem>>
    %dma_wait3A_326 = arith.constant 0 : i32
    %dma_wait3A_327 = arith.constant 0 : i32
    %dma_wait3A_328 = tpu.memref_slice %arg9[%dma_wait3A_326, %dma_wait3A_327] : memref<10240x128xf32, #tpu.memory_space<vmem_shared>> -> memref<10240x128xf32, #tpu.memory_space<vmem_shared>>
    tpu.wait_indirect_dma semaphore(%arg15 : memref<!tpu.dma_semaphore, #tpu.memory_space<semaphore_mem>>) src(%dma_wait3A_322 : memref<80x128xf32, #tpu.memory_space<vmem>>) dst(%dma_wait3A_328 : memref<10240x128xf32, #tpu.memory_space<vmem_shared>>)
    %dma_wait3A_329 = arith.constant 2 : i32
    %dma_wait3A_330 = arith.constant 30 : i32
    %dma_wait3A_331 = arith.constant 0 : i32
    %dma_wait3A_332 = arith.constant 0 : i32
    %dma_wait3A_333 = tpu.memref_slice %arg8[%dma_wait3A_329, %dma_wait3A_331, %dma_wait3A_332] : memref<4x80x128xf32, #tpu.memory_space<vmem>> -> memref<1x80x128xf32, #tpu.memory_space<vmem>>
    %dma_wait3A_334 = tpu.memref_squeeze %dma_wait3A_333 : memref<1x80x128xf32, #tpu.memory_space<vmem>> -> memref<80x128xf32, #tpu.memory_space<vmem>>
    %dma_wait3A_335 = arith.constant 0 : i32
    %dma_wait3A_336 = tpu.memref_slice %arg7[%dma_wait3A_330, %dma_wait3A_335] : memref<32x80xi32, #tpu.memory_space<vmem>> -> memref<1x80xi32, #tpu.memory_space<vmem>>
    %dma_wait3A_337 = tpu.memref_squeeze %dma_wait3A_336 : memref<1x80xi32, #tpu.memory_space<vmem>> -> memref<80xi32, #tpu.memory_space<vmem>>
    %dma_wait3A_338 = arith.constant 0 : i32
    %dma_wait3A_339 = arith.constant 0 : i32
    %dma_wait3A_340 = tpu.memref_slice %arg9[%dma_wait3A_338, %dma_wait3A_339] : memref<10240x128xf32, #tpu.memory_space<vmem_shared>> -> memref<10240x128xf32, #tpu.memory_space<vmem_shared>>
    tpu.wait_indirect_dma semaphore(%arg16 : memref<!tpu.dma_semaphore, #tpu.memory_space<semaphore_mem>>) src(%dma_wait3A_334 : memref<80x128xf32, #tpu.memory_space<vmem>>) dst(%dma_wait3A_340 : memref<10240x128xf32, #tpu.memory_space<vmem_shared>>)
    %dma_wait3A_341 = arith.constant 3 : i32
    %dma_wait3A_342 = arith.constant 31 : i32
    %dma_wait3A_343 = arith.constant 0 : i32
    %dma_wait3A_344 = arith.constant 0 : i32
    %dma_wait3A_345 = tpu.memref_slice %arg8[%dma_wait3A_341, %dma_wait3A_343, %dma_wait3A_344] : memref<4x80x128xf32, #tpu.memory_space<vmem>> -> memref<1x80x128xf32, #tpu.memory_space<vmem>>
    %dma_wait3A_346 = tpu.memref_squeeze %dma_wait3A_345 : memref<1x80x128xf32, #tpu.memory_space<vmem>> -> memref<80x128xf32, #tpu.memory_space<vmem>>
    %dma_wait3A_347 = arith.constant 0 : i32
    %dma_wait3A_348 = tpu.memref_slice %arg7[%dma_wait3A_342, %dma_wait3A_347] : memref<32x80xi32, #tpu.memory_space<vmem>> -> memref<1x80xi32, #tpu.memory_space<vmem>>
    %dma_wait3A_349 = tpu.memref_squeeze %dma_wait3A_348 : memref<1x80xi32, #tpu.memory_space<vmem>> -> memref<80xi32, #tpu.memory_space<vmem>>
    %dma_wait3A_350 = arith.constant 0 : i32
    %dma_wait3A_351 = arith.constant 0 : i32
    %dma_wait3A_352 = tpu.memref_slice %arg9[%dma_wait3A_350, %dma_wait3A_351] : memref<10240x128xf32, #tpu.memory_space<vmem_shared>> -> memref<10240x128xf32, #tpu.memory_space<vmem_shared>>
    tpu.wait_indirect_dma semaphore(%arg17 : memref<!tpu.dma_semaphore, #tpu.memory_space<semaphore_mem>>) src(%dma_wait3A_346 : memref<80x128xf32, #tpu.memory_space<vmem>>) dst(%dma_wait3A_352 : memref<10240x128xf32, #tpu.memory_space<vmem_shared>>)
    "tpu.region"() ({
      %run_scoped3A_461 = tpu.sem_alloc : memref<!tpu.dma_semaphore, #tpu.memory_space<semaphore_mem>>
      %dma_start3A_462 = arith.constant 96 : i32
      %dma_start3A_463 = arith.constant 0 : i32
      %dma_start3A_464 = tpu.memref_slice %arg3[%add3A, %dma_start3A_462, %dma_start3A_463] : memref<32x128x80xi32, #tpu.memory_space<hbm>> -> memref<1x32x80xi32, #tpu.memory_space<hbm>>
      %dma_start3A_465 = tpu.memref_squeeze %dma_start3A_464 : memref<1x32x80xi32, #tpu.memory_space<hbm>> -> memref<32x80xi32, #tpu.memory_space<hbm>>
      %dma_start3A_466 = arith.constant 96 : i32
      %dma_start3A_467 = arith.constant 0 : i32
      %dma_start3A_468 = tpu.memref_slice %arg3[%add3A, %dma_start3A_466, %dma_start3A_467] : memref<32x128x80xi32, #tpu.memory_space<hbm>> -> memref<1x32x80xi32, #tpu.memory_space<hbm>>
      %dma_start3A_469 = tpu.memref_squeeze %dma_start3A_468 : memref<1x32x80xi32, #tpu.memory_space<hbm>> -> memref<32x80xi32, #tpu.memory_space<hbm>>
      tpu.enqueue_dma source(%dma_start3A_469 : memref<32x80xi32, #tpu.memory_space<hbm>>) target(%arg6 : memref<32x80xi32, #tpu.memory_space<vmem>>) target_semaphore(%run_scoped3A_461 : memref<!tpu.dma_semaphore, #tpu.memory_space<semaphore_mem>>)
      %dma_wait3A_470 = arith.constant 96 : i32
      %dma_wait3A_471 = arith.constant 0 : i32
      %dma_wait3A_472 = tpu.memref_slice %arg3[%add3A, %dma_wait3A_470, %dma_wait3A_471] : memref<32x128x80xi32, #tpu.memory_space<hbm>> -> memref<1x32x80xi32, #tpu.memory_space<hbm>>
      %dma_wait3A_473 = tpu.memref_squeeze %dma_wait3A_472 : memref<1x32x80xi32, #tpu.memory_space<hbm>> -> memref<32x80xi32, #tpu.memory_space<hbm>>
      %dma_wait3A_474 = arith.constant 96 : i32
      %dma_wait3A_475 = arith.constant 0 : i32
      %dma_wait3A_476 = tpu.memref_slice %arg3[%add3A, %dma_wait3A_474, %dma_wait3A_475] : memref<32x128x80xi32, #tpu.memory_space<hbm>> -> memref<1x32x80xi32, #tpu.memory_space<hbm>>
      %dma_wait3A_477 = tpu.memref_squeeze %dma_wait3A_476 : memref<1x32x80xi32, #tpu.memory_space<hbm>> -> memref<32x80xi32, #tpu.memory_space<hbm>>
      tpu.wait_dma2 semaphore(%run_scoped3A_461 : memref<!tpu.dma_semaphore, #tpu.memory_space<semaphore_mem>>) src(%dma_wait3A_477 : memref<32x80xi32, #tpu.memory_space<hbm>>) dst(%arg6 : memref<32x80xi32, #tpu.memory_space<vmem>>)
      tpu.yield
    }) : () -> ()
    "tpu.region"() ({
      %run_scoped3A_461 = tpu.sem_alloc : memref<!tpu.dma_semaphore, #tpu.memory_space<semaphore_mem>>
      %dma_start3A_462 = arith.constant 96 : i32
      %dma_start3A_463 = arith.constant 0 : i32
      %dma_start3A_464 = tpu.memref_slice %arg4[%add3A, %dma_start3A_462, %dma_start3A_463] : memref<32x128x80xi32, #tpu.memory_space<hbm>> -> memref<1x32x80xi32, #tpu.memory_space<hbm>>
      %dma_start3A_465 = tpu.memref_squeeze %dma_start3A_464 : memref<1x32x80xi32, #tpu.memory_space<hbm>> -> memref<32x80xi32, #tpu.memory_space<hbm>>
      %dma_start3A_466 = arith.constant 96 : i32
      %dma_start3A_467 = arith.constant 0 : i32
      %dma_start3A_468 = tpu.memref_slice %arg4[%add3A, %dma_start3A_466, %dma_start3A_467] : memref<32x128x80xi32, #tpu.memory_space<hbm>> -> memref<1x32x80xi32, #tpu.memory_space<hbm>>
      %dma_start3A_469 = tpu.memref_squeeze %dma_start3A_468 : memref<1x32x80xi32, #tpu.memory_space<hbm>> -> memref<32x80xi32, #tpu.memory_space<hbm>>
      tpu.enqueue_dma source(%dma_start3A_469 : memref<32x80xi32, #tpu.memory_space<hbm>>) target(%arg7 : memref<32x80xi32, #tpu.memory_space<vmem>>) target_semaphore(%run_scoped3A_461 : memref<!tpu.dma_semaphore, #tpu.memory_space<semaphore_mem>>)
      %dma_wait3A_470 = arith.constant 96 : i32
      %dma_wait3A_471 = arith.constant 0 : i32
      %dma_wait3A_472 = tpu.memref_slice %arg4[%add3A, %dma_wait3A_470, %dma_wait3A_471] : memref<32x128x80xi32, #tpu.memory_space<hbm>> -> memref<1x32x80xi32, #tpu.memory_space<hbm>>
      %dma_wait3A_473 = tpu.memref_squeeze %dma_wait3A_472 : memref<1x32x80xi32, #tpu.memory_space<hbm>> -> memref<32x80xi32, #tpu.memory_space<hbm>>
      %dma_wait3A_474 = arith.constant 96 : i32
      %dma_wait3A_475 = arith.constant 0 : i32
      %dma_wait3A_476 = tpu.memref_slice %arg4[%add3A, %dma_wait3A_474, %dma_wait3A_475] : memref<32x128x80xi32, #tpu.memory_space<hbm>> -> memref<1x32x80xi32, #tpu.memory_space<hbm>>
      %dma_wait3A_477 = tpu.memref_squeeze %dma_wait3A_476 : memref<1x32x80xi32, #tpu.memory_space<hbm>> -> memref<32x80xi32, #tpu.memory_space<hbm>>
      tpu.wait_dma2 semaphore(%run_scoped3A_461 : memref<!tpu.dma_semaphore, #tpu.memory_space<semaphore_mem>>) src(%dma_wait3A_477 : memref<32x80xi32, #tpu.memory_space<hbm>>) dst(%arg7 : memref<32x80xi32, #tpu.memory_space<vmem>>)
      tpu.yield
    }) : () -> ()
    %dma_start3A_353 = arith.constant 0 : i32
    %dma_start3A_354 = arith.constant 0 : i32
    %dma_start3A_355 = arith.constant 0 : i32
    %dma_start3A_356 = arith.constant 0 : i32
    %dma_start3A_357 = tpu.memref_slice %arg8[%dma_start3A_354, %dma_start3A_355, %dma_start3A_356] : memref<4x80x128xf32, #tpu.memory_space<vmem>> -> memref<1x80x128xf32, #tpu.memory_space<vmem>>
    %dma_start3A_358 = tpu.memref_squeeze %dma_start3A_357 : memref<1x80x128xf32, #tpu.memory_space<vmem>> -> memref<80x128xf32, #tpu.memory_space<vmem>>
    %dma_start3A_359 = arith.constant 0 : i32
    %dma_start3A_360 = tpu.memref_slice %arg6[%dma_start3A_353, %dma_start3A_359] : memref<32x80xi32, #tpu.memory_space<vmem>> -> memref<1x80xi32, #tpu.memory_space<vmem>>
    %dma_start3A_361 = tpu.memref_squeeze %dma_start3A_360 : memref<1x80xi32, #tpu.memory_space<vmem>> -> memref<80xi32, #tpu.memory_space<vmem>>
    %dma_start3A_362 = arith.constant 0 : i32
    %dma_start3A_363 = arith.constant 0 : i32
    %dma_start3A_364 = tpu.memref_slice %arg2[%dma_start3A_362, %dma_start3A_363] : memref<10240x128xf32, #tpu.memory_space<hbm>> -> memref<10240x128xf32, #tpu.memory_space<hbm>>
    tpu.enqueue_indirect_dma source(%dma_start3A_364 : memref<10240x128xf32, #tpu.memory_space<hbm>>) target(%dma_start3A_358 : memref<80x128xf32, #tpu.memory_space<vmem>>) offsets(%dma_start3A_361 : memref<80xi32, #tpu.memory_space<vmem>>) semaphore(%arg10 : memref<!tpu.dma_semaphore, #tpu.memory_space<semaphore_mem>>)
    %dma_start3A_365 = arith.constant 1 : i32
    %dma_start3A_366 = arith.constant 1 : i32
    %dma_start3A_367 = arith.constant 0 : i32
    %dma_start3A_368 = arith.constant 0 : i32
    %dma_start3A_369 = tpu.memref_slice %arg8[%dma_start3A_366, %dma_start3A_367, %dma_start3A_368] : memref<4x80x128xf32, #tpu.memory_space<vmem>> -> memref<1x80x128xf32, #tpu.memory_space<vmem>>
    %dma_start3A_370 = tpu.memref_squeeze %dma_start3A_369 : memref<1x80x128xf32, #tpu.memory_space<vmem>> -> memref<80x128xf32, #tpu.memory_space<vmem>>
    %dma_start3A_371 = arith.constant 0 : i32
    %dma_start3A_372 = tpu.memref_slice %arg6[%dma_start3A_365, %dma_start3A_371] : memref<32x80xi32, #tpu.memory_space<vmem>> -> memref<1x80xi32, #tpu.memory_space<vmem>>
    %dma_start3A_373 = tpu.memref_squeeze %dma_start3A_372 : memref<1x80xi32, #tpu.memory_space<vmem>> -> memref<80xi32, #tpu.memory_space<vmem>>
    %dma_start3A_374 = arith.constant 0 : i32
    %dma_start3A_375 = arith.constant 0 : i32
    %dma_start3A_376 = tpu.memref_slice %arg2[%dma_start3A_374, %dma_start3A_375] : memref<10240x128xf32, #tpu.memory_space<hbm>> -> memref<10240x128xf32, #tpu.memory_space<hbm>>
    tpu.enqueue_indirect_dma source(%dma_start3A_376 : memref<10240x128xf32, #tpu.memory_space<hbm>>) target(%dma_start3A_370 : memref<80x128xf32, #tpu.memory_space<vmem>>) offsets(%dma_start3A_373 : memref<80xi32, #tpu.memory_space<vmem>>) semaphore(%arg11 : memref<!tpu.dma_semaphore, #tpu.memory_space<semaphore_mem>>)
    %dma_start3A_377 = arith.constant 2 : i32
    %dma_start3A_378 = arith.constant 2 : i32
    %dma_start3A_379 = arith.constant 0 : i32
    %dma_start3A_380 = arith.constant 0 : i32
    %dma_start3A_381 = tpu.memref_slice %arg8[%dma_start3A_378, %dma_start3A_379, %dma_start3A_380] : memref<4x80x128xf32, #tpu.memory_space<vmem>> -> memref<1x80x128xf32, #tpu.memory_space<vmem>>
    %dma_start3A_382 = tpu.memref_squeeze %dma_start3A_381 : memref<1x80x128xf32, #tpu.memory_space<vmem>> -> memref<80x128xf32, #tpu.memory_space<vmem>>
    %dma_start3A_383 = arith.constant 0 : i32
    %dma_start3A_384 = tpu.memref_slice %arg6[%dma_start3A_377, %dma_start3A_383] : memref<32x80xi32, #tpu.memory_space<vmem>> -> memref<1x80xi32, #tpu.memory_space<vmem>>
    %dma_start3A_385 = tpu.memref_squeeze %dma_start3A_384 : memref<1x80xi32, #tpu.memory_space<vmem>> -> memref<80xi32, #tpu.memory_space<vmem>>
    %dma_start3A_386 = arith.constant 0 : i32
    %dma_start3A_387 = arith.constant 0 : i32
    %dma_start3A_388 = tpu.memref_slice %arg2[%dma_start3A_386, %dma_start3A_387] : memref<10240x128xf32, #tpu.memory_space<hbm>> -> memref<10240x128xf32, #tpu.memory_space<hbm>>
    tpu.enqueue_indirect_dma source(%dma_start3A_388 : memref<10240x128xf32, #tpu.memory_space<hbm>>) target(%dma_start3A_382 : memref<80x128xf32, #tpu.memory_space<vmem>>) offsets(%dma_start3A_385 : memref<80xi32, #tpu.memory_space<vmem>>) semaphore(%arg12 : memref<!tpu.dma_semaphore, #tpu.memory_space<semaphore_mem>>)
    %dma_start3A_389 = arith.constant 3 : i32
    %dma_start3A_390 = arith.constant 3 : i32
    %dma_start3A_391 = arith.constant 0 : i32
    %dma_start3A_392 = arith.constant 0 : i32
    %dma_start3A_393 = tpu.memref_slice %arg8[%dma_start3A_390, %dma_start3A_391, %dma_start3A_392] : memref<4x80x128xf32, #tpu.memory_space<vmem>> -> memref<1x80x128xf32, #tpu.memory_space<vmem>>
    %dma_start3A_394 = tpu.memref_squeeze %dma_start3A_393 : memref<1x80x128xf32, #tpu.memory_space<vmem>> -> memref<80x128xf32, #tpu.memory_space<vmem>>
    %dma_start3A_395 = arith.constant 0 : i32
    %dma_start3A_396 = tpu.memref_slice %arg6[%dma_start3A_389, %dma_start3A_395] : memref<32x80xi32, #tpu.memory_space<vmem>> -> memref<1x80xi32, #tpu.memory_space<vmem>>
    %dma_start3A_397 = tpu.memref_squeeze %dma_start3A_396 : memref<1x80xi32, #tpu.memory_space<vmem>> -> memref<80xi32, #tpu.memory_space<vmem>>
    %dma_start3A_398 = arith.constant 0 : i32
    %dma_start3A_399 = arith.constant 0 : i32
    %dma_start3A_400 = tpu.memref_slice %arg2[%dma_start3A_398, %dma_start3A_399] : memref<10240x128xf32, #tpu.memory_space<hbm>> -> memref<10240x128xf32, #tpu.memory_space<hbm>>
    tpu.enqueue_indirect_dma source(%dma_start3A_400 : memref<10240x128xf32, #tpu.memory_space<hbm>>) target(%dma_start3A_394 : memref<80x128xf32, #tpu.memory_space<vmem>>) offsets(%dma_start3A_397 : memref<80xi32, #tpu.memory_space<vmem>>) semaphore(%arg13 : memref<!tpu.dma_semaphore, #tpu.memory_space<semaphore_mem>>)
    %scan3A_401 = arith.constant 0 : i32
    %scan3A_402 = arith.constant 0 : i32
    %scan3A_403 = arith.constant 8 : i32
    %scan3A_404 = arith.addi %scan3A_402, %scan3A_403 : i32
    %scan3A_405 = arith.constant 1 : i32
    %scan3A_406 = scf.for %scan3A_461 = %scan3A_402 to %scan3A_404 step %scan3A_405 iter_args(%scan3A_462 = %scan3A_401) -> (i32)  : i32 {
      %mul3A_463 = arith.constant 4 : i32
      %mul3A_464 = arith.muli %scan3A_461, %mul3A_463 : i32
      %add3A_465 = arith.constant 0 : i32
      %add3A_466 = arith.addi %mul3A_464, %add3A_465 : i32
      %dma_wait3A_467 = arith.constant 0 : i32
      %dma_wait3A_468 = arith.constant 0 : i32
      %dma_wait3A_469 = arith.constant 0 : i32
      %dma_wait3A_470 = tpu.memref_slice %arg8[%dma_wait3A_467, %dma_wait3A_468, %dma_wait3A_469] : memref<4x80x128xf32, #tpu.memory_space<vmem>> -> memref<1x80x128xf32, #tpu.memory_space<vmem>>
      %dma_wait3A_471 = tpu.memref_squeeze %dma_wait3A_470 : memref<1x80x128xf32, #tpu.memory_space<vmem>> -> memref<80x128xf32, #tpu.memory_space<vmem>>
      %dma_wait3A_472 = arith.constant 0 : i32
      %dma_wait3A_473 = tpu.memref_slice %arg6[%add3A_466, %dma_wait3A_472] : memref<32x80xi32, #tpu.memory_space<vmem>> -> memref<1x80xi32, #tpu.memory_space<vmem>>
      %dma_wait3A_474 = tpu.memref_squeeze %dma_wait3A_473 : memref<1x80xi32, #tpu.memory_space<vmem>> -> memref<80xi32, #tpu.memory_space<vmem>>
      %dma_wait3A_475 = arith.constant 0 : i32
      %dma_wait3A_476 = arith.constant 0 : i32
      %dma_wait3A_477 = tpu.memref_slice %arg2[%dma_wait3A_475, %dma_wait3A_476] : memref<10240x128xf32, #tpu.memory_space<hbm>> -> memref<10240x128xf32, #tpu.memory_space<hbm>>
      tpu.wait_indirect_dma semaphore(%arg10 : memref<!tpu.dma_semaphore, #tpu.memory_space<semaphore_mem>>) src(%dma_wait3A_477 : memref<10240x128xf32, #tpu.memory_space<hbm>>) dst(%dma_wait3A_471 : memref<80x128xf32, #tpu.memory_space<vmem>>)
      %dma_start3A_478 = arith.constant 0 : i32
      %dma_start3A_479 = arith.constant 0 : i32
      %dma_start3A_480 = arith.constant 0 : i32
      %dma_start3A_481 = tpu.memref_slice %arg8[%dma_start3A_478, %dma_start3A_479, %dma_start3A_480] : memref<4x80x128xf32, #tpu.memory_space<vmem>> -> memref<1x80x128xf32, #tpu.memory_space<vmem>>
      %dma_start3A_482 = tpu.memref_squeeze %dma_start3A_481 : memref<1x80x128xf32, #tpu.memory_space<vmem>> -> memref<80x128xf32, #tpu.memory_space<vmem>>
      %dma_start3A_483 = arith.constant 0 : i32
      %dma_start3A_484 = tpu.memref_slice %arg7[%add3A_466, %dma_start3A_483] : memref<32x80xi32, #tpu.memory_space<vmem>> -> memref<1x80xi32, #tpu.memory_space<vmem>>
      %dma_start3A_485 = tpu.memref_squeeze %dma_start3A_484 : memref<1x80xi32, #tpu.memory_space<vmem>> -> memref<80xi32, #tpu.memory_space<vmem>>
      %dma_start3A_486 = arith.constant 0 : i32
      %dma_start3A_487 = arith.constant 0 : i32
      %dma_start3A_488 = tpu.memref_slice %arg9[%dma_start3A_486, %dma_start3A_487] : memref<10240x128xf32, #tpu.memory_space<vmem_shared>> -> memref<10240x128xf32, #tpu.memory_space<vmem_shared>>
      tpu.enqueue_indirect_dma source(%dma_start3A_482 : memref<80x128xf32, #tpu.memory_space<vmem>>) target(%dma_start3A_488 : memref<10240x128xf32, #tpu.memory_space<vmem_shared>>) offsets(%dma_start3A_485 : memref<80xi32, #tpu.memory_space<vmem>>) semaphore(%arg14 : memref<!tpu.dma_semaphore, #tpu.memory_space<semaphore_mem>>) {add = true}
      %mul3A_489 = arith.constant 4 : i32
      %mul3A_490 = arith.muli %scan3A_461, %mul3A_489 : i32
      %add3A_491 = arith.constant 1 : i32
      %add3A_492 = arith.addi %mul3A_490, %add3A_491 : i32
      %dma_wait3A_493 = arith.constant 1 : i32
      %dma_wait3A_494 = arith.constant 0 : i32
      %dma_wait3A_495 = arith.constant 0 : i32
      %dma_wait3A_496 = tpu.memref_slice %arg8[%dma_wait3A_493, %dma_wait3A_494, %dma_wait3A_495] : memref<4x80x128xf32, #tpu.memory_space<vmem>> -> memref<1x80x128xf32, #tpu.memory_space<vmem>>
      %dma_wait3A_497 = tpu.memref_squeeze %dma_wait3A_496 : memref<1x80x128xf32, #tpu.memory_space<vmem>> -> memref<80x128xf32, #tpu.memory_space<vmem>>
      %dma_wait3A_498 = arith.constant 0 : i32
      %dma_wait3A_499 = tpu.memref_slice %arg6[%add3A_492, %dma_wait3A_498] : memref<32x80xi32, #tpu.memory_space<vmem>> -> memref<1x80xi32, #tpu.memory_space<vmem>>
      %dma_wait3A_500 = tpu.memref_squeeze %dma_wait3A_499 : memref<1x80xi32, #tpu.memory_space<vmem>> -> memref<80xi32, #tpu.memory_space<vmem>>
      %dma_wait3A_501 = arith.constant 0 : i32
      %dma_wait3A_502 = arith.constant 0 : i32
      %dma_wait3A_503 = tpu.memref_slice %arg2[%dma_wait3A_501, %dma_wait3A_502] : memref<10240x128xf32, #tpu.memory_space<hbm>> -> memref<10240x128xf32, #tpu.memory_space<hbm>>
      tpu.wait_indirect_dma semaphore(%arg11 : memref<!tpu.dma_semaphore, #tpu.memory_space<semaphore_mem>>) src(%dma_wait3A_503 : memref<10240x128xf32, #tpu.memory_space<hbm>>) dst(%dma_wait3A_497 : memref<80x128xf32, #tpu.memory_space<vmem>>)
      %dma_start3A_504 = arith.constant 1 : i32
      %dma_start3A_505 = arith.constant 0 : i32
      %dma_start3A_506 = arith.constant 0 : i32
      %dma_start3A_507 = tpu.memref_slice %arg8[%dma_start3A_504, %dma_start3A_505, %dma_start3A_506] : memref<4x80x128xf32, #tpu.memory_space<vmem>> -> memref<1x80x128xf32, #tpu.memory_space<vmem>>
      %dma_start3A_508 = tpu.memref_squeeze %dma_start3A_507 : memref<1x80x128xf32, #tpu.memory_space<vmem>> -> memref<80x128xf32, #tpu.memory_space<vmem>>
      %dma_start3A_509 = arith.constant 0 : i32
      %dma_start3A_510 = tpu.memref_slice %arg7[%add3A_492, %dma_start3A_509] : memref<32x80xi32, #tpu.memory_space<vmem>> -> memref<1x80xi32, #tpu.memory_space<vmem>>
      %dma_start3A_511 = tpu.memref_squeeze %dma_start3A_510 : memref<1x80xi32, #tpu.memory_space<vmem>> -> memref<80xi32, #tpu.memory_space<vmem>>
      %dma_start3A_512 = arith.constant 0 : i32
      %dma_start3A_513 = arith.constant 0 : i32
      %dma_start3A_514 = tpu.memref_slice %arg9[%dma_start3A_512, %dma_start3A_513] : memref<10240x128xf32, #tpu.memory_space<vmem_shared>> -> memref<10240x128xf32, #tpu.memory_space<vmem_shared>>
      tpu.enqueue_indirect_dma source(%dma_start3A_508 : memref<80x128xf32, #tpu.memory_space<vmem>>) target(%dma_start3A_514 : memref<10240x128xf32, #tpu.memory_space<vmem_shared>>) offsets(%dma_start3A_511 : memref<80xi32, #tpu.memory_space<vmem>>) semaphore(%arg15 : memref<!tpu.dma_semaphore, #tpu.memory_space<semaphore_mem>>) {add = true}
      %mul3A_515 = arith.constant 4 : i32
      %mul3A_516 = arith.muli %scan3A_461, %mul3A_515 : i32
      %add3A_517 = arith.constant 2 : i32
      %add3A_518 = arith.addi %mul3A_516, %add3A_517 : i32
      %dma_wait3A_519 = arith.constant 2 : i32
      %dma_wait3A_520 = arith.constant 0 : i32
      %dma_wait3A_521 = arith.constant 0 : i32
      %dma_wait3A_522 = tpu.memref_slice %arg8[%dma_wait3A_519, %dma_wait3A_520, %dma_wait3A_521] : memref<4x80x128xf32, #tpu.memory_space<vmem>> -> memref<1x80x128xf32, #tpu.memory_space<vmem>>
      %dma_wait3A_523 = tpu.memref_squeeze %dma_wait3A_522 : memref<1x80x128xf32, #tpu.memory_space<vmem>> -> memref<80x128xf32, #tpu.memory_space<vmem>>
      %dma_wait3A_524 = arith.constant 0 : i32
      %dma_wait3A_525 = tpu.memref_slice %arg6[%add3A_518, %dma_wait3A_524] : memref<32x80xi32, #tpu.memory_space<vmem>> -> memref<1x80xi32, #tpu.memory_space<vmem>>
      %dma_wait3A_526 = tpu.memref_squeeze %dma_wait3A_525 : memref<1x80xi32, #tpu.memory_space<vmem>> -> memref<80xi32, #tpu.memory_space<vmem>>
      %dma_wait3A_527 = arith.constant 0 : i32
      %dma_wait3A_528 = arith.constant 0 : i32
      %dma_wait3A_529 = tpu.memref_slice %arg2[%dma_wait3A_527, %dma_wait3A_528] : memref<10240x128xf32, #tpu.memory_space<hbm>> -> memref<10240x128xf32, #tpu.memory_space<hbm>>
      tpu.wait_indirect_dma semaphore(%arg12 : memref<!tpu.dma_semaphore, #tpu.memory_space<semaphore_mem>>) src(%dma_wait3A_529 : memref<10240x128xf32, #tpu.memory_space<hbm>>) dst(%dma_wait3A_523 : memref<80x128xf32, #tpu.memory_space<vmem>>)
      %dma_start3A_530 = arith.constant 2 : i32
      %dma_start3A_531 = arith.constant 0 : i32
      %dma_start3A_532 = arith.constant 0 : i32
      %dma_start3A_533 = tpu.memref_slice %arg8[%dma_start3A_530, %dma_start3A_531, %dma_start3A_532] : memref<4x80x128xf32, #tpu.memory_space<vmem>> -> memref<1x80x128xf32, #tpu.memory_space<vmem>>
      %dma_start3A_534 = tpu.memref_squeeze %dma_start3A_533 : memref<1x80x128xf32, #tpu.memory_space<vmem>> -> memref<80x128xf32, #tpu.memory_space<vmem>>
      %dma_start3A_535 = arith.constant 0 : i32
      %dma_start3A_536 = tpu.memref_slice %arg7[%add3A_518, %dma_start3A_535] : memref<32x80xi32, #tpu.memory_space<vmem>> -> memref<1x80xi32, #tpu.memory_space<vmem>>
      %dma_start3A_537 = tpu.memref_squeeze %dma_start3A_536 : memref<1x80xi32, #tpu.memory_space<vmem>> -> memref<80xi32, #tpu.memory_space<vmem>>
      %dma_start3A_538 = arith.constant 0 : i32
      %dma_start3A_539 = arith.constant 0 : i32
      %dma_start3A_540 = tpu.memref_slice %arg9[%dma_start3A_538, %dma_start3A_539] : memref<10240x128xf32, #tpu.memory_space<vmem_shared>> -> memref<10240x128xf32, #tpu.memory_space<vmem_shared>>
      tpu.enqueue_indirect_dma source(%dma_start3A_534 : memref<80x128xf32, #tpu.memory_space<vmem>>) target(%dma_start3A_540 : memref<10240x128xf32, #tpu.memory_space<vmem_shared>>) offsets(%dma_start3A_537 : memref<80xi32, #tpu.memory_space<vmem>>) semaphore(%arg16 : memref<!tpu.dma_semaphore, #tpu.memory_space<semaphore_mem>>) {add = true}
      %mul3A_541 = arith.constant 4 : i32
      %mul3A_542 = arith.muli %scan3A_461, %mul3A_541 : i32
      %add3A_543 = arith.constant 3 : i32
      %add3A_544 = arith.addi %mul3A_542, %add3A_543 : i32
      %dma_wait3A_545 = arith.constant 3 : i32
      %dma_wait3A_546 = arith.constant 0 : i32
      %dma_wait3A_547 = arith.constant 0 : i32
      %dma_wait3A_548 = tpu.memref_slice %arg8[%dma_wait3A_545, %dma_wait3A_546, %dma_wait3A_547] : memref<4x80x128xf32, #tpu.memory_space<vmem>> -> memref<1x80x128xf32, #tpu.memory_space<vmem>>
      %dma_wait3A_549 = tpu.memref_squeeze %dma_wait3A_548 : memref<1x80x128xf32, #tpu.memory_space<vmem>> -> memref<80x128xf32, #tpu.memory_space<vmem>>
      %dma_wait3A_550 = arith.constant 0 : i32
      %dma_wait3A_551 = tpu.memref_slice %arg6[%add3A_544, %dma_wait3A_550] : memref<32x80xi32, #tpu.memory_space<vmem>> -> memref<1x80xi32, #tpu.memory_space<vmem>>
      %dma_wait3A_552 = tpu.memref_squeeze %dma_wait3A_551 : memref<1x80xi32, #tpu.memory_space<vmem>> -> memref<80xi32, #tpu.memory_space<vmem>>
      %dma_wait3A_553 = arith.constant 0 : i32
      %dma_wait3A_554 = arith.constant 0 : i32
      %dma_wait3A_555 = tpu.memref_slice %arg2[%dma_wait3A_553, %dma_wait3A_554] : memref<10240x128xf32, #tpu.memory_space<hbm>> -> memref<10240x128xf32, #tpu.memory_space<hbm>>
      tpu.wait_indirect_dma semaphore(%arg13 : memref<!tpu.dma_semaphore, #tpu.memory_space<semaphore_mem>>) src(%dma_wait3A_555 : memref<10240x128xf32, #tpu.memory_space<hbm>>) dst(%dma_wait3A_549 : memref<80x128xf32, #tpu.memory_space<vmem>>)
      %dma_start3A_556 = arith.constant 3 : i32
      %dma_start3A_557 = arith.constant 0 : i32
      %dma_start3A_558 = arith.constant 0 : i32
      %dma_start3A_559 = tpu.memref_slice %arg8[%dma_start3A_556, %dma_start3A_557, %dma_start3A_558] : memref<4x80x128xf32, #tpu.memory_space<vmem>> -> memref<1x80x128xf32, #tpu.memory_space<vmem>>
      %dma_start3A_560 = tpu.memref_squeeze %dma_start3A_559 : memref<1x80x128xf32, #tpu.memory_space<vmem>> -> memref<80x128xf32, #tpu.memory_space<vmem>>
      %dma_start3A_561 = arith.constant 0 : i32
      %dma_start3A_562 = tpu.memref_slice %arg7[%add3A_544, %dma_start3A_561] : memref<32x80xi32, #tpu.memory_space<vmem>> -> memref<1x80xi32, #tpu.memory_space<vmem>>
      %dma_start3A_563 = tpu.memref_squeeze %dma_start3A_562 : memref<1x80xi32, #tpu.memory_space<vmem>> -> memref<80xi32, #tpu.memory_space<vmem>>
      %dma_start3A_564 = arith.constant 0 : i32
      %dma_start3A_565 = arith.constant 0 : i32
      %dma_start3A_566 = tpu.memref_slice %arg9[%dma_start3A_564, %dma_start3A_565] : memref<10240x128xf32, #tpu.memory_space<vmem_shared>> -> memref<10240x128xf32, #tpu.memory_space<vmem_shared>>
      tpu.enqueue_indirect_dma source(%dma_start3A_560 : memref<80x128xf32, #tpu.memory_space<vmem>>) target(%dma_start3A_566 : memref<10240x128xf32, #tpu.memory_space<vmem_shared>>) offsets(%dma_start3A_563 : memref<80xi32, #tpu.memory_space<vmem>>) semaphore(%arg17 : memref<!tpu.dma_semaphore, #tpu.memory_space<semaphore_mem>>) {add = true}
      %mul3A_567 = arith.constant 4 : i32
      %mul3A_568 = arith.muli %scan3A_461, %mul3A_567 : i32
      %add3A_569 = arith.constant 0 : i32
      %add3A_570 = arith.addi %mul3A_568, %add3A_569 : i32
      %lt3A = arith.constant 7 : i32
      %lt3A_571 = arith.cmpi slt, %scan3A_461, %lt3A : i32
      %convert_element_type3A = arith.extui %lt3A_571 : i1 to i32
      %cond3A = arith.constant 0 : i32
      %cond3A_572 = arith.cmpi ne, %convert_element_type3A, %cond3A : i32
      scf.if %cond3A_572 {
        %dma_wait3A_601 = arith.constant 0 : i32
        %dma_wait3A_602 = arith.constant 0 : i32
        %dma_wait3A_603 = arith.constant 0 : i32
        %dma_wait3A_604 = tpu.memref_slice %arg8[%dma_wait3A_601, %dma_wait3A_602, %dma_wait3A_603] : memref<4x80x128xf32, #tpu.memory_space<vmem>> -> memref<1x80x128xf32, #tpu.memory_space<vmem>>
        %dma_wait3A_605 = tpu.memref_squeeze %dma_wait3A_604 : memref<1x80x128xf32, #tpu.memory_space<vmem>> -> memref<80x128xf32, #tpu.memory_space<vmem>>
        %dma_wait3A_606 = arith.constant 0 : i32
        %dma_wait3A_607 = tpu.memref_slice %arg7[%add3A_570, %dma_wait3A_606] : memref<32x80xi32, #tpu.memory_space<vmem>> -> memref<1x80xi32, #tpu.memory_space<vmem>>
        %dma_wait3A_608 = tpu.memref_squeeze %dma_wait3A_607 : memref<1x80xi32, #tpu.memory_space<vmem>> -> memref<80xi32, #tpu.memory_space<vmem>>
        %dma_wait3A_609 = arith.constant 0 : i32
        %dma_wait3A_610 = arith.constant 0 : i32
        %dma_wait3A_611 = tpu.memref_slice %arg9[%dma_wait3A_609, %dma_wait3A_610] : memref<10240x128xf32, #tpu.memory_space<vmem_shared>> -> memref<10240x128xf32, #tpu.memory_space<vmem_shared>>
        tpu.wait_indirect_dma semaphore(%arg14 : memref<!tpu.dma_semaphore, #tpu.memory_space<semaphore_mem>>) src(%dma_wait3A_605 : memref<80x128xf32, #tpu.memory_space<vmem>>) dst(%dma_wait3A_611 : memref<10240x128xf32, #tpu.memory_space<vmem_shared>>)
        %add3A_612 = arith.constant 4 : i32
        %add3A_613 = arith.addi %add3A_570, %add3A_612 : i32
        %dma_start3A_614 = arith.constant 0 : i32
        %dma_start3A_615 = arith.constant 0 : i32
        %dma_start3A_616 = arith.constant 0 : i32
        %dma_start3A_617 = tpu.memref_slice %arg8[%dma_start3A_614, %dma_start3A_615, %dma_start3A_616] : memref<4x80x128xf32, #tpu.memory_space<vmem>> -> memref<1x80x128xf32, #tpu.memory_space<vmem>>
        %dma_start3A_618 = tpu.memref_squeeze %dma_start3A_617 : memref<1x80x128xf32, #tpu.memory_space<vmem>> -> memref<80x128xf32, #tpu.memory_space<vmem>>
        %dma_start3A_619 = arith.constant 0 : i32
        %dma_start3A_620 = tpu.memref_slice %arg6[%add3A_613, %dma_start3A_619] : memref<32x80xi32, #tpu.memory_space<vmem>> -> memref<1x80xi32, #tpu.memory_space<vmem>>
        %dma_start3A_621 = tpu.memref_squeeze %dma_start3A_620 : memref<1x80xi32, #tpu.memory_space<vmem>> -> memref<80xi32, #tpu.memory_space<vmem>>
        %dma_start3A_622 = arith.constant 0 : i32
        %dma_start3A_623 = arith.constant 0 : i32
        %dma_start3A_624 = tpu.memref_slice %arg2[%dma_start3A_622, %dma_start3A_623] : memref<10240x128xf32, #tpu.memory_space<hbm>> -> memref<10240x128xf32, #tpu.memory_space<hbm>>
        tpu.enqueue_indirect_dma source(%dma_start3A_624 : memref<10240x128xf32, #tpu.memory_space<hbm>>) target(%dma_start3A_618 : memref<80x128xf32, #tpu.memory_space<vmem>>) offsets(%dma_start3A_621 : memref<80xi32, #tpu.memory_space<vmem>>) semaphore(%arg10 : memref<!tpu.dma_semaphore, #tpu.memory_space<semaphore_mem>>)
      } else {
      }
      %mul3A_573 = arith.constant 4 : i32
      %mul3A_574 = arith.muli %scan3A_461, %mul3A_573 : i32
      %add3A_575 = arith.constant 1 : i32
      %add3A_576 = arith.addi %mul3A_574, %add3A_575 : i32
      %lt3A_577 = arith.constant 7 : i32
      %lt3A_578 = arith.cmpi slt, %scan3A_461, %lt3A_577 : i32
      %convert_element_type3A_579 = arith.extui %lt3A_578 : i1 to i32
      %cond3A_580 = arith.constant 0 : i32
      %cond3A_581 = arith.cmpi ne, %convert_element_type3A_579, %cond3A_580 : i32
      scf.if %cond3A_581 {
        %dma_wait3A_601 = arith.constant 1 : i32
        %dma_wait3A_602 = arith.constant 0 : i32
        %dma_wait3A_603 = arith.constant 0 : i32
        %dma_wait3A_604 = tpu.memref_slice %arg8[%dma_wait3A_601, %dma_wait3A_602, %dma_wait3A_603] : memref<4x80x128xf32, #tpu.memory_space<vmem>> -> memref<1x80x128xf32, #tpu.memory_space<vmem>>
        %dma_wait3A_605 = tpu.memref_squeeze %dma_wait3A_604 : memref<1x80x128xf32, #tpu.memory_space<vmem>> -> memref<80x128xf32, #tpu.memory_space<vmem>>
        %dma_wait3A_606 = arith.constant 0 : i32
        %dma_wait3A_607 = tpu.memref_slice %arg7[%add3A_576, %dma_wait3A_606] : memref<32x80xi32, #tpu.memory_space<vmem>> -> memref<1x80xi32, #tpu.memory_space<vmem>>
        %dma_wait3A_608 = tpu.memref_squeeze %dma_wait3A_607 : memref<1x80xi32, #tpu.memory_space<vmem>> -> memref<80xi32, #tpu.memory_space<vmem>>
        %dma_wait3A_609 = arith.constant 0 : i32
        %dma_wait3A_610 = arith.constant 0 : i32
        %dma_wait3A_611 = tpu.memref_slice %arg9[%dma_wait3A_609, %dma_wait3A_610] : memref<10240x128xf32, #tpu.memory_space<vmem_shared>> -> memref<10240x128xf32, #tpu.memory_space<vmem_shared>>
        tpu.wait_indirect_dma semaphore(%arg15 : memref<!tpu.dma_semaphore, #tpu.memory_space<semaphore_mem>>) src(%dma_wait3A_605 : memref<80x128xf32, #tpu.memory_space<vmem>>) dst(%dma_wait3A_611 : memref<10240x128xf32, #tpu.memory_space<vmem_shared>>)
        %add3A_612 = arith.constant 4 : i32
        %add3A_613 = arith.addi %add3A_576, %add3A_612 : i32
        %dma_start3A_614 = arith.constant 1 : i32
        %dma_start3A_615 = arith.constant 0 : i32
        %dma_start3A_616 = arith.constant 0 : i32
        %dma_start3A_617 = tpu.memref_slice %arg8[%dma_start3A_614, %dma_start3A_615, %dma_start3A_616] : memref<4x80x128xf32, #tpu.memory_space<vmem>> -> memref<1x80x128xf32, #tpu.memory_space<vmem>>
        %dma_start3A_618 = tpu.memref_squeeze %dma_start3A_617 : memref<1x80x128xf32, #tpu.memory_space<vmem>> -> memref<80x128xf32, #tpu.memory_space<vmem>>
        %dma_start3A_619 = arith.constant 0 : i32
        %dma_start3A_620 = tpu.memref_slice %arg6[%add3A_613, %dma_start3A_619] : memref<32x80xi32, #tpu.memory_space<vmem>> -> memref<1x80xi32, #tpu.memory_space<vmem>>
        %dma_start3A_621 = tpu.memref_squeeze %dma_start3A_620 : memref<1x80xi32, #tpu.memory_space<vmem>> -> memref<80xi32, #tpu.memory_space<vmem>>
        %dma_start3A_622 = arith.constant 0 : i32
        %dma_start3A_623 = arith.constant 0 : i32
        %dma_start3A_624 = tpu.memref_slice %arg2[%dma_start3A_622, %dma_start3A_623] : memref<10240x128xf32, #tpu.memory_space<hbm>> -> memref<10240x128xf32, #tpu.memory_space<hbm>>
        tpu.enqueue_indirect_dma source(%dma_start3A_624 : memref<10240x128xf32, #tpu.memory_space<hbm>>) target(%dma_start3A_618 : memref<80x128xf32, #tpu.memory_space<vmem>>) offsets(%dma_start3A_621 : memref<80xi32, #tpu.memory_space<vmem>>) semaphore(%arg11 : memref<!tpu.dma_semaphore, #tpu.memory_space<semaphore_mem>>)
      } else {
      }
      %mul3A_582 = arith.constant 4 : i32
      %mul3A_583 = arith.muli %scan3A_461, %mul3A_582 : i32
      %add3A_584 = arith.constant 2 : i32
      %add3A_585 = arith.addi %mul3A_583, %add3A_584 : i32
      %lt3A_586 = arith.constant 7 : i32
      %lt3A_587 = arith.cmpi slt, %scan3A_461, %lt3A_586 : i32
      %convert_element_type3A_588 = arith.extui %lt3A_587 : i1 to i32
      %cond3A_589 = arith.constant 0 : i32
      %cond3A_590 = arith.cmpi ne, %convert_element_type3A_588, %cond3A_589 : i32
      scf.if %cond3A_590 {
        %dma_wait3A_601 = arith.constant 2 : i32
        %dma_wait3A_602 = arith.constant 0 : i32
        %dma_wait3A_603 = arith.constant 0 : i32
        %dma_wait3A_604 = tpu.memref_slice %arg8[%dma_wait3A_601, %dma_wait3A_602, %dma_wait3A_603] : memref<4x80x128xf32, #tpu.memory_space<vmem>> -> memref<1x80x128xf32, #tpu.memory_space<vmem>>
        %dma_wait3A_605 = tpu.memref_squeeze %dma_wait3A_604 : memref<1x80x128xf32, #tpu.memory_space<vmem>> -> memref<80x128xf32, #tpu.memory_space<vmem>>
        %dma_wait3A_606 = arith.constant 0 : i32
        %dma_wait3A_607 = tpu.memref_slice %arg7[%add3A_585, %dma_wait3A_606] : memref<32x80xi32, #tpu.memory_space<vmem>> -> memref<1x80xi32, #tpu.memory_space<vmem>>
        %dma_wait3A_608 = tpu.memref_squeeze %dma_wait3A_607 : memref<1x80xi32, #tpu.memory_space<vmem>> -> memref<80xi32, #tpu.memory_space<vmem>>
        %dma_wait3A_609 = arith.constant 0 : i32
        %dma_wait3A_610 = arith.constant 0 : i32
        %dma_wait3A_611 = tpu.memref_slice %arg9[%dma_wait3A_609, %dma_wait3A_610] : memref<10240x128xf32, #tpu.memory_space<vmem_shared>> -> memref<10240x128xf32, #tpu.memory_space<vmem_shared>>
        tpu.wait_indirect_dma semaphore(%arg16 : memref<!tpu.dma_semaphore, #tpu.memory_space<semaphore_mem>>) src(%dma_wait3A_605 : memref<80x128xf32, #tpu.memory_space<vmem>>) dst(%dma_wait3A_611 : memref<10240x128xf32, #tpu.memory_space<vmem_shared>>)
        %add3A_612 = arith.constant 4 : i32
        %add3A_613 = arith.addi %add3A_585, %add3A_612 : i32
        %dma_start3A_614 = arith.constant 2 : i32
        %dma_start3A_615 = arith.constant 0 : i32
        %dma_start3A_616 = arith.constant 0 : i32
        %dma_start3A_617 = tpu.memref_slice %arg8[%dma_start3A_614, %dma_start3A_615, %dma_start3A_616] : memref<4x80x128xf32, #tpu.memory_space<vmem>> -> memref<1x80x128xf32, #tpu.memory_space<vmem>>
        %dma_start3A_618 = tpu.memref_squeeze %dma_start3A_617 : memref<1x80x128xf32, #tpu.memory_space<vmem>> -> memref<80x128xf32, #tpu.memory_space<vmem>>
        %dma_start3A_619 = arith.constant 0 : i32
        %dma_start3A_620 = tpu.memref_slice %arg6[%add3A_613, %dma_start3A_619] : memref<32x80xi32, #tpu.memory_space<vmem>> -> memref<1x80xi32, #tpu.memory_space<vmem>>
        %dma_start3A_621 = tpu.memref_squeeze %dma_start3A_620 : memref<1x80xi32, #tpu.memory_space<vmem>> -> memref<80xi32, #tpu.memory_space<vmem>>
        %dma_start3A_622 = arith.constant 0 : i32
        %dma_start3A_623 = arith.constant 0 : i32
        %dma_start3A_624 = tpu.memref_slice %arg2[%dma_start3A_622, %dma_start3A_623] : memref<10240x128xf32, #tpu.memory_space<hbm>> -> memref<10240x128xf32, #tpu.memory_space<hbm>>
        tpu.enqueue_indirect_dma source(%dma_start3A_624 : memref<10240x128xf32, #tpu.memory_space<hbm>>) target(%dma_start3A_618 : memref<80x128xf32, #tpu.memory_space<vmem>>) offsets(%dma_start3A_621 : memref<80xi32, #tpu.memory_space<vmem>>) semaphore(%arg12 : memref<!tpu.dma_semaphore, #tpu.memory_space<semaphore_mem>>)
      } else {
      }
      %mul3A_591 = arith.constant 4 : i32
      %mul3A_592 = arith.muli %scan3A_461, %mul3A_591 : i32
      %add3A_593 = arith.constant 3 : i32
      %add3A_594 = arith.addi %mul3A_592, %add3A_593 : i32
      %lt3A_595 = arith.constant 7 : i32
      %lt3A_596 = arith.cmpi slt, %scan3A_461, %lt3A_595 : i32
      %convert_element_type3A_597 = arith.extui %lt3A_596 : i1 to i32
      %cond3A_598 = arith.constant 0 : i32
      %cond3A_599 = arith.cmpi ne, %convert_element_type3A_597, %cond3A_598 : i32
      scf.if %cond3A_599 {
        %dma_wait3A_601 = arith.constant 3 : i32
        %dma_wait3A_602 = arith.constant 0 : i32
        %dma_wait3A_603 = arith.constant 0 : i32
        %dma_wait3A_604 = tpu.memref_slice %arg8[%dma_wait3A_601, %dma_wait3A_602, %dma_wait3A_603] : memref<4x80x128xf32, #tpu.memory_space<vmem>> -> memref<1x80x128xf32, #tpu.memory_space<vmem>>
        %dma_wait3A_605 = tpu.memref_squeeze %dma_wait3A_604 : memref<1x80x128xf32, #tpu.memory_space<vmem>> -> memref<80x128xf32, #tpu.memory_space<vmem>>
        %dma_wait3A_606 = arith.constant 0 : i32
        %dma_wait3A_607 = tpu.memref_slice %arg7[%add3A_594, %dma_wait3A_606] : memref<32x80xi32, #tpu.memory_space<vmem>> -> memref<1x80xi32, #tpu.memory_space<vmem>>
        %dma_wait3A_608 = tpu.memref_squeeze %dma_wait3A_607 : memref<1x80xi32, #tpu.memory_space<vmem>> -> memref<80xi32, #tpu.memory_space<vmem>>
        %dma_wait3A_609 = arith.constant 0 : i32
        %dma_wait3A_610 = arith.constant 0 : i32
        %dma_wait3A_611 = tpu.memref_slice %arg9[%dma_wait3A_609, %dma_wait3A_610] : memref<10240x128xf32, #tpu.memory_space<vmem_shared>> -> memref<10240x128xf32, #tpu.memory_space<vmem_shared>>
        tpu.wait_indirect_dma semaphore(%arg17 : memref<!tpu.dma_semaphore, #tpu.memory_space<semaphore_mem>>) src(%dma_wait3A_605 : memref<80x128xf32, #tpu.memory_space<vmem>>) dst(%dma_wait3A_611 : memref<10240x128xf32, #tpu.memory_space<vmem_shared>>)
        %add3A_612 = arith.constant 4 : i32
        %add3A_613 = arith.addi %add3A_594, %add3A_612 : i32
        %dma_start3A_614 = arith.constant 3 : i32
        %dma_start3A_615 = arith.constant 0 : i32
        %dma_start3A_616 = arith.constant 0 : i32
        %dma_start3A_617 = tpu.memref_slice %arg8[%dma_start3A_614, %dma_start3A_615, %dma_start3A_616] : memref<4x80x128xf32, #tpu.memory_space<vmem>> -> memref<1x80x128xf32, #tpu.memory_space<vmem>>
        %dma_start3A_618 = tpu.memref_squeeze %dma_start3A_617 : memref<1x80x128xf32, #tpu.memory_space<vmem>> -> memref<80x128xf32, #tpu.memory_space<vmem>>
        %dma_start3A_619 = arith.constant 0 : i32
        %dma_start3A_620 = tpu.memref_slice %arg6[%add3A_613, %dma_start3A_619] : memref<32x80xi32, #tpu.memory_space<vmem>> -> memref<1x80xi32, #tpu.memory_space<vmem>>
        %dma_start3A_621 = tpu.memref_squeeze %dma_start3A_620 : memref<1x80xi32, #tpu.memory_space<vmem>> -> memref<80xi32, #tpu.memory_space<vmem>>
        %dma_start3A_622 = arith.constant 0 : i32
        %dma_start3A_623 = arith.constant 0 : i32
        %dma_start3A_624 = tpu.memref_slice %arg2[%dma_start3A_622, %dma_start3A_623] : memref<10240x128xf32, #tpu.memory_space<hbm>> -> memref<10240x128xf32, #tpu.memory_space<hbm>>
        tpu.enqueue_indirect_dma source(%dma_start3A_624 : memref<10240x128xf32, #tpu.memory_space<hbm>>) target(%dma_start3A_618 : memref<80x128xf32, #tpu.memory_space<vmem>>) offsets(%dma_start3A_621 : memref<80xi32, #tpu.memory_space<vmem>>) semaphore(%arg13 : memref<!tpu.dma_semaphore, #tpu.memory_space<semaphore_mem>>)
      } else {
      }
      %scan3A_600 = arith.constant 0 : i32
      scf.yield %scan3A_600 : i32
    }
    %scan3A_407 = arith.constant 8 : i32
    %dma_wait3A_408 = arith.constant 0 : i32
    %dma_wait3A_409 = arith.constant 28 : i32
    %dma_wait3A_410 = arith.constant 0 : i32
    %dma_wait3A_411 = arith.constant 0 : i32
    %dma_wait3A_412 = tpu.memref_slice %arg8[%dma_wait3A_408, %dma_wait3A_410, %dma_wait3A_411] : memref<4x80x128xf32, #tpu.memory_space<vmem>> -> memref<1x80x128xf32, #tpu.memory_space<vmem>>
    %dma_wait3A_413 = tpu.memref_squeeze %dma_wait3A_412 : memref<1x80x128xf32, #tpu.memory_space<vmem>> -> memref<80x128xf32, #tpu.memory_space<vmem>>
    %dma_wait3A_414 = arith.constant 0 : i32
    %dma_wait3A_415 = tpu.memref_slice %arg7[%dma_wait3A_409, %dma_wait3A_414] : memref<32x80xi32, #tpu.memory_space<vmem>> -> memref<1x80xi32, #tpu.memory_space<vmem>>
    %dma_wait3A_416 = tpu.memref_squeeze %dma_wait3A_415 : memref<1x80xi32, #tpu.memory_space<vmem>> -> memref<80xi32, #tpu.memory_space<vmem>>
    %dma_wait3A_417 = arith.constant 0 : i32
    %dma_wait3A_418 = arith.constant 0 : i32
    %dma_wait3A_419 = tpu.memref_slice %arg9[%dma_wait3A_417, %dma_wait3A_418] : memref<10240x128xf32, #tpu.memory_space<vmem_shared>> -> memref<10240x128xf32, #tpu.memory_space<vmem_shared>>
    tpu.wait_indirect_dma semaphore(%arg14 : memref<!tpu.dma_semaphore, #tpu.memory_space<semaphore_mem>>) src(%dma_wait3A_413 : memref<80x128xf32, #tpu.memory_space<vmem>>) dst(%dma_wait3A_419 : memref<10240x128xf32, #tpu.memory_space<vmem_shared>>)
    %dma_wait3A_420 = arith.constant 1 : i32
    %dma_wait3A_421 = arith.constant 29 : i32
    %dma_wait3A_422 = arith.constant 0 : i32
    %dma_wait3A_423 = arith.constant 0 : i32
    %dma_wait3A_424 = tpu.memref_slice %arg8[%dma_wait3A_420, %dma_wait3A_422, %dma_wait3A_423] : memref<4x80x128xf32, #tpu.memory_space<vmem>> -> memref<1x80x128xf32, #tpu.memory_space<vmem>>
    %dma_wait3A_425 = tpu.memref_squeeze %dma_wait3A_424 : memref<1x80x128xf32, #tpu.memory_space<vmem>> -> memref<80x128xf32, #tpu.memory_space<vmem>>
    %dma_wait3A_426 = arith.constant 0 : i32
    %dma_wait3A_427 = tpu.memref_slice %arg7[%dma_wait3A_421, %dma_wait3A_426] : memref<32x80xi32, #tpu.memory_space<vmem>> -> memref<1x80xi32, #tpu.memory_space<vmem>>
    %dma_wait3A_428 = tpu.memref_squeeze %dma_wait3A_427 : memref<1x80xi32, #tpu.memory_space<vmem>> -> memref<80xi32, #tpu.memory_space<vmem>>
    %dma_wait3A_429 = arith.constant 0 : i32
    %dma_wait3A_430 = arith.constant 0 : i32
    %dma_wait3A_431 = tpu.memref_slice %arg9[%dma_wait3A_429, %dma_wait3A_430] : memref<10240x128xf32, #tpu.memory_space<vmem_shared>> -> memref<10240x128xf32, #tpu.memory_space<vmem_shared>>
    tpu.wait_indirect_dma semaphore(%arg15 : memref<!tpu.dma_semaphore, #tpu.memory_space<semaphore_mem>>) src(%dma_wait3A_425 : memref<80x128xf32, #tpu.memory_space<vmem>>) dst(%dma_wait3A_431 : memref<10240x128xf32, #tpu.memory_space<vmem_shared>>)
    %dma_wait3A_432 = arith.constant 2 : i32
    %dma_wait3A_433 = arith.constant 30 : i32
    %dma_wait3A_434 = arith.constant 0 : i32
    %dma_wait3A_435 = arith.constant 0 : i32
    %dma_wait3A_436 = tpu.memref_slice %arg8[%dma_wait3A_432, %dma_wait3A_434, %dma_wait3A_435] : memref<4x80x128xf32, #tpu.memory_space<vmem>> -> memref<1x80x128xf32, #tpu.memory_space<vmem>>
    %dma_wait3A_437 = tpu.memref_squeeze %dma_wait3A_436 : memref<1x80x128xf32, #tpu.memory_space<vmem>> -> memref<80x128xf32, #tpu.memory_space<vmem>>
    %dma_wait3A_438 = arith.constant 0 : i32
    %dma_wait3A_439 = tpu.memref_slice %arg7[%dma_wait3A_433, %dma_wait3A_438] : memref<32x80xi32, #tpu.memory_space<vmem>> -> memref<1x80xi32, #tpu.memory_space<vmem>>
    %dma_wait3A_440 = tpu.memref_squeeze %dma_wait3A_439 : memref<1x80xi32, #tpu.memory_space<vmem>> -> memref<80xi32, #tpu.memory_space<vmem>>
    %dma_wait3A_441 = arith.constant 0 : i32
    %dma_wait3A_442 = arith.constant 0 : i32
    %dma_wait3A_443 = tpu.memref_slice %arg9[%dma_wait3A_441, %dma_wait3A_442] : memref<10240x128xf32, #tpu.memory_space<vmem_shared>> -> memref<10240x128xf32, #tpu.memory_space<vmem_shared>>
    tpu.wait_indirect_dma semaphore(%arg16 : memref<!tpu.dma_semaphore, #tpu.memory_space<semaphore_mem>>) src(%dma_wait3A_437 : memref<80x128xf32, #tpu.memory_space<vmem>>) dst(%dma_wait3A_443 : memref<10240x128xf32, #tpu.memory_space<vmem_shared>>)
    %dma_wait3A_444 = arith.constant 3 : i32
    %dma_wait3A_445 = arith.constant 31 : i32
    %dma_wait3A_446 = arith.constant 0 : i32
    %dma_wait3A_447 = arith.constant 0 : i32
    %dma_wait3A_448 = tpu.memref_slice %arg8[%dma_wait3A_444, %dma_wait3A_446, %dma_wait3A_447] : memref<4x80x128xf32, #tpu.memory_space<vmem>> -> memref<1x80x128xf32, #tpu.memory_space<vmem>>
    %dma_wait3A_449 = tpu.memref_squeeze %dma_wait3A_448 : memref<1x80x128xf32, #tpu.memory_space<vmem>> -> memref<80x128xf32, #tpu.memory_space<vmem>>
    %dma_wait3A_450 = arith.constant 0 : i32
    %dma_wait3A_451 = tpu.memref_slice %arg7[%dma_wait3A_445, %dma_wait3A_450] : memref<32x80xi32, #tpu.memory_space<vmem>> -> memref<1x80xi32, #tpu.memory_space<vmem>>
    %dma_wait3A_452 = tpu.memref_squeeze %dma_wait3A_451 : memref<1x80xi32, #tpu.memory_space<vmem>> -> memref<80xi32, #tpu.memory_space<vmem>>
    %dma_wait3A_453 = arith.constant 0 : i32
    %dma_wait3A_454 = arith.constant 0 : i32
    %dma_wait3A_455 = tpu.memref_slice %arg9[%dma_wait3A_453, %dma_wait3A_454] : memref<10240x128xf32, #tpu.memory_space<vmem_shared>> -> memref<10240x128xf32, #tpu.memory_space<vmem_shared>>
    tpu.wait_indirect_dma semaphore(%arg17 : memref<!tpu.dma_semaphore, #tpu.memory_space<semaphore_mem>>) src(%dma_wait3A_449 : memref<80x128xf32, #tpu.memory_space<vmem>>) dst(%dma_wait3A_455 : memref<10240x128xf32, #tpu.memory_space<vmem_shared>>)
    %barrier3A_456 = arith.constant 0 : index
    tpu.barrier barrier_id(%barrier3A_456)
    %mul3A_457 = arith.constant 640 : i32
    %mul3A_458 = arith.muli %arg1, %mul3A_457 : i32
    %mul3A_459 = arith.constant 640 : i32
    %mul3A_460 = arith.muli %arg1, %mul3A_459 : i32
    "tpu.region"() ({
      %run_scoped3A_461 = tpu.sem_alloc : memref<!tpu.dma_semaphore, #tpu.memory_space<semaphore_mem>>
      %dma_start3A_462 = arith.constant 0 : i32
      %dma_start3A_463 = tpu.memref_slice %arg5[%arg0, %mul3A_460, %dma_start3A_462] : memref<2x10240x128xf32, #tpu.memory_space<hbm>> -> memref<1x640x128xf32, #tpu.memory_space<hbm>>
      %dma_start3A_464 = tpu.memref_squeeze %dma_start3A_463 : memref<1x640x128xf32, #tpu.memory_space<hbm>> -> memref<640x128xf32, #tpu.memory_space<hbm>>
      %dma_start3A_465 = arith.constant 0 : i32
      %dma_start3A_466 = tpu.memref_slice %arg9[%mul3A_458, %dma_start3A_465] : memref<10240x128xf32, #tpu.memory_space<vmem_shared>> -> memref<640x128xf32, #tpu.memory_space<vmem_shared>>
      tpu.enqueue_dma source(%dma_start3A_466 : memref<640x128xf32, #tpu.memory_space<vmem_shared>>) target(%dma_start3A_464 : memref<640x128xf32, #tpu.memory_space<hbm>>) target_semaphore(%run_scoped3A_461 : memref<!tpu.dma_semaphore, #tpu.memory_space<semaphore_mem>>)
      %dma_wait3A_467 = arith.constant 0 : i32
      %dma_wait3A_468 = tpu.memref_slice %arg5[%arg0, %mul3A_460, %dma_wait3A_467] : memref<2x10240x128xf32, #tpu.memory_space<hbm>> -> memref<1x640x128xf32, #tpu.memory_space<hbm>>
      %dma_wait3A_469 = tpu.memref_squeeze %dma_wait3A_468 : memref<1x640x128xf32, #tpu.memory_space<hbm>> -> memref<640x128xf32, #tpu.memory_space<hbm>>
      %dma_wait3A_470 = arith.constant 0 : i32
      %dma_wait3A_471 = tpu.memref_slice %arg9[%mul3A_458, %dma_wait3A_470] : memref<10240x128xf32, #tpu.memory_space<vmem_shared>> -> memref<640x128xf32, #tpu.memory_space<vmem_shared>>
      tpu.wait_dma2 semaphore(%run_scoped3A_461 : memref<!tpu.dma_semaphore, #tpu.memory_space<semaphore_mem>>) src(%dma_wait3A_471 : memref<640x128xf32, #tpu.memory_space<vmem_shared>>) dst(%dma_wait3A_469 : memref<640x128xf32, #tpu.memory_space<hbm>>)
      tpu.yield
    }) : () -> ()
    return
  }
}

module attributes {stable_mosaic.version = 14 : i64} {
  func.func @_tc1_body(%arg0: i32, %arg1: memref<1024x1xf32, #tpu.memory_space<vmem>>, %arg2: memref<1024x128xf32, #tpu.memory_space<vmem>>, %arg3: memref<128x128xf32, #tpu.memory_space<vmem>>, %arg4: memref<1024x128xf32, #tpu.memory_space<vmem>>) attributes {dimension_semantics = [#tpu.dimension_semantics<arbitrary>], iteration_bounds = array<i64: 10>, scalar_prefetch = 0 : i64, scratch_operands = 0 : i64, tpu.core_type = #tpu.core_type<tc>, window_params = [{transform_indices = @transform_0, window_bounds = array<i64: 1024, 1>}, {transform_indices = @transform_1, window_bounds = array<i64: 1024, 128>}, {pipeline_mode = #tpu.pipeline_mode<synchronous>, transform_indices = @transform_2, window_bounds = array<i64: 128, 128>}, {transform_indices = @transform_3, window_bounds = array<i64: 1024, 128>}]} {
    %get3A = arith.constant 0 : index
    %get3A_0 = arith.constant 0 : index
    %get3A_1 = vector.load %arg1[%get3A, %get3A_0] : memref<1024x1xf32, #tpu.memory_space<vmem>>, vector<1024x1xf32>
    %add3A = arith.constant 1.000000e+00 : f32
    %add3A_2 = vector.broadcast %add3A : f32 to vector<1024x1xf32>
    %add3A_3 = arith.addf %get3A_1, %add3A_2 : vector<1024x1xf32>
    %rsqrt3A = math.rsqrt %add3A_3 : vector<1024x1xf32>
    %get3A_4 = arith.constant 0 : index
    %get3A_5 = arith.constant 0 : index
    %get3A_6 = vector.load %arg2[%get3A_4, %get3A_5] : memref<1024x128xf32, #tpu.memory_space<vmem>>, vector<1024x128xf32>
    %get3A_7 = arith.constant 0 : index
    %get3A_8 = arith.constant 0 : index
    %get3A_9 = vector.load %arg3[%get3A_7, %get3A_8] : memref<128x128xf32, #tpu.memory_space<vmem>>, vector<128x128xf32>
    %dot_general3A = arith.constant dense<0.000000e+00> : vector<1024x128xf32>
    %dot_general3A_10 = tpu.matmul %get3A_6, %get3A_9, %dot_general3A {dimension_numbers = #tpu.dot_dimension_numbers<[1], [0], [0], [1], [0, 0, 1, 1], [], []>, transpose_lhs_hint = false} : vector<1024x128xf32>, vector<128x128xf32>, vector<1024x128xf32> -> vector<1024x128xf32>
    %mul3A = vector.broadcast %rsqrt3A : vector<1024x1xf32> to vector<1024x128xf32>
    %mul3A_11 = arith.mulf %dot_general3A_10, %mul3A : vector<1024x128xf32>
    %swap3A = arith.constant 0 : index
    %swap3A_12 = arith.constant 0 : index
    %swap3A_13 = vector.load %arg4[%swap3A, %swap3A_12] : memref<1024x128xf32, #tpu.memory_space<vmem>>, vector<1024x128xf32>
    tpu.vector_store %arg4[%swap3A, %swap3A_12], %mul3A_11 {strides = array<i32>} : memref<1024x128xf32, #tpu.memory_space<vmem>>, vector<1024x128xf32>,
    return
  }
  func.func @transform_0(%arg0: i32) -> (i32, i32) {
    %c0_i32 = arith.constant 0 : i32
    %c0_i32_0 = arith.constant 0 : i32
    return %arg0, %c0_i32 : i32, i32
  }
  func.func @transform_1(%arg0: i32) -> (i32, i32) {
    %c0_i32 = arith.constant 0 : i32
    %c0_i32_0 = arith.constant 0 : i32
    return %arg0, %c0_i32 : i32, i32
  }
  func.func @transform_2(%arg0: i32) -> (i32, i32) {
    %c0_i32 = arith.constant 0 : i32
    %c0_i32_0 = arith.constant 0 : i32
    %c0_i32_1 = arith.constant 0 : i32
    return %c0_i32, %c0_i32_0 : i32, i32
  }
  func.func @transform_3(%arg0: i32) -> (i32, i32) {
    %c0_i32 = arith.constant 0 : i32
    %c0_i32_0 = arith.constant 0 : i32
    return %arg0, %c0_i32 : i32, i32
  }
}

module attributes {stable_mosaic.version = 14 : i64} {
  func.func @_tc2_body(%arg0: i32, %arg1: memref<1024x1xf32, #tpu.memory_space<vmem>>, %arg2: memref<2x1024x128xf32, #tpu.memory_space<vmem>>, %arg3: memref<1024x128xf32, #tpu.memory_space<vmem>>, %arg4: memref<1x128xf32, #tpu.memory_space<vmem>>, %arg5: memref<128x16xf32, #tpu.memory_space<vmem>>, %arg6: memref<1024x16xf32, #tpu.memory_space<vmem>>) attributes {dimension_semantics = [#tpu.dimension_semantics<arbitrary>], iteration_bounds = array<i64: 10>, scalar_prefetch = 0 : i64, scratch_operands = 0 : i64, tpu.core_type = #tpu.core_type<tc>, window_params = [{transform_indices = @transform_0, window_bounds = array<i64: 1024, 1>}, {transform_indices = @transform_1, window_bounds = array<i64: 2, 1024, 128>}, {transform_indices = @transform_2, window_bounds = array<i64: 1024, 128>}, {pipeline_mode = #tpu.pipeline_mode<synchronous>, transform_indices = @transform_3, window_bounds = array<i64: 1, 128>}, {pipeline_mode = #tpu.pipeline_mode<synchronous>, transform_indices = @transform_4, window_bounds = array<i64: 128, 16>}, {transform_indices = @transform_5, window_bounds = array<i64: 1024, 16>}]} {
    %get3A = arith.constant 0 : index
    %get3A_0 = arith.constant 0 : index
    %get3A_1 = vector.load %arg1[%get3A, %get3A_0] : memref<1024x1xf32, #tpu.memory_space<vmem>>, vector<1024x1xf32>
    %add3A = arith.constant 1.000000e+00 : f32
    %add3A_2 = vector.broadcast %add3A : f32 to vector<1024x1xf32>
    %add3A_3 = arith.addf %get3A_1, %add3A_2 : vector<1024x1xf32>
    %rsqrt3A = math.rsqrt %add3A_3 : vector<1024x1xf32>
    %get3A_4 = arith.constant 0 : index
    %get3A_5 = arith.constant 0 : index
    %get3A_6 = arith.constant 0 : index
    %get3A_7 = vector.load %arg2[%get3A_4, %get3A_5, %get3A_6] : memref<2x1024x128xf32, #tpu.memory_space<vmem>>, vector<1x1024x128xf32>
    %get3A_8 = vector.shape_cast %get3A_7 : vector<1x1024x128xf32> to vector<1024x128xf32>
    %get3A_9 = arith.constant 1 : index
    %get3A_10 = arith.constant 0 : index
    %get3A_11 = arith.constant 0 : index
    %get3A_12 = vector.load %arg2[%get3A_9, %get3A_10, %get3A_11] : memref<2x1024x128xf32, #tpu.memory_space<vmem>>, vector<1x1024x128xf32>
    %get3A_13 = vector.shape_cast %get3A_12 : vector<1x1024x128xf32> to vector<1024x128xf32>
    %add3A_14 = arith.addf %get3A_8, %get3A_13 : vector<1024x128xf32>
    %get3A_15 = arith.constant 0 : index
    %get3A_16 = arith.constant 0 : index
    %get3A_17 = vector.load %arg3[%get3A_15, %get3A_16] : memref<1024x128xf32, #tpu.memory_space<vmem>>, vector<1024x128xf32>
    %add3A_18 = arith.addf %add3A_14, %get3A_17 : vector<1024x128xf32>
    %mul3A = vector.broadcast %rsqrt3A : vector<1024x1xf32> to vector<1024x128xf32>
    %mul3A_19 = arith.mulf %add3A_18, %mul3A : vector<1024x128xf32>
    %get3A_20 = arith.constant 0 : index
    %get3A_21 = arith.constant 0 : index
    %get3A_22 = vector.load %arg4[%get3A_20, %get3A_21] : memref<1x128xf32, #tpu.memory_space<vmem>>, vector<1x128xf32>
    %add3A_23 = vector.broadcast %get3A_22 : vector<1x128xf32> to vector<1024x128xf32>
    %add3A_24 = arith.addf %mul3A_19, %add3A_23 : vector<1024x128xf32>
    %max3A = arith.constant 0.000000e+00 : f32
    %max3A_25 = vector.broadcast %max3A : f32 to vector<1024x128xf32>
    %max3A_26 = arith.maximumf %add3A_24, %max3A_25 : vector<1024x128xf32>
    %get3A_27 = arith.constant 0 : index
    %get3A_28 = arith.constant 0 : index
    %get3A_29 = vector.load %arg5[%get3A_27, %get3A_28] : memref<128x16xf32, #tpu.memory_space<vmem>>, vector<128x16xf32>
    %dot_general3A = arith.constant dense<0.000000e+00> : vector<1024x16xf32>
    %dot_general3A_30 = tpu.matmul %max3A_26, %get3A_29, %dot_general3A {dimension_numbers = #tpu.dot_dimension_numbers<[1], [0], [0], [1], [0, 0, 1, 1], [], []>, transpose_lhs_hint = false} : vector<1024x128xf32>, vector<128x16xf32>, vector<1024x16xf32> -> vector<1024x16xf32>
    %mul3A_31 = vector.broadcast %rsqrt3A : vector<1024x1xf32> to vector<1024x16xf32>
    %mul3A_32 = arith.mulf %dot_general3A_30, %mul3A_31 : vector<1024x16xf32>
    %swap3A = arith.constant 0 : index
    %swap3A_33 = arith.constant 0 : index
    %swap3A_34 = vector.load %arg6[%swap3A, %swap3A_33] : memref<1024x16xf32, #tpu.memory_space<vmem>>, vector<1024x16xf32>
    tpu.vector_store %arg6[%swap3A, %swap3A_33], %mul3A_32 {strides = array<i32>} : memref<1024x16xf32, #tpu.memory_space<vmem>>, vector<1024x16xf32>,
    return
  }
  func.func @transform_0(%arg0: i32) -> (i32, i32) {
    %c0_i32 = arith.constant 0 : i32
    %c0_i32_0 = arith.constant 0 : i32
    return %arg0, %c0_i32 : i32, i32
  }
  func.func @transform_1(%arg0: i32) -> (i32, i32, i32) {
    %c0_i32 = arith.constant 0 : i32
    %c0_i32_0 = arith.constant 0 : i32
    %c0_i32_1 = arith.constant 0 : i32
    return %c0_i32, %arg0, %c0_i32_0 : i32, i32, i32
  }
  func.func @transform_2(%arg0: i32) -> (i32, i32) {
    %c0_i32 = arith.constant 0 : i32
    %c0_i32_0 = arith.constant 0 : i32
    return %arg0, %c0_i32 : i32, i32
  }
  func.func @transform_3(%arg0: i32) -> (i32, i32) {
    %c0_i32 = arith.constant 0 : i32
    %c0_i32_0 = arith.constant 0 : i32
    %c0_i32_1 = arith.constant 0 : i32
    return %c0_i32, %c0_i32_0 : i32, i32
  }
  func.func @transform_4(%arg0: i32) -> (i32, i32) {
    %c0_i32 = arith.constant 0 : i32
    %c0_i32_0 = arith.constant 0 : i32
    %c0_i32_1 = arith.constant 0 : i32
    return %c0_i32, %c0_i32_0 : i32, i32
  }
  func.func @transform_5(%arg0: i32) -> (i32, i32) {
    %c0_i32 = arith.constant 0 : i32
    %c0_i32_0 = arith.constant 0 : i32
    return %arg0, %c0_i32 : i32, i32
  }
}

module attributes {stable_mosaic.version = 14 : i64} {
  func.func @_tc3_body(%arg0: i32, %arg1: memref<1024x1xf32, #tpu.memory_space<vmem>>, %arg2: memref<2x1024x16xf32, #tpu.memory_space<vmem>>, %arg3: memref<1024x16xf32, #tpu.memory_space<vmem>>, %arg4: memref<1x16xf32, #tpu.memory_space<vmem>>, %arg5: memref<1024x16xf32, #tpu.memory_space<vmem>>) attributes {dimension_semantics = [#tpu.dimension_semantics<arbitrary>], iteration_bounds = array<i64: 10>, scalar_prefetch = 0 : i64, scratch_operands = 0 : i64, tpu.core_type = #tpu.core_type<tc>, window_params = [{transform_indices = @transform_0, window_bounds = array<i64: 1024, 1>}, {transform_indices = @transform_1, window_bounds = array<i64: 2, 1024, 16>}, {transform_indices = @transform_2, window_bounds = array<i64: 1024, 16>}, {pipeline_mode = #tpu.pipeline_mode<synchronous>, transform_indices = @transform_3, window_bounds = array<i64: 1, 16>}, {transform_indices = @transform_4, window_bounds = array<i64: 1024, 16>}]} {
    %get3A = arith.constant 0 : index
    %get3A_0 = arith.constant 0 : index
    %get3A_1 = vector.load %arg1[%get3A, %get3A_0] : memref<1024x1xf32, #tpu.memory_space<vmem>>, vector<1024x1xf32>
    %add3A = arith.constant 1.000000e+00 : f32
    %add3A_2 = vector.broadcast %add3A : f32 to vector<1024x1xf32>
    %add3A_3 = arith.addf %get3A_1, %add3A_2 : vector<1024x1xf32>
    %rsqrt3A = math.rsqrt %add3A_3 : vector<1024x1xf32>
    %get3A_4 = arith.constant 0 : index
    %get3A_5 = arith.constant 0 : index
    %get3A_6 = arith.constant 0 : index
    %get3A_7 = vector.load %arg2[%get3A_4, %get3A_5, %get3A_6] : memref<2x1024x16xf32, #tpu.memory_space<vmem>>, vector<1x1024x16xf32>
    %get3A_8 = vector.shape_cast %get3A_7 : vector<1x1024x16xf32> to vector<1024x16xf32>
    %get3A_9 = arith.constant 1 : index
    %get3A_10 = arith.constant 0 : index
    %get3A_11 = arith.constant 0 : index
    %get3A_12 = vector.load %arg2[%get3A_9, %get3A_10, %get3A_11] : memref<2x1024x16xf32, #tpu.memory_space<vmem>>, vector<1x1024x16xf32>
    %get3A_13 = vector.shape_cast %get3A_12 : vector<1x1024x16xf32> to vector<1024x16xf32>
    %add3A_14 = arith.addf %get3A_8, %get3A_13 : vector<1024x16xf32>
    %get3A_15 = arith.constant 0 : index
    %get3A_16 = arith.constant 0 : index
    %get3A_17 = vector.load %arg3[%get3A_15, %get3A_16] : memref<1024x16xf32, #tpu.memory_space<vmem>>, vector<1024x16xf32>
    %add3A_18 = arith.addf %add3A_14, %get3A_17 : vector<1024x16xf32>
    %mul3A = vector.broadcast %rsqrt3A : vector<1024x1xf32> to vector<1024x16xf32>
    %mul3A_19 = arith.mulf %add3A_18, %mul3A : vector<1024x16xf32>
    %get3A_20 = arith.constant 0 : index
    %get3A_21 = arith.constant 0 : index
    %get3A_22 = vector.load %arg4[%get3A_20, %get3A_21] : memref<1x16xf32, #tpu.memory_space<vmem>>, vector<1x16xf32>
    %add3A_23 = vector.broadcast %get3A_22 : vector<1x16xf32> to vector<1024x16xf32>
    %add3A_24 = arith.addf %mul3A_19, %add3A_23 : vector<1024x16xf32>
    %swap3A = arith.constant 0 : index
    %swap3A_25 = arith.constant 0 : index
    %swap3A_26 = vector.load %arg5[%swap3A, %swap3A_25] : memref<1024x16xf32, #tpu.memory_space<vmem>>, vector<1024x16xf32>
    tpu.vector_store %arg5[%swap3A, %swap3A_25], %add3A_24 {strides = array<i32>} : memref<1024x16xf32, #tpu.memory_space<vmem>>, vector<1024x16xf32>,
    return
  }
  func.func @transform_0(%arg0: i32) -> (i32, i32) {
    %c0_i32 = arith.constant 0 : i32
    %c0_i32_0 = arith.constant 0 : i32
    return %arg0, %c0_i32 : i32, i32
  }
  func.func @transform_1(%arg0: i32) -> (i32, i32, i32) {
    %c0_i32 = arith.constant 0 : i32
    %c0_i32_0 = arith.constant 0 : i32
    %c0_i32_1 = arith.constant 0 : i32
    return %c0_i32, %arg0, %c0_i32_0 : i32, i32, i32
  }
  func.func @transform_2(%arg0: i32) -> (i32, i32) {
    %c0_i32 = arith.constant 0 : i32
    %c0_i32_0 = arith.constant 0 : i32
    return %arg0, %c0_i32 : i32, i32
  }
  func.func @transform_3(%arg0: i32) -> (i32, i32) {
    %c0_i32 = arith.constant 0 : i32
    %c0_i32_0 = arith.constant 0 : i32
    %c0_i32_1 = arith.constant 0 : i32
    return %c0_i32, %c0_i32_0 : i32, i32
  }
  func.func @transform_4(%arg0: i32) -> (i32, i32) {
    %c0_i32 = arith.constant 0 : i32
    %c0_i32_0 = arith.constant 0 : i32
    return %arg0, %c0_i32 : i32, i32
  }
}

</mosaic_0001>

<sc_bundles>
// kernel: kernel.11.cloned.1.call-start
scs
__scs_entry_jumppad:
0x0: {  	(pc) =	sbr.rel $0x88, $3  }
0x1: {  	(tag) =	ssettag $0x0;
	lr =	simm.s32 $0x1  }
0x2: {  	[smem:$0x3F9B] =	sst lr;
	_ =	strace $0xD0000000  }
0x3: {  	_ = 	snop  }
0x4: {  	_ = 	snop  }
0x5: {  	_ = 	snop  }
0x6: {  	_ = 	snop  }
0x7: {  	_ = 	snop  }
__scs_overlays_trampoline_lowered:
0x8: {  	[smem:$0x3FAA] =	sst s0  }
0x9: {  	[smem:$0x3FAB] =	sst s1  }
0xa: {  	[smem:$0x3FAC] =	sst s2  }
0xb: {  	[smem:$0x3FAD] =	sst s3  }
0xc: {  	[smem:$0x3FAE] =	sst s4  }
0xd: {  	[smem:$0x3FAF] =	sst s5  }
0xe: {  	[smem:$0x3FB0] =	sst s6  }
0xf: {  	[smem:$0x3FB1] =	sst s7  }
0x10: {  	[smem:$0x3FB2] =	sst s8  }
0x11: {  	[smem:$0x3FB3] =	sst s9;
	s0 =	simm.s32 @!p0 $0x0  }
0x12: {  	s1 =	sld [smem:$0x3F99];
	s0 =	simm.s32 @p0 $0x1  }
0x13: {  	[smem:$0x3FB4] =	sst s0;
	s0 =	simm.s32 @!p1 $0x0  }
0x14: {  	s2 =	sld [smem:$0x3F98];
	s0 =	simm.s32 @p1 $0x1  }
0x15: {  	[smem:$0x3FB5] =	sst s0;
	s0 =	simm.s32 @!p2 $0x0  }
0x16: {  	s3 =	sld [smem:$0x3FDB];
	s0 =	simm.s32 @p2 $0x1  }
0x17: {  	s4 =	simm.s32 $0x1BF5;
	[smem:$0x3FB7] =	sst s0  }
0x18: {  	s0 =	sld [smem:$0x3F9A];
	_ =	swait.ge [sflag:s4], $0x0  }
0x19: {  	s7 =	sld [smem:$0x3F9B]  }
0x1a: {  	s8 =	sadd.s32 $0xFFFFE003, lr  }
0x1b: {  	s9 =	sadd.s32 $0xFFFFFEF7, lr;
	s5 =	simm.s32 $0xFFFFFFFF;
	p2 =	slt.u32 s8, $0xFFFFF086  }
0x1c: {  	p1 =	slt.u32 s9, $0xF7A;
	s5 =	simm.s32 @!p2 $0x0  }
0x1d: {  	s5 =	simm.s32 @p1 $0x1;
	p0 =	seq.s32 s7, s2  }
0x1e: {  	s7 =	smul.u32 @!p0 $0xF7A, s2;
	p2 =	seq.s32 @!p0 s5, $0x0  }
0x1f: {  	s9 =	smul.u32 $0xF7A, s1;
	s8 =	simm.s32 @!p0 $0x1BF5;
	p2 =	por !p2, p0  }
0x20: {  	[sflag:s8] =	ssyncset.s32 @!p0 $0xFFFFF086;
	s6 =	sadd.s32 @!p0 s3, s7;
	s7 =	simm.s32 @!p0 $0x108  }
0x21: {  	s3 =	sadd.s32 s3, s9;
	s6 =	sadd.s32 @!p0 $0x88, s6;
	s7 =	simm.s32 @p2 $0x1082  }
0x22: {  	[simem:s7], [sflag:s8] =	dma.local @!p0 [hbm:s6], $0xF7A  }
0x23: {  	s9 =	sor.u32 $0xD0000000, s2;
	s6 =	simm.s32 $0x108;
	_ =	swait.ge @!p0 [sflag:s8], $0x0  }
0x24: {  	s3 =	sadd.s32 $0x88, s3;
	s6 =	simm.s32 @!p1 $0x1082;
	[sflag:s4] =	ssyncset.s32 $0xFFFFF086  }
0x25: {  	[simem:s6], [sflag:s4] =	dma.local [hbm:s3], $0xF7A  }
0x26: {  	[smem:$0x3F9B] =	sst s1;
	(tag) =	ssettag s2;
	_ =	strace s9  }
0x27: {  	s1 =	sld [smem:$0x3FAB]  }
0x28: {  	s2 =	sld [smem:$0x3FAC]  }
0x29: {  	s4 =	sld [smem:$0x3FAE]  }
0x2a: {  	p0 =	seq.s32 s5, $0x0;
	s5 =	sld [smem:$0x3FAF]  }
0x2b: {  	s6 =	sld [smem:$0x3FB0]  }
0x2c: {  	s7 =	sld [smem:$0x3FB1]  }
0x2d: {  	s3 =	simm.s32 $0x108;
	s8 =	sld [smem:$0x3FB2]  }
0x2e: {  	s3 =	simm.s32 @!p0 $0x1082;
	s9 =	sld [smem:$0x3FB3]  }
0x2f: {  	lr =	sadd.s32 s0, s3;
	s0 =	sld [smem:$0x3FAA]  }
0x30: {  	s3 =	sld [smem:$0x3FAD]  }
0x31: {  	[smem:$0x3FB6] =	sst s10  }
0x32: {  	s10 =	sld [smem:$0x3FB4];
	_ =	sdelay $0x3  }
0x33: {  	p0 =	seq.s32 s10, $0x1;
	s10 =	sld [smem:$0x3FB6];
	_ =	sdelay $0x3  }
0x34: {  	[smem:$0x3FB6] =	sst s10  }
0x35: {  	s10 =	sld [smem:$0x3FB5];
	_ =	sdelay $0x3  }
0x36: {  	p1 =	seq.s32 s10, $0x1;
	s10 =	sld [smem:$0x3FB6];
	_ =	sdelay $0x3  }
0x37: {  	[smem:$0x3FB6] =	sst s10  }
0x38: {  	s10 =	sld [smem:$0x3FB7]  }
0x39: {  	_ = 	snop;
	(pc) =	sbr.ind lr, $3  }
0x3a: {  	_ = 	snop  }
0x3b: {  	_ = 	snop  }
0x3c: {  	p2 =	seq.s32 s10, $0x1;
	s10 =	sld [smem:$0x3FB6]  }
0x3d: {  	_ =	shalt  }
0x3e: {  	_ =	shalt  }
0x3f: {  	_ =	shalt  }
0x40: {  	_ =	shalt  }
0x41: {  	_ =	shalt  }
0x42: {  	_ =	shalt  }
0x43: {  	_ =	shalt  }
0x44: {  	_ =	shalt  }
0x45: {  	_ =	shalt  }
0x46: {  	_ =	shalt  }
0x47: {  	_ =	shalt  }
0x48: {  	_ =	shalt  }
0x49: {  	_ =	shalt  }
0x4a: {  	_ =	shalt  }
0x4b: {  	_ =	shalt  }
0x4c: {  	_ =	shalt  }
0x4d: {  	_ =	shalt  }
0x4e: {  	_ =	shalt  }
0x4f: {  	_ =	shalt  }
0x50: {  	_ =	shalt  }
0x51: {  	_ =	shalt  }
0x52: {  	_ =	shalt  }
0x53: {  	_ =	shalt  }
0x54: {  	_ =	shalt  }
0x55: {  	_ =	shalt  }
0x56: {  	_ =	shalt  }
0x57: {  	_ =	shalt  }
0x58: {  	_ =	shalt  }
0x59: {  	_ =	shalt  }
0x5a: {  	_ =	shalt  }
0x5b: {  	_ =	shalt  }
0x5c: {  	_ =	shalt  }
0x5d: {  	_ =	shalt  }
0x5e: {  	_ =	shalt  }
0x5f: {  	_ =	shalt  }
0x60: {  	_ =	shalt  }
0x61: {  	_ =	shalt  }
0x62: {  	_ =	shalt  }
0x63: {  	_ =	shalt  }
0x64: {  	_ =	shalt  }
0x65: {  	_ =	shalt  }
0x66: {  	_ =	shalt  }
0x67: {  	_ =	shalt  }
0x68: {  	_ =	shalt  }
0x69: {  	_ =	shalt  }
0x6a: {  	_ =	shalt  }
0x6b: {  	_ =	shalt  }
0x6c: {  	_ =	shalt  }
0x6d: {  	_ =	shalt  }
0x6e: {  	_ =	shalt  }
0x6f: {  	_ =	shalt  }
0x70: {  	_ =	shalt  }
0x71: {  	_ =	shalt  }
0x72: {  	_ =	shalt  }
0x73: {  	_ =	shalt  }
0x74: {  	_ =	shalt  }
0x75: {  	_ =	shalt  }
0x76: {  	_ =	shalt  }
0x77: {  	_ =	shalt  }
0x78: {  	_ =	shalt  }
0x79: {  	_ =	shalt  }
0x7a: {  	_ =	shalt  }
0x7b: {  	_ =	shalt  }
0x7c: {  	_ =	shalt  }
0x7d: {  	_ =	shalt  }
0x7e: {  	_ =	shalt  }
0x7f: {  	_ =	shalt  }
0x80: {  	_ =	shalt  }
0x81: {  	_ =	shalt  }
0x82: {  	_ =	shalt  }
0x83: {  	_ =	shalt  }
0x84: {  	_ =	shalt  }
0x85: {  	_ =	shalt  }
0x86: {  	_ =	shalt  }
0x87: {  	_ =	shalt  }
.Lfunc_end0:
.L_simem_size_0:
called_computation.1_lowered:
.L_overlay_start_0:
0x88: {  	s2 =	sld [smem:$0x3FD9]  }
0x89: {  	s3 =	sld [smem:$0x3FFE];
	_ =	sdelay $0x1  }
0x8a: {  	s1 =	srdreg.scid  }
0x8b: {  	s0 =	sand.u32 $0x1, s1  }
0x8c: {  	s16 =	sshll.u32 s0, $0xA;
	s2 =	sadd.s32 s3, s2  }
0x8d: {  	s2 =	sadd.s32 s2, s16  }
0x8e: {  	[smem:$0x3FC2] =	sst s2  }
0x8f: {  	_ = 	snop  }
0x90: {  	(tm) =	ssettm $0x1  }
0x91: {  	s17 =	sld [smem:$0x3FFB];
	_ =	sdelay $0x3  }
0x92: {  	_ =	strace s17  }
0x93: {  	s2 =	sld [smem:$0x3FFC];
	_ =	sdelay $0x3  }
0x94: {  	_ =	strace s2  }
0x95: {  	s2 =	sld [smem:$0x3FFD];
	_ =	sdelay $0x3  }
0x96: {  	_ =	strace s2  }
0x97: {  	_ =	strace $0x8FFFFFFF  }
0x98: {  	s18 =	sld [smem:$0x3FDB];
	_ =	sdelay $0x1  }
0x99: {  	s19 =	simm.s32 $_scs_section_size  }
0x9a: {  	s4 =	simm.s32 $_size__tile_overlayer_lowered;
	s5 =	simm.s32 $_tile_overlayer_lowered  }
0x9b: {  	s22 =	simm.s32 $0x1BFF;
	s21 =	sshll.u32 s5, $0x1;
	s2 =	sadd.s32 s19, s18  }
0x9c: {  	s6 =	simm.s32 $0x0;
	s20 =	sshll.u32 s4, $0x1;
	s4 =	sadd.s32 s21, s2  }
0x9d: {  	[timem:s6], [sflag:s22] =	dma.local [hbm:s4], s20  }
0x9e: {  	_ =	swait.ge [sflag:s22], s20  }
0x9f: {  	s3 =	ssub.s32 $0x0, s20;
	[sflag:s22] =	ssyncset.done $0x0  }
0xa0: {  	[sflag:s22] =	ssyncadd.s32 s3;
	_ =	sdelay $0x1  }
0xa1: {  	s23 =	simm.s32 $0x1B8B  }
0xa2: {  	_ =	swait.ge [sflag:s23], $0x1  }
0xa3: {  	[sflag:s23] =	ssyncset.done $0x0  }
0xa4: {  	s25 =	simm.s32 $0x1B8E;
	s24 =	sld [smem:$0x3FFE];
	[sflag:s23] =	ssyncadd.s32 $0xFFFFFFFF  }
0xa5: {  	s26 =	simm.s32 $execute0_lowered;
	[smem:$0x3FD2] =	sst s25  }
0xa6: {  	s4 =	sshll.u32 s26, $0x1;
	_ =	strace $0x80000049;
	[dreg:$0x1] =	wrdreg $0xFFFFFFFF  }
0xa7: {  	s28 =	simm.s32 $_size_execute0_lowered;
	s2 =	sadd.s32 s2, s4;
	[dreg:$0x0] =	wrdreg $0x0  }
0xa8: {  	s4 =	sshll.u32 s28, $0x1;
	[dreg:$0x2] =	wrdreg s2  }
0xa9: {  	[dreg:$0x3] =	wrdreg s4  }
0xaa: {  	[dreg:$0x4] =	wrdreg $0xC0  }
0xab: {  	_ =	task [dreg:s6], $0x5FFFF  }
0xac: {  	[dreg:$0x1] =	wrdreg $0xFFFFFFFF  }
0xad: {  	[dreg:$0x0] =	wrdreg $0x60  }
0xae: {  	[dreg:$0x2] =	wrdreg s24  }
0xaf: {  	[dreg:$0x3] =	wrdreg $0xB4000  }
0xb0: {  	[dreg:$0x4] =	wrdreg $0x9  }
0xb1: {  	_ =	task.clear_ibuf [dreg:s6], $0x5FFFF;
	_ =	strace $0x90000049  }
0xb2: {  	s29 =	simm.s32 $0x9;
	_ =	strace $0x8000004B  }
0xb3: {  	_ =	swait.ge [sflag:s29], $0x1  }
0xb4: {  	[sflag:s29] =	ssyncadd.s32 $0xFFFFFFFF  }
0xb5: {  	_ =	strace $0x9000004B  }
0xb6: {  	_ =	sfence  }
0xb7: {  	s30 =	sld [smem:$0x0];
	_ =	sdelay $0x2  }
0xb8: {  	s31 =	sshll.u32 s1, $0xD;
	s1 =	sshrl.u32 s1, $0x2  }
0xb9: {  	s3 =	sand.u32 $0x4000, s31;
	s1 =	sadd.s32 s1, s30  }
0xba: {  	s0 =	sor.u32 s3, s0;
	s1 =	sshll.u32 s1, $0x11  }
0xbb: {  	s0 =	sor.u32 s1, s0  }
0xbc: {  	s0 =	sadd.s32 $0x8F2B, s0  }
0xbd: {  	[sflag:s0] =	ssyncadd.remote.s32 $0x1  }
0xbe: {  	_ =	sfence.sel $0xFFFF  }
0xbf: {  	[dreg:$0x0] =	wrdreg $0xFFFFFFFF;
	(pc) =	sbr.abs _section_cstart, $3  }
0xc0: {  	[dreg:$0x1] =	wrdreg $0xFFFFFFFF  }
0xc1: {  	_ =	task.clear_ibuf [dreg:s6], $0x2FFFF;
	_ =	strace $0x9FFFFFFF  }
0xc2: {  	(tm) =	ssettm $0x7FFFFFFF  }
0xc3: {  	_ =	shalt  }
tec
execute0_lowered:
.L_overlay_start_1:
0x0: {  	(tag) =	ssettag $0x1  }
0x1: {  	s0 =	rddreg [dreg:$0x0]  }
0x2: {  	s2 =	rddreg [dreg:$0x1]  }
0x3: {  	s1 =	srdreg.scid;
	s11 =	stileid.u32  }
0x4: {  	s3 =	simm.s32 $0x0;
	s28 =	simm.s32 $0x3C00;
	s29 =	simm.s32 $0xA0  }
0x5: {  	s30 =	simm.s32 $0x6400;
	s31 =	simm.s32 $0xF0;
	s12 =	simm.s32 $0x8  }
0x6: {  	s1 =	sand.u32 $0x1, s1;
	s5 =	smul.u32 $0x14000, s11;
	[smem:$0x7FF] =	sst s3  }
0x7: {  	s4 =	sadd.s32 $0x16000, s0;
	s10 =	smul.u32 $0x50000, s11;
	s11 =	sshll.u32 s11, $0x1  }
0x8: {  	s6 =	smul.u32 $0x140000, s1;
	s9 =	ssub.s32 $0x2, s1;
	s1 =	sor.u32 s1, s11  }
0x9: {  	s7 =	sadd.s32 $0x2000, s0;
	s8 =	sadd.s32 $0xC000, s0;
	s1 =	smul.u32 $0x2800, s1  }
0xa: {  	_ =	strace $0x8000004A;
	s13 =	sshrl.u32 s9, $0x1;
	s6 =	sadd.s32 s5, s6  }
0xb: {  	s14 =	sshrl.u32 s10, $0x2;
	s6 =	sshrl.u32 s6, $0x3;
	s1 =	sshrl.u32 s1, $0x3  }
0xc: {  	s0 =	sadd.s32 s6, s0;
	s6 =	ssub.s32 s9, s13;
	s22 =	sadd.s32 s7, s1  }
0xd: {  	s9 =	sadd.s32 s14, s2;
	s23 =	sadd.s32 s8, s1;
	[dreg:$0xa] =	wrdreg s22  }
0xe: {  	s11 =	simm.s32 $0x7;
	s15 =	sadd.s32 $0x2800, s9;
	[dreg:$0xb] =	wrdreg s23  }
0xf: {  	s10 =	simm.s32 $0x6;
	s16 =	sadd.s32 $0x5000, s9;
	[dreg:$0x3] =	wrdreg s15  }
0x10: {  	s5 =	sadd.s32 s5, s2;
	s17 =	sadd.s32 $0x7800, s9;
	[dreg:$0x4] =	wrdreg s16  }
0x11: {  	s21 =	sadd.s32 $0x140, s1;
	s18 =	sadd.s32 $0xA000, s9;
	[dreg:$0x5] =	wrdreg s17  }
0x12: {  	s25 =	sadd.s32 $0x280, s1;
	s19 =	sadd.s32 $0xC800, s9;
	[dreg:$0x6] =	wrdreg s18  }
0x13: {  	s1 =	sadd.s32 $0x3C0, s1;
	s20 =	sadd.s32 $0xF000, s9;
	[dreg:$0x7] =	wrdreg s19  }
0x14: {  	s13 =	simm.s32 $0x12C0;
	s9 =	sadd.s32 $0x11800, s9;
	[dreg:$0x8] =	wrdreg s20  }
0x15: {  	s14 =	simm.s32 $0x1310;
	s24 =	sadd.s32 s7, s21;
	[dreg:$0x9] =	wrdreg s9  }
0x16: {  	s26 =	sadd.s32 s7, s25;
	s7 =	sadd.s32 s7, s1;
	[dreg:$0xc] =	wrdreg s24  }
0x17: {  	s22 =	smax.u32 s6, $0x1;
	s23 =	simm.s32 $0x1400;
	[dreg:$0xe] =	wrdreg s26  }
0x18: {  	s6 =	simm.s32 $0x2;
	s9 =	sadd.s32 s8, s21;
	[dreg:$0x10] =	wrdreg s7  }
0x19: {  	s20 =	sadd.s32 s8, s1;
	s21 =	sadd.s32 $0x3E000, s0;
	s24 =	simm.s32 $0x9  }
0x1a: {  	s26 =	simm.s32 $0x50;
	s0 =	simm.s32 $0x8C00;
	s1 =	simm.s32 $0x1  }
0x1b: {  	s7 =	simm.s32 $0x3;
	s15 =	simm.s32 $0x1360;
	s16 =	simm.s32 $0x13B0  }
0x1c: {  	[dreg:$0xd] =	wrdreg s9;
	s9 =	sadd.s32 s8, s25;
	s25 =	simm.s32 $0xA00  }
0x1d: {  	v0 =	vimm.f32 $0.0e+00;
	s8 =	simm.s32 $0x4;
	[dreg:$0xf] =	wrdreg s9;
	s9 =	simm.s32 $0x5  }
.LBB2_1:
0x1e: {  	s17 =	simm.s32 $0x0;
	s18 =	simm.s32 $0x200  }
.LBB2_2:
0x1f: {  	p0 =	sne.s32 s18, $0x9E00;
	[tilespmem:s17+$0x1470] =	vst v0  }
0x20: {  	[tilespmem:s17+$0x1400] =	vst v0  }
0x21: {  	[tilespmem:s17+$0x1410] =	vst v0  }
.Ltmp0:
0x22: {  	[tilespmem:s17+$0x1420] =	vst v0;
	(pc) =	sbr.rel @p0 .LBB2_2-.Ltmp0, $4  }
0x23: {  	[tilespmem:s17+$0x1430] =	vst v0  }
0x24: {  	[tilespmem:s17+$0x1440] =	vst v0  }
0x25: {  	[tilespmem:s17+$0x1450] =	vst v0  }
0x26: {  	[tilespmem:s17+$0x1460] =	vst v0;
	s17 =	sshra.s32 s18, $0x2;
	s18 =	sadd.s32 $0x200, s18  }
0x27: {  	[tilespmem:s17+$0x1470] =	vst v0  }
0x28: {  	[tilespmem:s17+$0x1400] =	vst v0  }
0x29: {  	[tilespmem:s17+$0x1410] =	vst v0  }
0x2a: {  	[tilespmem:s17+$0x1420] =	vst v0  }
0x2b: {  	[tilespmem:s17+$0x1430] =	vst v0  }
0x2c: {  	[tilespmem:s17+$0x1440] =	vst v0  }
0x2d: {  	[tilespmem:s17+$0x1450] =	vst v0  }
0x2e: {  	[tilespmem:s17+$0x1460] =	vst v0  }
0x2f: {  	[spmem:s5] =	stream.linear.scatter [tilespmem:s23], [sflag:$0x9], $0x2800, $0x38;
	[tilespmem:$0x1F400] =	vst v63  }
0x30: {  	_ =	swait.ge [sflag:s24], $0x2800  }
0x31: {  	[sflag:s24] =	ssyncset.done $0x0  }
0x32: {  	s18 =	rddreg [dreg:$0x3];
	[sflag:s24] =	ssyncadd.s32 $0xFFFFD800  }
0x33: {  	[spmem:s18] =	stream.linear.scatter [tilespmem:s23], [sflag:$0x9], $0x2800, $0x38;
	[tilespmem:$0x1F400] =	vst v63  }
0x34: {  	_ =	swait.ge [sflag:s24], $0x2800  }
0x35: {  	[sflag:s24] =	ssyncset.done $0x0  }
0x36: {  	s19 =	rddreg [dreg:$0x4];
	[sflag:s24] =	ssyncadd.s32 $0xFFFFD800  }
0x37: {  	[spmem:s19] =	stream.linear.scatter [tilespmem:s23], [sflag:$0x9], $0x2800, $0x38;
	[tilespmem:$0x1F400] =	vst v63  }
0x38: {  	_ =	swait.ge [sflag:s24], $0x2800  }
0x39: {  	[sflag:s24] =	ssyncset.done $0x0  }
0x3a: {  	s18 =	rddreg [dreg:$0x5];
	[sflag:s24] =	ssyncadd.s32 $0xFFFFD800  }
0x3b: {  	[spmem:s18] =	stream.linear.scatter [tilespmem:s23], [sflag:$0x9], $0x2800, $0x38;
	[tilespmem:$0x1F400] =	vst v63  }
0x3c: {  	_ =	swait.ge [sflag:s24], $0x2800  }
0x3d: {  	[sflag:s24] =	ssyncset.done $0x0  }
0x3e: {  	s19 =	rddreg [dreg:$0x6];
	[sflag:s24] =	ssyncadd.s32 $0xFFFFD800  }
0x3f: {  	[spmem:s19] =	stream.linear.scatter [tilespmem:s23], [sflag:$0x9], $0x2800, $0x38;
	[tilespmem:$0x1F400] =	vst v63  }
0x40: {  	_ =	swait.ge [sflag:s24], $0x2800  }
0x41: {  	[sflag:s24] =	ssyncset.done $0x0  }
0x42: {  	s18 =	rddreg [dreg:$0x7];
	[sflag:s24] =	ssyncadd.s32 $0xFFFFD800  }
0x43: {  	[spmem:s18] =	stream.linear.scatter [tilespmem:s23], [sflag:$0x9], $0x2800, $0x38;
	[tilespmem:$0x1F400] =	vst v63  }
0x44: {  	_ =	swait.ge [sflag:s24], $0x2800  }
0x45: {  	[sflag:s24] =	ssyncset.done $0x0  }
0x46: {  	s19 =	rddreg [dreg:$0x8];
	[sflag:s24] =	ssyncadd.s32 $0xFFFFD800  }
0x47: {  	[spmem:s19] =	stream.linear.scatter [tilespmem:s23], [sflag:$0x9], $0x2800, $0x38;
	[tilespmem:$0x1F400] =	vst v63  }
0x48: {  	_ =	swait.ge [sflag:s24], $0x2800  }
0x49: {  	[sflag:s24] =	ssyncset.done $0x0  }
0x4a: {  	s18 =	rddreg [dreg:$0x9];
	[sflag:s24] =	ssyncadd.s32 $0xFFFFD800  }
0x4b: {  	[spmem:s18] =	stream.linear.scatter [tilespmem:s23], [sflag:$0x9], $0x2800, $0x38;
	[tilespmem:$0x1F400] =	vst v63  }
0x4c: {  	_ =	swait.ge [sflag:s24], $0x2800  }
0x4d: {  	[sflag:s24] =	ssyncset.done $0x0  }
0x4e: {  	[sflag:s24] =	ssyncadd.s32 $0xFFFFD800  }
0x4f: {  	[bflag:$0x0] =	sbarrier.arrive $0xFFFF  }
0x50: {  	s17 =	simm.s32 $0x0;
	s18 =	rddreg [dreg:$0xa]  }
0x51: {  	[tilespmem:s17], [sflag:$0x9] =	stream.linear.gather [hbm4b:s18+s17], $0xA00, $0x38;
	[tilespmem:$0x1F400] =	vst v63  }
0x52: {  	_ =	swait.ge [sflag:s24], $0xA00  }
0x53: {  	[sflag:s24] =	ssyncset.done $0x0  }
0x54: {  	s19 =	rddreg [dreg:$0xb];
	[sflag:s24] =	ssyncadd.s32 $0xFFFFF600  }
0x55: {  	[tilespmem:s25], [sflag:$0x9] =	stream.linear.gather [hbm4b:s19+s17], $0xA00, $0x38;
	[tilespmem:$0x1F400] =	vst v63  }
0x56: {  	_ =	swait.ge [sflag:s24], $0xA00  }
0x57: {  	[sflag:s24] =	ssyncset.done $0x0  }
0x58: {  	[sflag:s24] =	ssyncadd.s32 $0xFFFFF600  }
0x59: {  	[tilespmem:s23], [sflag:$0x1] =	stream.indirect.gather [hbm4b:s4+s26], $0x80, s17, s26, $0xb8;
	[tilespmem:$0x1F400] =	vst v63  }
0x5a: {  	_ = 	snop  }
0x5b: {  	[tilespmem:s28], [sflag:$0x2] =	stream.indirect.gather [hbm4b:s4+s26], $0x80, s26, s26, $0xb8;
	[tilespmem:$0x1F400] =	vst v63  }
0x5c: {  	_ = 	snop  }
0x5d: {  	[tilespmem:s30], [sflag:$0x3] =	stream.indirect.gather [hbm4b:s4+s26], $0x80, s29, s26, $0xb8;
	[tilespmem:$0x1F400] =	vst v63  }
0x5e: {  	_ = 	snop  }
0x5f: {  	[tilespmem:s0], [sflag:$0x4] =	stream.indirect.gather [hbm4b:s4+s26], $0x80, s31, s26, $0xb8;
	[tilespmem:$0x1F400] =	vst v63  }
0x60: {  	_ =	swait.ge [sflag:s1], $0x2800  }
0x61: {  	[sflag:s1] =	ssyncset.done $0x0  }
0x62: {  	s19 =	simm.s32 $0xA00;
	[sflag:s1] =	ssyncadd.s32 $0xFFFFD800  }
0x63: {  	[spmem:s2] =	stream.indirect.scatter.add.f32 [tilespmem:s23], [sflag:$0x5], $0x80, s19, s26, $0xb8;
	[tilespmem:$0x1F400] =	vst v63  }
0x64: {  	_ =	swait.ge [sflag:s6], $0x2800  }
0x65: {  	[sflag:s6] =	ssyncset.done $0x0  }
0x66: {  	s18 =	simm.s32 $0xA50;
	[sflag:s6] =	ssyncadd.s32 $0xFFFFD800  }
0x67: {  	[spmem:s2] =	stream.indirect.scatter.add.f32 [tilespmem:s28], [sflag:$0x6], $0x80, s18, s26, $0xb8;
	[tilespmem:$0x1F400] =	vst v63  }
0x68: {  	_ =	swait.ge [sflag:s7], $0x2800  }
0x69: {  	[sflag:s7] =	ssyncset.done $0x0  }
0x6a: {  	s19 =	simm.s32 $0xAA0;
	[sflag:s7] =	ssyncadd.s32 $0xFFFFD800  }
0x6b: {  	[spmem:s2] =	stream.indirect.scatter.add.f32 [tilespmem:s30], [sflag:$0x7], $0x80, s19, s26, $0xb8;
	[tilespmem:$0x1F400] =	vst v63  }
0x6c: {  	_ =	swait.ge [sflag:s8], $0x2800  }
0x6d: {  	[sflag:s8] =	ssyncset.done $0x0  }
0x6e: {  	s18 =	simm.s32 $0xAF0;
	[sflag:s8] =	ssyncadd.s32 $0xFFFFD800  }
0x6f: {  	[spmem:s2] =	stream.indirect.scatter.add.f32 [tilespmem:s0], [sflag:$0x8], $0x80, s18, s26, $0xb8;
	[tilespmem:$0x1F400] =	vst v63  }
0x70: {  	_ =	swait.ge [sflag:s9], $0x2800  }
0x71: {  	[sflag:s9] =	ssyncset.done $0x0  }
0x72: {  	s19 =	simm.s32 $0x140;
	[sflag:s9] =	ssyncadd.s32 $0xFFFFD800  }
0x73: {  	[tilespmem:s23], [sflag:$0x1] =	stream.indirect.gather [hbm4b:s4+s26], $0x80, s19, s26, $0xb8;
	[tilespmem:$0x1F400] =	vst v63  }
0x74: {  	_ =	swait.ge [sflag:s10], $0x2800  }
0x75: {  	[sflag:s10] =	ssyncset.done $0x0  }
0x76: {  	s18 =	simm.s32 $0x190;
	[sflag:s10] =	ssyncadd.s32 $0xFFFFD800  }
0x77: {  	[tilespmem:s28], [sflag:$0x2] =	stream.indirect.gather [hbm4b:s4+s26], $0x80, s18, s26, $0xb8;
	[tilespmem:$0x1F400] =	vst v63  }
0x78: {  	_ =	swait.ge [sflag:s11], $0x2800  }
0x79: {  	[sflag:s11] =	ssyncset.done $0x0  }
0x7a: {  	s19 =	simm.s32 $0x1E0;
	[sflag:s11] =	ssyncadd.s32 $0xFFFFD800  }
0x7b: {  	[tilespmem:s30], [sflag:$0x3] =	stream.indirect.gather [hbm4b:s4+s26], $0x80, s19, s26, $0xb8;
	[tilespmem:$0x1F400] =	vst v63  }
0x7c: {  	_ =	swait.ge [sflag:s12], $0x2800  }
0x7d: {  	[sflag:s12] =	ssyncset.done $0x0  }
0x7e: {  	s17 =	simm.s32 $0x500;
	s18 =	simm.s32 $0x230;
	[sflag:s12] =	ssyncadd.s32 $0xFFFFD800  }
.LBB2_4:
0x7f: {  	[tilespmem:s0], [sflag:$0x4] =	stream.indirect.gather [hbm4b:s4+s26], $0x80, s18, s26, $0xb8;
	[tilespmem:$0x1F400] =	vst v63  }
0x80: {  	s18 =	smov.u32 s17  }
0x81: {  	p0 =	sne.s32 s17, $0x1E00;
	s17 =	sadd.s32 $0x500, s17;
	_ =	swait.ge [sflag:s1], $0x2800  }
0x82: {  	s18 =	sshra.s32 s18, $0x2;
	[sflag:s1] =	ssyncset.done $0x0  }
0x83: {  	s19 =	sadd.s32 $0xA00, s18;
	[sflag:s1] =	ssyncadd.s32 $0xFFFFD800  }
0x84: {  	[spmem:s2] =	stream.indirect.scatter.add.f32 [tilespmem:s23], [sflag:$0x5], $0x80, s19, s26, $0xb8;
	[tilespmem:$0x1F400] =	vst v63  }
0x85: {  	_ =	swait.ge [sflag:s6], $0x2800  }
0x86: {  	[sflag:s6] =	ssyncset.done $0x0  }
0x87: {  	s19 =	sadd.s32 $0xA50, s18;
	[sflag:s6] =	ssyncadd.s32 $0xFFFFD800  }
0x88: {  	[spmem:s2] =	stream.indirect.scatter.add.f32 [tilespmem:s28], [sflag:$0x6], $0x80, s19, s26, $0xb8;
	[tilespmem:$0x1F400] =	vst v63  }
0x89: {  	_ =	swait.ge [sflag:s7], $0x2800  }
0x8a: {  	[sflag:s7] =	ssyncset.done $0x0  }
0x8b: {  	s19 =	sadd.s32 $0xAA0, s18;
	[sflag:s7] =	ssyncadd.s32 $0xFFFFD800  }
0x8c: {  	[spmem:s2] =	stream.indirect.scatter.add.f32 [tilespmem:s30], [sflag:$0x7], $0x80, s19, s26, $0xb8;
	[tilespmem:$0x1F400] =	vst v63  }
0x8d: {  	_ =	swait.ge [sflag:s8], $0x2800  }
0x8e: {  	[sflag:s8] =	ssyncset.done $0x0  }
0x8f: {  	s19 =	sadd.s32 $0xAF0, s18;
	[sflag:s8] =	ssyncadd.s32 $0xFFFFD800  }
0x90: {  	[spmem:s2] =	stream.indirect.scatter.add.f32 [tilespmem:s0], [sflag:$0x8], $0x80, s19, s26, $0xb8;
	[tilespmem:$0x1F400] =	vst v63  }
0x91: {  	_ =	swait.ge [sflag:s9], $0x2800  }
0x92: {  	[sflag:s9] =	ssyncset.done $0x0  }
0x93: {  	s19 =	sadd.s32 $0x140, s18;
	[sflag:s9] =	ssyncadd.s32 $0xFFFFD800  }
0x94: {  	[tilespmem:s23], [sflag:$0x1] =	stream.indirect.gather [hbm4b:s4+s26], $0x80, s19, s26, $0xb8;
	[tilespmem:$0x1F400] =	vst v63  }
0x95: {  	_ =	swait.ge [sflag:s10], $0x2800  }
0x96: {  	[sflag:s10] =	ssyncset.done $0x0  }
0x97: {  	s19 =	sadd.s32 $0x190, s18;
	[sflag:s10] =	ssyncadd.s32 $0xFFFFD800  }
0x98: {  	[tilespmem:s28], [sflag:$0x2] =	stream.indirect.gather [hbm4b:s4+s26], $0x80, s19, s26, $0xb8;
	[tilespmem:$0x1F400] =	vst v63  }
0x99: {  	_ =	swait.ge [sflag:s11], $0x2800  }
0x9a: {  	[sflag:s11] =	ssyncset.done $0x0  }
.Ltmp1:
0x9b: {  	s19 =	sadd.s32 $0x1E0, s18;
	[sflag:s11] =	ssyncadd.s32 $0xFFFFD800;
	(pc) =	sbr.rel @p0 .LBB2_4-.Ltmp1, $4  }
0x9c: {  	[tilespmem:s30], [sflag:$0x3] =	stream.indirect.gather [hbm4b:s4+s26], $0x80, s19, s26, $0xb8;
	[tilespmem:$0x1F400] =	vst v63  }
0x9d: {  	_ =	swait.ge [sflag:s12], $0x2800  }
0x9e: {  	[sflag:s12] =	ssyncset.done $0x0  }
0x9f: {  	s18 =	sadd.s32 $0x230, s18;
	[sflag:s12] =	ssyncadd.s32 $0xFFFFD800  }
0xa0: {  	[tilespmem:s0], [sflag:$0x4] =	stream.indirect.gather [hbm4b:s4+s26], $0x80, s18, s26, $0xb8;
	[tilespmem:$0x1F400] =	vst v63  }
0xa1: {  	_ =	swait.ge [sflag:s1], $0x2800  }
0xa2: {  	[sflag:s1] =	ssyncset.done $0x0  }
0xa3: {  	[sflag:s1] =	ssyncadd.s32 $0xFFFFD800  }
0xa4: {  	[spmem:s2] =	stream.indirect.scatter.add.f32 [tilespmem:s23], [sflag:$0x5], $0x80, s13, s26, $0xb8;
	[tilespmem:$0x1F400] =	vst v63  }
0xa5: {  	_ =	swait.ge [sflag:s6], $0x2800  }
0xa6: {  	[sflag:s6] =	ssyncset.done $0x0  }
0xa7: {  	[sflag:s6] =	ssyncadd.s32 $0xFFFFD800  }
0xa8: {  	[spmem:s2] =	stream.indirect.scatter.add.f32 [tilespmem:s28], [sflag:$0x6], $0x80, s14, s26, $0xb8;
	[tilespmem:$0x1F400] =	vst v63  }
0xa9: {  	_ =	swait.ge [sflag:s7], $0x2800  }
0xaa: {  	[sflag:s7] =	ssyncset.done $0x0  }
0xab: {  	[sflag:s7] =	ssyncadd.s32 $0xFFFFD800  }
0xac: {  	[spmem:s2] =	stream.indirect.scatter.add.f32 [tilespmem:s30], [sflag:$0x7], $0x80, s15, s26, $0xb8;
	[tilespmem:$0x1F400] =	vst v63  }
0xad: {  	_ =	swait.ge [sflag:s8], $0x2800  }
0xae: {  	[sflag:s8] =	ssyncset.done $0x0  }
0xaf: {  	[sflag:s8] =	ssyncadd.s32 $0xFFFFD800  }
0xb0: {  	[spmem:s2] =	stream.indirect.scatter.add.f32 [tilespmem:s0], [sflag:$0x8], $0x80, s16, s26, $0xb8;
	[tilespmem:$0x1F400] =	vst v63  }
0xb1: {  	_ =	swait.ge [sflag:s9], $0x2800  }
0xb2: {  	[sflag:s9] =	ssyncset.done $0x0  }
0xb3: {  	[sflag:s9] =	ssyncadd.s32 $0xFFFFD800  }
0xb4: {  	_ =	swait.ge [sflag:s10], $0x2800  }
0xb5: {  	[sflag:s10] =	ssyncset.done $0x0  }
0xb6: {  	[sflag:s10] =	ssyncadd.s32 $0xFFFFD800  }
0xb7: {  	_ =	swait.ge [sflag:s11], $0x2800  }
0xb8: {  	[sflag:s11] =	ssyncset.done $0x0  }
0xb9: {  	[sflag:s11] =	ssyncadd.s32 $0xFFFFD800  }
0xba: {  	_ =	swait.ge [sflag:s12], $0x2800  }
0xbb: {  	[sflag:s12] =	ssyncset.done $0x0  }
0xbc: {  	s17 =	simm.s32 $0x0;
	s19 =	rddreg [dreg:$0xc];
	[sflag:s12] =	ssyncadd.s32 $0xFFFFD800  }
0xbd: {  	[tilespmem:s17], [sflag:$0x9] =	stream.linear.gather [hbm4b:s19+s17], $0xA00, $0x38;
	[tilespmem:$0x1F400] =	vst v63  }
0xbe: {  	_ =	swait.ge [sflag:s24], $0xA00  }
0xbf: {  	[sflag:s24] =	ssyncset.done $0x0  }
0xc0: {  	s19 =	rddreg [dreg:$0xd];
	[sflag:s24] =	ssyncadd.s32 $0xFFFFF600  }
0xc1: {  	[tilespmem:s25], [sflag:$0x9] =	stream.linear.gather [hbm4b:s19+s17], $0xA00, $0x38;
	[tilespmem:$0x1F400] =	vst v63  }
0xc2: {  	_ =	swait.ge [sflag:s24], $0xA00  }
0xc3: {  	[sflag:s24] =	ssyncset.done $0x0  }
0xc4: {  	[sflag:s24] =	ssyncadd.s32 $0xFFFFF600  }
0xc5: {  	[tilespmem:s23], [sflag:$0x1] =	stream.indirect.gather [hbm4b:s4+s26], $0x80, s17, s26, $0xb8;
	[tilespmem:$0x1F400] =	vst v63  }
0xc6: {  	_ = 	snop  }
0xc7: {  	[tilespmem:s28], [sflag:$0x2] =	stream.indirect.gather [hbm4b:s4+s26], $0x80, s26, s26, $0xb8;
	[tilespmem:$0x1F400] =	vst v63  }
0xc8: {  	_ = 	snop  }
0xc9: {  	[tilespmem:s30], [sflag:$0x3] =	stream.indirect.gather [hbm4b:s4+s26], $0x80, s29, s26, $0xb8;
	[tilespmem:$0x1F400] =	vst v63  }
0xca: {  	_ = 	snop  }
0xcb: {  	[tilespmem:s0], [sflag:$0x4] =	stream.indirect.gather [hbm4b:s4+s26], $0x80, s31, s26, $0xb8;
	[tilespmem:$0x1F400] =	vst v63  }
0xcc: {  	_ =	swait.ge [sflag:s1], $0x2800  }
0xcd: {  	[sflag:s1] =	ssyncset.done $0x0  }
0xce: {  	s19 =	simm.s32 $0xA00;
	[sflag:s1] =	ssyncadd.s32 $0xFFFFD800  }
0xcf: {  	[spmem:s2] =	stream.indirect.scatter.add.f32 [tilespmem:s23], [sflag:$0x5], $0x80, s19, s26, $0xb8;
	[tilespmem:$0x1F400] =	vst v63  }
0xd0: {  	_ =	swait.ge [sflag:s6], $0x2800  }
0xd1: {  	[sflag:s6] =	ssyncset.done $0x0  }
0xd2: {  	s18 =	simm.s32 $0xA50;
	[sflag:s6] =	ssyncadd.s32 $0xFFFFD800  }
0xd3: {  	[spmem:s2] =	stream.indirect.scatter.add.f32 [tilespmem:s28], [sflag:$0x6], $0x80, s18, s26, $0xb8;
	[tilespmem:$0x1F400] =	vst v63  }
0xd4: {  	_ =	swait.ge [sflag:s7], $0x2800  }
0xd5: {  	[sflag:s7] =	ssyncset.done $0x0  }
0xd6: {  	s19 =	simm.s32 $0xAA0;
	[sflag:s7] =	ssyncadd.s32 $0xFFFFD800  }
0xd7: {  	[spmem:s2] =	stream.indirect.scatter.add.f32 [tilespmem:s30], [sflag:$0x7], $0x80, s19, s26, $0xb8;
	[tilespmem:$0x1F400] =	vst v63  }
0xd8: {  	_ =	swait.ge [sflag:s8], $0x2800  }
0xd9: {  	[sflag:s8] =	ssyncset.done $0x0  }
0xda: {  	s18 =	simm.s32 $0xAF0;
	[sflag:s8] =	ssyncadd.s32 $0xFFFFD800  }
0xdb: {  	[spmem:s2] =	stream.indirect.scatter.add.f32 [tilespmem:s0], [sflag:$0x8], $0x80, s18, s26, $0xb8;
	[tilespmem:$0x1F400] =	vst v63  }
0xdc: {  	_ =	swait.ge [sflag:s9], $0x2800  }
0xdd: {  	[sflag:s9] =	ssyncset.done $0x0  }
0xde: {  	s19 =	simm.s32 $0x140;
	[sflag:s9] =	ssyncadd.s32 $0xFFFFD800  }
0xdf: {  	[tilespmem:s23], [sflag:$0x1] =	stream.indirect.gather [hbm4b:s4+s26], $0x80, s19, s26, $0xb8;
	[tilespmem:$0x1F400] =	vst v63  }
0xe0: {  	_ =	swait.ge [sflag:s10], $0x2800  }
0xe1: {  	[sflag:s10] =	ssyncset.done $0x0  }
0xe2: {  	s18 =	simm.s32 $0x190;
	[sflag:s10] =	ssyncadd.s32 $0xFFFFD800  }
0xe3: {  	[tilespmem:s28], [sflag:$0x2] =	stream.indirect.gather [hbm4b:s4+s26], $0x80, s18, s26, $0xb8;
	[tilespmem:$0x1F400] =	vst v63  }
0xe4: {  	_ =	swait.ge [sflag:s11], $0x2800  }
0xe5: {  	[sflag:s11] =	ssyncset.done $0x0  }
0xe6: {  	s19 =	simm.s32 $0x1E0;
	[sflag:s11] =	ssyncadd.s32 $0xFFFFD800  }
0xe7: {  	[tilespmem:s30], [sflag:$0x3] =	stream.indirect.gather [hbm4b:s4+s26], $0x80, s19, s26, $0xb8;
	[tilespmem:$0x1F400] =	vst v63  }
0xe8: {  	_ =	swait.ge [sflag:s12], $0x2800  }
0xe9: {  	[sflag:s12] =	ssyncset.done $0x0  }
0xea: {  	s17 =	simm.s32 $0x500;
	s18 =	simm.s32 $0x230;
	[sflag:s12] =	ssyncadd.s32 $0xFFFFD800  }
.LBB2_6:
0xeb: {  	[tilespmem:s0], [sflag:$0x4] =	stream.indirect.gather [hbm4b:s4+s26], $0x80, s18, s26, $0xb8;
	[tilespmem:$0x1F400] =	vst v63  }
0xec: {  	s18 =	smov.u32 s17  }
0xed: {  	p0 =	sne.s32 s17, $0x1E00;
	s17 =	sadd.s32 $0x500, s17;
	_ =	swait.ge [sflag:s1], $0x2800  }
0xee: {  	s18 =	sshra.s32 s18, $0x2;
	[sflag:s1] =	ssyncset.done $0x0  }
0xef: {  	s19 =	sadd.s32 $0xA00, s18;
	[sflag:s1] =	ssyncadd.s32 $0xFFFFD800  }
0xf0: {  	[spmem:s2] =	stream.indirect.scatter.add.f32 [tilespmem:s23], [sflag:$0x5], $0x80, s19, s26, $0xb8;
	[tilespmem:$0x1F400] =	vst v63  }
0xf1: {  	_ =	swait.ge [sflag:s6], $0x2800  }
0xf2: {  	[sflag:s6] =	ssyncset.done $0x0  }
0xf3: {  	s19 =	sadd.s32 $0xA50, s18;
	[sflag:s6] =	ssyncadd.s32 $0xFFFFD800  }
0xf4: {  	[spmem:s2] =	stream.indirect.scatter.add.f32 [tilespmem:s28], [sflag:$0x6], $0x80, s19, s26, $0xb8;
	[tilespmem:$0x1F400] =	vst v63  }
0xf5: {  	_ =	swait.ge [sflag:s7], $0x2800  }
0xf6: {  	[sflag:s7] =	ssyncset.done $0x0  }
0xf7: {  	s19 =	sadd.s32 $0xAA0, s18;
	[sflag:s7] =	ssyncadd.s32 $0xFFFFD800  }
0xf8: {  	[spmem:s2] =	stream.indirect.scatter.add.f32 [tilespmem:s30], [sflag:$0x7], $0x80, s19, s26, $0xb8;
	[tilespmem:$0x1F400] =	vst v63  }
0xf9: {  	_ =	swait.ge [sflag:s8], $0x2800  }
0xfa: {  	[sflag:s8] =	ssyncset.done $0x0  }
0xfb: {  	s19 =	sadd.s32 $0xAF0, s18;
	[sflag:s8] =	ssyncadd.s32 $0xFFFFD800  }
0xfc: {  	[spmem:s2] =	stream.indirect.scatter.add.f32 [tilespmem:s0], [sflag:$0x8], $0x80, s19, s26, $0xb8;
	[tilespmem:$0x1F400] =	vst v63  }
0xfd: {  	_ =	swait.ge [sflag:s9], $0x2800  }
0xfe: {  	[sflag:s9] =	ssyncset.done $0x0  }
0xff: {  	s19 =	sadd.s32 $0x140, s18;
	[sflag:s9] =	ssyncadd.s32 $0xFFFFD800  }
0x100: {  	[tilespmem:s23], [sflag:$0x1] =	stream.indirect.gather [hbm4b:s4+s26], $0x80, s19, s26, $0xb8;
	[tilespmem:$0x1F400] =	vst v63  }
0x101: {  	_ =	swait.ge [sflag:s10], $0x2800  }
0x102: {  	[sflag:s10] =	ssyncset.done $0x0  }
0x103: {  	s19 =	sadd.s32 $0x190, s18;
	[sflag:s10] =	ssyncadd.s32 $0xFFFFD800  }
0x104: {  	[tilespmem:s28], [sflag:$0x2] =	stream.indirect.gather [hbm4b:s4+s26], $0x80, s19, s26, $0xb8;
	[tilespmem:$0x1F400] =	vst v63  }
0x105: {  	_ =	swait.ge [sflag:s11], $0x2800  }
0x106: {  	[sflag:s11] =	ssyncset.done $0x0  }
.Ltmp2:
0x107: {  	s19 =	sadd.s32 $0x1E0, s18;
	[sflag:s11] =	ssyncadd.s32 $0xFFFFD800;
	(pc) =	sbr.rel @p0 .LBB2_6-.Ltmp2, $4  }
0x108: {  	[tilespmem:s30], [sflag:$0x3] =	stream.indirect.gather [hbm4b:s4+s26], $0x80, s19, s26, $0xb8;
	[tilespmem:$0x1F400] =	vst v63  }
0x109: {  	_ =	swait.ge [sflag:s12], $0x2800  }
0x10a: {  	[sflag:s12] =	ssyncset.done $0x0  }
0x10b: {  	s18 =	sadd.s32 $0x230, s18;
	[sflag:s12] =	ssyncadd.s32 $0xFFFFD800  }
0x10c: {  	[tilespmem:s0], [sflag:$0x4] =	stream.indirect.gather [hbm4b:s4+s26], $0x80, s18, s26, $0xb8;
	[tilespmem:$0x1F400] =	vst v63  }
0x10d: {  	_ =	swait.ge [sflag:s1], $0x2800  }
0x10e: {  	[sflag:s1] =	ssyncset.done $0x0  }
0x10f: {  	[sflag:s1] =	ssyncadd.s32 $0xFFFFD800  }
0x110: {  	[spmem:s2] =	stream.indirect.scatter.add.f32 [tilespmem:s23], [sflag:$0x5], $0x80, s13, s26, $0xb8;
	[tilespmem:$0x1F400] =	vst v63  }
0x111: {  	_ =	swait.ge [sflag:s6], $0x2800  }
0x112: {  	[sflag:s6] =	ssyncset.done $0x0  }
0x113: {  	[sflag:s6] =	ssyncadd.s32 $0xFFFFD800  }
0x114: {  	[spmem:s2] =	stream.indirect.scatter.add.f32 [tilespmem:s28], [sflag:$0x6], $0x80, s14, s26, $0xb8;
	[tilespmem:$0x1F400] =	vst v63  }
0x115: {  	_ =	swait.ge [sflag:s7], $0x2800  }
0x116: {  	[sflag:s7] =	ssyncset.done $0x0  }
0x117: {  	[sflag:s7] =	ssyncadd.s32 $0xFFFFD800  }
0x118: {  	[spmem:s2] =	stream.indirect.scatter.add.f32 [tilespmem:s30], [sflag:$0x7], $0x80, s15, s26, $0xb8;
	[tilespmem:$0x1F400] =	vst v63  }
0x119: {  	_ =	swait.ge [sflag:s8], $0x2800  }
0x11a: {  	[sflag:s8] =	ssyncset.done $0x0  }
0x11b: {  	[sflag:s8] =	ssyncadd.s32 $0xFFFFD800  }
0x11c: {  	[spmem:s2] =	stream.indirect.scatter.add.f32 [tilespmem:s0], [sflag:$0x8], $0x80, s16, s26, $0xb8;
	[tilespmem:$0x1F400] =	vst v63  }
0x11d: {  	_ =	swait.ge [sflag:s9], $0x2800  }
0x11e: {  	[sflag:s9] =	ssyncset.done $0x0  }
0x11f: {  	[sflag:s9] =	ssyncadd.s32 $0xFFFFD800  }
0x120: {  	_ =	swait.ge [sflag:s10], $0x2800  }
0x121: {  	[sflag:s10] =	ssyncset.done $0x0  }
0x122: {  	[sflag:s10] =	ssyncadd.s32 $0xFFFFD800  }
0x123: {  	_ =	swait.ge [sflag:s11], $0x2800  }
0x124: {  	[sflag:s11] =	ssyncset.done $0x0  }
0x125: {  	[sflag:s11] =	ssyncadd.s32 $0xFFFFD800  }
0x126: {  	_ =	swait.ge [sflag:s12], $0x2800  }
0x127: {  	[sflag:s12] =	ssyncset.done $0x0  }
0x128: {  	s17 =	simm.s32 $0x0;
	s19 =	rddreg [dreg:$0xe];
	[sflag:s12] =	ssyncadd.s32 $0xFFFFD800  }
0x129: {  	[tilespmem:s17], [sflag:$0x9] =	stream.linear.gather [hbm4b:s19+s17], $0xA00, $0x38;
	[tilespmem:$0x1F400] =	vst v63  }
0x12a: {  	_ =	swait.ge [sflag:s24], $0xA00  }
0x12b: {  	[sflag:s24] =	ssyncset.done $0x0  }
0x12c: {  	s19 =	rddreg [dreg:$0xf];
	[sflag:s24] =	ssyncadd.s32 $0xFFFFF600  }
0x12d: {  	[tilespmem:s25], [sflag:$0x9] =	stream.linear.gather [hbm4b:s19+s17], $0xA00, $0x38;
	[tilespmem:$0x1F400] =	vst v63  }
0x12e: {  	_ =	swait.ge [sflag:s24], $0xA00  }
0x12f: {  	[sflag:s24] =	ssyncset.done $0x0  }
0x130: {  	[sflag:s24] =	ssyncadd.s32 $0xFFFFF600  }
0x131: {  	[tilespmem:s23], [sflag:$0x1] =	stream.indirect.gather [hbm4b:s4+s26], $0x80, s17, s26, $0xb8;
	[tilespmem:$0x1F400] =	vst v63  }
0x132: {  	_ = 	snop  }
0x133: {  	[tilespmem:s28], [sflag:$0x2] =	stream.indirect.gather [hbm4b:s4+s26], $0x80, s26, s26, $0xb8;
	[tilespmem:$0x1F400] =	vst v63  }
0x134: {  	_ = 	snop  }
0x135: {  	[tilespmem:s30], [sflag:$0x3] =	stream.indirect.gather [hbm4b:s4+s26], $0x80, s29, s26, $0xb8;
	[tilespmem:$0x1F400] =	vst v63  }
0x136: {  	_ = 	snop  }
0x137: {  	[tilespmem:s0], [sflag:$0x4] =	stream.indirect.gather [hbm4b:s4+s26], $0x80, s31, s26, $0xb8;
	[tilespmem:$0x1F400] =	vst v63  }
0x138: {  	_ =	swait.ge [sflag:s1], $0x2800  }
0x139: {  	[sflag:s1] =	ssyncset.done $0x0  }
0x13a: {  	s19 =	simm.s32 $0xA00;
	[sflag:s1] =	ssyncadd.s32 $0xFFFFD800  }
0x13b: {  	[spmem:s2] =	stream.indirect.scatter.add.f32 [tilespmem:s23], [sflag:$0x5], $0x80, s19, s26, $0xb8;
	[tilespmem:$0x1F400] =	vst v63  }
0x13c: {  	_ =	swait.ge [sflag:s6], $0x2800  }
0x13d: {  	[sflag:s6] =	ssyncset.done $0x0  }
0x13e: {  	s18 =	simm.s32 $0xA50;
	[sflag:s6] =	ssyncadd.s32 $0xFFFFD800  }
0x13f: {  	[spmem:s2] =	stream.indirect.scatter.add.f32 [tilespmem:s28], [sflag:$0x6], $0x80, s18, s26, $0xb8;
	[tilespmem:$0x1F400] =	vst v63  }
0x140: {  	_ =	swait.ge [sflag:s7], $0x2800  }
0x141: {  	[sflag:s7] =	ssyncset.done $0x0  }
0x142: {  	s19 =	simm.s32 $0xAA0;
	[sflag:s7] =	ssyncadd.s32 $0xFFFFD800  }
0x143: {  	[spmem:s2] =	stream.indirect.scatter.add.f32 [tilespmem:s30], [sflag:$0x7], $0x80, s19, s26, $0xb8;
	[tilespmem:$0x1F400] =	vst v63  }
0x144: {  	_ =	swait.ge [sflag:s8], $0x2800  }
0x145: {  	[sflag:s8] =	ssyncset.done $0x0  }
0x146: {  	s18 =	simm.s32 $0xAF0;
	[sflag:s8] =	ssyncadd.s32 $0xFFFFD800  }
0x147: {  	[spmem:s2] =	stream.indirect.scatter.add.f32 [tilespmem:s0], [sflag:$0x8], $0x80, s18, s26, $0xb8;
	[tilespmem:$0x1F400] =	vst v63  }
0x148: {  	_ =	swait.ge [sflag:s9], $0x2800  }
0x149: {  	[sflag:s9] =	ssyncset.done $0x0  }
0x14a: {  	s19 =	simm.s32 $0x140;
	[sflag:s9] =	ssyncadd.s32 $0xFFFFD800  }
0x14b: {  	[tilespmem:s23], [sflag:$0x1] =	stream.indirect.gather [hbm4b:s4+s26], $0x80, s19, s26, $0xb8;
	[tilespmem:$0x1F400] =	vst v63  }
0x14c: {  	_ =	swait.ge [sflag:s10], $0x2800  }
0x14d: {  	[sflag:s10] =	ssyncset.done $0x0  }
0x14e: {  	s18 =	simm.s32 $0x190;
	[sflag:s10] =	ssyncadd.s32 $0xFFFFD800  }
0x14f: {  	[tilespmem:s28], [sflag:$0x2] =	stream.indirect.gather [hbm4b:s4+s26], $0x80, s18, s26, $0xb8;
	[tilespmem:$0x1F400] =	vst v63  }
0x150: {  	_ =	swait.ge [sflag:s11], $0x2800  }
0x151: {  	[sflag:s11] =	ssyncset.done $0x0  }
0x152: {  	s19 =	simm.s32 $0x1E0;
	[sflag:s11] =	ssyncadd.s32 $0xFFFFD800  }
0x153: {  	[tilespmem:s30], [sflag:$0x3] =	stream.indirect.gather [hbm4b:s4+s26], $0x80, s19, s26, $0xb8;
	[tilespmem:$0x1F400] =	vst v63  }
0x154: {  	_ =	swait.ge [sflag:s12], $0x2800  }
0x155: {  	[sflag:s12] =	ssyncset.done $0x0  }
0x156: {  	s17 =	simm.s32 $0x500;
	s18 =	simm.s32 $0x230;
	[sflag:s12] =	ssyncadd.s32 $0xFFFFD800  }
.LBB2_8:
0x157: {  	[tilespmem:s0], [sflag:$0x4] =	stream.indirect.gather [hbm4b:s4+s26], $0x80, s18, s26, $0xb8;
	[tilespmem:$0x1F400] =	vst v63  }
0x158: {  	s18 =	smov.u32 s17  }
0x159: {  	p0 =	sne.s32 s17, $0x1E00;
	s17 =	sadd.s32 $0x500, s17;
	_ =	swait.ge [sflag:s1], $0x2800  }
0x15a: {  	s18 =	sshra.s32 s18, $0x2;
	[sflag:s1] =	ssyncset.done $0x0  }
0x15b: {  	s19 =	sadd.s32 $0xA00, s18;
	[sflag:s1] =	ssyncadd.s32 $0xFFFFD800  }
0x15c: {  	[spmem:s2] =	stream.indirect.scatter.add.f32 [tilespmem:s23], [sflag:$0x5], $0x80, s19, s26, $0xb8;
	[tilespmem:$0x1F400] =	vst v63  }
0x15d: {  	_ =	swait.ge [sflag:s6], $0x2800  }
0x15e: {  	[sflag:s6] =	ssyncset.done $0x0  }
0x15f: {  	s19 =	sadd.s32 $0xA50, s18;
	[sflag:s6] =	ssyncadd.s32 $0xFFFFD800  }
0x160: {  	[spmem:s2] =	stream.indirect.scatter.add.f32 [tilespmem:s28], [sflag:$0x6], $0x80, s19, s26, $0xb8;
	[tilespmem:$0x1F400] =	vst v63  }
0x161: {  	_ =	swait.ge [sflag:s7], $0x2800  }
0x162: {  	[sflag:s7] =	ssyncset.done $0x0  }
0x163: {  	s19 =	sadd.s32 $0xAA0, s18;
	[sflag:s7] =	ssyncadd.s32 $0xFFFFD800  }
0x164: {  	[spmem:s2] =	stream.indirect.scatter.add.f32 [tilespmem:s30], [sflag:$0x7], $0x80, s19, s26, $0xb8;
	[tilespmem:$0x1F400] =	vst v63  }
0x165: {  	_ =	swait.ge [sflag:s8], $0x2800  }
0x166: {  	[sflag:s8] =	ssyncset.done $0x0  }
0x167: {  	s19 =	sadd.s32 $0xAF0, s18;
	[sflag:s8] =	ssyncadd.s32 $0xFFFFD800  }
0x168: {  	[spmem:s2] =	stream.indirect.scatter.add.f32 [tilespmem:s0], [sflag:$0x8], $0x80, s19, s26, $0xb8;
	[tilespmem:$0x1F400] =	vst v63  }
0x169: {  	_ =	swait.ge [sflag:s9], $0x2800  }
0x16a: {  	[sflag:s9] =	ssyncset.done $0x0  }
0x16b: {  	s19 =	sadd.s32 $0x140, s18;
	[sflag:s9] =	ssyncadd.s32 $0xFFFFD800  }
0x16c: {  	[tilespmem:s23], [sflag:$0x1] =	stream.indirect.gather [hbm4b:s4+s26], $0x80, s19, s26, $0xb8;
	[tilespmem:$0x1F400] =	vst v63  }
0x16d: {  	_ =	swait.ge [sflag:s10], $0x2800  }
0x16e: {  	[sflag:s10] =	ssyncset.done $0x0  }
0x16f: {  	s19 =	sadd.s32 $0x190, s18;
	[sflag:s10] =	ssyncadd.s32 $0xFFFFD800  }
0x170: {  	[tilespmem:s28], [sflag:$0x2] =	stream.indirect.gather [hbm4b:s4+s26], $0x80, s19, s26, $0xb8;
	[tilespmem:$0x1F400] =	vst v63  }
0x171: {  	_ =	swait.ge [sflag:s11], $0x2800  }
0x172: {  	[sflag:s11] =	ssyncset.done $0x0  }
.Ltmp3:
0x173: {  	s19 =	sadd.s32 $0x1E0, s18;
	[sflag:s11] =	ssyncadd.s32 $0xFFFFD800;
	(pc) =	sbr.rel @p0 .LBB2_8-.Ltmp3, $4  }
0x174: {  	[tilespmem:s30], [sflag:$0x3] =	stream.indirect.gather [hbm4b:s4+s26], $0x80, s19, s26, $0xb8;
	[tilespmem:$0x1F400] =	vst v63  }
0x175: {  	_ =	swait.ge [sflag:s12], $0x2800  }
0x176: {  	[sflag:s12] =	ssyncset.done $0x0  }
0x177: {  	s18 =	sadd.s32 $0x230, s18;
	[sflag:s12] =	ssyncadd.s32 $0xFFFFD800  }
0x178: {  	[tilespmem:s0], [sflag:$0x4] =	stream.indirect.gather [hbm4b:s4+s26], $0x80, s18, s26, $0xb8;
	[tilespmem:$0x1F400] =	vst v63  }
0x179: {  	_ =	swait.ge [sflag:s1], $0x2800  }
0x17a: {  	[sflag:s1] =	ssyncset.done $0x0  }
0x17b: {  	[sflag:s1] =	ssyncadd.s32 $0xFFFFD800  }
0x17c: {  	[spmem:s2] =	stream.indirect.scatter.add.f32 [tilespmem:s23], [sflag:$0x5], $0x80, s13, s26, $0xb8;
	[tilespmem:$0x1F400] =	vst v63  }
0x17d: {  	_ =	swait.ge [sflag:s6], $0x2800  }
0x17e: {  	[sflag:s6] =	ssyncset.done $0x0  }
0x17f: {  	[sflag:s6] =	ssyncadd.s32 $0xFFFFD800  }
0x180: {  	[spmem:s2] =	stream.indirect.scatter.add.f32 [tilespmem:s28], [sflag:$0x6], $0x80, s14, s26, $0xb8;
	[tilespmem:$0x1F400] =	vst v63  }
0x181: {  	_ =	swait.ge [sflag:s7], $0x2800  }
0x182: {  	[sflag:s7] =	ssyncset.done $0x0  }
0x183: {  	[sflag:s7] =	ssyncadd.s32 $0xFFFFD800  }
0x184: {  	[spmem:s2] =	stream.indirect.scatter.add.f32 [tilespmem:s30], [sflag:$0x7], $0x80, s15, s26, $0xb8;
	[tilespmem:$0x1F400] =	vst v63  }
0x185: {  	_ =	swait.ge [sflag:s8], $0x2800  }
0x186: {  	[sflag:s8] =	ssyncset.done $0x0  }
0x187: {  	[sflag:s8] =	ssyncadd.s32 $0xFFFFD800  }
0x188: {  	[spmem:s2] =	stream.indirect.scatter.add.f32 [tilespmem:s0], [sflag:$0x8], $0x80, s16, s26, $0xb8;
	[tilespmem:$0x1F400] =	vst v63  }
0x189: {  	_ =	swait.ge [sflag:s9], $0x2800  }
0x18a: {  	[sflag:s9] =	ssyncset.done $0x0  }
0x18b: {  	[sflag:s9] =	ssyncadd.s32 $0xFFFFD800  }
0x18c: {  	_ =	swait.ge [sflag:s10], $0x2800  }
0x18d: {  	[sflag:s10] =	ssyncset.done $0x0  }
0x18e: {  	[sflag:s10] =	ssyncadd.s32 $0xFFFFD800  }
0x18f: {  	_ =	swait.ge [sflag:s11], $0x2800  }
0x190: {  	[sflag:s11] =	ssyncset.done $0x0  }
0x191: {  	[sflag:s11] =	ssyncadd.s32 $0xFFFFD800  }
0x192: {  	_ =	swait.ge [sflag:s12], $0x2800  }
0x193: {  	[sflag:s12] =	ssyncset.done $0x0  }
0x194: {  	s17 =	simm.s32 $0x0;
	s19 =	rddreg [dreg:$0x10];
	[sflag:s12] =	ssyncadd.s32 $0xFFFFD800  }
0x195: {  	[tilespmem:s17], [sflag:$0x9] =	stream.linear.gather [hbm4b:s19+s17], $0xA00, $0x38;
	[tilespmem:$0x1F400] =	vst v63  }
0x196: {  	_ =	swait.ge [sflag:s24], $0xA00  }
0x197: {  	[sflag:s24] =	ssyncset.done $0x0  }
0x198: {  	[sflag:s24] =	ssyncadd.s32 $0xFFFFF600  }
0x199: {  	[tilespmem:s25], [sflag:$0x9] =	stream.linear.gather [hbm4b:s20+s17], $0xA00, $0x38;
	[tilespmem:$0x1F400] =	vst v63  }
0x19a: {  	_ =	swait.ge [sflag:s24], $0xA00  }
0x19b: {  	[sflag:s24] =	ssyncset.done $0x0  }
0x19c: {  	[sflag:s24] =	ssyncadd.s32 $0xFFFFF600  }
0x19d: {  	[tilespmem:s23], [sflag:$0x1] =	stream.indirect.gather [hbm4b:s4+s26], $0x80, s17, s26, $0xb8;
	[tilespmem:$0x1F400] =	vst v63  }
0x19e: {  	_ = 	snop  }
0x19f: {  	[tilespmem:s28], [sflag:$0x2] =	stream.indirect.gather [hbm4b:s4+s26], $0x80, s26, s26, $0xb8;
	[tilespmem:$0x1F400] =	vst v63  }
0x1a0: {  	_ = 	snop  }
0x1a1: {  	[tilespmem:s30], [sflag:$0x3] =	stream.indirect.gather [hbm4b:s4+s26], $0x80, s29, s26, $0xb8;
	[tilespmem:$0x1F400] =	vst v63  }
0x1a2: {  	_ = 	snop  }
0x1a3: {  	[tilespmem:s0], [sflag:$0x4] =	stream.indirect.gather [hbm4b:s4+s26], $0x80, s31, s26, $0xb8;
	[tilespmem:$0x1F400] =	vst v63  }
0x1a4: {  	_ =	swait.ge [sflag:s1], $0x2800  }
0x1a5: {  	[sflag:s1] =	ssyncset.done $0x0  }
0x1a6: {  	s19 =	simm.s32 $0xA00;
	[sflag:s1] =	ssyncadd.s32 $0xFFFFD800  }
0x1a7: {  	[spmem:s2] =	stream.indirect.scatter.add.f32 [tilespmem:s23], [sflag:$0x5], $0x80, s19, s26, $0xb8;
	[tilespmem:$0x1F400] =	vst v63  }
0x1a8: {  	_ =	swait.ge [sflag:s6], $0x2800  }
0x1a9: {  	[sflag:s6] =	ssyncset.done $0x0  }
0x1aa: {  	s18 =	simm.s32 $0xA50;
	[sflag:s6] =	ssyncadd.s32 $0xFFFFD800  }
0x1ab: {  	[spmem:s2] =	stream.indirect.scatter.add.f32 [tilespmem:s28], [sflag:$0x6], $0x80, s18, s26, $0xb8;
	[tilespmem:$0x1F400] =	vst v63  }
0x1ac: {  	_ =	swait.ge [sflag:s7], $0x2800  }
0x1ad: {  	[sflag:s7] =	ssyncset.done $0x0  }
0x1ae: {  	s19 =	simm.s32 $0xAA0;
	[sflag:s7] =	ssyncadd.s32 $0xFFFFD800  }
0x1af: {  	[spmem:s2] =	stream.indirect.scatter.add.f32 [tilespmem:s30], [sflag:$0x7], $0x80, s19, s26, $0xb8;
	[tilespmem:$0x1F400] =	vst v63  }
0x1b0: {  	_ =	swait.ge [sflag:s8], $0x2800  }
0x1b1: {  	[sflag:s8] =	ssyncset.done $0x0  }
0x1b2: {  	s18 =	simm.s32 $0xAF0;
	[sflag:s8] =	ssyncadd.s32 $0xFFFFD800  }
0x1b3: {  	[spmem:s2] =	stream.indirect.scatter.add.f32 [tilespmem:s0], [sflag:$0x8], $0x80, s18, s26, $0xb8;
	[tilespmem:$0x1F400] =	vst v63  }
0x1b4: {  	_ =	swait.ge [sflag:s9], $0x2800  }
0x1b5: {  	[sflag:s9] =	ssyncset.done $0x0  }
0x1b6: {  	s19 =	simm.s32 $0x140;
	[sflag:s9] =	ssyncadd.s32 $0xFFFFD800  }
0x1b7: {  	[tilespmem:s23], [sflag:$0x1] =	stream.indirect.gather [hbm4b:s4+s26], $0x80, s19, s26, $0xb8;
	[tilespmem:$0x1F400] =	vst v63  }
0x1b8: {  	_ =	swait.ge [sflag:s10], $0x2800  }
0x1b9: {  	[sflag:s10] =	ssyncset.done $0x0  }
0x1ba: {  	s18 =	simm.s32 $0x190;
	[sflag:s10] =	ssyncadd.s32 $0xFFFFD800  }
0x1bb: {  	[tilespmem:s28], [sflag:$0x2] =	stream.indirect.gather [hbm4b:s4+s26], $0x80, s18, s26, $0xb8;
	[tilespmem:$0x1F400] =	vst v63  }
0x1bc: {  	_ =	swait.ge [sflag:s11], $0x2800  }
0x1bd: {  	[sflag:s11] =	ssyncset.done $0x0  }
0x1be: {  	s19 =	simm.s32 $0x1E0;
	[sflag:s11] =	ssyncadd.s32 $0xFFFFD800  }
0x1bf: {  	[tilespmem:s30], [sflag:$0x3] =	stream.indirect.gather [hbm4b:s4+s26], $0x80, s19, s26, $0xb8;
	[tilespmem:$0x1F400] =	vst v63  }
0x1c0: {  	_ =	swait.ge [sflag:s12], $0x2800  }
0x1c1: {  	[sflag:s12] =	ssyncset.done $0x0  }
0x1c2: {  	s17 =	simm.s32 $0x500;
	s18 =	simm.s32 $0x230;
	[sflag:s12] =	ssyncadd.s32 $0xFFFFD800  }
.LBB2_10:
0x1c3: {  	[tilespmem:s0], [sflag:$0x4] =	stream.indirect.gather [hbm4b:s4+s26], $0x80, s18, s26, $0xb8;
	[tilespmem:$0x1F400] =	vst v63  }
0x1c4: {  	s18 =	smov.u32 s17  }
0x1c5: {  	p0 =	sne.s32 s17, $0x1E00;
	s17 =	sadd.s32 $0x500, s17;
	_ =	swait.ge [sflag:s1], $0x2800  }
0x1c6: {  	s18 =	sshra.s32 s18, $0x2;
	[sflag:s1] =	ssyncset.done $0x0  }
0x1c7: {  	s19 =	sadd.s32 $0xA00, s18;
	[sflag:s1] =	ssyncadd.s32 $0xFFFFD800  }
0x1c8: {  	[spmem:s2] =	stream.indirect.scatter.add.f32 [tilespmem:s23], [sflag:$0x5], $0x80, s19, s26, $0xb8;
	[tilespmem:$0x1F400] =	vst v63  }
0x1c9: {  	_ =	swait.ge [sflag:s6], $0x2800  }
0x1ca: {  	[sflag:s6] =	ssyncset.done $0x0  }
0x1cb: {  	s19 =	sadd.s32 $0xA50, s18;
	[sflag:s6] =	ssyncadd.s32 $0xFFFFD800  }
0x1cc: {  	[spmem:s2] =	stream.indirect.scatter.add.f32 [tilespmem:s28], [sflag:$0x6], $0x80, s19, s26, $0xb8;
	[tilespmem:$0x1F400] =	vst v63  }
0x1cd: {  	_ =	swait.ge [sflag:s7], $0x2800  }
0x1ce: {  	[sflag:s7] =	ssyncset.done $0x0  }
0x1cf: {  	s19 =	sadd.s32 $0xAA0, s18;
	[sflag:s7] =	ssyncadd.s32 $0xFFFFD800  }
0x1d0: {  	[spmem:s2] =	stream.indirect.scatter.add.f32 [tilespmem:s30], [sflag:$0x7], $0x80, s19, s26, $0xb8;
	[tilespmem:$0x1F400] =	vst v63  }
0x1d1: {  	_ =	swait.ge [sflag:s8], $0x2800  }
0x1d2: {  	[sflag:s8] =	ssyncset.done $0x0  }
0x1d3: {  	s19 =	sadd.s32 $0xAF0, s18;
	[sflag:s8] =	ssyncadd.s32 $0xFFFFD800  }
0x1d4: {  	[spmem:s2] =	stream.indirect.scatter.add.f32 [tilespmem:s0], [sflag:$0x8], $0x80, s19, s26, $0xb8;
	[tilespmem:$0x1F400] =	vst v63  }
0x1d5: {  	_ =	swait.ge [sflag:s9], $0x2800  }
0x1d6: {  	[sflag:s9] =	ssyncset.done $0x0  }
0x1d7: {  	s19 =	sadd.s32 $0x140, s18;
	[sflag:s9] =	ssyncadd.s32 $0xFFFFD800  }
0x1d8: {  	[tilespmem:s23], [sflag:$0x1] =	stream.indirect.gather [hbm4b:s4+s26], $0x80, s19, s26, $0xb8;
	[tilespmem:$0x1F400] =	vst v63  }
0x1d9: {  	_ =	swait.ge [sflag:s10], $0x2800  }
0x1da: {  	[sflag:s10] =	ssyncset.done $0x0  }
0x1db: {  	s19 =	sadd.s32 $0x190, s18;
	[sflag:s10] =	ssyncadd.s32 $0xFFFFD800  }
0x1dc: {  	[tilespmem:s28], [sflag:$0x2] =	stream.indirect.gather [hbm4b:s4+s26], $0x80, s19, s26, $0xb8;
	[tilespmem:$0x1F400] =	vst v63  }
0x1dd: {  	_ =	swait.ge [sflag:s11], $0x2800  }
0x1de: {  	[sflag:s11] =	ssyncset.done $0x0  }
.Ltmp4:
0x1df: {  	s19 =	sadd.s32 $0x1E0, s18;
	[sflag:s11] =	ssyncadd.s32 $0xFFFFD800;
	(pc) =	sbr.rel @p0 .LBB2_10-.Ltmp4, $4  }
0x1e0: {  	[tilespmem:s30], [sflag:$0x3] =	stream.indirect.gather [hbm4b:s4+s26], $0x80, s19, s26, $0xb8;
	[tilespmem:$0x1F400] =	vst v63  }
0x1e1: {  	_ =	swait.ge [sflag:s12], $0x2800  }
0x1e2: {  	[sflag:s12] =	ssyncset.done $0x0  }
0x1e3: {  	s18 =	sadd.s32 $0x230, s18;
	[sflag:s12] =	ssyncadd.s32 $0xFFFFD800  }
0x1e4: {  	[tilespmem:s0], [sflag:$0x4] =	stream.indirect.gather [hbm4b:s4+s26], $0x80, s18, s26, $0xb8;
	[tilespmem:$0x1F400] =	vst v63  }
0x1e5: {  	_ =	swait.ge [sflag:s1], $0x2800  }
0x1e6: {  	[sflag:s1] =	ssyncset.done $0x0  }
0x1e7: {  	[sflag:s1] =	ssyncadd.s32 $0xFFFFD800  }
0x1e8: {  	[spmem:s2] =	stream.indirect.scatter.add.f32 [tilespmem:s23], [sflag:$0x5], $0x80, s13, s26, $0xb8;
	[tilespmem:$0x1F400] =	vst v63  }
0x1e9: {  	_ =	swait.ge [sflag:s6], $0x2800  }
0x1ea: {  	[sflag:s6] =	ssyncset.done $0x0  }
0x1eb: {  	[sflag:s6] =	ssyncadd.s32 $0xFFFFD800  }
0x1ec: {  	[spmem:s2] =	stream.indirect.scatter.add.f32 [tilespmem:s28], [sflag:$0x6], $0x80, s14, s26, $0xb8;
	[tilespmem:$0x1F400] =	vst v63  }
0x1ed: {  	_ =	swait.ge [sflag:s7], $0x2800  }
0x1ee: {  	[sflag:s7] =	ssyncset.done $0x0  }
0x1ef: {  	[sflag:s7] =	ssyncadd.s32 $0xFFFFD800  }
0x1f0: {  	[spmem:s2] =	stream.indirect.scatter.add.f32 [tilespmem:s30], [sflag:$0x7], $0x80, s15, s26, $0xb8;
	[tilespmem:$0x1F400] =	vst v63  }
0x1f1: {  	_ =	swait.ge [sflag:s8], $0x2800  }
0x1f2: {  	[sflag:s8] =	ssyncset.done $0x0  }
0x1f3: {  	[sflag:s8] =	ssyncadd.s32 $0xFFFFD800  }
0x1f4: {  	[spmem:s2] =	stream.indirect.scatter.add.f32 [tilespmem:s0], [sflag:$0x8], $0x80, s16, s26, $0xb8;
	[tilespmem:$0x1F400] =	vst v63  }
0x1f5: {  	_ =	swait.ge [sflag:s9], $0x2800  }
0x1f6: {  	[sflag:s9] =	ssyncset.done $0x0  }
0x1f7: {  	[sflag:s9] =	ssyncadd.s32 $0xFFFFD800  }
0x1f8: {  	_ =	swait.ge [sflag:s10], $0x2800  }
0x1f9: {  	[sflag:s10] =	ssyncset.done $0x0  }
0x1fa: {  	[sflag:s10] =	ssyncadd.s32 $0xFFFFD800  }
0x1fb: {  	_ =	swait.ge [sflag:s11], $0x2800  }
0x1fc: {  	[sflag:s11] =	ssyncset.done $0x0  }
0x1fd: {  	[sflag:s11] =	ssyncadd.s32 $0xFFFFD800  }
0x1fe: {  	s17 =	stileid.u32;
	_ =	swait.ge [sflag:s12], $0x2800  }
0x1ff: {  	s19 =	sshrl.u32 s5, $0x3;
	s3 =	sadd.s32 $0x1, s3;
	[sflag:s12] =	ssyncset.done $0x0  }
0x200: {  	s17 =	sshll.u32 s17, $0x6;
	p0 =	sne.s32 s3, s22;
	[sflag:s12] =	ssyncadd.s32 $0xFFFFD800  }
.Ltmp5:
0x201: {  	s17 =	sor.u32 $0x1C09, s17;
	[bflag:$0x0] =	sbarrier.arrive $0xFFFF;
	(pc) =	sbr.rel @p0 .LBB2_1-.Ltmp5, $4  }
0x202: {  	[hbm:s21], [sflag:s17] =	dma.local [spmem:s19], $0x2800  }
0x203: {  	_ =	swait.ge [sflag:s24], $0x2800  }
0x204: {  	[sflag:s24] =	ssyncset.done $0x0  }
0x205: {  	[sflag:s24] =	ssyncadd.s32 $0xFFFFD800  }
0x206: {  	_ =	sfence.sel $0x180000  }
0x207: {  	[bflag:$0x0] =	sbarrier.arrive $0xFFFF  }
0x208: {  	_ =	strace $0x9000004A  }
0x209: {  	s0 =	stileid.u32;
	[bflag:$0x2] =	sbarrier.arrive $0xFFFF  }
0x20a: {  	p0 =	sne.s32 s0, $0x0;
	s0 =	rddreg [dreg:$0x2]  }
0x20b: {  	s0 =	sadd.s32 @!p0 $0x100000, s0  }
0x20c: {  	[sflag:s0] =	ssyncadd.tile.s32 @!p0 $0x1;
	_ =	shalt  }
.Lfunc_end2:
_tile_overlayer_lowered:
.L_overlay_start_2:
0x20d: {  	(tag) =	ssettag $0x2  }
0x20e: {  	s0 =	rddreg [dreg:$0x0];
	s2 =	stileid.u32  }
0x20f: {  	s1 =	rddreg [dreg:$0x1];
	p0 =	sne.s32 s2, $0x0  }
0x210: {  	s3 =	rddreg [dreg:$0x2];
	[bflag:$0x3] =	sbarrier.arrive $0xFFFF;
	s2 =	simm.s32 @!p0 $0x1C09  }
0x211: {  	[timem:s3], [sflag:s2] =	dma.local @!p0 [hbm:s0], s1  }
0x212: {  	s0 =	simm.s32 @!p0 $0x9  }
0x213: {  	_ =	swait.ge @!p0 [sflag:s0], s1  }
0x214: {  	s1 =	ssub.s32 @!p0 $0x0, s1;
	[sflag:s0] =	ssyncset.done @!p0 $0x0  }
0x215: {  	[sflag:s0] =	ssyncadd.s32 @!p0 s1  }
0x216: {  	[bflag:$0x3] =	sbarrier.arrive $0xFFFF  }
0x217: {  	_ =	shalt  }

// kernel: kernel.14.cloned.1.call-start
scs
__scs_entry_jumppad:
0x0: {  	(pc) =	sbr.rel $0x88, $3  }
0x1: {  	(tag) =	ssettag $0x0;
	lr =	simm.s32 $0x1  }
0x2: {  	[smem:$0x3F9B] =	sst lr;
	_ =	strace $0xD0000000  }
0x3: {  	_ = 	snop  }
0x4: {  	_ = 	snop  }
0x5: {  	_ = 	snop  }
0x6: {  	_ = 	snop  }
0x7: {  	_ = 	snop  }
__scs_overlays_trampoline_lowered:
0x8: {  	[smem:$0x3FAA] =	sst s0  }
0x9: {  	[smem:$0x3FAB] =	sst s1  }
0xa: {  	[smem:$0x3FAC] =	sst s2  }
0xb: {  	[smem:$0x3FAD] =	sst s3  }
0xc: {  	[smem:$0x3FAE] =	sst s4  }
0xd: {  	[smem:$0x3FAF] =	sst s5  }
0xe: {  	[smem:$0x3FB0] =	sst s6  }
0xf: {  	[smem:$0x3FB1] =	sst s7  }
0x10: {  	[smem:$0x3FB2] =	sst s8  }
0x11: {  	[smem:$0x3FB3] =	sst s9;
	s0 =	simm.s32 @!p0 $0x0  }
0x12: {  	s1 =	sld [smem:$0x3F99];
	s0 =	simm.s32 @p0 $0x1  }
0x13: {  	[smem:$0x3FB4] =	sst s0;
	s0 =	simm.s32 @!p1 $0x0  }
0x14: {  	s2 =	sld [smem:$0x3F98];
	s0 =	simm.s32 @p1 $0x1  }
0x15: {  	[smem:$0x3FB5] =	sst s0;
	s0 =	simm.s32 @!p2 $0x0  }
0x16: {  	s3 =	sld [smem:$0x3FDB];
	s0 =	simm.s32 @p2 $0x1  }
0x17: {  	s4 =	simm.s32 $0x1BF5;
	[smem:$0x3FB7] =	sst s0  }
0x18: {  	s0 =	sld [smem:$0x3F9A];
	_ =	swait.ge [sflag:s4], $0x0  }
0x19: {  	s7 =	sld [smem:$0x3F9B]  }
0x1a: {  	s8 =	sadd.s32 $0xFFFFE003, lr  }
0x1b: {  	s9 =	sadd.s32 $0xFFFFFEF7, lr;
	s5 =	simm.s32 $0xFFFFFFFF;
	p2 =	slt.u32 s8, $0xFFFFF086  }
0x1c: {  	p1 =	slt.u32 s9, $0xF7A;
	s5 =	simm.s32 @!p2 $0x0  }
0x1d: {  	s5 =	simm.s32 @p1 $0x1;
	p0 =	seq.s32 s7, s2  }
0x1e: {  	s7 =	smul.u32 @!p0 $0xF7A, s2;
	p2 =	seq.s32 @!p0 s5, $0x0  }
0x1f: {  	s9 =	smul.u32 $0xF7A, s1;
	s8 =	simm.s32 @!p0 $0x1BF5;
	p2 =	por !p2, p0  }
0x20: {  	[sflag:s8] =	ssyncset.s32 @!p0 $0xFFFFF086;
	s6 =	sadd.s32 @!p0 s3, s7;
	s7 =	simm.s32 @!p0 $0x108  }
0x21: {  	s3 =	sadd.s32 s3, s9;
	s6 =	sadd.s32 @!p0 $0x88, s6;
	s7 =	simm.s32 @p2 $0x1082  }
0x22: {  	[simem:s7], [sflag:s8] =	dma.local @!p0 [hbm:s6], $0xF7A  }
0x23: {  	s9 =	sor.u32 $0xD0000000, s2;
	s6 =	simm.s32 $0x108;
	_ =	swait.ge @!p0 [sflag:s8], $0x0  }
0x24: {  	s3 =	sadd.s32 $0x88, s3;
	s6 =	simm.s32 @!p1 $0x1082;
	[sflag:s4] =	ssyncset.s32 $0xFFFFF086  }
0x25: {  	[simem:s6], [sflag:s4] =	dma.local [hbm:s3], $0xF7A  }
0x26: {  	[smem:$0x3F9B] =	sst s1;
	(tag) =	ssettag s2;
	_ =	strace s9  }
0x27: {  	s1 =	sld [smem:$0x3FAB]  }
0x28: {  	s2 =	sld [smem:$0x3FAC]  }
0x29: {  	s4 =	sld [smem:$0x3FAE]  }
0x2a: {  	p0 =	seq.s32 s5, $0x0;
	s5 =	sld [smem:$0x3FAF]  }
0x2b: {  	s6 =	sld [smem:$0x3FB0]  }
0x2c: {  	s7 =	sld [smem:$0x3FB1]  }
0x2d: {  	s3 =	simm.s32 $0x108;
	s8 =	sld [smem:$0x3FB2]  }
0x2e: {  	s3 =	simm.s32 @!p0 $0x1082;
	s9 =	sld [smem:$0x3FB3]  }
0x2f: {  	lr =	sadd.s32 s0, s3;
	s0 =	sld [smem:$0x3FAA]  }
0x30: {  	s3 =	sld [smem:$0x3FAD]  }
0x31: {  	[smem:$0x3FB6] =	sst s10  }
0x32: {  	s10 =	sld [smem:$0x3FB4];
	_ =	sdelay $0x3  }
0x33: {  	p0 =	seq.s32 s10, $0x1;
	s10 =	sld [smem:$0x3FB6];
	_ =	sdelay $0x3  }
0x34: {  	[smem:$0x3FB6] =	sst s10  }
0x35: {  	s10 =	sld [smem:$0x3FB5];
	_ =	sdelay $0x3  }
0x36: {  	p1 =	seq.s32 s10, $0x1;
	s10 =	sld [smem:$0x3FB6];
	_ =	sdelay $0x3  }
0x37: {  	[smem:$0x3FB6] =	sst s10  }
0x38: {  	s10 =	sld [smem:$0x3FB7]  }
0x39: {  	_ = 	snop;
	(pc) =	sbr.ind lr, $3  }
0x3a: {  	_ = 	snop  }
0x3b: {  	_ = 	snop  }
0x3c: {  	p2 =	seq.s32 s10, $0x1;
	s10 =	sld [smem:$0x3FB6]  }
0x3d: {  	_ =	shalt  }
0x3e: {  	_ =	shalt  }
0x3f: {  	_ =	shalt  }
0x40: {  	_ =	shalt  }
0x41: {  	_ =	shalt  }
0x42: {  	_ =	shalt  }
0x43: {  	_ =	shalt  }
0x44: {  	_ =	shalt  }
0x45: {  	_ =	shalt  }
0x46: {  	_ =	shalt  }
0x47: {  	_ =	shalt  }
0x48: {  	_ =	shalt  }
0x49: {  	_ =	shalt  }
0x4a: {  	_ =	shalt  }
0x4b: {  	_ =	shalt  }
0x4c: {  	_ =	shalt  }
0x4d: {  	_ =	shalt  }
0x4e: {  	_ =	shalt  }
0x4f: {  	_ =	shalt  }
0x50: {  	_ =	shalt  }
0x51: {  	_ =	shalt  }
0x52: {  	_ =	shalt  }
0x53: {  	_ =	shalt  }
0x54: {  	_ =	shalt  }
0x55: {  	_ =	shalt  }
0x56: {  	_ =	shalt  }
0x57: {  	_ =	shalt  }
0x58: {  	_ =	shalt  }
0x59: {  	_ =	shalt  }
0x5a: {  	_ =	shalt  }
0x5b: {  	_ =	shalt  }
0x5c: {  	_ =	shalt  }
0x5d: {  	_ =	shalt  }
0x5e: {  	_ =	shalt  }
0x5f: {  	_ =	shalt  }
0x60: {  	_ =	shalt  }
0x61: {  	_ =	shalt  }
0x62: {  	_ =	shalt  }
0x63: {  	_ =	shalt  }
0x64: {  	_ =	shalt  }
0x65: {  	_ =	shalt  }
0x66: {  	_ =	shalt  }
0x67: {  	_ =	shalt  }
0x68: {  	_ =	shalt  }
0x69: {  	_ =	shalt  }
0x6a: {  	_ =	shalt  }
0x6b: {  	_ =	shalt  }
0x6c: {  	_ =	shalt  }
0x6d: {  	_ =	shalt  }
0x6e: {  	_ =	shalt  }
0x6f: {  	_ =	shalt  }
0x70: {  	_ =	shalt  }
0x71: {  	_ =	shalt  }
0x72: {  	_ =	shalt  }
0x73: {  	_ =	shalt  }
0x74: {  	_ =	shalt  }
0x75: {  	_ =	shalt  }
0x76: {  	_ =	shalt  }
0x77: {  	_ =	shalt  }
0x78: {  	_ =	shalt  }
0x79: {  	_ =	shalt  }
0x7a: {  	_ =	shalt  }
0x7b: {  	_ =	shalt  }
0x7c: {  	_ =	shalt  }
0x7d: {  	_ =	shalt  }
0x7e: {  	_ =	shalt  }
0x7f: {  	_ =	shalt  }
0x80: {  	_ =	shalt  }
0x81: {  	_ =	shalt  }
0x82: {  	_ =	shalt  }
0x83: {  	_ =	shalt  }
0x84: {  	_ =	shalt  }
0x85: {  	_ =	shalt  }
0x86: {  	_ =	shalt  }
0x87: {  	_ =	shalt  }
.Lfunc_end0:
.L_simem_size_0:
called_computation.2_lowered:
.L_overlay_start_0:
0x88: {  	s2 =	sld [smem:$0x3FD9]  }
0x89: {  	s3 =	sld [smem:$0x3FFE];
	_ =	sdelay $0x1  }
0x8a: {  	s1 =	srdreg.scid  }
0x8b: {  	s0 =	sand.u32 $0x1, s1  }
0x8c: {  	s16 =	sshll.u32 s0, $0xA;
	s2 =	sadd.s32 s3, s2  }
0x8d: {  	s2 =	sadd.s32 s2, s16  }
0x8e: {  	[smem:$0x3FC2] =	sst s2  }
0x8f: {  	_ = 	snop  }
0x90: {  	(tm) =	ssettm $0x1  }
0x91: {  	s17 =	sld [smem:$0x3FFB];
	_ =	sdelay $0x3  }
0x92: {  	_ =	strace s17  }
0x93: {  	s2 =	sld [smem:$0x3FFC];
	_ =	sdelay $0x3  }
0x94: {  	_ =	strace s2  }
0x95: {  	s2 =	sld [smem:$0x3FFD];
	_ =	sdelay $0x3  }
0x96: {  	_ =	strace s2  }
0x97: {  	_ =	strace $0x8FFFFFFF  }
0x98: {  	s18 =	sld [smem:$0x3FDB];
	_ =	sdelay $0x1  }
0x99: {  	s19 =	simm.s32 $_scs_section_size  }
0x9a: {  	s4 =	simm.s32 $_size__tile_overlayer_lowered;
	s5 =	simm.s32 $_tile_overlayer_lowered  }
0x9b: {  	s22 =	simm.s32 $0x1BFF;
	s21 =	sshll.u32 s5, $0x1;
	s2 =	sadd.s32 s19, s18  }
0x9c: {  	s6 =	simm.s32 $0x0;
	s20 =	sshll.u32 s4, $0x1;
	s4 =	sadd.s32 s21, s2  }
0x9d: {  	[timem:s6], [sflag:s22] =	dma.local [hbm:s4], s20  }
0x9e: {  	_ =	swait.ge [sflag:s22], s20  }
0x9f: {  	s3 =	ssub.s32 $0x0, s20;
	[sflag:s22] =	ssyncset.done $0x0  }
0xa0: {  	[sflag:s22] =	ssyncadd.s32 s3;
	_ =	sdelay $0x1  }
0xa1: {  	s23 =	simm.s32 $0x1B8B  }
0xa2: {  	_ =	swait.ge [sflag:s23], $0x1  }
0xa3: {  	[sflag:s23] =	ssyncset.done $0x0  }
0xa4: {  	s25 =	simm.s32 $0x1B8E;
	s24 =	sld [smem:$0x3FFE];
	[sflag:s23] =	ssyncadd.s32 $0xFFFFFFFF  }
0xa5: {  	s26 =	simm.s32 $execute0_lowered;
	[smem:$0x3FD2] =	sst s25  }
0xa6: {  	s4 =	sshll.u32 s26, $0x1;
	_ =	strace $0x8000004C;
	[dreg:$0x1] =	wrdreg $0xFFFFFFFF  }
0xa7: {  	s28 =	simm.s32 $_size_execute0_lowered;
	s2 =	sadd.s32 s2, s4;
	[dreg:$0x0] =	wrdreg $0x0  }
0xa8: {  	s4 =	sshll.u32 s28, $0x1;
	[dreg:$0x2] =	wrdreg s2  }
0xa9: {  	[dreg:$0x3] =	wrdreg s4  }
0xaa: {  	[dreg:$0x4] =	wrdreg $0xC0  }
0xab: {  	_ =	task [dreg:s6], $0x5FFFF  }
0xac: {  	[dreg:$0x1] =	wrdreg $0xFFFFFFFF  }
0xad: {  	[dreg:$0x0] =	wrdreg $0x60  }
0xae: {  	[dreg:$0x2] =	wrdreg s24  }
0xaf: {  	[dreg:$0x3] =	wrdreg $0x90000  }
0xb0: {  	[dreg:$0x4] =	wrdreg $0x9  }
0xb1: {  	_ =	task.clear_ibuf [dreg:s6], $0x5FFFF;
	_ =	strace $0x9000004C  }
0xb2: {  	s29 =	simm.s32 $0x9;
	_ =	strace $0x8000004E  }
0xb3: {  	_ =	swait.ge [sflag:s29], $0x1  }
0xb4: {  	[sflag:s29] =	ssyncadd.s32 $0xFFFFFFFF  }
0xb5: {  	_ =	strace $0x9000004E  }
0xb6: {  	_ =	sfence  }
0xb7: {  	s30 =	sld [smem:$0x0];
	_ =	sdelay $0x2  }
0xb8: {  	s31 =	sshll.u32 s1, $0xD;
	s1 =	sshrl.u32 s1, $0x2  }
0xb9: {  	s3 =	sand.u32 $0x4000, s31;
	s1 =	sadd.s32 s1, s30  }
0xba: {  	s0 =	sor.u32 s3, s0;
	s1 =	sshll.u32 s1, $0x11  }
0xbb: {  	s0 =	sor.u32 s1, s0  }
0xbc: {  	s0 =	sadd.s32 $0x8F2B, s0  }
0xbd: {  	[sflag:s0] =	ssyncadd.remote.s32 $0x1  }
0xbe: {  	_ =	sfence.sel $0xFFFF  }
0xbf: {  	[dreg:$0x0] =	wrdreg $0xFFFFFFFF;
	(pc) =	sbr.abs _section_cstart, $3  }
0xc0: {  	[dreg:$0x1] =	wrdreg $0xFFFFFFFF  }
0xc1: {  	_ =	task.clear_ibuf [dreg:s6], $0x2FFFF;
	_ =	strace $0x9FFFFFFF  }
0xc2: {  	(tm) =	ssettm $0x7FFFFFFF  }
0xc3: {  	_ =	shalt  }
tec
execute0_lowered:
.L_overlay_start_1:
0x0: {  	(tag) =	ssettag $0x1  }
0x1: {  	s0 =	srdreg.scid;
	s5 =	rddreg [dreg:$0x0]  }
0x2: {  	s3 =	stileid.u32;
	s2 =	rddreg [dreg:$0x1];
	s13 =	simm.s32 $0x0  }
0x3: {  	s14 =	simm.s32 $0x5000;
	s15 =	simm.s32 $0x11;
	s17 =	simm.s32 $0x80  }
0x4: {  	s18 =	simm.s32 $0x5800;
	s29 =	simm.s32 $0x8000;
	s31 =	simm.s32 $0x8800  }
0x5: {  	s16 =	simm.s32 $0x2;
	s28 =	simm.s32 $0x8;
	s30 =	simm.s32 $0x9  }
0x6: {  	s9 =	simm.s32 $0xD;
	s10 =	simm.s32 $0xE;
	s11 =	simm.s32 $0xF  }
0x7: {  	s12 =	simm.s32 $0x10;
	s0 =	sand.u32 $0x1, s0;
	s6 =	smul.u32 $0x2800, s3  }
0x8: {  	s1 =	sshll.u32 s3, $0x1;
	[smem:$0x7FF] =	sst s13;
	s8 =	smul.u32 $0xA000, s3  }
0x9: {  	s4 =	sadd.s32 $0x16000, s5;
	s1 =	sor.u32 s0, s1;
	s7 =	smul.u32 $0x28000, s0  }
0xa: {  	_ =	strace $0x8000004D;
	s0 =	ssub.s32 $0x2, s0;
	s1 =	smul.u32 $0x500, s1  }
0xb: {  	s8 =	sshrl.u32 s8, $0x2;
	s19 =	sshrl.u32 s0, $0x1;
	s20 =	sadd.s32 s6, s2  }
0xc: {  	s7 =	sadd.s32 s6, s7;
	s8 =	sadd.s32 s8, s2;
	s0 =	ssub.s32 s0, s19  }
0xd: {  	[dreg:$0x4] =	wrdreg s20;
	s20 =	simm.s32 $0x6000;
	s19 =	simm.s32 $0x3  }
0xe: {  	s6 =	simm.s32 $0xA;
	s1 =	sadd.s32 s1, s5;
	s21 =	sadd.s32 $0x800, s8  }
0xf: {  	s7 =	sshrl.u32 s7, $0x3;
	s22 =	sadd.s32 $0x1000, s8;
	[dreg:$0x5] =	wrdreg s21  }
0x10: {  	s23 =	sadd.s32 $0x1800, s8;
	s24 =	sadd.s32 $0x2000, s8;
	[dreg:$0x6] =	wrdreg s22  }
0x11: {  	s0 =	smax.u32 s0, $0x1;
	s8 =	simm.s32 $0xC;
	[dreg:$0x7] =	wrdreg s23  }
0x12: {  	s5 =	sadd.s32 s7, s5;
	[dreg:$0x8] =	wrdreg s24;
	s25 =	sadd.s32 $0x2000, s1  }
0x13: {  	s1 =	sadd.s32 $0xC000, s1;
	[dreg:$0xc] =	wrdreg s0;
	s22 =	simm.s32 $0x6800  }
0x14: {  	s24 =	simm.s32 $0x7000;
	s21 =	simm.s32 $0x4;
	s23 =	simm.s32 $0x5  }
0x15: {  	s0 =	simm.s32 $0x7;
	s7 =	simm.s32 $0xB;
	[dreg:$0x9] =	wrdreg s25  }
0x16: {  	[dreg:$0xa] =	wrdreg s1;
	s26 =	sadd.s32 $0x1B000, s5;
	s1 =	simm.s32 $0x1  }
0x17: {  	v0 =	vimm.f32 $0.0e+00;
	s25 =	simm.s32 $0x6;
	[dreg:$0xb] =	wrdreg s26;
	s26 =	simm.s32 $0x7800  }
.LBB2_1:
0x18: {  	[dreg:$0x3] =	wrdreg s13;
	s5 =	simm.s32 $0x40;
	s13 =	simm.s32 $0x0  }
.LBB2_2:
0x19: {  	p0 =	sne.s32 s5, $0x1FC0;
	[tilespmem:s13+$0x5000] =	vst v0;
	s13 =	smov.u32 s5;
	s5 =	sadd.s32 $0x40, s5  }
.Ltmp0:
0x1a: {  	(pc) =	sbr.rel @p0 .LBB2_2-.Ltmp0, $2  }
0x1b: {  	_ =	sdelay $0x2  }
0x1c: {  	s13 =	sshra.s32 s13, $0x2  }
0x1d: {  	[tilespmem:s13+$0x5000] =	vst v0;
	s3 =	rddreg [dreg:$0x4]  }
0x1e: {  	[spmem:s3] =	stream.linear.scatter [tilespmem:s14], [sflag:$0x11], $0x800, $0x38;
	[tilespmem:$0xB800] =	vst v63  }
0x1f: {  	_ =	swait.ge [sflag:s15], $0x800  }
0x20: {  	[sflag:s15] =	ssyncset.done $0x0  }
0x21: {  	s13 =	rddreg [dreg:$0x5];
	[sflag:s15] =	ssyncadd.s32 $0xFFFFF800  }
0x22: {  	[spmem:s13] =	stream.linear.scatter [tilespmem:s14], [sflag:$0x11], $0x800, $0x38;
	[tilespmem:$0xB800] =	vst v63  }
0x23: {  	_ =	swait.ge [sflag:s15], $0x800  }
0x24: {  	[sflag:s15] =	ssyncset.done $0x0  }
0x25: {  	s5 =	rddreg [dreg:$0x6];
	[sflag:s15] =	ssyncadd.s32 $0xFFFFF800  }
0x26: {  	[spmem:s5] =	stream.linear.scatter [tilespmem:s14], [sflag:$0x11], $0x800, $0x38;
	[tilespmem:$0xB800] =	vst v63  }
0x27: {  	_ =	swait.ge [sflag:s15], $0x800  }
0x28: {  	[sflag:s15] =	ssyncset.done $0x0  }
0x29: {  	s13 =	rddreg [dreg:$0x7];
	[sflag:s15] =	ssyncadd.s32 $0xFFFFF800  }
0x2a: {  	[spmem:s13] =	stream.linear.scatter [tilespmem:s14], [sflag:$0x11], $0x800, $0x38;
	[tilespmem:$0xB800] =	vst v63  }
0x2b: {  	_ =	swait.ge [sflag:s15], $0x800  }
0x2c: {  	[sflag:s15] =	ssyncset.done $0x0  }
0x2d: {  	s5 =	rddreg [dreg:$0x8];
	[sflag:s15] =	ssyncadd.s32 $0xFFFFF800  }
0x2e: {  	[spmem:s5] =	stream.linear.scatter [tilespmem:s14], [sflag:$0x11], $0x800, $0x38;
	[tilespmem:$0xB800] =	vst v63  }
0x2f: {  	_ =	swait.ge [sflag:s15], $0x800  }
0x30: {  	[sflag:s15] =	ssyncset.done $0x0  }
0x31: {  	s5 =	simm.s32 $0x0;
	s13 =	rddreg [dreg:$0x9];
	[sflag:s15] =	ssyncadd.s32 $0xFFFFF800  }
0x32: {  	[tilespmem:s5], [sflag:$0x11] =	stream.linear.gather [hbm4b:s13+s5], $0x2800, $0x38;
	[tilespmem:$0xB800] =	vst v63  }
0x33: {  	_ =	swait.ge [sflag:s15], $0x2800  }
0x34: {  	[sflag:s15] =	ssyncset.done $0x0  }
0x35: {  	s13 =	simm.s32 $0x2800;
	s3 =	rddreg [dreg:$0xa];
	[sflag:s15] =	ssyncadd.s32 $0xFFFFD800  }
0x36: {  	[tilespmem:s13], [sflag:$0x11] =	stream.linear.gather [hbm4b:s3+s5], $0x2800, $0x38;
	[tilespmem:$0xB800] =	vst v63  }
0x37: {  	_ =	swait.ge [sflag:s15], $0x2800  }
0x38: {  	[sflag:s15] =	ssyncset.done $0x0  }
0x39: {  	[sflag:s15] =	ssyncadd.s32 $0xFFFFD800  }
0x3a: {  	[bflag:$0x0] =	sbarrier.arrive $0xFFFF  }
0x3b: {  	[tilespmem:s14], [sflag:$0x1] =	stream.indirect.gather [hbm4b:s4+s17], $0x10, s5, s17, $0xb8;
	[tilespmem:$0xB800] =	vst v63  }
0x3c: {  	_ = 	snop  }
0x3d: {  	[tilespmem:s18], [sflag:$0x2] =	stream.indirect.gather [hbm4b:s4+s17], $0x10, s17, s17, $0xb8;
	[tilespmem:$0xB800] =	vst v63  }
0x3e: {  	s13 =	simm.s32 $0x100  }
0x3f: {  	[tilespmem:s20], [sflag:$0x3] =	stream.indirect.gather [hbm4b:s4+s17], $0x10, s13, s17, $0xb8;
	[tilespmem:$0xB800] =	vst v63  }
0x40: {  	s5 =	simm.s32 $0x180  }
0x41: {  	[tilespmem:s22], [sflag:$0x4] =	stream.indirect.gather [hbm4b:s4+s17], $0x10, s5, s17, $0xb8;
	[tilespmem:$0xB800] =	vst v63  }
0x42: {  	s13 =	simm.s32 $0x200  }
0x43: {  	[tilespmem:s24], [sflag:$0x5] =	stream.indirect.gather [hbm4b:s4+s17], $0x10, s13, s17, $0xb8;
	[tilespmem:$0xB800] =	vst v63  }
0x44: {  	s5 =	simm.s32 $0x280  }
0x45: {  	[tilespmem:s26], [sflag:$0x6] =	stream.indirect.gather [hbm4b:s4+s17], $0x10, s5, s17, $0xb8;
	[tilespmem:$0xB800] =	vst v63  }
0x46: {  	s13 =	simm.s32 $0x300  }
0x47: {  	[tilespmem:s29], [sflag:$0x7] =	stream.indirect.gather [hbm4b:s4+s17], $0x10, s13, s17, $0xb8;
	[tilespmem:$0xB800] =	vst v63  }
0x48: {  	s5 =	simm.s32 $0x380  }
0x49: {  	[tilespmem:s31], [sflag:$0x8] =	stream.indirect.gather [hbm4b:s4+s17], $0x10, s5, s17, $0xb8;
	[tilespmem:$0xB800] =	vst v63  }
0x4a: {  	_ =	swait.ge [sflag:s1], $0x800  }
0x4b: {  	[sflag:s1] =	ssyncset.done $0x0  }
0x4c: {  	s13 =	simm.s32 $0x2800;
	[sflag:s1] =	ssyncadd.s32 $0xFFFFF800  }
0x4d: {  	[spmem:s2] =	stream.indirect.scatter.add.f32 [tilespmem:s14], [sflag:$0x9], $0x10, s13, s17, $0xb8;
	[tilespmem:$0xB800] =	vst v63  }
0x4e: {  	_ =	swait.ge [sflag:s16], $0x800  }
0x4f: {  	[sflag:s16] =	ssyncset.done $0x0  }
0x50: {  	s3 =	simm.s32 $0x2880;
	[sflag:s16] =	ssyncadd.s32 $0xFFFFF800  }
0x51: {  	[spmem:s2] =	stream.indirect.scatter.add.f32 [tilespmem:s18], [sflag:$0xA], $0x10, s3, s17, $0xb8;
	[tilespmem:$0xB800] =	vst v63  }
0x52: {  	_ =	swait.ge [sflag:s19], $0x800  }
0x53: {  	[sflag:s19] =	ssyncset.done $0x0  }
0x54: {  	s13 =	simm.s32 $0x2900;
	[sflag:s19] =	ssyncadd.s32 $0xFFFFF800  }
0x55: {  	[spmem:s2] =	stream.indirect.scatter.add.f32 [tilespmem:s20], [sflag:$0xB], $0x10, s13, s17, $0xb8;
	[tilespmem:$0xB800] =	vst v63  }
0x56: {  	_ =	swait.ge [sflag:s21], $0x800  }
0x57: {  	[sflag:s21] =	ssyncset.done $0x0  }
0x58: {  	s3 =	simm.s32 $0x2980;
	[sflag:s21] =	ssyncadd.s32 $0xFFFFF800  }
0x59: {  	[spmem:s2] =	stream.indirect.scatter.add.f32 [tilespmem:s22], [sflag:$0xC], $0x10, s3, s17, $0xb8;
	[tilespmem:$0xB800] =	vst v63  }
0x5a: {  	_ =	swait.ge [sflag:s23], $0x800  }
0x5b: {  	[sflag:s23] =	ssyncset.done $0x0  }
0x5c: {  	s13 =	simm.s32 $0x2A00;
	[sflag:s23] =	ssyncadd.s32 $0xFFFFF800  }
0x5d: {  	[spmem:s2] =	stream.indirect.scatter.add.f32 [tilespmem:s24], [sflag:$0xD], $0x10, s13, s17, $0xb8;
	[tilespmem:$0xB800] =	vst v63  }
0x5e: {  	_ =	swait.ge [sflag:s25], $0x800  }
0x5f: {  	[sflag:s25] =	ssyncset.done $0x0  }
0x60: {  	s3 =	simm.s32 $0x2A80;
	[sflag:s25] =	ssyncadd.s32 $0xFFFFF800  }
0x61: {  	[spmem:s2] =	stream.indirect.scatter.add.f32 [tilespmem:s26], [sflag:$0xE], $0x10, s3, s17, $0xb8;
	[tilespmem:$0xB800] =	vst v63  }
0x62: {  	_ =	swait.ge [sflag:s0], $0x800  }
0x63: {  	[sflag:s0] =	ssyncset.done $0x0  }
0x64: {  	s13 =	simm.s32 $0x2B00;
	[sflag:s0] =	ssyncadd.s32 $0xFFFFF800  }
0x65: {  	[spmem:s2] =	stream.indirect.scatter.add.f32 [tilespmem:s29], [sflag:$0xF], $0x10, s13, s17, $0xb8;
	[tilespmem:$0xB800] =	vst v63  }
0x66: {  	_ =	swait.ge [sflag:s28], $0x800  }
0x67: {  	[sflag:s28] =	ssyncset.done $0x0  }
0x68: {  	s3 =	simm.s32 $0x2B80;
	[sflag:s28] =	ssyncadd.s32 $0xFFFFF800  }
0x69: {  	[spmem:s2] =	stream.indirect.scatter.add.f32 [tilespmem:s31], [sflag:$0x10], $0x10, s3, s17, $0xb8;
	[tilespmem:$0xB800] =	vst v63  }
0x6a: {  	_ =	swait.ge [sflag:s30], $0x800  }
0x6b: {  	[sflag:s30] =	ssyncset.done $0x0  }
0x6c: {  	s13 =	simm.s32 $0x400;
	[sflag:s30] =	ssyncadd.s32 $0xFFFFF800  }
0x6d: {  	[tilespmem:s14], [sflag:$0x1] =	stream.indirect.gather [hbm4b:s4+s17], $0x10, s13, s17, $0xb8;
	[tilespmem:$0xB800] =	vst v63  }
0x6e: {  	_ =	swait.ge [sflag:s6], $0x800  }
0x6f: {  	[sflag:s6] =	ssyncset.done $0x0  }
0x70: {  	s3 =	simm.s32 $0x480;
	[sflag:s6] =	ssyncadd.s32 $0xFFFFF800  }
0x71: {  	[tilespmem:s18], [sflag:$0x2] =	stream.indirect.gather [hbm4b:s4+s17], $0x10, s3, s17, $0xb8;
	[tilespmem:$0xB800] =	vst v63  }
0x72: {  	_ =	swait.ge [sflag:s7], $0x800  }
0x73: {  	[sflag:s7] =	ssyncset.done $0x0  }
0x74: {  	s13 =	simm.s32 $0x500;
	[sflag:s7] =	ssyncadd.s32 $0xFFFFF800  }
0x75: {  	[tilespmem:s20], [sflag:$0x3] =	stream.indirect.gather [hbm4b:s4+s17], $0x10, s13, s17, $0xb8;
	[tilespmem:$0xB800] =	vst v63  }
0x76: {  	_ =	swait.ge [sflag:s8], $0x800  }
0x77: {  	[sflag:s8] =	ssyncset.done $0x0  }
0x78: {  	s3 =	simm.s32 $0x580;
	[sflag:s8] =	ssyncadd.s32 $0xFFFFF800  }
0x79: {  	[tilespmem:s22], [sflag:$0x4] =	stream.indirect.gather [hbm4b:s4+s17], $0x10, s3, s17, $0xb8;
	[tilespmem:$0xB800] =	vst v63  }
0x7a: {  	_ =	swait.ge [sflag:s9], $0x800  }
0x7b: {  	[sflag:s9] =	ssyncset.done $0x0  }
0x7c: {  	s13 =	simm.s32 $0x600;
	[sflag:s9] =	ssyncadd.s32 $0xFFFFF800  }
0x7d: {  	[tilespmem:s24], [sflag:$0x5] =	stream.indirect.gather [hbm4b:s4+s17], $0x10, s13, s17, $0xb8;
	[tilespmem:$0xB800] =	vst v63  }
0x7e: {  	_ =	swait.ge [sflag:s10], $0x800  }
0x7f: {  	[sflag:s10] =	ssyncset.done $0x0  }
0x80: {  	s3 =	simm.s32 $0x680;
	[sflag:s10] =	ssyncadd.s32 $0xFFFFF800  }
0x81: {  	[tilespmem:s26], [sflag:$0x6] =	stream.indirect.gather [hbm4b:s4+s17], $0x10, s3, s17, $0xb8;
	[tilespmem:$0xB800] =	vst v63  }
0x82: {  	_ =	swait.ge [sflag:s11], $0x800  }
0x83: {  	[sflag:s11] =	ssyncset.done $0x0  }
0x84: {  	s13 =	simm.s32 $0x700;
	[sflag:s11] =	ssyncadd.s32 $0xFFFFF800  }
0x85: {  	[tilespmem:s29], [sflag:$0x7] =	stream.indirect.gather [hbm4b:s4+s17], $0x10, s13, s17, $0xb8;
	[tilespmem:$0xB800] =	vst v63  }
0x86: {  	_ =	swait.ge [sflag:s12], $0x800  }
0x87: {  	[sflag:s12] =	ssyncset.done $0x0  }
0x88: {  	s5 =	simm.s32 $0x780;
	s13 =	simm.s32 $0x1000;
	[sflag:s12] =	ssyncadd.s32 $0xFFFFF800  }
.LBB2_4:
0x89: {  	[tilespmem:s31], [sflag:$0x8] =	stream.indirect.gather [hbm4b:s4+s17], $0x10, s5, s17, $0xb8;
	[tilespmem:$0xB800] =	vst v63  }
0x8a: {  	s5 =	smov.u32 s13  }
0x8b: {  	p0 =	sne.s32 s13, $0x8000;
	s13 =	sadd.s32 $0x1000, s13;
	_ =	swait.ge [sflag:s1], $0x800  }
0x8c: {  	s5 =	sshra.s32 s5, $0x2;
	[sflag:s1] =	ssyncset.done $0x0  }
0x8d: {  	s3 =	sadd.s32 $0x2800, s5;
	[sflag:s1] =	ssyncadd.s32 $0xFFFFF800  }
0x8e: {  	[spmem:s2] =	stream.indirect.scatter.add.f32 [tilespmem:s14], [sflag:$0x9], $0x10, s3, s17, $0xb8;
	[tilespmem:$0xB800] =	vst v63  }
0x8f: {  	_ =	swait.ge [sflag:s16], $0x800  }
0x90: {  	[sflag:s16] =	ssyncset.done $0x0  }
0x91: {  	s3 =	sadd.s32 $0x2880, s5;
	[sflag:s16] =	ssyncadd.s32 $0xFFFFF800  }
0x92: {  	[spmem:s2] =	stream.indirect.scatter.add.f32 [tilespmem:s18], [sflag:$0xA], $0x10, s3, s17, $0xb8;
	[tilespmem:$0xB800] =	vst v63  }
0x93: {  	_ =	swait.ge [sflag:s19], $0x800  }
0x94: {  	[sflag:s19] =	ssyncset.done $0x0  }
0x95: {  	s3 =	sadd.s32 $0x2900, s5;
	[sflag:s19] =	ssyncadd.s32 $0xFFFFF800  }
0x96: {  	[spmem:s2] =	stream.indirect.scatter.add.f32 [tilespmem:s20], [sflag:$0xB], $0x10, s3, s17, $0xb8;
	[tilespmem:$0xB800] =	vst v63  }
0x97: {  	_ =	swait.ge [sflag:s21], $0x800  }
0x98: {  	[sflag:s21] =	ssyncset.done $0x0  }
0x99: {  	s3 =	sadd.s32 $0x2980, s5;
	[sflag:s21] =	ssyncadd.s32 $0xFFFFF800  }
0x9a: {  	[spmem:s2] =	stream.indirect.scatter.add.f32 [tilespmem:s22], [sflag:$0xC], $0x10, s3, s17, $0xb8;
	[tilespmem:$0xB800] =	vst v63  }
0x9b: {  	_ =	swait.ge [sflag:s23], $0x800  }
0x9c: {  	[sflag:s23] =	ssyncset.done $0x0  }
0x9d: {  	s3 =	sadd.s32 $0x2A00, s5;
	[sflag:s23] =	ssyncadd.s32 $0xFFFFF800  }
0x9e: {  	[spmem:s2] =	stream.indirect.scatter.add.f32 [tilespmem:s24], [sflag:$0xD], $0x10, s3, s17, $0xb8;
	[tilespmem:$0xB800] =	vst v63  }
0x9f: {  	_ =	swait.ge [sflag:s25], $0x800  }
0xa0: {  	[sflag:s25] =	ssyncset.done $0x0  }
0xa1: {  	s3 =	sadd.s32 $0x2A80, s5;
	[sflag:s25] =	ssyncadd.s32 $0xFFFFF800  }
0xa2: {  	[spmem:s2] =	stream.indirect.scatter.add.f32 [tilespmem:s26], [sflag:$0xE], $0x10, s3, s17, $0xb8;
	[tilespmem:$0xB800] =	vst v63  }
0xa3: {  	_ =	swait.ge [sflag:s0], $0x800  }
0xa4: {  	[sflag:s0] =	ssyncset.done $0x0  }
0xa5: {  	s3 =	sadd.s32 $0x2B00, s5;
	[sflag:s0] =	ssyncadd.s32 $0xFFFFF800  }
0xa6: {  	[spmem:s2] =	stream.indirect.scatter.add.f32 [tilespmem:s29], [sflag:$0xF], $0x10, s3, s17, $0xb8;
	[tilespmem:$0xB800] =	vst v63  }
0xa7: {  	_ =	swait.ge [sflag:s28], $0x800  }
0xa8: {  	[sflag:s28] =	ssyncset.done $0x0  }
0xa9: {  	s3 =	sadd.s32 $0x2B80, s5;
	[sflag:s28] =	ssyncadd.s32 $0xFFFFF800  }
0xaa: {  	[spmem:s2] =	stream.indirect.scatter.add.f32 [tilespmem:s31], [sflag:$0x10], $0x10, s3, s17, $0xb8;
	[tilespmem:$0xB800] =	vst v63  }
0xab: {  	_ =	swait.ge [sflag:s30], $0x800  }
0xac: {  	[sflag:s30] =	ssyncset.done $0x0  }
0xad: {  	s3 =	sadd.s32 $0x400, s5;
	[sflag:s30] =	ssyncadd.s32 $0xFFFFF800  }
0xae: {  	[tilespmem:s14], [sflag:$0x1] =	stream.indirect.gather [hbm4b:s4+s17], $0x10, s3, s17, $0xb8;
	[tilespmem:$0xB800] =	vst v63  }
0xaf: {  	_ =	swait.ge [sflag:s6], $0x800  }
0xb0: {  	[sflag:s6] =	ssyncset.done $0x0  }
0xb1: {  	s3 =	sadd.s32 $0x480, s5;
	[sflag:s6] =	ssyncadd.s32 $0xFFFFF800  }
0xb2: {  	[tilespmem:s18], [sflag:$0x2] =	stream.indirect.gather [hbm4b:s4+s17], $0x10, s3, s17, $0xb8;
	[tilespmem:$0xB800] =	vst v63  }
0xb3: {  	_ =	swait.ge [sflag:s7], $0x800  }
0xb4: {  	[sflag:s7] =	ssyncset.done $0x0  }
0xb5: {  	s3 =	sadd.s32 $0x500, s5;
	[sflag:s7] =	ssyncadd.s32 $0xFFFFF800  }
0xb6: {  	[tilespmem:s20], [sflag:$0x3] =	stream.indirect.gather [hbm4b:s4+s17], $0x10, s3, s17, $0xb8;
	[tilespmem:$0xB800] =	vst v63  }
0xb7: {  	_ =	swait.ge [sflag:s8], $0x800  }
0xb8: {  	[sflag:s8] =	ssyncset.done $0x0  }
0xb9: {  	s3 =	sadd.s32 $0x580, s5;
	[sflag:s8] =	ssyncadd.s32 $0xFFFFF800  }
0xba: {  	[tilespmem:s22], [sflag:$0x4] =	stream.indirect.gather [hbm4b:s4+s17], $0x10, s3, s17, $0xb8;
	[tilespmem:$0xB800] =	vst v63  }
0xbb: {  	_ =	swait.ge [sflag:s9], $0x800  }
0xbc: {  	[sflag:s9] =	ssyncset.done $0x0  }
0xbd: {  	s3 =	sadd.s32 $0x600, s5;
	[sflag:s9] =	ssyncadd.s32 $0xFFFFF800  }
0xbe: {  	[tilespmem:s24], [sflag:$0x5] =	stream.indirect.gather [hbm4b:s4+s17], $0x10, s3, s17, $0xb8;
	[tilespmem:$0xB800] =	vst v63  }
0xbf: {  	_ =	swait.ge [sflag:s10], $0x800  }
0xc0: {  	[sflag:s10] =	ssyncset.done $0x0  }
0xc1: {  	s3 =	sadd.s32 $0x680, s5;
	[sflag:s10] =	ssyncadd.s32 $0xFFFFF800  }
0xc2: {  	[tilespmem:s26], [sflag:$0x6] =	stream.indirect.gather [hbm4b:s4+s17], $0x10, s3, s17, $0xb8;
	[tilespmem:$0xB800] =	vst v63  }
0xc3: {  	_ =	swait.ge [sflag:s11], $0x800  }
0xc4: {  	[sflag:s11] =	ssyncset.done $0x0  }
.Ltmp1:
0xc5: {  	s3 =	sadd.s32 $0x700, s5;
	[sflag:s11] =	ssyncadd.s32 $0xFFFFF800;
	(pc) =	sbr.rel @p0 .LBB2_4-.Ltmp1, $4  }
0xc6: {  	[tilespmem:s29], [sflag:$0x7] =	stream.indirect.gather [hbm4b:s4+s17], $0x10, s3, s17, $0xb8;
	[tilespmem:$0xB800] =	vst v63  }
0xc7: {  	_ =	swait.ge [sflag:s12], $0x800  }
0xc8: {  	[sflag:s12] =	ssyncset.done $0x0  }
0xc9: {  	s5 =	sadd.s32 $0x780, s5;
	[sflag:s12] =	ssyncadd.s32 $0xFFFFF800  }
0xca: {  	[tilespmem:s31], [sflag:$0x8] =	stream.indirect.gather [hbm4b:s4+s17], $0x10, s5, s17, $0xb8;
	[tilespmem:$0xB800] =	vst v63  }
0xcb: {  	_ =	swait.ge [sflag:s1], $0x800  }
0xcc: {  	[sflag:s1] =	ssyncset.done $0x0  }
0xcd: {  	s3 =	simm.s32 $0x4C00;
	[sflag:s1] =	ssyncadd.s32 $0xFFFFF800  }
0xce: {  	[spmem:s2] =	stream.indirect.scatter.add.f32 [tilespmem:s14], [sflag:$0x9], $0x10, s3, s17, $0xb8;
	[tilespmem:$0xB800] =	vst v63  }
0xcf: {  	_ =	swait.ge [sflag:s16], $0x800  }
0xd0: {  	[sflag:s16] =	ssyncset.done $0x0  }
0xd1: {  	s13 =	simm.s32 $0x4C80;
	[sflag:s16] =	ssyncadd.s32 $0xFFFFF800  }
0xd2: {  	[spmem:s2] =	stream.indirect.scatter.add.f32 [tilespmem:s18], [sflag:$0xA], $0x10, s13, s17, $0xb8;
	[tilespmem:$0xB800] =	vst v63  }
0xd3: {  	_ =	swait.ge [sflag:s19], $0x800  }
0xd4: {  	[sflag:s19] =	ssyncset.done $0x0  }
0xd5: {  	s5 =	simm.s32 $0x4D00;
	[sflag:s19] =	ssyncadd.s32 $0xFFFFF800  }
0xd6: {  	[spmem:s2] =	stream.indirect.scatter.add.f32 [tilespmem:s20], [sflag:$0xB], $0x10, s5, s17, $0xb8;
	[tilespmem:$0xB800] =	vst v63  }
0xd7: {  	_ =	swait.ge [sflag:s21], $0x800  }
0xd8: {  	[sflag:s21] =	ssyncset.done $0x0  }
0xd9: {  	s13 =	simm.s32 $0x4D80;
	[sflag:s21] =	ssyncadd.s32 $0xFFFFF800  }
0xda: {  	[spmem:s2] =	stream.indirect.scatter.add.f32 [tilespmem:s22], [sflag:$0xC], $0x10, s13, s17, $0xb8;
	[tilespmem:$0xB800] =	vst v63  }
0xdb: {  	_ =	swait.ge [sflag:s23], $0x800  }
0xdc: {  	[sflag:s23] =	ssyncset.done $0x0  }
0xdd: {  	s5 =	simm.s32 $0x4E00;
	[sflag:s23] =	ssyncadd.s32 $0xFFFFF800  }
0xde: {  	[spmem:s2] =	stream.indirect.scatter.add.f32 [tilespmem:s24], [sflag:$0xD], $0x10, s5, s17, $0xb8;
	[tilespmem:$0xB800] =	vst v63  }
0xdf: {  	_ =	swait.ge [sflag:s25], $0x800  }
0xe0: {  	[sflag:s25] =	ssyncset.done $0x0  }
0xe1: {  	s13 =	simm.s32 $0x4E80;
	[sflag:s25] =	ssyncadd.s32 $0xFFFFF800  }
0xe2: {  	[spmem:s2] =	stream.indirect.scatter.add.f32 [tilespmem:s26], [sflag:$0xE], $0x10, s13, s17, $0xb8;
	[tilespmem:$0xB800] =	vst v63  }
0xe3: {  	_ =	swait.ge [sflag:s0], $0x800  }
0xe4: {  	[sflag:s0] =	ssyncset.done $0x0  }
0xe5: {  	s5 =	simm.s32 $0x4F00;
	[sflag:s0] =	ssyncadd.s32 $0xFFFFF800  }
0xe6: {  	[spmem:s2] =	stream.indirect.scatter.add.f32 [tilespmem:s29], [sflag:$0xF], $0x10, s5, s17, $0xb8;
	[tilespmem:$0xB800] =	vst v63  }
0xe7: {  	_ =	swait.ge [sflag:s28], $0x800  }
0xe8: {  	[sflag:s28] =	ssyncset.done $0x0  }
0xe9: {  	s13 =	simm.s32 $0x4F80;
	[sflag:s28] =	ssyncadd.s32 $0xFFFFF800  }
0xea: {  	[spmem:s2] =	stream.indirect.scatter.add.f32 [tilespmem:s31], [sflag:$0x10], $0x10, s13, s17, $0xb8;
	[tilespmem:$0xB800] =	vst v63  }
0xeb: {  	_ =	swait.ge [sflag:s30], $0x800  }
0xec: {  	[sflag:s30] =	ssyncset.done $0x0  }
0xed: {  	[sflag:s30] =	ssyncadd.s32 $0xFFFFF800  }
0xee: {  	_ =	swait.ge [sflag:s6], $0x800  }
0xef: {  	[sflag:s6] =	ssyncset.done $0x0  }
0xf0: {  	[sflag:s6] =	ssyncadd.s32 $0xFFFFF800  }
0xf1: {  	_ =	swait.ge [sflag:s7], $0x800  }
0xf2: {  	[sflag:s7] =	ssyncset.done $0x0  }
0xf3: {  	[sflag:s7] =	ssyncadd.s32 $0xFFFFF800  }
0xf4: {  	_ =	swait.ge [sflag:s8], $0x800  }
0xf5: {  	[sflag:s8] =	ssyncset.done $0x0  }
0xf6: {  	[sflag:s8] =	ssyncadd.s32 $0xFFFFF800  }
0xf7: {  	_ =	swait.ge [sflag:s9], $0x800  }
0xf8: {  	[sflag:s9] =	ssyncset.done $0x0  }
0xf9: {  	[sflag:s9] =	ssyncadd.s32 $0xFFFFF800  }
0xfa: {  	_ =	swait.ge [sflag:s10], $0x800  }
0xfb: {  	[sflag:s10] =	ssyncset.done $0x0  }
0xfc: {  	[sflag:s10] =	ssyncadd.s32 $0xFFFFF800  }
0xfd: {  	_ =	swait.ge [sflag:s11], $0x800  }
0xfe: {  	[sflag:s11] =	ssyncset.done $0x0  }
0xff: {  	[sflag:s11] =	ssyncadd.s32 $0xFFFFF800  }
0x100: {  	_ =	swait.ge [sflag:s12], $0x800  }
0x101: {  	[sflag:s12] =	ssyncset.done $0x0  }
0x102: {  	[sflag:s12] =	ssyncadd.s32 $0xFFFFF800  }
0x103: {  	s5 =	stileid.u32;
	[bflag:$0x0] =	sbarrier.arrive $0xFFFF  }
0x104: {  	s3 =	sshll.u32 s5, $0x6;
	s13 =	rddreg [dreg:$0x4]  }
0x105: {  	s3 =	sor.u32 $0x1C11, s3;
	s5 =	sshrl.u32 s13, $0x3;
	s13 =	rddreg [dreg:$0xb]  }
0x106: {  	[hbm:s13], [sflag:s3] =	dma.local [spmem:s5], $0x500  }
0x107: {  	_ =	swait.ge [sflag:s15], $0x500  }
0x108: {  	s3 =	rddreg [dreg:$0x3]  }
0x109: {  	s5 =	rddreg [dreg:$0xc];
	s13 =	sadd.s32 $0x1, s3  }
0x10a: {  	p0 =	sne.s32 s13, s5  }
.Ltmp2:
0x10b: {  	_ = 	snop;
	(pc) =	sbr.rel @p0 .LBB2_1-.Ltmp2, $3  }
0x10c: {  	_ =	sdelay $0x1  }
0x10d: {  	[sflag:s15] =	ssyncset.done $0x0  }
0x10e: {  	[sflag:s15] =	ssyncadd.s32 $0xFFFFFB00  }
0x10f: {  	_ =	sfence.sel $0x180000  }
0x110: {  	[bflag:$0x0] =	sbarrier.arrive $0xFFFF  }
0x111: {  	_ =	strace $0x9000004D  }
0x112: {  	s0 =	stileid.u32;
	[bflag:$0x2] =	sbarrier.arrive $0xFFFF  }
0x113: {  	p0 =	sne.s32 s0, $0x0;
	s0 =	rddreg [dreg:$0x2]  }
0x114: {  	s0 =	sadd.s32 @!p0 $0x100000, s0  }
0x115: {  	[sflag:s0] =	ssyncadd.tile.s32 @!p0 $0x1;
	_ =	shalt  }
.Lfunc_end2:
_tile_overlayer_lowered:
.L_overlay_start_2:
0x116: {  	(tag) =	ssettag $0x2  }
0x117: {  	s0 =	rddreg [dreg:$0x0];
	s2 =	stileid.u32  }
0x118: {  	s1 =	rddreg [dreg:$0x1];
	p0 =	sne.s32 s2, $0x0  }
0x119: {  	s3 =	rddreg [dreg:$0x2];
	[bflag:$0x3] =	sbarrier.arrive $0xFFFF;
	s2 =	simm.s32 @!p0 $0x1C11  }
0x11a: {  	[timem:s3], [sflag:s2] =	dma.local @!p0 [hbm:s0], s1  }
0x11b: {  	s0 =	simm.s32 @!p0 $0x11  }
0x11c: {  	_ =	swait.ge @!p0 [sflag:s0], s1  }
0x11d: {  	s1 =	ssub.s32 @!p0 $0x0, s1;
	[sflag:s0] =	ssyncset.done @!p0 $0x0  }
0x11e: {  	[sflag:s0] =	ssyncadd.s32 @!p0 s1  }
0x11f: {  	[bflag:$0x3] =	sbarrier.arrive $0xFFFF  }
0x120: {  	_ =	shalt  }

// kernel: kernel.8.cloned.1.call-start
scs
__scs_entry_jumppad:
0x0: {  	(pc) =	sbr.rel $0x88, $3  }
0x1: {  	(tag) =	ssettag $0x0;
	lr =	simm.s32 $0x1  }
0x2: {  	[smem:$0x3F9B] =	sst lr;
	_ =	strace $0xD0000000  }
0x3: {  	_ = 	snop  }
0x4: {  	_ = 	snop  }
0x5: {  	_ = 	snop  }
0x6: {  	_ = 	snop  }
0x7: {  	_ = 	snop  }
__scs_overlays_trampoline_lowered:
0x8: {  	[smem:$0x3FAA] =	sst s0  }
0x9: {  	[smem:$0x3FAB] =	sst s1  }
0xa: {  	[smem:$0x3FAC] =	sst s2  }
0xb: {  	[smem:$0x3FAD] =	sst s3  }
0xc: {  	[smem:$0x3FAE] =	sst s4  }
0xd: {  	[smem:$0x3FAF] =	sst s5  }
0xe: {  	[smem:$0x3FB0] =	sst s6  }
0xf: {  	[smem:$0x3FB1] =	sst s7  }
0x10: {  	[smem:$0x3FB2] =	sst s8  }
0x11: {  	[smem:$0x3FB3] =	sst s9;
	s0 =	simm.s32 @!p0 $0x0  }
0x12: {  	s1 =	sld [smem:$0x3F99];
	s0 =	simm.s32 @p0 $0x1  }
0x13: {  	[smem:$0x3FB4] =	sst s0;
	s0 =	simm.s32 @!p1 $0x0  }
0x14: {  	s2 =	sld [smem:$0x3F98];
	s0 =	simm.s32 @p1 $0x1  }
0x15: {  	[smem:$0x3FB5] =	sst s0;
	s0 =	simm.s32 @!p2 $0x0  }
0x16: {  	s3 =	sld [smem:$0x3FDB];
	s0 =	simm.s32 @p2 $0x1  }
0x17: {  	s4 =	simm.s32 $0x1BF5;
	[smem:$0x3FB7] =	sst s0  }
0x18: {  	s0 =	sld [smem:$0x3F9A];
	_ =	swait.ge [sflag:s4], $0x0  }
0x19: {  	s7 =	sld [smem:$0x3F9B]  }
0x1a: {  	s8 =	sadd.s32 $0xFFFFE003, lr  }
0x1b: {  	s9 =	sadd.s32 $0xFFFFFEF7, lr;
	s5 =	simm.s32 $0xFFFFFFFF;
	p2 =	slt.u32 s8, $0xFFFFF086  }
0x1c: {  	p1 =	slt.u32 s9, $0xF7A;
	s5 =	simm.s32 @!p2 $0x0  }
0x1d: {  	s5 =	simm.s32 @p1 $0x1;
	p0 =	seq.s32 s7, s2  }
0x1e: {  	s7 =	smul.u32 @!p0 $0xF7A, s2;
	p2 =	seq.s32 @!p0 s5, $0x0  }
0x1f: {  	s9 =	smul.u32 $0xF7A, s1;
	s8 =	simm.s32 @!p0 $0x1BF5;
	p2 =	por !p2, p0  }
0x20: {  	[sflag:s8] =	ssyncset.s32 @!p0 $0xFFFFF086;
	s6 =	sadd.s32 @!p0 s3, s7;
	s7 =	simm.s32 @!p0 $0x108  }
0x21: {  	s3 =	sadd.s32 s3, s9;
	s6 =	sadd.s32 @!p0 $0x88, s6;
	s7 =	simm.s32 @p2 $0x1082  }
0x22: {  	[simem:s7], [sflag:s8] =	dma.local @!p0 [hbm:s6], $0xF7A  }
0x23: {  	s9 =	sor.u32 $0xD0000000, s2;
	s6 =	simm.s32 $0x108;
	_ =	swait.ge @!p0 [sflag:s8], $0x0  }
0x24: {  	s3 =	sadd.s32 $0x88, s3;
	s6 =	simm.s32 @!p1 $0x1082;
	[sflag:s4] =	ssyncset.s32 $0xFFFFF086  }
0x25: {  	[simem:s6], [sflag:s4] =	dma.local [hbm:s3], $0xF7A  }
0x26: {  	[smem:$0x3F9B] =	sst s1;
	(tag) =	ssettag s2;
	_ =	strace s9  }
0x27: {  	s1 =	sld [smem:$0x3FAB]  }
0x28: {  	s2 =	sld [smem:$0x3FAC]  }
0x29: {  	s4 =	sld [smem:$0x3FAE]  }
0x2a: {  	p0 =	seq.s32 s5, $0x0;
	s5 =	sld [smem:$0x3FAF]  }
0x2b: {  	s6 =	sld [smem:$0x3FB0]  }
0x2c: {  	s7 =	sld [smem:$0x3FB1]  }
0x2d: {  	s3 =	simm.s32 $0x108;
	s8 =	sld [smem:$0x3FB2]  }
0x2e: {  	s3 =	simm.s32 @!p0 $0x1082;
	s9 =	sld [smem:$0x3FB3]  }
0x2f: {  	lr =	sadd.s32 s0, s3;
	s0 =	sld [smem:$0x3FAA]  }
0x30: {  	s3 =	sld [smem:$0x3FAD]  }
0x31: {  	[smem:$0x3FB6] =	sst s10  }
0x32: {  	s10 =	sld [smem:$0x3FB4];
	_ =	sdelay $0x3  }
0x33: {  	p0 =	seq.s32 s10, $0x1;
	s10 =	sld [smem:$0x3FB6];
	_ =	sdelay $0x3  }
0x34: {  	[smem:$0x3FB6] =	sst s10  }
0x35: {  	s10 =	sld [smem:$0x3FB5];
	_ =	sdelay $0x3  }
0x36: {  	p1 =	seq.s32 s10, $0x1;
	s10 =	sld [smem:$0x3FB6];
	_ =	sdelay $0x3  }
0x37: {  	[smem:$0x3FB6] =	sst s10  }
0x38: {  	s10 =	sld [smem:$0x3FB7]  }
0x39: {  	_ = 	snop;
	(pc) =	sbr.ind lr, $3  }
0x3a: {  	_ = 	snop  }
0x3b: {  	_ = 	snop  }
0x3c: {  	p2 =	seq.s32 s10, $0x1;
	s10 =	sld [smem:$0x3FB6]  }
0x3d: {  	_ =	shalt  }
0x3e: {  	_ =	shalt  }
0x3f: {  	_ =	shalt  }
0x40: {  	_ =	shalt  }
0x41: {  	_ =	shalt  }
0x42: {  	_ =	shalt  }
0x43: {  	_ =	shalt  }
0x44: {  	_ =	shalt  }
0x45: {  	_ =	shalt  }
0x46: {  	_ =	shalt  }
0x47: {  	_ =	shalt  }
0x48: {  	_ =	shalt  }
0x49: {  	_ =	shalt  }
0x4a: {  	_ =	shalt  }
0x4b: {  	_ =	shalt  }
0x4c: {  	_ =	shalt  }
0x4d: {  	_ =	shalt  }
0x4e: {  	_ =	shalt  }
0x4f: {  	_ =	shalt  }
0x50: {  	_ =	shalt  }
0x51: {  	_ =	shalt  }
0x52: {  	_ =	shalt  }
0x53: {  	_ =	shalt  }
0x54: {  	_ =	shalt  }
0x55: {  	_ =	shalt  }
0x56: {  	_ =	shalt  }
0x57: {  	_ =	shalt  }
0x58: {  	_ =	shalt  }
0x59: {  	_ =	shalt  }
0x5a: {  	_ =	shalt  }
0x5b: {  	_ =	shalt  }
0x5c: {  	_ =	shalt  }
0x5d: {  	_ =	shalt  }
0x5e: {  	_ =	shalt  }
0x5f: {  	_ =	shalt  }
0x60: {  	_ =	shalt  }
0x61: {  	_ =	shalt  }
0x62: {  	_ =	shalt  }
0x63: {  	_ =	shalt  }
0x64: {  	_ =	shalt  }
0x65: {  	_ =	shalt  }
0x66: {  	_ =	shalt  }
0x67: {  	_ =	shalt  }
0x68: {  	_ =	shalt  }
0x69: {  	_ =	shalt  }
0x6a: {  	_ =	shalt  }
0x6b: {  	_ =	shalt  }
0x6c: {  	_ =	shalt  }
0x6d: {  	_ =	shalt  }
0x6e: {  	_ =	shalt  }
0x6f: {  	_ =	shalt  }
0x70: {  	_ =	shalt  }
0x71: {  	_ =	shalt  }
0x72: {  	_ =	shalt  }
0x73: {  	_ =	shalt  }
0x74: {  	_ =	shalt  }
0x75: {  	_ =	shalt  }
0x76: {  	_ =	shalt  }
0x77: {  	_ =	shalt  }
0x78: {  	_ =	shalt  }
0x79: {  	_ =	shalt  }
0x7a: {  	_ =	shalt  }
0x7b: {  	_ =	shalt  }
0x7c: {  	_ =	shalt  }
0x7d: {  	_ =	shalt  }
0x7e: {  	_ =	shalt  }
0x7f: {  	_ =	shalt  }
0x80: {  	_ =	shalt  }
0x81: {  	_ =	shalt  }
0x82: {  	_ =	shalt  }
0x83: {  	_ =	shalt  }
0x84: {  	_ =	shalt  }
0x85: {  	_ =	shalt  }
0x86: {  	_ =	shalt  }
0x87: {  	_ =	shalt  }
.Lfunc_end0:
.L_simem_size_0:
called_computation_lowered:
.L_overlay_start_0:
0x88: {  	s2 =	sld [smem:$0x3FD9]  }
0x89: {  	s3 =	sld [smem:$0x3FFE];
	_ =	sdelay $0x1  }
0x8a: {  	s1 =	srdreg.scid  }
0x8b: {  	s0 =	sand.u32 $0x1, s1  }
0x8c: {  	s17 =	sshll.u32 s0, $0xA;
	s2 =	sadd.s32 s3, s2  }
0x8d: {  	s2 =	sadd.s32 s2, s17  }
0x8e: {  	[smem:$0x3FC2] =	sst s2  }
0x8f: {  	_ = 	snop  }
0x90: {  	s2 =	sld [smem:$0x3FD0];
	(tm) =	ssettm $0x1  }
0x91: {  	s18 =	sld [smem:$0x3FFB];
	_ =	sdelay $0x3  }
0x92: {  	_ =	strace s18  }
0x93: {  	s3 =	sld [smem:$0x3FFC];
	_ =	sdelay $0x3  }
0x94: {  	_ =	strace s3  }
0x95: {  	s3 =	sld [smem:$0x3FFD];
	_ =	sdelay $0x3  }
0x96: {  	_ =	strace s3  }
0x97: {  	_ =	strace $0x8FFFFFFF  }
0x98: {  	s19 =	sld [smem:$0x3FDB];
	_ =	sdelay $0x1  }
0x99: {  	s4 =	simm.s32 $_scs_section_size  }
0x9a: {  	s5 =	simm.s32 $_size__tile_overlayer_lowered;
	s6 =	simm.s32 $_tile_overlayer_lowered  }
0x9b: {  	s22 =	simm.s32 $0x1BFF;
	s21 =	sshll.u32 s6, $0x1;
	s3 =	sadd.s32 s4, s19  }
0x9c: {  	s7 =	simm.s32 $0x0;
	s20 =	sshll.u32 s5, $0x1;
	s5 =	sadd.s32 s21, s3  }
0x9d: {  	[timem:s7], [sflag:s22] =	dma.local [hbm:s5], s20  }
0x9e: {  	_ =	swait.ge [sflag:s22], s20  }
0x9f: {  	s4 =	ssub.s32 $0x0, s20;
	[sflag:s22] =	ssyncset.done $0x0  }
0xa0: {  	[sflag:s22] =	ssyncadd.s32 s4;
	_ =	sdelay $0x1  }
0xa1: {  	s23 =	simm.s32 $0x1B8B  }
0xa2: {  	_ =	swait.ge [sflag:s23], $0x1  }
0xa3: {  	[sflag:s23] =	ssyncset.done $0x0  }
0xa4: {  	s25 =	simm.s32 $0x1B8E;
	s24 =	sld [smem:$0x3FFE];
	[sflag:s23] =	ssyncadd.s32 $0xFFFFFFFF  }
0xa5: {  	s26 =	simm.s32 $execute0_lowered;
	[smem:$0x3FD2] =	sst s25  }
0xa6: {  	s5 =	sshll.u32 s26, $0x1;
	_ =	strace $0x80000046;
	[dreg:$0x1] =	wrdreg $0xFFFFFFFF  }
0xa7: {  	s28 =	simm.s32 $_size_execute0_lowered;
	s3 =	sadd.s32 s3, s5;
	[dreg:$0x0] =	wrdreg $0x0  }
0xa8: {  	s5 =	sshll.u32 s28, $0x1;
	[dreg:$0x2] =	wrdreg s3  }
0xa9: {  	[dreg:$0x3] =	wrdreg s5  }
0xaa: {  	[dreg:$0x4] =	wrdreg $0xC0  }
0xab: {  	_ =	task [dreg:s7], $0x5FFFF  }
0xac: {  	[dreg:$0x1] =	wrdreg $0xFFFFFFFF  }
0xad: {  	[dreg:$0x0] =	wrdreg $0x60  }
0xae: {  	[dreg:$0x2] =	wrdreg s24  }
0xaf: {  	[dreg:$0x3] =	wrdreg s2  }
0xb0: {  	[dreg:$0x4] =	wrdreg $0x53000  }
0xb1: {  	[dreg:$0x5] =	wrdreg $0x9  }
0xb2: {  	_ =	task.clear_ibuf [dreg:s7], $0x6FFFF;
	_ =	strace $0x90000046  }
0xb3: {  	s29 =	simm.s32 $0x9;
	_ =	strace $0x80000048  }
0xb4: {  	_ =	swait.ge [sflag:s29], $0x1  }
0xb5: {  	[sflag:s29] =	ssyncadd.s32 $0xFFFFFFFF  }
0xb6: {  	_ =	strace $0x90000048  }
0xb7: {  	_ =	sfence  }
0xb8: {  	s30 =	sld [smem:$0x0];
	_ =	sdelay $0x2  }
0xb9: {  	s31 =	sshll.u32 s1, $0xD;
	s1 =	sshrl.u32 s1, $0x2  }
0xba: {  	s3 =	sand.u32 $0x4000, s31;
	s1 =	sadd.s32 s1, s30  }
0xbb: {  	s0 =	sor.u32 s3, s0;
	s1 =	sshll.u32 s1, $0x11  }
0xbc: {  	s0 =	sor.u32 s1, s0  }
0xbd: {  	s0 =	sadd.s32 $0x8F2B, s0  }
0xbe: {  	[sflag:s0] =	ssyncadd.remote.s32 $0x1  }
0xbf: {  	_ =	sfence.sel $0xFFFF  }
0xc0: {  	[dreg:$0x0] =	wrdreg $0xFFFFFFFF;
	(pc) =	sbr.abs _section_cstart, $3  }
0xc1: {  	[dreg:$0x1] =	wrdreg $0xFFFFFFFF  }
0xc2: {  	_ =	task.clear_ibuf [dreg:s7], $0x2FFFF;
	_ =	strace $0x9FFFFFFF  }
0xc3: {  	(tm) =	ssettm $0x7FFFFFFF  }
tec
execute0_lowered:
.L_overlay_start_1:
0x0: {  	(tag) =	ssettag $0x1  }
0x1: {  	s4 =	rddreg [dreg:$0x0]  }
0x2: {  	s6 =	rddreg [dreg:$0x1]  }
0x3: {  	s2 =	rddreg [dreg:$0x2]  }
0x4: {  	s0 =	rddreg [dreg:$0x3]  }
0x5: {  	s1 =	stileid.u32;
	s5 =	srdreg.scid;
	s3 =	simm.s32 $0x0  }
0x6: {  	s11 =	simm.s32 $0x5000;
	s12 =	simm.s32 $0x1;
	s7 =	smul.u32 $0xA00, s1  }
0x7: {  	s8 =	sand.u32 $0x1, s5;
	[smem:$0x7FF] =	sst s3;
	s9 =	smul.u32 $0x280, s1  }
0x8: {  	s13 =	sshll.u32 s1, $0x6;
	s5 =	ssub.s32 $0x2, s8;
	_ =	strace $0x80000047  }
.Ltmp0:
0x9: {  	p0 =	sne.s32 s8, $0x0;
	s8 =	simm.s32 $0x5080;
	(pc) =	sbr.rel .LBB2_1-.Ltmp0, $4  }
0xa: {  	s13 =	sor.u32 $0x1C02, s13;
	s7 =	sadd.s32 s7, s4;
	s31 =	sshrl.u32 s5, $0x1  }
0xb: {  	s4 =	sadd.s32 s9, s2;
	s9 =	sshrl.u32 s9, $0x3;
	s10 =	ssub.s32 s5, s31  }
0xc: {  	s5 =	sadd.s32 $0xC000, s7;
	s6 =	sadd.s32 s6, s9;
	s9 =	simm.s32 $0x2  }
0xd: {  	v0 =	vimm.f32 $1.000000000e+00;
	v1 =	vimm.f32 $0.0e+00;
	s14 =	sshrl.u32 s4, $0x3;
	s7 =	smax.u32 s10, $0x1;
	s10 =	simm.s32 $0x80  }
.LBB2_4:
0xe: {  	s15 =	sshra.s32 s15, $0x2;
	[sflag:s12] =	ssyncadd.s32 $0xFFFFFF80  }
0xf: {  	[spmem:s2] =	stream.indirect.scatter.add.f32 [tilespmem:s11], [sflag:$0x1], $0x1, s15, s10, $0xb8;
	[tilespmem:$0x5580] =	vst v63  }
0x10: {  	s16 =	sadd.s32 $0x80, s15  }
0x11: {  	[spmem:s2] =	stream.indirect.scatter.add.f32 [tilespmem:s11], [sflag:$0x1], $0x1, s16, s10, $0xb8;
	[tilespmem:$0x5580] =	vst v63  }
0x12: {  	s26 =	sadd.s32 $0x100, s15  }
0x13: {  	[spmem:s2] =	stream.indirect.scatter.add.f32 [tilespmem:s11], [sflag:$0x1], $0x1, s26, s10, $0xb8;
	[tilespmem:$0x5580] =	vst v63  }
0x14: {  	s28 =	sadd.s32 $0x180, s15  }
0x15: {  	[spmem:s2] =	stream.indirect.scatter.add.f32 [tilespmem:s11], [sflag:$0x1], $0x1, s28, s10, $0xb8;
	[tilespmem:$0x5580] =	vst v63  }
0x16: {  	s29 =	sadd.s32 $0x200, s15  }
0x17: {  	[spmem:s2] =	stream.indirect.scatter.add.f32 [tilespmem:s11], [sflag:$0x1], $0x1, s29, s10, $0xb8;
	[tilespmem:$0x5580] =	vst v63  }
0x18: {  	s30 =	sadd.s32 $0x280, s15  }
0x19: {  	[spmem:s2] =	stream.indirect.scatter.add.f32 [tilespmem:s11], [sflag:$0x1], $0x1, s30, s10, $0xb8;
	[tilespmem:$0x5580] =	vst v63  }
0x1a: {  	s31 =	sadd.s32 $0x300, s15  }
0x1b: {  	[spmem:s2] =	stream.indirect.scatter.add.f32 [tilespmem:s11], [sflag:$0x1], $0x1, s31, s10, $0xb8;
	[tilespmem:$0x5580] =	vst v63  }
0x1c: {  	s15 =	sadd.s32 $0x380, s15  }
0x1d: {  	[spmem:s2] =	stream.indirect.scatter.add.f32 [tilespmem:s11], [sflag:$0x1], $0x1, s15, s10, $0xb8;
	[tilespmem:$0x5580] =	vst v63  }
0x1e: {  	_ =	swait.ge [sflag:s12], $0x80  }
0x1f: {  	[sflag:s12] =	ssyncset.done $0x0  }
0x20: {  	[sflag:s12] =	ssyncadd.s32 $0xFFFFFF80  }
0x21: {  	_ =	swait.ge [sflag:s12], $0x80  }
0x22: {  	[sflag:s12] =	ssyncset.done $0x0  }
0x23: {  	[sflag:s12] =	ssyncadd.s32 $0xFFFFFF80  }
0x24: {  	_ =	swait.ge [sflag:s12], $0x80  }
0x25: {  	[sflag:s12] =	ssyncset.done $0x0  }
0x26: {  	[sflag:s12] =	ssyncadd.s32 $0xFFFFFF80  }
0x27: {  	_ =	swait.ge [sflag:s12], $0x80  }
0x28: {  	[sflag:s12] =	ssyncset.done $0x0  }
0x29: {  	[sflag:s12] =	ssyncadd.s32 $0xFFFFFF80  }
0x2a: {  	_ =	swait.ge [sflag:s12], $0x80  }
0x2b: {  	[sflag:s12] =	ssyncset.done $0x0  }
0x2c: {  	[sflag:s12] =	ssyncadd.s32 $0xFFFFFF80  }
0x2d: {  	_ =	swait.ge [sflag:s12], $0x80  }
0x2e: {  	[sflag:s12] =	ssyncset.done $0x0  }
0x2f: {  	[sflag:s12] =	ssyncadd.s32 $0xFFFFFF80  }
0x30: {  	_ =	swait.ge [sflag:s12], $0x80  }
0x31: {  	[sflag:s12] =	ssyncset.done $0x0  }
0x32: {  	[sflag:s12] =	ssyncadd.s32 $0xFFFFFF80  }
0x33: {  	_ =	swait.ge [sflag:s12], $0x80  }
0x34: {  	[sflag:s12] =	ssyncset.done $0x0  }
0x35: {  	[sflag:s12] =	ssyncadd.s32 $0xFFFFFF80  }
0x36: {  	[bflag:$0x0] =	sbarrier.arrive $0xFFFF  }
0x37: {  	[hbm:s6], [sflag:s13] =	dma.local [spmem:s14], $0x50  }
0x38: {  	_ =	swait.ge [sflag:s9], $0x50  }
0x39: {  	[sflag:s9] =	ssyncset.done $0x0  }
0x3a: {  	[sflag:s9] =	ssyncadd.s32 $0xFFFFFFB0  }
.LBB2_5:
0x3b: {  	s3 =	sadd.s32 $0x1, s3  }
0x3c: {  	p1 =	sne.s32 s3, s7  }
.Ltmp1:
0x3d: {  	_ = 	snop;
	(pc) =	sbr.rel @!p1 .LBB2_6-.Ltmp1, $1  }
0x3e: {  	_ =	sdelay $0x3  }
.LBB2_1:
0x3f: {  	[tilespmem:$0x5000] =	vst v0  }
0x40: {  	[tilespmem:$0x5010] =	vst v0  }
0x41: {  	[tilespmem:$0x5020] =	vst v0  }
0x42: {  	[tilespmem:$0x5030] =	vst v0  }
0x43: {  	[tilespmem:$0x5040] =	vst v0  }
0x44: {  	[tilespmem:$0x5050] =	vst v0  }
0x45: {  	[tilespmem:$0x5060] =	vst v0  }
0x46: {  	[tilespmem:$0x5070] =	vst v0  }
0x47: {  	[tilespmem:$0x5080] =	vst v1  }
0x48: {  	[tilespmem:$0x5090] =	vst v1  }
0x49: {  	[tilespmem:$0x50A0] =	vst v1  }
0x4a: {  	[tilespmem:$0x50B0] =	vst v1  }
0x4b: {  	[tilespmem:$0x50C0] =	vst v1  }
0x4c: {  	[tilespmem:$0x50D0] =	vst v1  }
0x4d: {  	[tilespmem:$0x50E0] =	vst v1  }
0x4e: {  	[tilespmem:$0x50F0] =	vst v1  }
0x4f: {  	[tilespmem:$0x5100] =	vst v1  }
0x50: {  	[tilespmem:$0x5110] =	vst v1  }
0x51: {  	[tilespmem:$0x5120] =	vst v1  }
0x52: {  	[tilespmem:$0x5130] =	vst v1  }
0x53: {  	[tilespmem:$0x5140] =	vst v1  }
0x54: {  	[tilespmem:$0x5150] =	vst v1  }
0x55: {  	[tilespmem:$0x5160] =	vst v1  }
0x56: {  	[tilespmem:$0x5170] =	vst v1  }
0x57: {  	[tilespmem:$0x5180] =	vst v1  }
0x58: {  	[tilespmem:$0x5190] =	vst v1  }
0x59: {  	[tilespmem:$0x51A0] =	vst v1  }
0x5a: {  	[tilespmem:$0x51B0] =	vst v1  }
0x5b: {  	[tilespmem:$0x51C0] =	vst v1  }
0x5c: {  	[tilespmem:$0x51D0] =	vst v1  }
0x5d: {  	[tilespmem:$0x51E0] =	vst v1  }
0x5e: {  	[tilespmem:$0x51F0] =	vst v1  }
0x5f: {  	[tilespmem:$0x5200] =	vst v1  }
0x60: {  	[tilespmem:$0x5210] =	vst v1  }
0x61: {  	[tilespmem:$0x5220] =	vst v1  }
0x62: {  	[tilespmem:$0x5230] =	vst v1  }
0x63: {  	[tilespmem:$0x5240] =	vst v1  }
0x64: {  	[tilespmem:$0x5250] =	vst v1  }
0x65: {  	[tilespmem:$0x5260] =	vst v1  }
0x66: {  	[tilespmem:$0x5270] =	vst v1  }
0x67: {  	[tilespmem:$0x5280] =	vst v1  }
0x68: {  	[tilespmem:$0x5290] =	vst v1  }
0x69: {  	[tilespmem:$0x52A0] =	vst v1  }
.Ltmp2:
0x6a: {  	[tilespmem:$0x52B0] =	vst v1;
	(pc) =	sbr.rel @p0 .LBB2_5-.Ltmp2, $4  }
0x6b: {  	[tilespmem:$0x52C0] =	vst v1  }
0x6c: {  	[tilespmem:$0x52D0] =	vst v1  }
0x6d: {  	[tilespmem:$0x52E0] =	vst v1  }
0x6e: {  	[tilespmem:$0x52F0] =	vst v1  }
0x6f: {  	[spmem:s4] =	stream.linear.scatter [tilespmem:s8], [sflag:$0x2], $0x280, $0x38;
	[tilespmem:$0x5580] =	vst v63  }
0x70: {  	_ =	swait.ge [sflag:s9], $0x280  }
0x71: {  	[sflag:s9] =	ssyncset.done $0x0  }
0x72: {  	[sflag:s9] =	ssyncadd.s32 $0xFFFFFD80  }
0x73: {  	s15 =	simm.s32 $0x0;
	[bflag:$0x0] =	sbarrier.arrive $0xFFFF  }
0x74: {  	[tilespmem:s15], [sflag:$0x2] =	stream.linear.gather [hbm4b:s5+s15], $0x5000, $0x38;
	[tilespmem:$0x5580] =	vst v63  }
0x75: {  	_ =	swait.ge [sflag:s9], $0x5000  }
0x76: {  	[sflag:s9] =	ssyncset.done $0x0  }
0x77: {  	s23 =	simm.s32 $0x0;
	[sflag:s9] =	ssyncadd.s32 $0xFFFFB000  }
0x78: {  	[spmem:s2] =	stream.indirect.scatter.add.f32 [tilespmem:s11], [sflag:$0x1], $0x1, s23, s10, $0xb8;
	[tilespmem:$0x5580] =	vst v63  }
0x79: {  	s24 =	simm.s32 $0x80  }
0x7a: {  	[spmem:s2] =	stream.indirect.scatter.add.f32 [tilespmem:s11], [sflag:$0x1], $0x1, s24, s10, $0xb8;
	[tilespmem:$0x5580] =	vst v63  }
0x7b: {  	s25 =	simm.s32 $0x100  }
0x7c: {  	[spmem:s2] =	stream.indirect.scatter.add.f32 [tilespmem:s11], [sflag:$0x1], $0x1, s25, s10, $0xb8;
	[tilespmem:$0x5580] =	vst v63  }
0x7d: {  	s26 =	simm.s32 $0x180  }
0x7e: {  	[spmem:s2] =	stream.indirect.scatter.add.f32 [tilespmem:s11], [sflag:$0x1], $0x1, s26, s10, $0xb8;
	[tilespmem:$0x5580] =	vst v63  }
0x7f: {  	s28 =	simm.s32 $0x200  }
0x80: {  	[spmem:s2] =	stream.indirect.scatter.add.f32 [tilespmem:s11], [sflag:$0x1], $0x1, s28, s10, $0xb8;
	[tilespmem:$0x5580] =	vst v63  }
0x81: {  	s29 =	simm.s32 $0x280  }
0x82: {  	[spmem:s2] =	stream.indirect.scatter.add.f32 [tilespmem:s11], [sflag:$0x1], $0x1, s29, s10, $0xb8;
	[tilespmem:$0x5580] =	vst v63  }
0x83: {  	s30 =	simm.s32 $0x300  }
0x84: {  	[spmem:s2] =	stream.indirect.scatter.add.f32 [tilespmem:s11], [sflag:$0x1], $0x1, s30, s10, $0xb8;
	[tilespmem:$0x5580] =	vst v63  }
0x85: {  	s31 =	simm.s32 $0x380  }
0x86: {  	[spmem:s2] =	stream.indirect.scatter.add.f32 [tilespmem:s11], [sflag:$0x1], $0x1, s31, s10, $0xb8;
	[tilespmem:$0x5580] =	vst v63  }
0x87: {  	_ =	swait.ge [sflag:s12], $0x80  }
0x88: {  	[sflag:s12] =	ssyncset.done $0x0  }
0x89: {  	[sflag:s12] =	ssyncadd.s32 $0xFFFFFF80  }
0x8a: {  	_ =	swait.ge [sflag:s12], $0x80  }
0x8b: {  	[sflag:s12] =	ssyncset.done $0x0  }
0x8c: {  	[sflag:s12] =	ssyncadd.s32 $0xFFFFFF80  }
0x8d: {  	_ =	swait.ge [sflag:s12], $0x80  }
0x8e: {  	[sflag:s12] =	ssyncset.done $0x0  }
0x8f: {  	[sflag:s12] =	ssyncadd.s32 $0xFFFFFF80  }
0x90: {  	_ =	swait.ge [sflag:s12], $0x80  }
0x91: {  	[sflag:s12] =	ssyncset.done $0x0  }
0x92: {  	[sflag:s12] =	ssyncadd.s32 $0xFFFFFF80  }
0x93: {  	_ =	swait.ge [sflag:s12], $0x80  }
0x94: {  	[sflag:s12] =	ssyncset.done $0x0  }
0x95: {  	[sflag:s12] =	ssyncadd.s32 $0xFFFFFF80  }
0x96: {  	_ =	swait.ge [sflag:s12], $0x80  }
0x97: {  	[sflag:s12] =	ssyncset.done $0x0  }
0x98: {  	[sflag:s12] =	ssyncadd.s32 $0xFFFFFF80  }
0x99: {  	_ =	swait.ge [sflag:s12], $0x80  }
0x9a: {  	[sflag:s12] =	ssyncset.done $0x0  }
0x9b: {  	[sflag:s12] =	ssyncadd.s32 $0xFFFFFF80  }
0x9c: {  	_ =	swait.ge [sflag:s12], $0x80  }
0x9d: {  	s17 =	simm.s32 $0x2000;
	s15 =	simm.s32 $0x1000;
	[sflag:s12] =	ssyncset.done $0x0  }
.LBB2_3:
0x9e: {  	s18 =	sshra.s32 s15, $0x2  }
0x9f: {  	[sflag:s12] =	ssyncadd.s32 $0xFFFFFF80;
	s15 =	smov.u32 s17;
	s16 =	sadd.s32 $0x1000, s17  }
0xa0: {  	[spmem:s2] =	stream.indirect.scatter.add.f32 [tilespmem:s11], [sflag:$0x1], $0x1, s18, s10, $0xb8;
	[tilespmem:$0x5580] =	vst v63  }
0xa1: {  	p1 =	sne.s32 s17, $0x13000;
	s17 =	sadd.s32 $0x80, s18  }
0xa2: {  	[spmem:s2] =	stream.indirect.scatter.add.f32 [tilespmem:s11], [sflag:$0x1], $0x1, s17, s10, $0xb8;
	[tilespmem:$0x5580] =	vst v63  }
0xa3: {  	s17 =	sadd.s32 $0x100, s18  }
0xa4: {  	[spmem:s2] =	stream.indirect.scatter.add.f32 [tilespmem:s11], [sflag:$0x1], $0x1, s17, s10, $0xb8;
	[tilespmem:$0x5580] =	vst v63  }
0xa5: {  	s17 =	sadd.s32 $0x180, s18  }
0xa6: {  	[spmem:s2] =	stream.indirect.scatter.add.f32 [tilespmem:s11], [sflag:$0x1], $0x1, s17, s10, $0xb8;
	[tilespmem:$0x5580] =	vst v63  }
0xa7: {  	s17 =	sadd.s32 $0x200, s18  }
0xa8: {  	[spmem:s2] =	stream.indirect.scatter.add.f32 [tilespmem:s11], [sflag:$0x1], $0x1, s17, s10, $0xb8;
	[tilespmem:$0x5580] =	vst v63  }
0xa9: {  	s17 =	sadd.s32 $0x280, s18  }
0xaa: {  	[spmem:s2] =	stream.indirect.scatter.add.f32 [tilespmem:s11], [sflag:$0x1], $0x1, s17, s10, $0xb8;
	[tilespmem:$0x5580] =	vst v63  }
0xab: {  	s17 =	sadd.s32 $0x300, s18  }
0xac: {  	[spmem:s2] =	stream.indirect.scatter.add.f32 [tilespmem:s11], [sflag:$0x1], $0x1, s17, s10, $0xb8;
	[tilespmem:$0x5580] =	vst v63  }
0xad: {  	s17 =	sadd.s32 $0x380, s18  }
0xae: {  	[spmem:s2] =	stream.indirect.scatter.add.f32 [tilespmem:s11], [sflag:$0x1], $0x1, s17, s10, $0xb8;
	[tilespmem:$0x5580] =	vst v63  }
0xaf: {  	_ =	swait.ge [sflag:s12], $0x80  }
0xb0: {  	[sflag:s12] =	ssyncset.done $0x0  }
0xb1: {  	[sflag:s12] =	ssyncadd.s32 $0xFFFFFF80  }
0xb2: {  	_ =	swait.ge [sflag:s12], $0x80  }
0xb3: {  	[sflag:s12] =	ssyncset.done $0x0  }
0xb4: {  	[sflag:s12] =	ssyncadd.s32 $0xFFFFFF80  }
0xb5: {  	_ =	swait.ge [sflag:s12], $0x80  }
0xb6: {  	[sflag:s12] =	ssyncset.done $0x0  }
0xb7: {  	[sflag:s12] =	ssyncadd.s32 $0xFFFFFF80  }
0xb8: {  	_ =	swait.ge [sflag:s12], $0x80  }
0xb9: {  	[sflag:s12] =	ssyncset.done $0x0  }
0xba: {  	[sflag:s12] =	ssyncadd.s32 $0xFFFFFF80  }
0xbb: {  	_ =	swait.ge [sflag:s12], $0x80  }
0xbc: {  	[sflag:s12] =	ssyncset.done $0x0  }
0xbd: {  	[sflag:s12] =	ssyncadd.s32 $0xFFFFFF80  }
0xbe: {  	_ =	swait.ge [sflag:s12], $0x80  }
0xbf: {  	[sflag:s12] =	ssyncset.done $0x0  }
0xc0: {  	[sflag:s12] =	ssyncadd.s32 $0xFFFFFF80  }
.Ltmp3:
0xc1: {  	_ =	swait.ge [sflag:s12], $0x80;
	(pc) =	sbr.rel @p1 .LBB2_3-.Ltmp3, $4  }
0xc2: {  	[sflag:s12] =	ssyncset.done $0x0  }
0xc3: {  	[sflag:s12] =	ssyncadd.s32 $0xFFFFFF80  }
0xc4: {  	_ =	swait.ge [sflag:s12], $0x80  }
0xc5: {  	s17 =	smov.u32 s16;
	[sflag:s12] =	ssyncset.done $0x0  }
.Ltmp4:
0xc6: {  	_ = 	snop;
	(pc) =	sbr.rel .LBB2_4-.Ltmp4, $1  }
0xc7: {  	_ =	sdelay $0x3  }
.LBB2_6:
0xc8: {  	_ =	sfence.sel $0x180000  }
0xc9: {  	[bflag:$0x0] =	sbarrier.arrive $0xFFFF  }
0xca: {  	p0 =	sne.s32 s1, $0x0;
	_ =	strace $0x90000047  }
0xcb: {  	s0 =	sadd.s32 @!p0 $0x100000, s0;
	[bflag:$0x2] =	sbarrier.arrive $0xFFFF  }
0xcc: {  	[sflag:s0] =	ssyncadd.tile.s32 @!p0 $0x1;
	_ =	shalt  }
.Lfunc_end2:
_tile_overlayer_lowered:
.L_overlay_start_2:
0xcd: {  	(tag) =	ssettag $0x2  }
0xce: {  	s0 =	rddreg [dreg:$0x0];
	s2 =	stileid.u32  }
0xcf: {  	s1 =	rddreg [dreg:$0x1];
	p0 =	sne.s32 s2, $0x0  }
0xd0: {  	s3 =	rddreg [dreg:$0x2];
	[bflag:$0x3] =	sbarrier.arrive $0xFFFF;
	s2 =	simm.s32 @!p0 $0x1C02  }
0xd1: {  	[timem:s3], [sflag:s2] =	dma.local @!p0 [hbm:s0], s1  }
0xd2: {  	s0 =	simm.s32 @!p0 $0x2  }
0xd3: {  	_ =	swait.ge @!p0 [sflag:s0], s1  }
0xd4: {  	s1 =	ssub.s32 @!p0 $0x0, s1;
	[sflag:s0] =	ssyncset.done @!p0 $0x0  }
0xd5: {  	[sflag:s0] =	ssyncadd.s32 @!p0 s1  }
0xd6: {  	[bflag:$0x3] =	sbarrier.arrive $0xFFFF  }
0xd7: {  	_ =	shalt  }

</sc_bundles>
